<compile_context>
chip_gen: v7x
topology: tpu7x:2x2x1
jax: 0.10.2.dev20260603
libtpu: 0.0.44.dev20260713+nightly
codegen_flags: <defaults>
</compile_context>

<pallas_src>
import functools

import jax
import jax.numpy as jnp
from jax import lax
from jax.experimental import pallas as pl
from jax.experimental.pallas import tpu as pltpu
from jax.experimental.pallas import tpu_sc as plsc

D_HALF = 256
N_TOK = 16384
N_SLICE = 8
NC, NS = 2, 16
NW = NC * NS
TOK_PER_W = N_TOK // (NW // N_SLICE)
C_TOK = 64
N_CHUNK = TOK_PER_W // C_TOK


def _sc_embed(x_i32, W1, W2, W3, W4):
    mesh = plsc.VectorSubcoreMesh(core_axis_name="c", subcore_axis_name="s")

    @functools.partial(
        pl.kernel,
        mesh=mesh,
        compiler_params=pltpu.CompilerParams(needs_layout_passes=False),
        out_type=jax.ShapeDtypeStruct((N_TOK, N_SLICE, D_HALF), jnp.float32),
        scratch_types=[
            pltpu.VMEM((256, D_HALF), jnp.float32),
            pltpu.VMEM((TOK_PER_W,), jnp.int32),
            [pltpu.SemaphoreType.DMA] * 2,
            pltpu.SemaphoreType.DMA,
        ],
    )
    def k(x_hbm, w1_hbm, w2_hbm, w3_hbm, w4_hbm, out_hbm,
          tab_v, x_v, ssems, tsem):
        wid = lax.axis_index("s") * NC + lax.axis_index("c")
        kh = wid % N_SLICE
        q = wid // N_SLICE
        tok0 = q * TOK_PER_W
        tab_k = kh // 2
        half = kh % 2
        col0 = half * D_HALF

        for kk, w_hbm in enumerate((w1_hbm, w2_hbm, w3_hbm, w4_hbm)):
            @pl.when(tab_k == kk)
            def _():
                pltpu.async_copy(
                    w_hbm.at[:, pl.ds(col0, D_HALF)], tab_v, tsem
                )
        tab_copy = pltpu.make_async_copy(
            w1_hbm.at[:, pl.ds(col0, D_HALF)], tab_v, tsem
        )

        pltpu.sync_copy(x_hbm.at[pl.ds(tok0, TOK_PER_W)], x_v)

        shift = jnp.broadcast_to((tab_k * 8).astype(jnp.int32), (16,))
        tab_copy.wait()

        def send_chunk(c, buf):
            for g in range(C_TOK // 16):
                v = x_v[pl.ds(c * C_TOK + g * 16, 16)]
                b16 = lax.shift_right_logical(v, shift) & 255
                for t16 in range(16):
                    t = c * C_TOK + g * 16 + t16
                    pltpu.async_copy(
                        tab_v.at[b16[t16]],
                        out_hbm.at[tok0 + t, kh],
                        ssems[buf],
                    )

        def wait_chunk(buf):
            pltpu.make_async_copy(
                out_hbm.at[pl.ds(tok0, C_TOK), kh],
                out_hbm.at[pl.ds(tok0, C_TOK), kh],
                ssems[buf],
            ).wait()

        def loop_body(i, carry):
            c = 2 * i

            @pl.when(i > 0)
            def _():
                wait_chunk(0)

            send_chunk(c, 0)

            @pl.when(i > 0)
            def _():
                wait_chunk(1)

            send_chunk(c + 1, 1)
            return carry

        lax.fori_loop(0, N_CHUNK // 2, loop_body, 0)
        wait_chunk(0)
        wait_chunk(1)

    return k(x_i32, W1, W2, W3, W4)


@jax.jit
def kernel(x, W1, W2, W3, W4):
    x_i32 = lax.bitcast_convert_type(x.reshape(-1), jnp.int32)
    out = _sc_embed(x_i32, W1, W2, W3, W4)
    return out.reshape(x.shape[0], x.shape[1], N_SLICE * D_HALF)

# --- scband reference (transcript-rebuilt; emitter-appended) ---
"""Pipeline reference for scband-byte-embedding-20083267076402 (READ-ONLY COPY).

The authoritative reference and input builder live on the scoring server;
editing this copy changes nothing except your own understanding.
"""

import jax, jax.numpy as jnp
import numpy as np

D_MODEL = 2048

def setup_inputs(seed: int = 0) -> dict:
    key = jax.random.key(seed)
    k_x, k1, k2, k3, k4 = jax.random.split(key, 5)
    x = jax.random.normal(k_x, (4, 4096), dtype=jnp.float32)
    d4 = D_MODEL // 4
    W1 = jax.random.normal(k1, (256, d4), dtype=jnp.float32)
    W2 = jax.random.normal(k2, (256, d4), dtype=jnp.float32)
    W3 = jax.random.normal(k3, (256, d4), dtype=jnp.float32)
    W4 = jax.random.normal(k4, (256, d4), dtype=jnp.float32)
    return {"x": x, "W1": W1, "W2": W2, "W3": W3, "W4": W4}

def reference(x, W1, W2, W3, W4):
    # Reinterpret each float32 as 4 raw bytes -> shape x.shape + (4,)
    b = jax.lax.bitcast_convert_type(x, jnp.uint8).astype(jnp.int32)
    e1 = jnp.take(W1, b[:, :, 0], axis=0)
    e2 = jnp.take(W2, b[:, :, 1], axis=0)
    e3 = jnp.take(W3, b[:, :, 2], axis=0)
    e4 = jnp.take(W4, b[:, :, 3], axis=0)
    return jnp.concatenate([e1, e2, e3, e4], axis=-1)

if __name__ == "__main__":
    import jax
    _d = setup_inputs()
    print(jax.jit(kernel)(*tuple(_d.values())))

</pallas_src>

<mosaic_0001>
#map = affine_map<(d0, d1) -> (0)>
#map1 = affine_map<(d0, d1) -> (0, 0)>
#map2 = affine_map<(d0, d1) -> (0, 0, 0)>
module attributes {stable_mosaic.version = 14 : i64} {
  func.func @k(%arg0: i32, %arg1: i32, %arg2: memref<16384xi32, #tpu.memory_space<hbm>>, %arg3: memref<256x512xf32, #tpu.memory_space<hbm>>, %arg4: memref<256x512xf32, #tpu.memory_space<hbm>>, %arg5: memref<256x512xf32, #tpu.memory_space<hbm>>, %arg6: memref<256x512xf32, #tpu.memory_space<hbm>>, %arg7: memref<16384x8x256xf32, #tpu.memory_space<hbm>>, %arg8: memref<256x256xf32, #tpu.memory_space<vmem>>, %arg9: memref<4096xi32, #tpu.memory_space<vmem>>, %arg10: memref<!tpu.dma_semaphore, #tpu.memory_space<semaphore_mem>>, %arg11: memref<!tpu.dma_semaphore, #tpu.memory_space<semaphore_mem>>, %arg12: memref<!tpu.dma_semaphore, #tpu.memory_space<semaphore_mem>>) attributes {dimension_semantics = [#tpu.dimension_semantics<core_parallel>, #tpu.dimension_semantics<subcore_parallel>], iteration_bounds = array<i64: 2, 16>, scalar_prefetch = 0 : i64, scratch_operands = 5 : i64, tpu.core_type = #tpu.core_type<sc_vector_subcore>, window_params = [{transform_indices = #map}, {transform_indices = #map1}, {transform_indices = #map1}, {transform_indices = #map1}, {transform_indices = #map1}, {transform_indices = #map2}]} {
    %mul3A = arith.constant 2 : i32
    %mul3A_0 = arith.muli %arg1, %mul3A : i32
    %add3A = arith.addi %mul3A_0, %arg0 : i32
    %jit3A = arith.constant 8 : i32
    %eq3A = arith.constant 0 : i32
    %eq3A_1 = arith.cmpi eq, %jit3A, %eq3A : i32
    %jit3A_2 = arith.constant 1 : i32
    %select_n3A = arith.select %eq3A_1, %jit3A_2, %jit3A : i32
    %rem3A = arith.remsi %add3A, %select_n3A : i32
    %ne3A = arith.constant 0 : i32
    %ne3A_3 = arith.cmpi ne, %rem3A, %ne3A : i32
    %lt3A = arith.constant 0 : i32
    %lt3A_4 = arith.cmpi slt, %rem3A, %lt3A : i32
    %lt3A_5 = arith.constant 0 : i32
    %lt3A_6 = arith.cmpi slt, %select_n3A, %lt3A_5 : i32
    %ne3A_7 = arith.xori %lt3A_4, %lt3A_6 : i1
    %and3A = arith.andi %ne3A_7, %ne3A_3 : i1
    %add3A_8 = arith.addi %rem3A, %select_n3A : i32
    %select_n3A_9 = arith.select %and3A, %add3A_8, %rem3A : i32
    %jit3A_10 = arith.constant 8 : i32
    %div3A = arith.divsi %add3A, %jit3A_10 : i32
    %sign3A = arith.constant 0 : i32
    %sign3A_11 = arith.cmpi sgt, %add3A, %sign3A : i32
    %sign3A_12 = arith.extui %sign3A_11 : i1 to i32
    %sign3A_13 = arith.constant 0 : i32
    %sign3A_14 = arith.cmpi slt, %add3A, %sign3A_13 : i32
    %sign3A_15 = arith.extui %sign3A_14 : i1 to i32
    %sign3A_16 = arith.subi %sign3A_12, %sign3A_15 : i32
    %sign3A_17 = arith.constant 0 : i32
    %sign3A_18 = arith.cmpi sgt, %jit3A_10, %sign3A_17 : i32
    %sign3A_19 = arith.extui %sign3A_18 : i1 to i32
    %sign3A_20 = arith.constant 0 : i32
    %sign3A_21 = arith.cmpi slt, %jit3A_10, %sign3A_20 : i32
    %sign3A_22 = arith.extui %sign3A_21 : i1 to i32
    %sign3A_23 = arith.subi %sign3A_19, %sign3A_22 : i32
    %ne3A_24 = arith.cmpi ne, %sign3A_16, %sign3A_23 : i32
    %rem3A_25 = arith.remsi %add3A, %jit3A_10 : i32
    %ne3A_26 = arith.constant 0 : i32
    %ne3A_27 = arith.cmpi ne, %rem3A_25, %ne3A_26 : i32
    %and3A_28 = arith.andi %ne3A_24, %ne3A_27 : i1
    %sub3A = arith.constant 1 : i32
    %sub3A_29 = arith.subi %div3A, %sub3A : i32
    %select_n3A_30 = arith.select %and3A_28, %sub3A_29, %div3A : i32
    %mul3A_31 = arith.constant 4096 : i32
    %mul3A_32 = arith.muli %select_n3A_30, %mul3A_31 : i32
    %jit3A_33 = arith.constant 2 : i32
    %div3A_34 = arith.divsi %select_n3A_9, %jit3A_33 : i32
    %sign3A_35 = arith.constant 0 : i32
    %sign3A_36 = arith.cmpi sgt, %select_n3A_9, %sign3A_35 : i32
    %sign3A_37 = arith.extui %sign3A_36 : i1 to i32
    %sign3A_38 = arith.constant 0 : i32
    %sign3A_39 = arith.cmpi slt, %select_n3A_9, %sign3A_38 : i32
    %sign3A_40 = arith.extui %sign3A_39 : i1 to i32
    %sign3A_41 = arith.subi %sign3A_37, %sign3A_40 : i32
    %sign3A_42 = arith.constant 0 : i32
    %sign3A_43 = arith.cmpi sgt, %jit3A_33, %sign3A_42 : i32
    %sign3A_44 = arith.extui %sign3A_43 : i1 to i32
    %sign3A_45 = arith.constant 0 : i32
    %sign3A_46 = arith.cmpi slt, %jit3A_33, %sign3A_45 : i32
    %sign3A_47 = arith.extui %sign3A_46 : i1 to i32
    %sign3A_48 = arith.subi %sign3A_44, %sign3A_47 : i32
    %ne3A_49 = arith.cmpi ne, %sign3A_41, %sign3A_48 : i32
    %rem3A_50 = arith.remsi %select_n3A_9, %jit3A_33 : i32
    %ne3A_51 = arith.constant 0 : i32
    %ne3A_52 = arith.cmpi ne, %rem3A_50, %ne3A_51 : i32
    %and3A_53 = arith.andi %ne3A_49, %ne3A_52 : i1
    %sub3A_54 = arith.constant 1 : i32
    %sub3A_55 = arith.subi %div3A_34, %sub3A_54 : i32
    %select_n3A_56 = arith.select %and3A_53, %sub3A_55, %div3A_34 : i32
    %jit3A_57 = arith.constant 2 : i32
    %eq3A_58 = arith.constant 0 : i32
    %eq3A_59 = arith.cmpi eq, %jit3A_57, %eq3A_58 : i32
    %jit3A_60 = arith.constant 1 : i32
    %select_n3A_61 = arith.select %eq3A_59, %jit3A_60, %jit3A_57 : i32
    %rem3A_62 = arith.remsi %select_n3A_9, %select_n3A_61 : i32
    %ne3A_63 = arith.constant 0 : i32
    %ne3A_64 = arith.cmpi ne, %rem3A_62, %ne3A_63 : i32
    %lt3A_65 = arith.constant 0 : i32
    %lt3A_66 = arith.cmpi slt, %rem3A_62, %lt3A_65 : i32
    %lt3A_67 = arith.constant 0 : i32
    %lt3A_68 = arith.cmpi slt, %select_n3A_61, %lt3A_67 : i32
    %ne3A_69 = arith.xori %lt3A_66, %lt3A_68 : i1
    %and3A_70 = arith.andi %ne3A_69, %ne3A_64 : i1
    %add3A_71 = arith.addi %rem3A_62, %select_n3A_61 : i32
    %select_n3A_72 = arith.select %and3A_70, %add3A_71, %rem3A_62 : i32
    %mul3A_73 = arith.constant 256 : i32
    %mul3A_74 = arith.muli %select_n3A_72, %mul3A_73 : i32
    %eq3A_75 = arith.constant 0 : i32
    %eq3A_76 = arith.cmpi eq, %select_n3A_56, %eq3A_75 : i32
    %convert_element_type3A = arith.extui %eq3A_76 : i1 to i32
    %cond3A = arith.constant 0 : i32
    %cond3A_77 = arith.cmpi ne, %convert_element_type3A, %cond3A : i32
    scf.if %cond3A_77 {
      %dma_start3A = arith.constant 0 : i32
      %dma_start3A_115 = tpu.memref_slice %arg3[%dma_start3A, %mul3A_74] : memref<256x512xf32, #tpu.memory_space<hbm>> -> memref<256x256xf32, #tpu.memory_space<hbm>>
      %dma_start3A_116 = arith.constant 0 : i32
      %dma_start3A_117 = tpu.memref_slice %arg3[%dma_start3A_116, %mul3A_74] : memref<256x512xf32, #tpu.memory_space<hbm>> -> memref<256x256xf32, #tpu.memory_space<hbm>>
      tpu.enqueue_dma source(%dma_start3A_117 : memref<256x256xf32, #tpu.memory_space<hbm>>) target(%arg8 : memref<256x256xf32, #tpu.memory_space<vmem>>) target_semaphore(%arg12 : memref<!tpu.dma_semaphore, #tpu.memory_space<semaphore_mem>>)
    } else {
    }
    %eq3A_78 = arith.constant 1 : i32
    %eq3A_79 = arith.cmpi eq, %select_n3A_56, %eq3A_78 : i32
    %convert_element_type3A_80 = arith.extui %eq3A_79 : i1 to i32
    %cond3A_81 = arith.constant 0 : i32
    %cond3A_82 = arith.cmpi ne, %convert_element_type3A_80, %cond3A_81 : i32
    scf.if %cond3A_82 {
      %dma_start3A = arith.constant 0 : i32
      %dma_start3A_115 = tpu.memref_slice %arg4[%dma_start3A, %mul3A_74] : memref<256x512xf32, #tpu.memory_space<hbm>> -> memref<256x256xf32, #tpu.memory_space<hbm>>
      %dma_start3A_116 = arith.constant 0 : i32
      %dma_start3A_117 = tpu.memref_slice %arg4[%dma_start3A_116, %mul3A_74] : memref<256x512xf32, #tpu.memory_space<hbm>> -> memref<256x256xf32, #tpu.memory_space<hbm>>
      tpu.enqueue_dma source(%dma_start3A_117 : memref<256x256xf32, #tpu.memory_space<hbm>>) target(%arg8 : memref<256x256xf32, #tpu.memory_space<vmem>>) target_semaphore(%arg12 : memref<!tpu.dma_semaphore, #tpu.memory_space<semaphore_mem>>)
    } else {
    }
    %eq3A_83 = arith.constant 2 : i32
    %eq3A_84 = arith.cmpi eq, %select_n3A_56, %eq3A_83 : i32
    %convert_element_type3A_85 = arith.extui %eq3A_84 : i1 to i32
    %cond3A_86 = arith.constant 0 : i32
    %cond3A_87 = arith.cmpi ne, %convert_element_type3A_85, %cond3A_86 : i32
    scf.if %cond3A_87 {
      %dma_start3A = arith.constant 0 : i32
      %dma_start3A_115 = tpu.memref_slice %arg5[%dma_start3A, %mul3A_74] : memref<256x512xf32, #tpu.memory_space<hbm>> -> memref<256x256xf32, #tpu.memory_space<hbm>>
      %dma_start3A_116 = arith.constant 0 : i32
      %dma_start3A_117 = tpu.memref_slice %arg5[%dma_start3A_116, %mul3A_74] : memref<256x512xf32, #tpu.memory_space<hbm>> -> memref<256x256xf32, #tpu.memory_space<hbm>>
      tpu.enqueue_dma source(%dma_start3A_117 : memref<256x256xf32, #tpu.memory_space<hbm>>) target(%arg8 : memref<256x256xf32, #tpu.memory_space<vmem>>) target_semaphore(%arg12 : memref<!tpu.dma_semaphore, #tpu.memory_space<semaphore_mem>>)
    } else {
    }
    %eq3A_88 = arith.constant 3 : i32
    %eq3A_89 = arith.cmpi eq, %select_n3A_56, %eq3A_88 : i32
    %convert_element_type3A_90 = arith.extui %eq3A_89 : i1 to i32
    %cond3A_91 = arith.constant 0 : i32
    %cond3A_92 = arith.cmpi ne, %convert_element_type3A_90, %cond3A_91 : i32
    scf.if %cond3A_92 {
      %dma_start3A = arith.constant 0 : i32
      %dma_start3A_115 = tpu.memref_slice %arg6[%dma_start3A, %mul3A_74] : memref<256x512xf32, #tpu.memory_space<hbm>> -> memref<256x256xf32, #tpu.memory_space<hbm>>
      %dma_start3A_116 = arith.constant 0 : i32
      %dma_start3A_117 = tpu.memref_slice %arg6[%dma_start3A_116, %mul3A_74] : memref<256x512xf32, #tpu.memory_space<hbm>> -> memref<256x256xf32, #tpu.memory_space<hbm>>
      tpu.enqueue_dma source(%dma_start3A_117 : memref<256x256xf32, #tpu.memory_space<hbm>>) target(%arg8 : memref<256x256xf32, #tpu.memory_space<vmem>>) target_semaphore(%arg12 : memref<!tpu.dma_semaphore, #tpu.memory_space<semaphore_mem>>)
    } else {
    }
    "tpu.region"() ({
      %run_scoped3A = tpu.sem_alloc : memref<!tpu.dma_semaphore, #tpu.memory_space<semaphore_mem>>
      %dma_start3A = tpu.memref_slice %arg2[%mul3A_32] : memref<16384xi32, #tpu.memory_space<hbm>> -> memref<4096xi32, #tpu.memory_space<hbm>>
      %dma_start3A_115 = tpu.memref_slice %arg2[%mul3A_32] : memref<16384xi32, #tpu.memory_space<hbm>> -> memref<4096xi32, #tpu.memory_space<hbm>>
      tpu.enqueue_dma source(%dma_start3A_115 : memref<4096xi32, #tpu.memory_space<hbm>>) target(%arg9 : memref<4096xi32, #tpu.memory_space<vmem>>) target_semaphore(%run_scoped3A : memref<!tpu.dma_semaphore, #tpu.memory_space<semaphore_mem>>)
      %dma_wait3A_116 = tpu.memref_slice %arg2[%mul3A_32] : memref<16384xi32, #tpu.memory_space<hbm>> -> memref<4096xi32, #tpu.memory_space<hbm>>
      %dma_wait3A_117 = tpu.memref_slice %arg2[%mul3A_32] : memref<16384xi32, #tpu.memory_space<hbm>> -> memref<4096xi32, #tpu.memory_space<hbm>>
      tpu.wait_dma2 semaphore(%run_scoped3A : memref<!tpu.dma_semaphore, #tpu.memory_space<semaphore_mem>>) src(%dma_wait3A_117 : memref<4096xi32, #tpu.memory_space<hbm>>) dst(%arg9 : memref<4096xi32, #tpu.memory_space<vmem>>)
      tpu.yield
    }) : () -> ()
    %mul3A_93 = arith.constant 8 : i32
    %mul3A_94 = arith.muli %select_n3A_56, %mul3A_93 : i32
    %broadcast_in_dim3A = vector.broadcast %mul3A_94 : i32 to vector<16xi32>
    %dma_wait3A = arith.constant 0 : i32
    %dma_wait3A_95 = tpu.memref_slice %arg3[%dma_wait3A, %mul3A_74] : memref<256x512xf32, #tpu.memory_space<hbm>> -> memref<256x256xf32, #tpu.memory_space<hbm>>
    %dma_wait3A_96 = arith.constant 0 : i32
    %dma_wait3A_97 = tpu.memref_slice %arg3[%dma_wait3A_96, %mul3A_74] : memref<256x512xf32, #tpu.memory_space<hbm>> -> memref<256x256xf32, #tpu.memory_space<hbm>>
    tpu.wait_dma2 semaphore(%arg12 : memref<!tpu.dma_semaphore, #tpu.memory_space<semaphore_mem>>) src(%dma_wait3A_97 : memref<256x256xf32, #tpu.memory_space<hbm>>) dst(%arg8 : memref<256x256xf32, #tpu.memory_space<vmem>>)
    %scan3A = arith.constant 0 : i32
    %scan3A_98 = arith.constant 0 : i32
    %scan3A_99 = arith.constant 32 : i32
    %scan3A_100 = arith.addi %scan3A_98, %scan3A_99 : i32
    %scan3A_101 = arith.constant 1 : i32
    scf.for %scan3A_115 = %scan3A_98 to %scan3A_100 step %scan3A_101  : i32 {
      %mul3A_116 = arith.constant 2 : i32
      %mul3A_117 = arith.muli %mul3A_116, %scan3A_115 : i32
      %gt3A = arith.constant 0 : i32
      %gt3A_118 = arith.cmpi sgt, %scan3A_115, %gt3A : i32
      %convert_element_type3A_119 = arith.extui %gt3A_118 : i1 to i32
      %cond3A_120 = arith.constant 0 : i32
      %cond3A_121 = arith.cmpi ne, %convert_element_type3A_119, %cond3A_120 : i32
      scf.if %cond3A_121 {
        %dma_wait3A_2892 = arith.constant 0 : i32
        %dma_wait3A_2893 = tpu.memref_slice %arg7[%mul3A_32, %select_n3A_9, %dma_wait3A_2892] : memref<16384x8x256xf32, #tpu.memory_space<hbm>> -> memref<64x1x256xf32, #tpu.memory_space<hbm>>
        %dma_wait3A_2894 = tpu.memref_squeeze %dma_wait3A_2893 : memref<64x1x256xf32, #tpu.memory_space<hbm>> -> memref<64x256xf32, #tpu.memory_space<hbm>>
        %dma_wait3A_2895 = arith.constant 0 : i32
        %dma_wait3A_2896 = tpu.memref_slice %arg7[%mul3A_32, %select_n3A_9, %dma_wait3A_2895] : memref<16384x8x256xf32, #tpu.memory_space<hbm>> -> memref<64x1x256xf32, #tpu.memory_space<hbm>>
        %dma_wait3A_2897 = tpu.memref_squeeze %dma_wait3A_2896 : memref<64x1x256xf32, #tpu.memory_space<hbm>> -> memref<64x256xf32, #tpu.memory_space<hbm>>
        tpu.wait_dma2 semaphore(%arg10 : memref<!tpu.dma_semaphore, #tpu.memory_space<semaphore_mem>>) src(%dma_wait3A_2897 : memref<64x256xf32, #tpu.memory_space<hbm>>) dst(%dma_wait3A_2894 : memref<64x256xf32, #tpu.memory_space<hbm>>)
      } else {
      }
      %mul3A_122 = arith.constant 64 : i32
      %mul3A_123 = arith.muli %mul3A_117, %mul3A_122 : i32
      %add3A_124 = arith.constant 0 : i32
      %add3A_125 = arith.addi %mul3A_123, %add3A_124 : i32
      %get3A = arith.index_cast %add3A_125 : i32 to index
      %get3A_126 = tpu.vector_load %arg9[%get3A] {strides = array<i32>} : memref<4096xi32, #tpu.memory_space<vmem>>, vector<16xi32>,
      %shift_right_logical3A = arith.shrui %get3A_126, %broadcast_in_dim3A : vector<16xi32>
      %and3A_127 = arith.constant 255 : i32
      %and3A_128 = vector.broadcast %and3A_127 : i32 to vector<16xi32>
      %and3A_129 = arith.andi %shift_right_logical3A, %and3A_128 : vector<16xi32>
      %mul3A_130 = arith.constant 64 : i32
      %mul3A_131 = arith.muli %mul3A_117, %mul3A_130 : i32
      %add3A_132 = arith.constant 0 : i32
      %add3A_133 = arith.addi %mul3A_131, %add3A_132 : i32
      %add3A_134 = arith.constant 0 : i32
      %add3A_135 = arith.addi %add3A_133, %add3A_134 : i32
      %slice3A = vector.extract_strided_slice %and3A_129 {offsets = [0], sizes = [1], strides = [1]} : vector<16xi32> to vector<1xi32>
      %squeeze3A = vector.extract %slice3A[0] : i32 from vector<1xi32>
      %add3A_136 = arith.addi %mul3A_32, %add3A_135 : i32
      %dma_start3A = arith.constant 0 : i32
      %dma_start3A_137 = tpu.memref_slice %arg8[%squeeze3A, %dma_start3A] : memref<256x256xf32, #tpu.memory_space<vmem>> -> memref<1x256xf32, #tpu.memory_space<vmem>>
      %dma_start3A_138 = tpu.memref_squeeze %dma_start3A_137 : memref<1x256xf32, #tpu.memory_space<vmem>> -> memref<256xf32, #tpu.memory_space<vmem>>
      %dma_start3A_139 = arith.constant 0 : i32
      %dma_start3A_140 = tpu.memref_slice %arg7[%add3A_136, %select_n3A_9, %dma_start3A_139] : memref<16384x8x256xf32, #tpu.memory_space<hbm>> -> memref<1x1x256xf32, #tpu.memory_space<hbm>>
      %dma_start3A_141 = tpu.memref_squeeze %dma_start3A_140 : memref<1x1x256xf32, #tpu.memory_space<hbm>> -> memref<256xf32, #tpu.memory_space<hbm>>
      %dma_start3A_142 = arith.constant 0 : i32
      %dma_start3A_143 = tpu.memref_slice %arg7[%add3A_136, %select_n3A_9, %dma_start3A_142] : memref<16384x8x256xf32, #tpu.memory_space<hbm>> -> memref<1x1x256xf32, #tpu.memory_space<hbm>>
      %dma_start3A_144 = tpu.memref_squeeze %dma_start3A_143 : memref<1x1x256xf32, #tpu.memory_space<hbm>> -> memref<256xf32, #tpu.memory_space<hbm>>
      %dma_start3A_145 = arith.constant 0 : i32
      %dma_start3A_146 = tpu.memref_slice %arg8[%squeeze3A, %dma_start3A_145] : memref<256x256xf32, #tpu.memory_space<vmem>> -> memref<1x256xf32, #tpu.memory_space<vmem>>
      %dma_start3A_147 = tpu.memref_squeeze %dma_start3A_146 : memref<1x256xf32, #tpu.memory_space<vmem>> -> memref<256xf32, #tpu.memory_space<vmem>>
      tpu.enqueue_dma source(%dma_start3A_147 : memref<256xf32, #tpu.memory_space<vmem>>) target(%dma_start3A_144 : memref<256xf32, #tpu.memory_space<hbm>>) target_semaphore(%arg10 : memref<!tpu.dma_semaphore, #tpu.memory_space<semaphore_mem>>)
      %mul3A_148 = arith.constant 64 : i32
      %mul3A_149 = arith.muli %mul3A_117, %mul3A_148 : i32
      %add3A_150 = arith.constant 0 : i32
      %add3A_151 = arith.addi %mul3A_149, %add3A_150 : i32
      %add3A_152 = arith.constant 1 : i32
      %add3A_153 = arith.addi %add3A_151, %add3A_152 : i32
      %slice3A_154 = vector.extract_strided_slice %and3A_129 {offsets = [1], sizes = [1], strides = [1]} : vector<16xi32> to vector<1xi32>
      %squeeze3A_155 = vector.extract %slice3A_154[0] : i32 from vector<1xi32>
      %add3A_156 = arith.addi %mul3A_32, %add3A_153 : i32
      %dma_start3A_157 = arith.constant 0 : i32
      %dma_start3A_158 = tpu.memref_slice %arg8[%squeeze3A_155, %dma_start3A_157] : memref<256x256xf32, #tpu.memory_space<vmem>> -> memref<1x256xf32, #tpu.memory_space<vmem>>
      %dma_start3A_159 = tpu.memref_squeeze %dma_start3A_158 : memref<1x256xf32, #tpu.memory_space<vmem>> -> memref<256xf32, #tpu.memory_space<vmem>>
      %dma_start3A_160 = arith.constant 0 : i32
      %dma_start3A_161 = tpu.memref_slice %arg7[%add3A_156, %select_n3A_9, %dma_start3A_160] : memref<16384x8x256xf32, #tpu.memory_space<hbm>> -> memref<1x1x256xf32, #tpu.memory_space<hbm>>
      %dma_start3A_162 = tpu.memref_squeeze %dma_start3A_161 : memref<1x1x256xf32, #tpu.memory_space<hbm>> -> memref<256xf32, #tpu.memory_space<hbm>>
      %dma_start3A_163 = arith.constant 0 : i32
      %dma_start3A_164 = tpu.memref_slice %arg7[%add3A_156, %select_n3A_9, %dma_start3A_163] : memref<16384x8x256xf32, #tpu.memory_space<hbm>> -> memref<1x1x256xf32, #tpu.memory_space<hbm>>
      %dma_start3A_165 = tpu.memref_squeeze %dma_start3A_164 : memref<1x1x256xf32, #tpu.memory_space<hbm>> -> memref<256xf32, #tpu.memory_space<hbm>>
      %dma_start3A_166 = arith.constant 0 : i32
      %dma_start3A_167 = tpu.memref_slice %arg8[%squeeze3A_155, %dma_start3A_166] : memref<256x256xf32, #tpu.memory_space<vmem>> -> memref<1x256xf32, #tpu.memory_space<vmem>>
      %dma_start3A_168 = tpu.memref_squeeze %dma_start3A_167 : memref<1x256xf32, #tpu.memory_space<vmem>> -> memref<256xf32, #tpu.memory_space<vmem>>
      tpu.enqueue_dma source(%dma_start3A_168 : memref<256xf32, #tpu.memory_space<vmem>>) target(%dma_start3A_165 : memref<256xf32, #tpu.memory_space<hbm>>) target_semaphore(%arg10 : memref<!tpu.dma_semaphore, #tpu.memory_space<semaphore_mem>>)
      %mul3A_169 = arith.constant 64 : i32
      %mul3A_170 = arith.muli %mul3A_117, %mul3A_169 : i32
      %add3A_171 = arith.constant 0 : i32
      %add3A_172 = arith.addi %mul3A_170, %add3A_171 : i32
      %add3A_173 = arith.constant 2 : i32
      %add3A_174 = arith.addi %add3A_172, %add3A_173 : i32
      %slice3A_175 = vector.extract_strided_slice %and3A_129 {offsets = [2], sizes = [1], strides = [1]} : vector<16xi32> to vector<1xi32>
      %squeeze3A_176 = vector.extract %slice3A_175[0] : i32 from vector<1xi32>
      %add3A_177 = arith.addi %mul3A_32, %add3A_174 : i32
      %dma_start3A_178 = arith.constant 0 : i32
      %dma_start3A_179 = tpu.memref_slice %arg8[%squeeze3A_176, %dma_start3A_178] : memref<256x256xf32, #tpu.memory_space<vmem>> -> memref<1x256xf32, #tpu.memory_space<vmem>>
      %dma_start3A_180 = tpu.memref_squeeze %dma_start3A_179 : memref<1x256xf32, #tpu.memory_space<vmem>> -> memref<256xf32, #tpu.memory_space<vmem>>
      %dma_start3A_181 = arith.constant 0 : i32
      %dma_start3A_182 = tpu.memref_slice %arg7[%add3A_177, %select_n3A_9, %dma_start3A_181] : memref<16384x8x256xf32, #tpu.memory_space<hbm>> -> memref<1x1x256xf32, #tpu.memory_space<hbm>>
      %dma_start3A_183 = tpu.memref_squeeze %dma_start3A_182 : memref<1x1x256xf32, #tpu.memory_space<hbm>> -> memref<256xf32, #tpu.memory_space<hbm>>
      %dma_start3A_184 = arith.constant 0 : i32
      %dma_start3A_185 = tpu.memref_slice %arg7[%add3A_177, %select_n3A_9, %dma_start3A_184] : memref<16384x8x256xf32, #tpu.memory_space<hbm>> -> memref<1x1x256xf32, #tpu.memory_space<hbm>>
      %dma_start3A_186 = tpu.memref_squeeze %dma_start3A_185 : memref<1x1x256xf32, #tpu.memory_space<hbm>> -> memref<256xf32, #tpu.memory_space<hbm>>
      %dma_start3A_187 = arith.constant 0 : i32
      %dma_start3A_188 = tpu.memref_slice %arg8[%squeeze3A_176, %dma_start3A_187] : memref<256x256xf32, #tpu.memory_space<vmem>> -> memref<1x256xf32, #tpu.memory_space<vmem>>
      %dma_start3A_189 = tpu.memref_squeeze %dma_start3A_188 : memref<1x256xf32, #tpu.memory_space<vmem>> -> memref<256xf32, #tpu.memory_space<vmem>>
      tpu.enqueue_dma source(%dma_start3A_189 : memref<256xf32, #tpu.memory_space<vmem>>) target(%dma_start3A_186 : memref<256xf32, #tpu.memory_space<hbm>>) target_semaphore(%arg10 : memref<!tpu.dma_semaphore, #tpu.memory_space<semaphore_mem>>)
      %mul3A_190 = arith.constant 64 : i32
      %mul3A_191 = arith.muli %mul3A_117, %mul3A_190 : i32
      %add3A_192 = arith.constant 0 : i32
      %add3A_193 = arith.addi %mul3A_191, %add3A_192 : i32
      %add3A_194 = arith.constant 3 : i32
      %add3A_195 = arith.addi %add3A_193, %add3A_194 : i32
      %slice3A_196 = vector.extract_strided_slice %and3A_129 {offsets = [3], sizes = [1], strides = [1]} : vector<16xi32> to vector<1xi32>
      %squeeze3A_197 = vector.extract %slice3A_196[0] : i32 from vector<1xi32>
      %add3A_198 = arith.addi %mul3A_32, %add3A_195 : i32
      %dma_start3A_199 = arith.constant 0 : i32
      %dma_start3A_200 = tpu.memref_slice %arg8[%squeeze3A_197, %dma_start3A_199] : memref<256x256xf32, #tpu.memory_space<vmem>> -> memref<1x256xf32, #tpu.memory_space<vmem>>
      %dma_start3A_201 = tpu.memref_squeeze %dma_start3A_200 : memref<1x256xf32, #tpu.memory_space<vmem>> -> memref<256xf32, #tpu.memory_space<vmem>>
      %dma_start3A_202 = arith.constant 0 : i32
      %dma_start3A_203 = tpu.memref_slice %arg7[%add3A_198, %select_n3A_9, %dma_start3A_202] : memref<16384x8x256xf32, #tpu.memory_space<hbm>> -> memref<1x1x256xf32, #tpu.memory_space<hbm>>
      %dma_start3A_204 = tpu.memref_squeeze %dma_start3A_203 : memref<1x1x256xf32, #tpu.memory_space<hbm>> -> memref<256xf32, #tpu.memory_space<hbm>>
      %dma_start3A_205 = arith.constant 0 : i32
      %dma_start3A_206 = tpu.memref_slice %arg7[%add3A_198, %select_n3A_9, %dma_start3A_205] : memref<16384x8x256xf32, #tpu.memory_space<hbm>> -> memref<1x1x256xf32, #tpu.memory_space<hbm>>
      %dma_start3A_207 = tpu.memref_squeeze %dma_start3A_206 : memref<1x1x256xf32, #tpu.memory_space<hbm>> -> memref<256xf32, #tpu.memory_space<hbm>>
      %dma_start3A_208 = arith.constant 0 : i32
      %dma_start3A_209 = tpu.memref_slice %arg8[%squeeze3A_197, %dma_start3A_208] : memref<256x256xf32, #tpu.memory_space<vmem>> -> memref<1x256xf32, #tpu.memory_space<vmem>>
      %dma_start3A_210 = tpu.memref_squeeze %dma_start3A_209 : memref<1x256xf32, #tpu.memory_space<vmem>> -> memref<256xf32, #tpu.memory_space<vmem>>
      tpu.enqueue_dma source(%dma_start3A_210 : memref<256xf32, #tpu.memory_space<vmem>>) target(%dma_start3A_207 : memref<256xf32, #tpu.memory_space<hbm>>) target_semaphore(%arg10 : memref<!tpu.dma_semaphore, #tpu.memory_space<semaphore_mem>>)
      %mul3A_211 = arith.constant 64 : i32
      %mul3A_212 = arith.muli %mul3A_117, %mul3A_211 : i32
      %add3A_213 = arith.constant 0 : i32
      %add3A_214 = arith.addi %mul3A_212, %add3A_213 : i32
      %add3A_215 = arith.constant 4 : i32
      %add3A_216 = arith.addi %add3A_214, %add3A_215 : i32
      %slice3A_217 = vector.extract_strided_slice %and3A_129 {offsets = [4], sizes = [1], strides = [1]} : vector<16xi32> to vector<1xi32>
      %squeeze3A_218 = vector.extract %slice3A_217[0] : i32 from vector<1xi32>
      %add3A_219 = arith.addi %mul3A_32, %add3A_216 : i32
      %dma_start3A_220 = arith.constant 0 : i32
      %dma_start3A_221 = tpu.memref_slice %arg8[%squeeze3A_218, %dma_start3A_220] : memref<256x256xf32, #tpu.memory_space<vmem>> -> memref<1x256xf32, #tpu.memory_space<vmem>>
      %dma_start3A_222 = tpu.memref_squeeze %dma_start3A_221 : memref<1x256xf32, #tpu.memory_space<vmem>> -> memref<256xf32, #tpu.memory_space<vmem>>
      %dma_start3A_223 = arith.constant 0 : i32
      %dma_start3A_224 = tpu.memref_slice %arg7[%add3A_219, %select_n3A_9, %dma_start3A_223] : memref<16384x8x256xf32, #tpu.memory_space<hbm>> -> memref<1x1x256xf32, #tpu.memory_space<hbm>>
      %dma_start3A_225 = tpu.memref_squeeze %dma_start3A_224 : memref<1x1x256xf32, #tpu.memory_space<hbm>> -> memref<256xf32, #tpu.memory_space<hbm>>
      %dma_start3A_226 = arith.constant 0 : i32
      %dma_start3A_227 = tpu.memref_slice %arg7[%add3A_219, %select_n3A_9, %dma_start3A_226] : memref<16384x8x256xf32, #tpu.memory_space<hbm>> -> memref<1x1x256xf32, #tpu.memory_space<hbm>>
      %dma_start3A_228 = tpu.memref_squeeze %dma_start3A_227 : memref<1x1x256xf32, #tpu.memory_space<hbm>> -> memref<256xf32, #tpu.memory_space<hbm>>
      %dma_start3A_229 = arith.constant 0 : i32
      %dma_start3A_230 = tpu.memref_slice %arg8[%squeeze3A_218, %dma_start3A_229] : memref<256x256xf32, #tpu.memory_space<vmem>> -> memref<1x256xf32, #tpu.memory_space<vmem>>
      %dma_start3A_231 = tpu.memref_squeeze %dma_start3A_230 : memref<1x256xf32, #tpu.memory_space<vmem>> -> memref<256xf32, #tpu.memory_space<vmem>>
      tpu.enqueue_dma source(%dma_start3A_231 : memref<256xf32, #tpu.memory_space<vmem>>) target(%dma_start3A_228 : memref<256xf32, #tpu.memory_space<hbm>>) target_semaphore(%arg10 : memref<!tpu.dma_semaphore, #tpu.memory_space<semaphore_mem>>)
      %mul3A_232 = arith.constant 64 : i32
      %mul3A_233 = arith.muli %mul3A_117, %mul3A_232 : i32
      %add3A_234 = arith.constant 0 : i32
      %add3A_235 = arith.addi %mul3A_233, %add3A_234 : i32
      %add3A_236 = arith.constant 5 : i32
      %add3A_237 = arith.addi %add3A_235, %add3A_236 : i32
      %slice3A_238 = vector.extract_strided_slice %and3A_129 {offsets = [5], sizes = [1], strides = [1]} : vector<16xi32> to vector<1xi32>
      %squeeze3A_239 = vector.extract %slice3A_238[0] : i32 from vector<1xi32>
      %add3A_240 = arith.addi %mul3A_32, %add3A_237 : i32
      %dma_start3A_241 = arith.constant 0 : i32
      %dma_start3A_242 = tpu.memref_slice %arg8[%squeeze3A_239, %dma_start3A_241] : memref<256x256xf32, #tpu.memory_space<vmem>> -> memref<1x256xf32, #tpu.memory_space<vmem>>
      %dma_start3A_243 = tpu.memref_squeeze %dma_start3A_242 : memref<1x256xf32, #tpu.memory_space<vmem>> -> memref<256xf32, #tpu.memory_space<vmem>>
      %dma_start3A_244 = arith.constant 0 : i32
      %dma_start3A_245 = tpu.memref_slice %arg7[%add3A_240, %select_n3A_9, %dma_start3A_244] : memref<16384x8x256xf32, #tpu.memory_space<hbm>> -> memref<1x1x256xf32, #tpu.memory_space<hbm>>
      %dma_start3A_246 = tpu.memref_squeeze %dma_start3A_245 : memref<1x1x256xf32, #tpu.memory_space<hbm>> -> memref<256xf32, #tpu.memory_space<hbm>>
      %dma_start3A_247 = arith.constant 0 : i32
      %dma_start3A_248 = tpu.memref_slice %arg7[%add3A_240, %select_n3A_9, %dma_start3A_247] : memref<16384x8x256xf32, #tpu.memory_space<hbm>> -> memref<1x1x256xf32, #tpu.memory_space<hbm>>
      %dma_start3A_249 = tpu.memref_squeeze %dma_start3A_248 : memref<1x1x256xf32, #tpu.memory_space<hbm>> -> memref<256xf32, #tpu.memory_space<hbm>>
      %dma_start3A_250 = arith.constant 0 : i32
      %dma_start3A_251 = tpu.memref_slice %arg8[%squeeze3A_239, %dma_start3A_250] : memref<256x256xf32, #tpu.memory_space<vmem>> -> memref<1x256xf32, #tpu.memory_space<vmem>>
      %dma_start3A_252 = tpu.memref_squeeze %dma_start3A_251 : memref<1x256xf32, #tpu.memory_space<vmem>> -> memref<256xf32, #tpu.memory_space<vmem>>
      tpu.enqueue_dma source(%dma_start3A_252 : memref<256xf32, #tpu.memory_space<vmem>>) target(%dma_start3A_249 : memref<256xf32, #tpu.memory_space<hbm>>) target_semaphore(%arg10 : memref<!tpu.dma_semaphore, #tpu.memory_space<semaphore_mem>>)
      %mul3A_253 = arith.constant 64 : i32
      %mul3A_254 = arith.muli %mul3A_117, %mul3A_253 : i32
      %add3A_255 = arith.constant 0 : i32
      %add3A_256 = arith.addi %mul3A_254, %add3A_255 : i32
      %add3A_257 = arith.constant 6 : i32
      %add3A_258 = arith.addi %add3A_256, %add3A_257 : i32
      %slice3A_259 = vector.extract_strided_slice %and3A_129 {offsets = [6], sizes = [1], strides = [1]} : vector<16xi32> to vector<1xi32>
      %squeeze3A_260 = vector.extract %slice3A_259[0] : i32 from vector<1xi32>
      %add3A_261 = arith.addi %mul3A_32, %add3A_258 : i32
      %dma_start3A_262 = arith.constant 0 : i32
      %dma_start3A_263 = tpu.memref_slice %arg8[%squeeze3A_260, %dma_start3A_262] : memref<256x256xf32, #tpu.memory_space<vmem>> -> memref<1x256xf32, #tpu.memory_space<vmem>>
      %dma_start3A_264 = tpu.memref_squeeze %dma_start3A_263 : memref<1x256xf32, #tpu.memory_space<vmem>> -> memref<256xf32, #tpu.memory_space<vmem>>
      %dma_start3A_265 = arith.constant 0 : i32
      %dma_start3A_266 = tpu.memref_slice %arg7[%add3A_261, %select_n3A_9, %dma_start3A_265] : memref<16384x8x256xf32, #tpu.memory_space<hbm>> -> memref<1x1x256xf32, #tpu.memory_space<hbm>>
      %dma_start3A_267 = tpu.memref_squeeze %dma_start3A_266 : memref<1x1x256xf32, #tpu.memory_space<hbm>> -> memref<256xf32, #tpu.memory_space<hbm>>
      %dma_start3A_268 = arith.constant 0 : i32
      %dma_start3A_269 = tpu.memref_slice %arg7[%add3A_261, %select_n3A_9, %dma_start3A_268] : memref<16384x8x256xf32, #tpu.memory_space<hbm>> -> memref<1x1x256xf32, #tpu.memory_space<hbm>>
      %dma_start3A_270 = tpu.memref_squeeze %dma_start3A_269 : memref<1x1x256xf32, #tpu.memory_space<hbm>> -> memref<256xf32, #tpu.memory_space<hbm>>
      %dma_start3A_271 = arith.constant 0 : i32
      %dma_start3A_272 = tpu.memref_slice %arg8[%squeeze3A_260, %dma_start3A_271] : memref<256x256xf32, #tpu.memory_space<vmem>> -> memref<1x256xf32, #tpu.memory_space<vmem>>
      %dma_start3A_273 = tpu.memref_squeeze %dma_start3A_272 : memref<1x256xf32, #tpu.memory_space<vmem>> -> memref<256xf32, #tpu.memory_space<vmem>>
      tpu.enqueue_dma source(%dma_start3A_273 : memref<256xf32, #tpu.memory_space<vmem>>) target(%dma_start3A_270 : memref<256xf32, #tpu.memory_space<hbm>>) target_semaphore(%arg10 : memref<!tpu.dma_semaphore, #tpu.memory_space<semaphore_mem>>)
      %mul3A_274 = arith.constant 64 : i32
      %mul3A_275 = arith.muli %mul3A_117, %mul3A_274 : i32
      %add3A_276 = arith.constant 0 : i32
      %add3A_277 = arith.addi %mul3A_275, %add3A_276 : i32
      %add3A_278 = arith.constant 7 : i32
      %add3A_279 = arith.addi %add3A_277, %add3A_278 : i32
      %slice3A_280 = vector.extract_strided_slice %and3A_129 {offsets = [7], sizes = [1], strides = [1]} : vector<16xi32> to vector<1xi32>
      %squeeze3A_281 = vector.extract %slice3A_280[0] : i32 from vector<1xi32>
      %add3A_282 = arith.addi %mul3A_32, %add3A_279 : i32
      %dma_start3A_283 = arith.constant 0 : i32
      %dma_start3A_284 = tpu.memref_slice %arg8[%squeeze3A_281, %dma_start3A_283] : memref<256x256xf32, #tpu.memory_space<vmem>> -> memref<1x256xf32, #tpu.memory_space<vmem>>
      %dma_start3A_285 = tpu.memref_squeeze %dma_start3A_284 : memref<1x256xf32, #tpu.memory_space<vmem>> -> memref<256xf32, #tpu.memory_space<vmem>>
      %dma_start3A_286 = arith.constant 0 : i32
      %dma_start3A_287 = tpu.memref_slice %arg7[%add3A_282, %select_n3A_9, %dma_start3A_286] : memref<16384x8x256xf32, #tpu.memory_space<hbm>> -> memref<1x1x256xf32, #tpu.memory_space<hbm>>
      %dma_start3A_288 = tpu.memref_squeeze %dma_start3A_287 : memref<1x1x256xf32, #tpu.memory_space<hbm>> -> memref<256xf32, #tpu.memory_space<hbm>>
      %dma_start3A_289 = arith.constant 0 : i32
      %dma_start3A_290 = tpu.memref_slice %arg7[%add3A_282, %select_n3A_9, %dma_start3A_289] : memref<16384x8x256xf32, #tpu.memory_space<hbm>> -> memref<1x1x256xf32, #tpu.memory_space<hbm>>
      %dma_start3A_291 = tpu.memref_squeeze %dma_start3A_290 : memref<1x1x256xf32, #tpu.memory_space<hbm>> -> memref<256xf32, #tpu.memory_space<hbm>>
      %dma_start3A_292 = arith.constant 0 : i32
      %dma_start3A_293 = tpu.memref_slice %arg8[%squeeze3A_281, %dma_start3A_292] : memref<256x256xf32, #tpu.memory_space<vmem>> -> memref<1x256xf32, #tpu.memory_space<vmem>>
      %dma_start3A_294 = tpu.memref_squeeze %dma_start3A_293 : memref<1x256xf32, #tpu.memory_space<vmem>> -> memref<256xf32, #tpu.memory_space<vmem>>
      tpu.enqueue_dma source(%dma_start3A_294 : memref<256xf32, #tpu.memory_space<vmem>>) target(%dma_start3A_291 : memref<256xf32, #tpu.memory_space<hbm>>) target_semaphore(%arg10 : memref<!tpu.dma_semaphore, #tpu.memory_space<semaphore_mem>>)
      %mul3A_295 = arith.constant 64 : i32
      %mul3A_296 = arith.muli %mul3A_117, %mul3A_295 : i32
      %add3A_297 = arith.constant 0 : i32
      %add3A_298 = arith.addi %mul3A_296, %add3A_297 : i32
      %add3A_299 = arith.constant 8 : i32
      %add3A_300 = arith.addi %add3A_298, %add3A_299 : i32
      %slice3A_301 = vector.extract_strided_slice %and3A_129 {offsets = [8], sizes = [1], strides = [1]} : vector<16xi32> to vector<1xi32>
      %squeeze3A_302 = vector.extract %slice3A_301[0] : i32 from vector<1xi32>
      %add3A_303 = arith.addi %mul3A_32, %add3A_300 : i32
      %dma_start3A_304 = arith.constant 0 : i32
      %dma_start3A_305 = tpu.memref_slice %arg8[%squeeze3A_302, %dma_start3A_304] : memref<256x256xf32, #tpu.memory_space<vmem>> -> memref<1x256xf32, #tpu.memory_space<vmem>>
      %dma_start3A_306 = tpu.memref_squeeze %dma_start3A_305 : memref<1x256xf32, #tpu.memory_space<vmem>> -> memref<256xf32, #tpu.memory_space<vmem>>
      %dma_start3A_307 = arith.constant 0 : i32
      %dma_start3A_308 = tpu.memref_slice %arg7[%add3A_303, %select_n3A_9, %dma_start3A_307] : memref<16384x8x256xf32, #tpu.memory_space<hbm>> -> memref<1x1x256xf32, #tpu.memory_space<hbm>>
      %dma_start3A_309 = tpu.memref_squeeze %dma_start3A_308 : memref<1x1x256xf32, #tpu.memory_space<hbm>> -> memref<256xf32, #tpu.memory_space<hbm>>
      %dma_start3A_310 = arith.constant 0 : i32
      %dma_start3A_311 = tpu.memref_slice %arg7[%add3A_303, %select_n3A_9, %dma_start3A_310] : memref<16384x8x256xf32, #tpu.memory_space<hbm>> -> memref<1x1x256xf32, #tpu.memory_space<hbm>>
      %dma_start3A_312 = tpu.memref_squeeze %dma_start3A_311 : memref<1x1x256xf32, #tpu.memory_space<hbm>> -> memref<256xf32, #tpu.memory_space<hbm>>
      %dma_start3A_313 = arith.constant 0 : i32
      %dma_start3A_314 = tpu.memref_slice %arg8[%squeeze3A_302, %dma_start3A_313] : memref<256x256xf32, #tpu.memory_space<vmem>> -> memref<1x256xf32, #tpu.memory_space<vmem>>
      %dma_start3A_315 = tpu.memref_squeeze %dma_start3A_314 : memref<1x256xf32, #tpu.memory_space<vmem>> -> memref<256xf32, #tpu.memory_space<vmem>>
      tpu.enqueue_dma source(%dma_start3A_315 : memref<256xf32, #tpu.memory_space<vmem>>) target(%dma_start3A_312 : memref<256xf32, #tpu.memory_space<hbm>>) target_semaphore(%arg10 : memref<!tpu.dma_semaphore, #tpu.memory_space<semaphore_mem>>)
      %mul3A_316 = arith.constant 64 : i32
      %mul3A_317 = arith.muli %mul3A_117, %mul3A_316 : i32
      %add3A_318 = arith.constant 0 : i32
      %add3A_319 = arith.addi %mul3A_317, %add3A_318 : i32
      %add3A_320 = arith.constant 9 : i32
      %add3A_321 = arith.addi %add3A_319, %add3A_320 : i32
      %slice3A_322 = vector.extract_strided_slice %and3A_129 {offsets = [9], sizes = [1], strides = [1]} : vector<16xi32> to vector<1xi32>
      %squeeze3A_323 = vector.extract %slice3A_322[0] : i32 from vector<1xi32>
      %add3A_324 = arith.addi %mul3A_32, %add3A_321 : i32
      %dma_start3A_325 = arith.constant 0 : i32
      %dma_start3A_326 = tpu.memref_slice %arg8[%squeeze3A_323, %dma_start3A_325] : memref<256x256xf32, #tpu.memory_space<vmem>> -> memref<1x256xf32, #tpu.memory_space<vmem>>
      %dma_start3A_327 = tpu.memref_squeeze %dma_start3A_326 : memref<1x256xf32, #tpu.memory_space<vmem>> -> memref<256xf32, #tpu.memory_space<vmem>>
      %dma_start3A_328 = arith.constant 0 : i32
      %dma_start3A_329 = tpu.memref_slice %arg7[%add3A_324, %select_n3A_9, %dma_start3A_328] : memref<16384x8x256xf32, #tpu.memory_space<hbm>> -> memref<1x1x256xf32, #tpu.memory_space<hbm>>
      %dma_start3A_330 = tpu.memref_squeeze %dma_start3A_329 : memref<1x1x256xf32, #tpu.memory_space<hbm>> -> memref<256xf32, #tpu.memory_space<hbm>>
      %dma_start3A_331 = arith.constant 0 : i32
      %dma_start3A_332 = tpu.memref_slice %arg7[%add3A_324, %select_n3A_9, %dma_start3A_331] : memref<16384x8x256xf32, #tpu.memory_space<hbm>> -> memref<1x1x256xf32, #tpu.memory_space<hbm>>
      %dma_start3A_333 = tpu.memref_squeeze %dma_start3A_332 : memref<1x1x256xf32, #tpu.memory_space<hbm>> -> memref<256xf32, #tpu.memory_space<hbm>>
      %dma_start3A_334 = arith.constant 0 : i32
      %dma_start3A_335 = tpu.memref_slice %arg8[%squeeze3A_323, %dma_start3A_334] : memref<256x256xf32, #tpu.memory_space<vmem>> -> memref<1x256xf32, #tpu.memory_space<vmem>>
      %dma_start3A_336 = tpu.memref_squeeze %dma_start3A_335 : memref<1x256xf32, #tpu.memory_space<vmem>> -> memref<256xf32, #tpu.memory_space<vmem>>
      tpu.enqueue_dma source(%dma_start3A_336 : memref<256xf32, #tpu.memory_space<vmem>>) target(%dma_start3A_333 : memref<256xf32, #tpu.memory_space<hbm>>) target_semaphore(%arg10 : memref<!tpu.dma_semaphore, #tpu.memory_space<semaphore_mem>>)
      %mul3A_337 = arith.constant 64 : i32
      %mul3A_338 = arith.muli %mul3A_117, %mul3A_337 : i32
      %add3A_339 = arith.constant 0 : i32
      %add3A_340 = arith.addi %mul3A_338, %add3A_339 : i32
      %add3A_341 = arith.constant 10 : i32
      %add3A_342 = arith.addi %add3A_340, %add3A_341 : i32
      %slice3A_343 = vector.extract_strided_slice %and3A_129 {offsets = [10], sizes = [1], strides = [1]} : vector<16xi32> to vector<1xi32>
      %squeeze3A_344 = vector.extract %slice3A_343[0] : i32 from vector<1xi32>
      %add3A_345 = arith.addi %mul3A_32, %add3A_342 : i32
      %dma_start3A_346 = arith.constant 0 : i32
      %dma_start3A_347 = tpu.memref_slice %arg8[%squeeze3A_344, %dma_start3A_346] : memref<256x256xf32, #tpu.memory_space<vmem>> -> memref<1x256xf32, #tpu.memory_space<vmem>>
      %dma_start3A_348 = tpu.memref_squeeze %dma_start3A_347 : memref<1x256xf32, #tpu.memory_space<vmem>> -> memref<256xf32, #tpu.memory_space<vmem>>
      %dma_start3A_349 = arith.constant 0 : i32
      %dma_start3A_350 = tpu.memref_slice %arg7[%add3A_345, %select_n3A_9, %dma_start3A_349] : memref<16384x8x256xf32, #tpu.memory_space<hbm>> -> memref<1x1x256xf32, #tpu.memory_space<hbm>>
      %dma_start3A_351 = tpu.memref_squeeze %dma_start3A_350 : memref<1x1x256xf32, #tpu.memory_space<hbm>> -> memref<256xf32, #tpu.memory_space<hbm>>
      %dma_start3A_352 = arith.constant 0 : i32
      %dma_start3A_353 = tpu.memref_slice %arg7[%add3A_345, %select_n3A_9, %dma_start3A_352] : memref<16384x8x256xf32, #tpu.memory_space<hbm>> -> memref<1x1x256xf32, #tpu.memory_space<hbm>>
      %dma_start3A_354 = tpu.memref_squeeze %dma_start3A_353 : memref<1x1x256xf32, #tpu.memory_space<hbm>> -> memref<256xf32, #tpu.memory_space<hbm>>
      %dma_start3A_355 = arith.constant 0 : i32
      %dma_start3A_356 = tpu.memref_slice %arg8[%squeeze3A_344, %dma_start3A_355] : memref<256x256xf32, #tpu.memory_space<vmem>> -> memref<1x256xf32, #tpu.memory_space<vmem>>
      %dma_start3A_357 = tpu.memref_squeeze %dma_start3A_356 : memref<1x256xf32, #tpu.memory_space<vmem>> -> memref<256xf32, #tpu.memory_space<vmem>>
      tpu.enqueue_dma source(%dma_start3A_357 : memref<256xf32, #tpu.memory_space<vmem>>) target(%dma_start3A_354 : memref<256xf32, #tpu.memory_space<hbm>>) target_semaphore(%arg10 : memref<!tpu.dma_semaphore, #tpu.memory_space<semaphore_mem>>)
      %mul3A_358 = arith.constant 64 : i32
      %mul3A_359 = arith.muli %mul3A_117, %mul3A_358 : i32
      %add3A_360 = arith.constant 0 : i32
      %add3A_361 = arith.addi %mul3A_359, %add3A_360 : i32
      %add3A_362 = arith.constant 11 : i32
      %add3A_363 = arith.addi %add3A_361, %add3A_362 : i32
      %slice3A_364 = vector.extract_strided_slice %and3A_129 {offsets = [11], sizes = [1], strides = [1]} : vector<16xi32> to vector<1xi32>
      %squeeze3A_365 = vector.extract %slice3A_364[0] : i32 from vector<1xi32>
      %add3A_366 = arith.addi %mul3A_32, %add3A_363 : i32
      %dma_start3A_367 = arith.constant 0 : i32
      %dma_start3A_368 = tpu.memref_slice %arg8[%squeeze3A_365, %dma_start3A_367] : memref<256x256xf32, #tpu.memory_space<vmem>> -> memref<1x256xf32, #tpu.memory_space<vmem>>
      %dma_start3A_369 = tpu.memref_squeeze %dma_start3A_368 : memref<1x256xf32, #tpu.memory_space<vmem>> -> memref<256xf32, #tpu.memory_space<vmem>>
      %dma_start3A_370 = arith.constant 0 : i32
      %dma_start3A_371 = tpu.memref_slice %arg7[%add3A_366, %select_n3A_9, %dma_start3A_370] : memref<16384x8x256xf32, #tpu.memory_space<hbm>> -> memref<1x1x256xf32, #tpu.memory_space<hbm>>
      %dma_start3A_372 = tpu.memref_squeeze %dma_start3A_371 : memref<1x1x256xf32, #tpu.memory_space<hbm>> -> memref<256xf32, #tpu.memory_space<hbm>>
      %dma_start3A_373 = arith.constant 0 : i32
      %dma_start3A_374 = tpu.memref_slice %arg7[%add3A_366, %select_n3A_9, %dma_start3A_373] : memref<16384x8x256xf32, #tpu.memory_space<hbm>> -> memref<1x1x256xf32, #tpu.memory_space<hbm>>
      %dma_start3A_375 = tpu.memref_squeeze %dma_start3A_374 : memref<1x1x256xf32, #tpu.memory_space<hbm>> -> memref<256xf32, #tpu.memory_space<hbm>>
      %dma_start3A_376 = arith.constant 0 : i32
      %dma_start3A_377 = tpu.memref_slice %arg8[%squeeze3A_365, %dma_start3A_376] : memref<256x256xf32, #tpu.memory_space<vmem>> -> memref<1x256xf32, #tpu.memory_space<vmem>>
      %dma_start3A_378 = tpu.memref_squeeze %dma_start3A_377 : memref<1x256xf32, #tpu.memory_space<vmem>> -> memref<256xf32, #tpu.memory_space<vmem>>
      tpu.enqueue_dma source(%dma_start3A_378 : memref<256xf32, #tpu.memory_space<vmem>>) target(%dma_start3A_375 : memref<256xf32, #tpu.memory_space<hbm>>) target_semaphore(%arg10 : memref<!tpu.dma_semaphore, #tpu.memory_space<semaphore_mem>>)
      %mul3A_379 = arith.constant 64 : i32
      %mul3A_380 = arith.muli %mul3A_117, %mul3A_379 : i32
      %add3A_381 = arith.constant 0 : i32
      %add3A_382 = arith.addi %mul3A_380, %add3A_381 : i32
      %add3A_383 = arith.constant 12 : i32
      %add3A_384 = arith.addi %add3A_382, %add3A_383 : i32
      %slice3A_385 = vector.extract_strided_slice %and3A_129 {offsets = [12], sizes = [1], strides = [1]} : vector<16xi32> to vector<1xi32>
      %squeeze3A_386 = vector.extract %slice3A_385[0] : i32 from vector<1xi32>
      %add3A_387 = arith.addi %mul3A_32, %add3A_384 : i32
      %dma_start3A_388 = arith.constant 0 : i32
      %dma_start3A_389 = tpu.memref_slice %arg8[%squeeze3A_386, %dma_start3A_388] : memref<256x256xf32, #tpu.memory_space<vmem>> -> memref<1x256xf32, #tpu.memory_space<vmem>>
      %dma_start3A_390 = tpu.memref_squeeze %dma_start3A_389 : memref<1x256xf32, #tpu.memory_space<vmem>> -> memref<256xf32, #tpu.memory_space<vmem>>
      %dma_start3A_391 = arith.constant 0 : i32
      %dma_start3A_392 = tpu.memref_slice %arg7[%add3A_387, %select_n3A_9, %dma_start3A_391] : memref<16384x8x256xf32, #tpu.memory_space<hbm>> -> memref<1x1x256xf32, #tpu.memory_space<hbm>>
      %dma_start3A_393 = tpu.memref_squeeze %dma_start3A_392 : memref<1x1x256xf32, #tpu.memory_space<hbm>> -> memref<256xf32, #tpu.memory_space<hbm>>
      %dma_start3A_394 = arith.constant 0 : i32
      %dma_start3A_395 = tpu.memref_slice %arg7[%add3A_387, %select_n3A_9, %dma_start3A_394] : memref<16384x8x256xf32, #tpu.memory_space<hbm>> -> memref<1x1x256xf32, #tpu.memory_space<hbm>>
      %dma_start3A_396 = tpu.memref_squeeze %dma_start3A_395 : memref<1x1x256xf32, #tpu.memory_space<hbm>> -> memref<256xf32, #tpu.memory_space<hbm>>
      %dma_start3A_397 = arith.constant 0 : i32
      %dma_start3A_398 = tpu.memref_slice %arg8[%squeeze3A_386, %dma_start3A_397] : memref<256x256xf32, #tpu.memory_space<vmem>> -> memref<1x256xf32, #tpu.memory_space<vmem>>
      %dma_start3A_399 = tpu.memref_squeeze %dma_start3A_398 : memref<1x256xf32, #tpu.memory_space<vmem>> -> memref<256xf32, #tpu.memory_space<vmem>>
      tpu.enqueue_dma source(%dma_start3A_399 : memref<256xf32, #tpu.memory_space<vmem>>) target(%dma_start3A_396 : memref<256xf32, #tpu.memory_space<hbm>>) target_semaphore(%arg10 : memref<!tpu.dma_semaphore, #tpu.memory_space<semaphore_mem>>)
      %mul3A_400 = arith.constant 64 : i32
      %mul3A_401 = arith.muli %mul3A_117, %mul3A_400 : i32
      %add3A_402 = arith.constant 0 : i32
      %add3A_403 = arith.addi %mul3A_401, %add3A_402 : i32
      %add3A_404 = arith.constant 13 : i32
      %add3A_405 = arith.addi %add3A_403, %add3A_404 : i32
      %slice3A_406 = vector.extract_strided_slice %and3A_129 {offsets = [13], sizes = [1], strides = [1]} : vector<16xi32> to vector<1xi32>
      %squeeze3A_407 = vector.extract %slice3A_406[0] : i32 from vector<1xi32>
      %add3A_408 = arith.addi %mul3A_32, %add3A_405 : i32
      %dma_start3A_409 = arith.constant 0 : i32
      %dma_start3A_410 = tpu.memref_slice %arg8[%squeeze3A_407, %dma_start3A_409] : memref<256x256xf32, #tpu.memory_space<vmem>> -> memref<1x256xf32, #tpu.memory_space<vmem>>
      %dma_start3A_411 = tpu.memref_squeeze %dma_start3A_410 : memref<1x256xf32, #tpu.memory_space<vmem>> -> memref<256xf32, #tpu.memory_space<vmem>>
      %dma_start3A_412 = arith.constant 0 : i32
      %dma_start3A_413 = tpu.memref_slice %arg7[%add3A_408, %select_n3A_9, %dma_start3A_412] : memref<16384x8x256xf32, #tpu.memory_space<hbm>> -> memref<1x1x256xf32, #tpu.memory_space<hbm>>
      %dma_start3A_414 = tpu.memref_squeeze %dma_start3A_413 : memref<1x1x256xf32, #tpu.memory_space<hbm>> -> memref<256xf32, #tpu.memory_space<hbm>>
      %dma_start3A_415 = arith.constant 0 : i32
      %dma_start3A_416 = tpu.memref_slice %arg7[%add3A_408, %select_n3A_9, %dma_start3A_415] : memref<16384x8x256xf32, #tpu.memory_space<hbm>> -> memref<1x1x256xf32, #tpu.memory_space<hbm>>
      %dma_start3A_417 = tpu.memref_squeeze %dma_start3A_416 : memref<1x1x256xf32, #tpu.memory_space<hbm>> -> memref<256xf32, #tpu.memory_space<hbm>>
      %dma_start3A_418 = arith.constant 0 : i32
      %dma_start3A_419 = tpu.memref_slice %arg8[%squeeze3A_407, %dma_start3A_418] : memref<256x256xf32, #tpu.memory_space<vmem>> -> memref<1x256xf32, #tpu.memory_space<vmem>>
      %dma_start3A_420 = tpu.memref_squeeze %dma_start3A_419 : memref<1x256xf32, #tpu.memory_space<vmem>> -> memref<256xf32, #tpu.memory_space<vmem>>
      tpu.enqueue_dma source(%dma_start3A_420 : memref<256xf32, #tpu.memory_space<vmem>>) target(%dma_start3A_417 : memref<256xf32, #tpu.memory_space<hbm>>) target_semaphore(%arg10 : memref<!tpu.dma_semaphore, #tpu.memory_space<semaphore_mem>>)
      %mul3A_421 = arith.constant 64 : i32
      %mul3A_422 = arith.muli %mul3A_117, %mul3A_421 : i32
      %add3A_423 = arith.constant 0 : i32
      %add3A_424 = arith.addi %mul3A_422, %add3A_423 : i32
      %add3A_425 = arith.constant 14 : i32
      %add3A_426 = arith.addi %add3A_424, %add3A_425 : i32
      %slice3A_427 = vector.extract_strided_slice %and3A_129 {offsets = [14], sizes = [1], strides = [1]} : vector<16xi32> to vector<1xi32>
      %squeeze3A_428 = vector.extract %slice3A_427[0] : i32 from vector<1xi32>
      %add3A_429 = arith.addi %mul3A_32, %add3A_426 : i32
      %dma_start3A_430 = arith.constant 0 : i32
      %dma_start3A_431 = tpu.memref_slice %arg8[%squeeze3A_428, %dma_start3A_430] : memref<256x256xf32, #tpu.memory_space<vmem>> -> memref<1x256xf32, #tpu.memory_space<vmem>>
      %dma_start3A_432 = tpu.memref_squeeze %dma_start3A_431 : memref<1x256xf32, #tpu.memory_space<vmem>> -> memref<256xf32, #tpu.memory_space<vmem>>
      %dma_start3A_433 = arith.constant 0 : i32
      %dma_start3A_434 = tpu.memref_slice %arg7[%add3A_429, %select_n3A_9, %dma_start3A_433] : memref<16384x8x256xf32, #tpu.memory_space<hbm>> -> memref<1x1x256xf32, #tpu.memory_space<hbm>>
      %dma_start3A_435 = tpu.memref_squeeze %dma_start3A_434 : memref<1x1x256xf32, #tpu.memory_space<hbm>> -> memref<256xf32, #tpu.memory_space<hbm>>
      %dma_start3A_436 = arith.constant 0 : i32
      %dma_start3A_437 = tpu.memref_slice %arg7[%add3A_429, %select_n3A_9, %dma_start3A_436] : memref<16384x8x256xf32, #tpu.memory_space<hbm>> -> memref<1x1x256xf32, #tpu.memory_space<hbm>>
      %dma_start3A_438 = tpu.memref_squeeze %dma_start3A_437 : memref<1x1x256xf32, #tpu.memory_space<hbm>> -> memref<256xf32, #tpu.memory_space<hbm>>
      %dma_start3A_439 = arith.constant 0 : i32
      %dma_start3A_440 = tpu.memref_slice %arg8[%squeeze3A_428, %dma_start3A_439] : memref<256x256xf32, #tpu.memory_space<vmem>> -> memref<1x256xf32, #tpu.memory_space<vmem>>
      %dma_start3A_441 = tpu.memref_squeeze %dma_start3A_440 : memref<1x256xf32, #tpu.memory_space<vmem>> -> memref<256xf32, #tpu.memory_space<vmem>>
      tpu.enqueue_dma source(%dma_start3A_441 : memref<256xf32, #tpu.memory_space<vmem>>) target(%dma_start3A_438 : memref<256xf32, #tpu.memory_space<hbm>>) target_semaphore(%arg10 : memref<!tpu.dma_semaphore, #tpu.memory_space<semaphore_mem>>)
      %mul3A_442 = arith.constant 64 : i32
      %mul3A_443 = arith.muli %mul3A_117, %mul3A_442 : i32
      %add3A_444 = arith.constant 0 : i32
      %add3A_445 = arith.addi %mul3A_443, %add3A_444 : i32
      %add3A_446 = arith.constant 15 : i32
      %add3A_447 = arith.addi %add3A_445, %add3A_446 : i32
      %slice3A_448 = vector.extract_strided_slice %and3A_129 {offsets = [15], sizes = [1], strides = [1]} : vector<16xi32> to vector<1xi32>
      %squeeze3A_449 = vector.extract %slice3A_448[0] : i32 from vector<1xi32>
      %add3A_450 = arith.addi %mul3A_32, %add3A_447 : i32
      %dma_start3A_451 = arith.constant 0 : i32
      %dma_start3A_452 = tpu.memref_slice %arg8[%squeeze3A_449, %dma_start3A_451] : memref<256x256xf32, #tpu.memory_space<vmem>> -> memref<1x256xf32, #tpu.memory_space<vmem>>
      %dma_start3A_453 = tpu.memref_squeeze %dma_start3A_452 : memref<1x256xf32, #tpu.memory_space<vmem>> -> memref<256xf32, #tpu.memory_space<vmem>>
      %dma_start3A_454 = arith.constant 0 : i32
      %dma_start3A_455 = tpu.memref_slice %arg7[%add3A_450, %select_n3A_9, %dma_start3A_454] : memref<16384x8x256xf32, #tpu.memory_space<hbm>> -> memref<1x1x256xf32, #tpu.memory_space<hbm>>
      %dma_start3A_456 = tpu.memref_squeeze %dma_start3A_455 : memref<1x1x256xf32, #tpu.memory_space<hbm>> -> memref<256xf32, #tpu.memory_space<hbm>>
      %dma_start3A_457 = arith.constant 0 : i32
      %dma_start3A_458 = tpu.memref_slice %arg7[%add3A_450, %select_n3A_9, %dma_start3A_457] : memref<16384x8x256xf32, #tpu.memory_space<hbm>> -> memref<1x1x256xf32, #tpu.memory_space<hbm>>
      %dma_start3A_459 = tpu.memref_squeeze %dma_start3A_458 : memref<1x1x256xf32, #tpu.memory_space<hbm>> -> memref<256xf32, #tpu.memory_space<hbm>>
      %dma_start3A_460 = arith.constant 0 : i32
      %dma_start3A_461 = tpu.memref_slice %arg8[%squeeze3A_449, %dma_start3A_460] : memref<256x256xf32, #tpu.memory_space<vmem>> -> memref<1x256xf32, #tpu.memory_space<vmem>>
      %dma_start3A_462 = tpu.memref_squeeze %dma_start3A_461 : memref<1x256xf32, #tpu.memory_space<vmem>> -> memref<256xf32, #tpu.memory_space<vmem>>
      tpu.enqueue_dma source(%dma_start3A_462 : memref<256xf32, #tpu.memory_space<vmem>>) target(%dma_start3A_459 : memref<256xf32, #tpu.memory_space<hbm>>) target_semaphore(%arg10 : memref<!tpu.dma_semaphore, #tpu.memory_space<semaphore_mem>>)
      %mul3A_463 = arith.constant 64 : i32
      %mul3A_464 = arith.muli %mul3A_117, %mul3A_463 : i32
      %add3A_465 = arith.constant 16 : i32
      %add3A_466 = arith.addi %mul3A_464, %add3A_465 : i32
      %get3A_467 = arith.index_cast %add3A_466 : i32 to index
      %get3A_468 = tpu.vector_load %arg9[%get3A_467] {strides = array<i32>} : memref<4096xi32, #tpu.memory_space<vmem>>, vector<16xi32>,
      %shift_right_logical3A_469 = arith.shrui %get3A_468, %broadcast_in_dim3A : vector<16xi32>
      %and3A_470 = arith.constant 255 : i32
      %and3A_471 = vector.broadcast %and3A_470 : i32 to vector<16xi32>
      %and3A_472 = arith.andi %shift_right_logical3A_469, %and3A_471 : vector<16xi32>
      %mul3A_473 = arith.constant 64 : i32
      %mul3A_474 = arith.muli %mul3A_117, %mul3A_473 : i32
      %add3A_475 = arith.constant 16 : i32
      %add3A_476 = arith.addi %mul3A_474, %add3A_475 : i32
      %add3A_477 = arith.constant 0 : i32
      %add3A_478 = arith.addi %add3A_476, %add3A_477 : i32
      %slice3A_479 = vector.extract_strided_slice %and3A_472 {offsets = [0], sizes = [1], strides = [1]} : vector<16xi32> to vector<1xi32>
      %squeeze3A_480 = vector.extract %slice3A_479[0] : i32 from vector<1xi32>
      %add3A_481 = arith.addi %mul3A_32, %add3A_478 : i32
      %dma_start3A_482 = arith.constant 0 : i32
      %dma_start3A_483 = tpu.memref_slice %arg8[%squeeze3A_480, %dma_start3A_482] : memref<256x256xf32, #tpu.memory_space<vmem>> -> memref<1x256xf32, #tpu.memory_space<vmem>>
      %dma_start3A_484 = tpu.memref_squeeze %dma_start3A_483 : memref<1x256xf32, #tpu.memory_space<vmem>> -> memref<256xf32, #tpu.memory_space<vmem>>
      %dma_start3A_485 = arith.constant 0 : i32
      %dma_start3A_486 = tpu.memref_slice %arg7[%add3A_481, %select_n3A_9, %dma_start3A_485] : memref<16384x8x256xf32, #tpu.memory_space<hbm>> -> memref<1x1x256xf32, #tpu.memory_space<hbm>>
      %dma_start3A_487 = tpu.memref_squeeze %dma_start3A_486 : memref<1x1x256xf32, #tpu.memory_space<hbm>> -> memref<256xf32, #tpu.memory_space<hbm>>
      %dma_start3A_488 = arith.constant 0 : i32
      %dma_start3A_489 = tpu.memref_slice %arg7[%add3A_481, %select_n3A_9, %dma_start3A_488] : memref<16384x8x256xf32, #tpu.memory_space<hbm>> -> memref<1x1x256xf32, #tpu.memory_space<hbm>>
      %dma_start3A_490 = tpu.memref_squeeze %dma_start3A_489 : memref<1x1x256xf32, #tpu.memory_space<hbm>> -> memref<256xf32, #tpu.memory_space<hbm>>
      %dma_start3A_491 = arith.constant 0 : i32
      %dma_start3A_492 = tpu.memref_slice %arg8[%squeeze3A_480, %dma_start3A_491] : memref<256x256xf32, #tpu.memory_space<vmem>> -> memref<1x256xf32, #tpu.memory_space<vmem>>
      %dma_start3A_493 = tpu.memref_squeeze %dma_start3A_492 : memref<1x256xf32, #tpu.memory_space<vmem>> -> memref<256xf32, #tpu.memory_space<vmem>>
      tpu.enqueue_dma source(%dma_start3A_493 : memref<256xf32, #tpu.memory_space<vmem>>) target(%dma_start3A_490 : memref<256xf32, #tpu.memory_space<hbm>>) target_semaphore(%arg10 : memref<!tpu.dma_semaphore, #tpu.memory_space<semaphore_mem>>)
      %mul3A_494 = arith.constant 64 : i32
      %mul3A_495 = arith.muli %mul3A_117, %mul3A_494 : i32
      %add3A_496 = arith.constant 16 : i32
      %add3A_497 = arith.addi %mul3A_495, %add3A_496 : i32
      %add3A_498 = arith.constant 1 : i32
      %add3A_499 = arith.addi %add3A_497, %add3A_498 : i32
      %slice3A_500 = vector.extract_strided_slice %and3A_472 {offsets = [1], sizes = [1], strides = [1]} : vector<16xi32> to vector<1xi32>
      %squeeze3A_501 = vector.extract %slice3A_500[0] : i32 from vector<1xi32>
      %add3A_502 = arith.addi %mul3A_32, %add3A_499 : i32
      %dma_start3A_503 = arith.constant 0 : i32
      %dma_start3A_504 = tpu.memref_slice %arg8[%squeeze3A_501, %dma_start3A_503] : memref<256x256xf32, #tpu.memory_space<vmem>> -> memref<1x256xf32, #tpu.memory_space<vmem>>
      %dma_start3A_505 = tpu.memref_squeeze %dma_start3A_504 : memref<1x256xf32, #tpu.memory_space<vmem>> -> memref<256xf32, #tpu.memory_space<vmem>>
      %dma_start3A_506 = arith.constant 0 : i32
      %dma_start3A_507 = tpu.memref_slice %arg7[%add3A_502, %select_n3A_9, %dma_start3A_506] : memref<16384x8x256xf32, #tpu.memory_space<hbm>> -> memref<1x1x256xf32, #tpu.memory_space<hbm>>
      %dma_start3A_508 = tpu.memref_squeeze %dma_start3A_507 : memref<1x1x256xf32, #tpu.memory_space<hbm>> -> memref<256xf32, #tpu.memory_space<hbm>>
      %dma_start3A_509 = arith.constant 0 : i32
      %dma_start3A_510 = tpu.memref_slice %arg7[%add3A_502, %select_n3A_9, %dma_start3A_509] : memref<16384x8x256xf32, #tpu.memory_space<hbm>> -> memref<1x1x256xf32, #tpu.memory_space<hbm>>
      %dma_start3A_511 = tpu.memref_squeeze %dma_start3A_510 : memref<1x1x256xf32, #tpu.memory_space<hbm>> -> memref<256xf32, #tpu.memory_space<hbm>>
      %dma_start3A_512 = arith.constant 0 : i32
      %dma_start3A_513 = tpu.memref_slice %arg8[%squeeze3A_501, %dma_start3A_512] : memref<256x256xf32, #tpu.memory_space<vmem>> -> memref<1x256xf32, #tpu.memory_space<vmem>>
      %dma_start3A_514 = tpu.memref_squeeze %dma_start3A_513 : memref<1x256xf32, #tpu.memory_space<vmem>> -> memref<256xf32, #tpu.memory_space<vmem>>
      tpu.enqueue_dma source(%dma_start3A_514 : memref<256xf32, #tpu.memory_space<vmem>>) target(%dma_start3A_511 : memref<256xf32, #tpu.memory_space<hbm>>) target_semaphore(%arg10 : memref<!tpu.dma_semaphore, #tpu.memory_space<semaphore_mem>>)
      %mul3A_515 = arith.constant 64 : i32
      %mul3A_516 = arith.muli %mul3A_117, %mul3A_515 : i32
      %add3A_517 = arith.constant 16 : i32
      %add3A_518 = arith.addi %mul3A_516, %add3A_517 : i32
      %add3A_519 = arith.constant 2 : i32
      %add3A_520 = arith.addi %add3A_518, %add3A_519 : i32
      %slice3A_521 = vector.extract_strided_slice %and3A_472 {offsets = [2], sizes = [1], strides = [1]} : vector<16xi32> to vector<1xi32>
      %squeeze3A_522 = vector.extract %slice3A_521[0] : i32 from vector<1xi32>
      %add3A_523 = arith.addi %mul3A_32, %add3A_520 : i32
      %dma_start3A_524 = arith.constant 0 : i32
      %dma_start3A_525 = tpu.memref_slice %arg8[%squeeze3A_522, %dma_start3A_524] : memref<256x256xf32, #tpu.memory_space<vmem>> -> memref<1x256xf32, #tpu.memory_space<vmem>>
      %dma_start3A_526 = tpu.memref_squeeze %dma_start3A_525 : memref<1x256xf32, #tpu.memory_space<vmem>> -> memref<256xf32, #tpu.memory_space<vmem>>
      %dma_start3A_527 = arith.constant 0 : i32
      %dma_start3A_528 = tpu.memref_slice %arg7[%add3A_523, %select_n3A_9, %dma_start3A_527] : memref<16384x8x256xf32, #tpu.memory_space<hbm>> -> memref<1x1x256xf32, #tpu.memory_space<hbm>>
      %dma_start3A_529 = tpu.memref_squeeze %dma_start3A_528 : memref<1x1x256xf32, #tpu.memory_space<hbm>> -> memref<256xf32, #tpu.memory_space<hbm>>
      %dma_start3A_530 = arith.constant 0 : i32
      %dma_start3A_531 = tpu.memref_slice %arg7[%add3A_523, %select_n3A_9, %dma_start3A_530] : memref<16384x8x256xf32, #tpu.memory_space<hbm>> -> memref<1x1x256xf32, #tpu.memory_space<hbm>>
      %dma_start3A_532 = tpu.memref_squeeze %dma_start3A_531 : memref<1x1x256xf32, #tpu.memory_space<hbm>> -> memref<256xf32, #tpu.memory_space<hbm>>
      %dma_start3A_533 = arith.constant 0 : i32
      %dma_start3A_534 = tpu.memref_slice %arg8[%squeeze3A_522, %dma_start3A_533] : memref<256x256xf32, #tpu.memory_space<vmem>> -> memref<1x256xf32, #tpu.memory_space<vmem>>
      %dma_start3A_535 = tpu.memref_squeeze %dma_start3A_534 : memref<1x256xf32, #tpu.memory_space<vmem>> -> memref<256xf32, #tpu.memory_space<vmem>>
      tpu.enqueue_dma source(%dma_start3A_535 : memref<256xf32, #tpu.memory_space<vmem>>) target(%dma_start3A_532 : memref<256xf32, #tpu.memory_space<hbm>>) target_semaphore(%arg10 : memref<!tpu.dma_semaphore, #tpu.memory_space<semaphore_mem>>)
      %mul3A_536 = arith.constant 64 : i32
      %mul3A_537 = arith.muli %mul3A_117, %mul3A_536 : i32
      %add3A_538 = arith.constant 16 : i32
      %add3A_539 = arith.addi %mul3A_537, %add3A_538 : i32
      %add3A_540 = arith.constant 3 : i32
      %add3A_541 = arith.addi %add3A_539, %add3A_540 : i32
      %slice3A_542 = vector.extract_strided_slice %and3A_472 {offsets = [3], sizes = [1], strides = [1]} : vector<16xi32> to vector<1xi32>
      %squeeze3A_543 = vector.extract %slice3A_542[0] : i32 from vector<1xi32>
      %add3A_544 = arith.addi %mul3A_32, %add3A_541 : i32
      %dma_start3A_545 = arith.constant 0 : i32
      %dma_start3A_546 = tpu.memref_slice %arg8[%squeeze3A_543, %dma_start3A_545] : memref<256x256xf32, #tpu.memory_space<vmem>> -> memref<1x256xf32, #tpu.memory_space<vmem>>
      %dma_start3A_547 = tpu.memref_squeeze %dma_start3A_546 : memref<1x256xf32, #tpu.memory_space<vmem>> -> memref<256xf32, #tpu.memory_space<vmem>>
      %dma_start3A_548 = arith.constant 0 : i32
      %dma_start3A_549 = tpu.memref_slice %arg7[%add3A_544, %select_n3A_9, %dma_start3A_548] : memref<16384x8x256xf32, #tpu.memory_space<hbm>> -> memref<1x1x256xf32, #tpu.memory_space<hbm>>
      %dma_start3A_550 = tpu.memref_squeeze %dma_start3A_549 : memref<1x1x256xf32, #tpu.memory_space<hbm>> -> memref<256xf32, #tpu.memory_space<hbm>>
      %dma_start3A_551 = arith.constant 0 : i32
      %dma_start3A_552 = tpu.memref_slice %arg7[%add3A_544, %select_n3A_9, %dma_start3A_551] : memref<16384x8x256xf32, #tpu.memory_space<hbm>> -> memref<1x1x256xf32, #tpu.memory_space<hbm>>
      %dma_start3A_553 = tpu.memref_squeeze %dma_start3A_552 : memref<1x1x256xf32, #tpu.memory_space<hbm>> -> memref<256xf32, #tpu.memory_space<hbm>>
      %dma_start3A_554 = arith.constant 0 : i32
      %dma_start3A_555 = tpu.memref_slice %arg8[%squeeze3A_543, %dma_start3A_554] : memref<256x256xf32, #tpu.memory_space<vmem>> -> memref<1x256xf32, #tpu.memory_space<vmem>>
      %dma_start3A_556 = tpu.memref_squeeze %dma_start3A_555 : memref<1x256xf32, #tpu.memory_space<vmem>> -> memref<256xf32, #tpu.memory_space<vmem>>
      tpu.enqueue_dma source(%dma_start3A_556 : memref<256xf32, #tpu.memory_space<vmem>>) target(%dma_start3A_553 : memref<256xf32, #tpu.memory_space<hbm>>) target_semaphore(%arg10 : memref<!tpu.dma_semaphore, #tpu.memory_space<semaphore_mem>>)
      %mul3A_557 = arith.constant 64 : i32
      %mul3A_558 = arith.muli %mul3A_117, %mul3A_557 : i32
      %add3A_559 = arith.constant 16 : i32
      %add3A_560 = arith.addi %mul3A_558, %add3A_559 : i32
      %add3A_561 = arith.constant 4 : i32
      %add3A_562 = arith.addi %add3A_560, %add3A_561 : i32
      %slice3A_563 = vector.extract_strided_slice %and3A_472 {offsets = [4], sizes = [1], strides = [1]} : vector<16xi32> to vector<1xi32>
      %squeeze3A_564 = vector.extract %slice3A_563[0] : i32 from vector<1xi32>
      %add3A_565 = arith.addi %mul3A_32, %add3A_562 : i32
      %dma_start3A_566 = arith.constant 0 : i32
      %dma_start3A_567 = tpu.memref_slice %arg8[%squeeze3A_564, %dma_start3A_566] : memref<256x256xf32, #tpu.memory_space<vmem>> -> memref<1x256xf32, #tpu.memory_space<vmem>>
      %dma_start3A_568 = tpu.memref_squeeze %dma_start3A_567 : memref<1x256xf32, #tpu.memory_space<vmem>> -> memref<256xf32, #tpu.memory_space<vmem>>
      %dma_start3A_569 = arith.constant 0 : i32
      %dma_start3A_570 = tpu.memref_slice %arg7[%add3A_565, %select_n3A_9, %dma_start3A_569] : memref<16384x8x256xf32, #tpu.memory_space<hbm>> -> memref<1x1x256xf32, #tpu.memory_space<hbm>>
      %dma_start3A_571 = tpu.memref_squeeze %dma_start3A_570 : memref<1x1x256xf32, #tpu.memory_space<hbm>> -> memref<256xf32, #tpu.memory_space<hbm>>
      %dma_start3A_572 = arith.constant 0 : i32
      %dma_start3A_573 = tpu.memref_slice %arg7[%add3A_565, %select_n3A_9, %dma_start3A_572] : memref<16384x8x256xf32, #tpu.memory_space<hbm>> -> memref<1x1x256xf32, #tpu.memory_space<hbm>>
      %dma_start3A_574 = tpu.memref_squeeze %dma_start3A_573 : memref<1x1x256xf32, #tpu.memory_space<hbm>> -> memref<256xf32, #tpu.memory_space<hbm>>
      %dma_start3A_575 = arith.constant 0 : i32
      %dma_start3A_576 = tpu.memref_slice %arg8[%squeeze3A_564, %dma_start3A_575] : memref<256x256xf32, #tpu.memory_space<vmem>> -> memref<1x256xf32, #tpu.memory_space<vmem>>
      %dma_start3A_577 = tpu.memref_squeeze %dma_start3A_576 : memref<1x256xf32, #tpu.memory_space<vmem>> -> memref<256xf32, #tpu.memory_space<vmem>>
      tpu.enqueue_dma source(%dma_start3A_577 : memref<256xf32, #tpu.memory_space<vmem>>) target(%dma_start3A_574 : memref<256xf32, #tpu.memory_space<hbm>>) target_semaphore(%arg10 : memref<!tpu.dma_semaphore, #tpu.memory_space<semaphore_mem>>)
      %mul3A_578 = arith.constant 64 : i32
      %mul3A_579 = arith.muli %mul3A_117, %mul3A_578 : i32
      %add3A_580 = arith.constant 16 : i32
      %add3A_581 = arith.addi %mul3A_579, %add3A_580 : i32
      %add3A_582 = arith.constant 5 : i32
      %add3A_583 = arith.addi %add3A_581, %add3A_582 : i32
      %slice3A_584 = vector.extract_strided_slice %and3A_472 {offsets = [5], sizes = [1], strides = [1]} : vector<16xi32> to vector<1xi32>
      %squeeze3A_585 = vector.extract %slice3A_584[0] : i32 from vector<1xi32>
      %add3A_586 = arith.addi %mul3A_32, %add3A_583 : i32
      %dma_start3A_587 = arith.constant 0 : i32
      %dma_start3A_588 = tpu.memref_slice %arg8[%squeeze3A_585, %dma_start3A_587] : memref<256x256xf32, #tpu.memory_space<vmem>> -> memref<1x256xf32, #tpu.memory_space<vmem>>
      %dma_start3A_589 = tpu.memref_squeeze %dma_start3A_588 : memref<1x256xf32, #tpu.memory_space<vmem>> -> memref<256xf32, #tpu.memory_space<vmem>>
      %dma_start3A_590 = arith.constant 0 : i32
      %dma_start3A_591 = tpu.memref_slice %arg7[%add3A_586, %select_n3A_9, %dma_start3A_590] : memref<16384x8x256xf32, #tpu.memory_space<hbm>> -> memref<1x1x256xf32, #tpu.memory_space<hbm>>
      %dma_start3A_592 = tpu.memref_squeeze %dma_start3A_591 : memref<1x1x256xf32, #tpu.memory_space<hbm>> -> memref<256xf32, #tpu.memory_space<hbm>>
      %dma_start3A_593 = arith.constant 0 : i32
      %dma_start3A_594 = tpu.memref_slice %arg7[%add3A_586, %select_n3A_9, %dma_start3A_593] : memref<16384x8x256xf32, #tpu.memory_space<hbm>> -> memref<1x1x256xf32, #tpu.memory_space<hbm>>
      %dma_start3A_595 = tpu.memref_squeeze %dma_start3A_594 : memref<1x1x256xf32, #tpu.memory_space<hbm>> -> memref<256xf32, #tpu.memory_space<hbm>>
      %dma_start3A_596 = arith.constant 0 : i32
      %dma_start3A_597 = tpu.memref_slice %arg8[%squeeze3A_585, %dma_start3A_596] : memref<256x256xf32, #tpu.memory_space<vmem>> -> memref<1x256xf32, #tpu.memory_space<vmem>>
      %dma_start3A_598 = tpu.memref_squeeze %dma_start3A_597 : memref<1x256xf32, #tpu.memory_space<vmem>> -> memref<256xf32, #tpu.memory_space<vmem>>
      tpu.enqueue_dma source(%dma_start3A_598 : memref<256xf32, #tpu.memory_space<vmem>>) target(%dma_start3A_595 : memref<256xf32, #tpu.memory_space<hbm>>) target_semaphore(%arg10 : memref<!tpu.dma_semaphore, #tpu.memory_space<semaphore_mem>>)
      %mul3A_599 = arith.constant 64 : i32
      %mul3A_600 = arith.muli %mul3A_117, %mul3A_599 : i32
      %add3A_601 = arith.constant 16 : i32
      %add3A_602 = arith.addi %mul3A_600, %add3A_601 : i32
      %add3A_603 = arith.constant 6 : i32
      %add3A_604 = arith.addi %add3A_602, %add3A_603 : i32
      %slice3A_605 = vector.extract_strided_slice %and3A_472 {offsets = [6], sizes = [1], strides = [1]} : vector<16xi32> to vector<1xi32>
      %squeeze3A_606 = vector.extract %slice3A_605[0] : i32 from vector<1xi32>
      %add3A_607 = arith.addi %mul3A_32, %add3A_604 : i32
      %dma_start3A_608 = arith.constant 0 : i32
      %dma_start3A_609 = tpu.memref_slice %arg8[%squeeze3A_606, %dma_start3A_608] : memref<256x256xf32, #tpu.memory_space<vmem>> -> memref<1x256xf32, #tpu.memory_space<vmem>>
      %dma_start3A_610 = tpu.memref_squeeze %dma_start3A_609 : memref<1x256xf32, #tpu.memory_space<vmem>> -> memref<256xf32, #tpu.memory_space<vmem>>
      %dma_start3A_611 = arith.constant 0 : i32
      %dma_start3A_612 = tpu.memref_slice %arg7[%add3A_607, %select_n3A_9, %dma_start3A_611] : memref<16384x8x256xf32, #tpu.memory_space<hbm>> -> memref<1x1x256xf32, #tpu.memory_space<hbm>>
      %dma_start3A_613 = tpu.memref_squeeze %dma_start3A_612 : memref<1x1x256xf32, #tpu.memory_space<hbm>> -> memref<256xf32, #tpu.memory_space<hbm>>
      %dma_start3A_614 = arith.constant 0 : i32
      %dma_start3A_615 = tpu.memref_slice %arg7[%add3A_607, %select_n3A_9, %dma_start3A_614] : memref<16384x8x256xf32, #tpu.memory_space<hbm>> -> memref<1x1x256xf32, #tpu.memory_space<hbm>>
      %dma_start3A_616 = tpu.memref_squeeze %dma_start3A_615 : memref<1x1x256xf32, #tpu.memory_space<hbm>> -> memref<256xf32, #tpu.memory_space<hbm>>
      %dma_start3A_617 = arith.constant 0 : i32
      %dma_start3A_618 = tpu.memref_slice %arg8[%squeeze3A_606, %dma_start3A_617] : memref<256x256xf32, #tpu.memory_space<vmem>> -> memref<1x256xf32, #tpu.memory_space<vmem>>
      %dma_start3A_619 = tpu.memref_squeeze %dma_start3A_618 : memref<1x256xf32, #tpu.memory_space<vmem>> -> memref<256xf32, #tpu.memory_space<vmem>>
      tpu.enqueue_dma source(%dma_start3A_619 : memref<256xf32, #tpu.memory_space<vmem>>) target(%dma_start3A_616 : memref<256xf32, #tpu.memory_space<hbm>>) target_semaphore(%arg10 : memref<!tpu.dma_semaphore, #tpu.memory_space<semaphore_mem>>)
      %mul3A_620 = arith.constant 64 : i32
      %mul3A_621 = arith.muli %mul3A_117, %mul3A_620 : i32
      %add3A_622 = arith.constant 16 : i32
      %add3A_623 = arith.addi %mul3A_621, %add3A_622 : i32
      %add3A_624 = arith.constant 7 : i32
      %add3A_625 = arith.addi %add3A_623, %add3A_624 : i32
      %slice3A_626 = vector.extract_strided_slice %and3A_472 {offsets = [7], sizes = [1], strides = [1]} : vector<16xi32> to vector<1xi32>
      %squeeze3A_627 = vector.extract %slice3A_626[0] : i32 from vector<1xi32>
      %add3A_628 = arith.addi %mul3A_32, %add3A_625 : i32
      %dma_start3A_629 = arith.constant 0 : i32
      %dma_start3A_630 = tpu.memref_slice %arg8[%squeeze3A_627, %dma_start3A_629] : memref<256x256xf32, #tpu.memory_space<vmem>> -> memref<1x256xf32, #tpu.memory_space<vmem>>
      %dma_start3A_631 = tpu.memref_squeeze %dma_start3A_630 : memref<1x256xf32, #tpu.memory_space<vmem>> -> memref<256xf32, #tpu.memory_space<vmem>>
      %dma_start3A_632 = arith.constant 0 : i32
      %dma_start3A_633 = tpu.memref_slice %arg7[%add3A_628, %select_n3A_9, %dma_start3A_632] : memref<16384x8x256xf32, #tpu.memory_space<hbm>> -> memref<1x1x256xf32, #tpu.memory_space<hbm>>
      %dma_start3A_634 = tpu.memref_squeeze %dma_start3A_633 : memref<1x1x256xf32, #tpu.memory_space<hbm>> -> memref<256xf32, #tpu.memory_space<hbm>>
      %dma_start3A_635 = arith.constant 0 : i32
      %dma_start3A_636 = tpu.memref_slice %arg7[%add3A_628, %select_n3A_9, %dma_start3A_635] : memref<16384x8x256xf32, #tpu.memory_space<hbm>> -> memref<1x1x256xf32, #tpu.memory_space<hbm>>
      %dma_start3A_637 = tpu.memref_squeeze %dma_start3A_636 : memref<1x1x256xf32, #tpu.memory_space<hbm>> -> memref<256xf32, #tpu.memory_space<hbm>>
      %dma_start3A_638 = arith.constant 0 : i32
      %dma_start3A_639 = tpu.memref_slice %arg8[%squeeze3A_627, %dma_start3A_638] : memref<256x256xf32, #tpu.memory_space<vmem>> -> memref<1x256xf32, #tpu.memory_space<vmem>>
      %dma_start3A_640 = tpu.memref_squeeze %dma_start3A_639 : memref<1x256xf32, #tpu.memory_space<vmem>> -> memref<256xf32, #tpu.memory_space<vmem>>
      tpu.enqueue_dma source(%dma_start3A_640 : memref<256xf32, #tpu.memory_space<vmem>>) target(%dma_start3A_637 : memref<256xf32, #tpu.memory_space<hbm>>) target_semaphore(%arg10 : memref<!tpu.dma_semaphore, #tpu.memory_space<semaphore_mem>>)
      %mul3A_641 = arith.constant 64 : i32
      %mul3A_642 = arith.muli %mul3A_117, %mul3A_641 : i32
      %add3A_643 = arith.constant 16 : i32
      %add3A_644 = arith.addi %mul3A_642, %add3A_643 : i32
      %add3A_645 = arith.constant 8 : i32
      %add3A_646 = arith.addi %add3A_644, %add3A_645 : i32
      %slice3A_647 = vector.extract_strided_slice %and3A_472 {offsets = [8], sizes = [1], strides = [1]} : vector<16xi32> to vector<1xi32>
      %squeeze3A_648 = vector.extract %slice3A_647[0] : i32 from vector<1xi32>
      %add3A_649 = arith.addi %mul3A_32, %add3A_646 : i32
      %dma_start3A_650 = arith.constant 0 : i32
      %dma_start3A_651 = tpu.memref_slice %arg8[%squeeze3A_648, %dma_start3A_650] : memref<256x256xf32, #tpu.memory_space<vmem>> -> memref<1x256xf32, #tpu.memory_space<vmem>>
      %dma_start3A_652 = tpu.memref_squeeze %dma_start3A_651 : memref<1x256xf32, #tpu.memory_space<vmem>> -> memref<256xf32, #tpu.memory_space<vmem>>
      %dma_start3A_653 = arith.constant 0 : i32
      %dma_start3A_654 = tpu.memref_slice %arg7[%add3A_649, %select_n3A_9, %dma_start3A_653] : memref<16384x8x256xf32, #tpu.memory_space<hbm>> -> memref<1x1x256xf32, #tpu.memory_space<hbm>>
      %dma_start3A_655 = tpu.memref_squeeze %dma_start3A_654 : memref<1x1x256xf32, #tpu.memory_space<hbm>> -> memref<256xf32, #tpu.memory_space<hbm>>
      %dma_start3A_656 = arith.constant 0 : i32
      %dma_start3A_657 = tpu.memref_slice %arg7[%add3A_649, %select_n3A_9, %dma_start3A_656] : memref<16384x8x256xf32, #tpu.memory_space<hbm>> -> memref<1x1x256xf32, #tpu.memory_space<hbm>>
      %dma_start3A_658 = tpu.memref_squeeze %dma_start3A_657 : memref<1x1x256xf32, #tpu.memory_space<hbm>> -> memref<256xf32, #tpu.memory_space<hbm>>
      %dma_start3A_659 = arith.constant 0 : i32
      %dma_start3A_660 = tpu.memref_slice %arg8[%squeeze3A_648, %dma_start3A_659] : memref<256x256xf32, #tpu.memory_space<vmem>> -> memref<1x256xf32, #tpu.memory_space<vmem>>
      %dma_start3A_661 = tpu.memref_squeeze %dma_start3A_660 : memref<1x256xf32, #tpu.memory_space<vmem>> -> memref<256xf32, #tpu.memory_space<vmem>>
      tpu.enqueue_dma source(%dma_start3A_661 : memref<256xf32, #tpu.memory_space<vmem>>) target(%dma_start3A_658 : memref<256xf32, #tpu.memory_space<hbm>>) target_semaphore(%arg10 : memref<!tpu.dma_semaphore, #tpu.memory_space<semaphore_mem>>)
      %mul3A_662 = arith.constant 64 : i32
      %mul3A_663 = arith.muli %mul3A_117, %mul3A_662 : i32
      %add3A_664 = arith.constant 16 : i32
      %add3A_665 = arith.addi %mul3A_663, %add3A_664 : i32
      %add3A_666 = arith.constant 9 : i32
      %add3A_667 = arith.addi %add3A_665, %add3A_666 : i32
      %slice3A_668 = vector.extract_strided_slice %and3A_472 {offsets = [9], sizes = [1], strides = [1]} : vector<16xi32> to vector<1xi32>
      %squeeze3A_669 = vector.extract %slice3A_668[0] : i32 from vector<1xi32>
      %add3A_670 = arith.addi %mul3A_32, %add3A_667 : i32
      %dma_start3A_671 = arith.constant 0 : i32
      %dma_start3A_672 = tpu.memref_slice %arg8[%squeeze3A_669, %dma_start3A_671] : memref<256x256xf32, #tpu.memory_space<vmem>> -> memref<1x256xf32, #tpu.memory_space<vmem>>
      %dma_start3A_673 = tpu.memref_squeeze %dma_start3A_672 : memref<1x256xf32, #tpu.memory_space<vmem>> -> memref<256xf32, #tpu.memory_space<vmem>>
      %dma_start3A_674 = arith.constant 0 : i32
      %dma_start3A_675 = tpu.memref_slice %arg7[%add3A_670, %select_n3A_9, %dma_start3A_674] : memref<16384x8x256xf32, #tpu.memory_space<hbm>> -> memref<1x1x256xf32, #tpu.memory_space<hbm>>
      %dma_start3A_676 = tpu.memref_squeeze %dma_start3A_675 : memref<1x1x256xf32, #tpu.memory_space<hbm>> -> memref<256xf32, #tpu.memory_space<hbm>>
      %dma_start3A_677 = arith.constant 0 : i32
      %dma_start3A_678 = tpu.memref_slice %arg7[%add3A_670, %select_n3A_9, %dma_start3A_677] : memref<16384x8x256xf32, #tpu.memory_space<hbm>> -> memref<1x1x256xf32, #tpu.memory_space<hbm>>
      %dma_start3A_679 = tpu.memref_squeeze %dma_start3A_678 : memref<1x1x256xf32, #tpu.memory_space<hbm>> -> memref<256xf32, #tpu.memory_space<hbm>>
      %dma_start3A_680 = arith.constant 0 : i32
      %dma_start3A_681 = tpu.memref_slice %arg8[%squeeze3A_669, %dma_start3A_680] : memref<256x256xf32, #tpu.memory_space<vmem>> -> memref<1x256xf32, #tpu.memory_space<vmem>>
      %dma_start3A_682 = tpu.memref_squeeze %dma_start3A_681 : memref<1x256xf32, #tpu.memory_space<vmem>> -> memref<256xf32, #tpu.memory_space<vmem>>
      tpu.enqueue_dma source(%dma_start3A_682 : memref<256xf32, #tpu.memory_space<vmem>>) target(%dma_start3A_679 : memref<256xf32, #tpu.memory_space<hbm>>) target_semaphore(%arg10 : memref<!tpu.dma_semaphore, #tpu.memory_space<semaphore_mem>>)
      %mul3A_683 = arith.constant 64 : i32
      %mul3A_684 = arith.muli %mul3A_117, %mul3A_683 : i32
      %add3A_685 = arith.constant 16 : i32
      %add3A_686 = arith.addi %mul3A_684, %add3A_685 : i32
      %add3A_687 = arith.constant 10 : i32
      %add3A_688 = arith.addi %add3A_686, %add3A_687 : i32
      %slice3A_689 = vector.extract_strided_slice %and3A_472 {offsets = [10], sizes = [1], strides = [1]} : vector<16xi32> to vector<1xi32>
      %squeeze3A_690 = vector.extract %slice3A_689[0] : i32 from vector<1xi32>
      %add3A_691 = arith.addi %mul3A_32, %add3A_688 : i32
      %dma_start3A_692 = arith.constant 0 : i32
      %dma_start3A_693 = tpu.memref_slice %arg8[%squeeze3A_690, %dma_start3A_692] : memref<256x256xf32, #tpu.memory_space<vmem>> -> memref<1x256xf32, #tpu.memory_space<vmem>>
      %dma_start3A_694 = tpu.memref_squeeze %dma_start3A_693 : memref<1x256xf32, #tpu.memory_space<vmem>> -> memref<256xf32, #tpu.memory_space<vmem>>
      %dma_start3A_695 = arith.constant 0 : i32
      %dma_start3A_696 = tpu.memref_slice %arg7[%add3A_691, %select_n3A_9, %dma_start3A_695] : memref<16384x8x256xf32, #tpu.memory_space<hbm>> -> memref<1x1x256xf32, #tpu.memory_space<hbm>>
      %dma_start3A_697 = tpu.memref_squeeze %dma_start3A_696 : memref<1x1x256xf32, #tpu.memory_space<hbm>> -> memref<256xf32, #tpu.memory_space<hbm>>
      %dma_start3A_698 = arith.constant 0 : i32
      %dma_start3A_699 = tpu.memref_slice %arg7[%add3A_691, %select_n3A_9, %dma_start3A_698] : memref<16384x8x256xf32, #tpu.memory_space<hbm>> -> memref<1x1x256xf32, #tpu.memory_space<hbm>>
      %dma_start3A_700 = tpu.memref_squeeze %dma_start3A_699 : memref<1x1x256xf32, #tpu.memory_space<hbm>> -> memref<256xf32, #tpu.memory_space<hbm>>
      %dma_start3A_701 = arith.constant 0 : i32
      %dma_start3A_702 = tpu.memref_slice %arg8[%squeeze3A_690, %dma_start3A_701] : memref<256x256xf32, #tpu.memory_space<vmem>> -> memref<1x256xf32, #tpu.memory_space<vmem>>
      %dma_start3A_703 = tpu.memref_squeeze %dma_start3A_702 : memref<1x256xf32, #tpu.memory_space<vmem>> -> memref<256xf32, #tpu.memory_space<vmem>>
      tpu.enqueue_dma source(%dma_start3A_703 : memref<256xf32, #tpu.memory_space<vmem>>) target(%dma_start3A_700 : memref<256xf32, #tpu.memory_space<hbm>>) target_semaphore(%arg10 : memref<!tpu.dma_semaphore, #tpu.memory_space<semaphore_mem>>)
      %mul3A_704 = arith.constant 64 : i32
      %mul3A_705 = arith.muli %mul3A_117, %mul3A_704 : i32
      %add3A_706 = arith.constant 16 : i32
      %add3A_707 = arith.addi %mul3A_705, %add3A_706 : i32
      %add3A_708 = arith.constant 11 : i32
      %add3A_709 = arith.addi %add3A_707, %add3A_708 : i32
      %slice3A_710 = vector.extract_strided_slice %and3A_472 {offsets = [11], sizes = [1], strides = [1]} : vector<16xi32> to vector<1xi32>
      %squeeze3A_711 = vector.extract %slice3A_710[0] : i32 from vector<1xi32>
      %add3A_712 = arith.addi %mul3A_32, %add3A_709 : i32
      %dma_start3A_713 = arith.constant 0 : i32
      %dma_start3A_714 = tpu.memref_slice %arg8[%squeeze3A_711, %dma_start3A_713] : memref<256x256xf32, #tpu.memory_space<vmem>> -> memref<1x256xf32, #tpu.memory_space<vmem>>
      %dma_start3A_715 = tpu.memref_squeeze %dma_start3A_714 : memref<1x256xf32, #tpu.memory_space<vmem>> -> memref<256xf32, #tpu.memory_space<vmem>>
      %dma_start3A_716 = arith.constant 0 : i32
      %dma_start3A_717 = tpu.memref_slice %arg7[%add3A_712, %select_n3A_9, %dma_start3A_716] : memref<16384x8x256xf32, #tpu.memory_space<hbm>> -> memref<1x1x256xf32, #tpu.memory_space<hbm>>
      %dma_start3A_718 = tpu.memref_squeeze %dma_start3A_717 : memref<1x1x256xf32, #tpu.memory_space<hbm>> -> memref<256xf32, #tpu.memory_space<hbm>>
      %dma_start3A_719 = arith.constant 0 : i32
      %dma_start3A_720 = tpu.memref_slice %arg7[%add3A_712, %select_n3A_9, %dma_start3A_719] : memref<16384x8x256xf32, #tpu.memory_space<hbm>> -> memref<1x1x256xf32, #tpu.memory_space<hbm>>
      %dma_start3A_721 = tpu.memref_squeeze %dma_start3A_720 : memref<1x1x256xf32, #tpu.memory_space<hbm>> -> memref<256xf32, #tpu.memory_space<hbm>>
      %dma_start3A_722 = arith.constant 0 : i32
      %dma_start3A_723 = tpu.memref_slice %arg8[%squeeze3A_711, %dma_start3A_722] : memref<256x256xf32, #tpu.memory_space<vmem>> -> memref<1x256xf32, #tpu.memory_space<vmem>>
      %dma_start3A_724 = tpu.memref_squeeze %dma_start3A_723 : memref<1x256xf32, #tpu.memory_space<vmem>> -> memref<256xf32, #tpu.memory_space<vmem>>
      tpu.enqueue_dma source(%dma_start3A_724 : memref<256xf32, #tpu.memory_space<vmem>>) target(%dma_start3A_721 : memref<256xf32, #tpu.memory_space<hbm>>) target_semaphore(%arg10 : memref<!tpu.dma_semaphore, #tpu.memory_space<semaphore_mem>>)
      %mul3A_725 = arith.constant 64 : i32
      %mul3A_726 = arith.muli %mul3A_117, %mul3A_725 : i32
      %add3A_727 = arith.constant 16 : i32
      %add3A_728 = arith.addi %mul3A_726, %add3A_727 : i32
      %add3A_729 = arith.constant 12 : i32
      %add3A_730 = arith.addi %add3A_728, %add3A_729 : i32
      %slice3A_731 = vector.extract_strided_slice %and3A_472 {offsets = [12], sizes = [1], strides = [1]} : vector<16xi32> to vector<1xi32>
      %squeeze3A_732 = vector.extract %slice3A_731[0] : i32 from vector<1xi32>
      %add3A_733 = arith.addi %mul3A_32, %add3A_730 : i32
      %dma_start3A_734 = arith.constant 0 : i32
      %dma_start3A_735 = tpu.memref_slice %arg8[%squeeze3A_732, %dma_start3A_734] : memref<256x256xf32, #tpu.memory_space<vmem>> -> memref<1x256xf32, #tpu.memory_space<vmem>>
      %dma_start3A_736 = tpu.memref_squeeze %dma_start3A_735 : memref<1x256xf32, #tpu.memory_space<vmem>> -> memref<256xf32, #tpu.memory_space<vmem>>
      %dma_start3A_737 = arith.constant 0 : i32
      %dma_start3A_738 = tpu.memref_slice %arg7[%add3A_733, %select_n3A_9, %dma_start3A_737] : memref<16384x8x256xf32, #tpu.memory_space<hbm>> -> memref<1x1x256xf32, #tpu.memory_space<hbm>>
      %dma_start3A_739 = tpu.memref_squeeze %dma_start3A_738 : memref<1x1x256xf32, #tpu.memory_space<hbm>> -> memref<256xf32, #tpu.memory_space<hbm>>
      %dma_start3A_740 = arith.constant 0 : i32
      %dma_start3A_741 = tpu.memref_slice %arg7[%add3A_733, %select_n3A_9, %dma_start3A_740] : memref<16384x8x256xf32, #tpu.memory_space<hbm>> -> memref<1x1x256xf32, #tpu.memory_space<hbm>>
      %dma_start3A_742 = tpu.memref_squeeze %dma_start3A_741 : memref<1x1x256xf32, #tpu.memory_space<hbm>> -> memref<256xf32, #tpu.memory_space<hbm>>
      %dma_start3A_743 = arith.constant 0 : i32
      %dma_start3A_744 = tpu.memref_slice %arg8[%squeeze3A_732, %dma_start3A_743] : memref<256x256xf32, #tpu.memory_space<vmem>> -> memref<1x256xf32, #tpu.memory_space<vmem>>
      %dma_start3A_745 = tpu.memref_squeeze %dma_start3A_744 : memref<1x256xf32, #tpu.memory_space<vmem>> -> memref<256xf32, #tpu.memory_space<vmem>>
      tpu.enqueue_dma source(%dma_start3A_745 : memref<256xf32, #tpu.memory_space<vmem>>) target(%dma_start3A_742 : memref<256xf32, #tpu.memory_space<hbm>>) target_semaphore(%arg10 : memref<!tpu.dma_semaphore, #tpu.memory_space<semaphore_mem>>)
      %mul3A_746 = arith.constant 64 : i32
      %mul3A_747 = arith.muli %mul3A_117, %mul3A_746 : i32
      %add3A_748 = arith.constant 16 : i32
      %add3A_749 = arith.addi %mul3A_747, %add3A_748 : i32
      %add3A_750 = arith.constant 13 : i32
      %add3A_751 = arith.addi %add3A_749, %add3A_750 : i32
      %slice3A_752 = vector.extract_strided_slice %and3A_472 {offsets = [13], sizes = [1], strides = [1]} : vector<16xi32> to vector<1xi32>
      %squeeze3A_753 = vector.extract %slice3A_752[0] : i32 from vector<1xi32>
      %add3A_754 = arith.addi %mul3A_32, %add3A_751 : i32
      %dma_start3A_755 = arith.constant 0 : i32
      %dma_start3A_756 = tpu.memref_slice %arg8[%squeeze3A_753, %dma_start3A_755] : memref<256x256xf32, #tpu.memory_space<vmem>> -> memref<1x256xf32, #tpu.memory_space<vmem>>
      %dma_start3A_757 = tpu.memref_squeeze %dma_start3A_756 : memref<1x256xf32, #tpu.memory_space<vmem>> -> memref<256xf32, #tpu.memory_space<vmem>>
      %dma_start3A_758 = arith.constant 0 : i32
      %dma_start3A_759 = tpu.memref_slice %arg7[%add3A_754, %select_n3A_9, %dma_start3A_758] : memref<16384x8x256xf32, #tpu.memory_space<hbm>> -> memref<1x1x256xf32, #tpu.memory_space<hbm>>
      %dma_start3A_760 = tpu.memref_squeeze %dma_start3A_759 : memref<1x1x256xf32, #tpu.memory_space<hbm>> -> memref<256xf32, #tpu.memory_space<hbm>>
      %dma_start3A_761 = arith.constant 0 : i32
      %dma_start3A_762 = tpu.memref_slice %arg7[%add3A_754, %select_n3A_9, %dma_start3A_761] : memref<16384x8x256xf32, #tpu.memory_space<hbm>> -> memref<1x1x256xf32, #tpu.memory_space<hbm>>
      %dma_start3A_763 = tpu.memref_squeeze %dma_start3A_762 : memref<1x1x256xf32, #tpu.memory_space<hbm>> -> memref<256xf32, #tpu.memory_space<hbm>>
      %dma_start3A_764 = arith.constant 0 : i32
      %dma_start3A_765 = tpu.memref_slice %arg8[%squeeze3A_753, %dma_start3A_764] : memref<256x256xf32, #tpu.memory_space<vmem>> -> memref<1x256xf32, #tpu.memory_space<vmem>>
      %dma_start3A_766 = tpu.memref_squeeze %dma_start3A_765 : memref<1x256xf32, #tpu.memory_space<vmem>> -> memref<256xf32, #tpu.memory_space<vmem>>
      tpu.enqueue_dma source(%dma_start3A_766 : memref<256xf32, #tpu.memory_space<vmem>>) target(%dma_start3A_763 : memref<256xf32, #tpu.memory_space<hbm>>) target_semaphore(%arg10 : memref<!tpu.dma_semaphore, #tpu.memory_space<semaphore_mem>>)
      %mul3A_767 = arith.constant 64 : i32
      %mul3A_768 = arith.muli %mul3A_117, %mul3A_767 : i32
      %add3A_769 = arith.constant 16 : i32
      %add3A_770 = arith.addi %mul3A_768, %add3A_769 : i32
      %add3A_771 = arith.constant 14 : i32
      %add3A_772 = arith.addi %add3A_770, %add3A_771 : i32
      %slice3A_773 = vector.extract_strided_slice %and3A_472 {offsets = [14], sizes = [1], strides = [1]} : vector<16xi32> to vector<1xi32>
      %squeeze3A_774 = vector.extract %slice3A_773[0] : i32 from vector<1xi32>
      %add3A_775 = arith.addi %mul3A_32, %add3A_772 : i32
      %dma_start3A_776 = arith.constant 0 : i32
      %dma_start3A_777 = tpu.memref_slice %arg8[%squeeze3A_774, %dma_start3A_776] : memref<256x256xf32, #tpu.memory_space<vmem>> -> memref<1x256xf32, #tpu.memory_space<vmem>>
      %dma_start3A_778 = tpu.memref_squeeze %dma_start3A_777 : memref<1x256xf32, #tpu.memory_space<vmem>> -> memref<256xf32, #tpu.memory_space<vmem>>
      %dma_start3A_779 = arith.constant 0 : i32
      %dma_start3A_780 = tpu.memref_slice %arg7[%add3A_775, %select_n3A_9, %dma_start3A_779] : memref<16384x8x256xf32, #tpu.memory_space<hbm>> -> memref<1x1x256xf32, #tpu.memory_space<hbm>>
      %dma_start3A_781 = tpu.memref_squeeze %dma_start3A_780 : memref<1x1x256xf32, #tpu.memory_space<hbm>> -> memref<256xf32, #tpu.memory_space<hbm>>
      %dma_start3A_782 = arith.constant 0 : i32
      %dma_start3A_783 = tpu.memref_slice %arg7[%add3A_775, %select_n3A_9, %dma_start3A_782] : memref<16384x8x256xf32, #tpu.memory_space<hbm>> -> memref<1x1x256xf32, #tpu.memory_space<hbm>>
      %dma_start3A_784 = tpu.memref_squeeze %dma_start3A_783 : memref<1x1x256xf32, #tpu.memory_space<hbm>> -> memref<256xf32, #tpu.memory_space<hbm>>
      %dma_start3A_785 = arith.constant 0 : i32
      %dma_start3A_786 = tpu.memref_slice %arg8[%squeeze3A_774, %dma_start3A_785] : memref<256x256xf32, #tpu.memory_space<vmem>> -> memref<1x256xf32, #tpu.memory_space<vmem>>
      %dma_start3A_787 = tpu.memref_squeeze %dma_start3A_786 : memref<1x256xf32, #tpu.memory_space<vmem>> -> memref<256xf32, #tpu.memory_space<vmem>>
      tpu.enqueue_dma source(%dma_start3A_787 : memref<256xf32, #tpu.memory_space<vmem>>) target(%dma_start3A_784 : memref<256xf32, #tpu.memory_space<hbm>>) target_semaphore(%arg10 : memref<!tpu.dma_semaphore, #tpu.memory_space<semaphore_mem>>)
      %mul3A_788 = arith.constant 64 : i32
      %mul3A_789 = arith.muli %mul3A_117, %mul3A_788 : i32
      %add3A_790 = arith.constant 16 : i32
      %add3A_791 = arith.addi %mul3A_789, %add3A_790 : i32
      %add3A_792 = arith.constant 15 : i32
      %add3A_793 = arith.addi %add3A_791, %add3A_792 : i32
      %slice3A_794 = vector.extract_strided_slice %and3A_472 {offsets = [15], sizes = [1], strides = [1]} : vector<16xi32> to vector<1xi32>
      %squeeze3A_795 = vector.extract %slice3A_794[0] : i32 from vector<1xi32>
      %add3A_796 = arith.addi %mul3A_32, %add3A_793 : i32
      %dma_start3A_797 = arith.constant 0 : i32
      %dma_start3A_798 = tpu.memref_slice %arg8[%squeeze3A_795, %dma_start3A_797] : memref<256x256xf32, #tpu.memory_space<vmem>> -> memref<1x256xf32, #tpu.memory_space<vmem>>
      %dma_start3A_799 = tpu.memref_squeeze %dma_start3A_798 : memref<1x256xf32, #tpu.memory_space<vmem>> -> memref<256xf32, #tpu.memory_space<vmem>>
      %dma_start3A_800 = arith.constant 0 : i32
      %dma_start3A_801 = tpu.memref_slice %arg7[%add3A_796, %select_n3A_9, %dma_start3A_800] : memref<16384x8x256xf32, #tpu.memory_space<hbm>> -> memref<1x1x256xf32, #tpu.memory_space<hbm>>
      %dma_start3A_802 = tpu.memref_squeeze %dma_start3A_801 : memref<1x1x256xf32, #tpu.memory_space<hbm>> -> memref<256xf32, #tpu.memory_space<hbm>>
      %dma_start3A_803 = arith.constant 0 : i32
      %dma_start3A_804 = tpu.memref_slice %arg7[%add3A_796, %select_n3A_9, %dma_start3A_803] : memref<16384x8x256xf32, #tpu.memory_space<hbm>> -> memref<1x1x256xf32, #tpu.memory_space<hbm>>
      %dma_start3A_805 = tpu.memref_squeeze %dma_start3A_804 : memref<1x1x256xf32, #tpu.memory_space<hbm>> -> memref<256xf32, #tpu.memory_space<hbm>>
      %dma_start3A_806 = arith.constant 0 : i32
      %dma_start3A_807 = tpu.memref_slice %arg8[%squeeze3A_795, %dma_start3A_806] : memref<256x256xf32, #tpu.memory_space<vmem>> -> memref<1x256xf32, #tpu.memory_space<vmem>>
      %dma_start3A_808 = tpu.memref_squeeze %dma_start3A_807 : memref<1x256xf32, #tpu.memory_space<vmem>> -> memref<256xf32, #tpu.memory_space<vmem>>
      tpu.enqueue_dma source(%dma_start3A_808 : memref<256xf32, #tpu.memory_space<vmem>>) target(%dma_start3A_805 : memref<256xf32, #tpu.memory_space<hbm>>) target_semaphore(%arg10 : memref<!tpu.dma_semaphore, #tpu.memory_space<semaphore_mem>>)
      %mul3A_809 = arith.constant 64 : i32
      %mul3A_810 = arith.muli %mul3A_117, %mul3A_809 : i32
      %add3A_811 = arith.constant 32 : i32
      %add3A_812 = arith.addi %mul3A_810, %add3A_811 : i32
      %get3A_813 = arith.index_cast %add3A_812 : i32 to index
      %get3A_814 = tpu.vector_load %arg9[%get3A_813] {strides = array<i32>} : memref<4096xi32, #tpu.memory_space<vmem>>, vector<16xi32>,
      %shift_right_logical3A_815 = arith.shrui %get3A_814, %broadcast_in_dim3A : vector<16xi32>
      %and3A_816 = arith.constant 255 : i32
      %and3A_817 = vector.broadcast %and3A_816 : i32 to vector<16xi32>
      %and3A_818 = arith.andi %shift_right_logical3A_815, %and3A_817 : vector<16xi32>
      %mul3A_819 = arith.constant 64 : i32
      %mul3A_820 = arith.muli %mul3A_117, %mul3A_819 : i32
      %add3A_821 = arith.constant 32 : i32
      %add3A_822 = arith.addi %mul3A_820, %add3A_821 : i32
      %add3A_823 = arith.constant 0 : i32
      %add3A_824 = arith.addi %add3A_822, %add3A_823 : i32
      %slice3A_825 = vector.extract_strided_slice %and3A_818 {offsets = [0], sizes = [1], strides = [1]} : vector<16xi32> to vector<1xi32>
      %squeeze3A_826 = vector.extract %slice3A_825[0] : i32 from vector<1xi32>
      %add3A_827 = arith.addi %mul3A_32, %add3A_824 : i32
      %dma_start3A_828 = arith.constant 0 : i32
      %dma_start3A_829 = tpu.memref_slice %arg8[%squeeze3A_826, %dma_start3A_828] : memref<256x256xf32, #tpu.memory_space<vmem>> -> memref<1x256xf32, #tpu.memory_space<vmem>>
      %dma_start3A_830 = tpu.memref_squeeze %dma_start3A_829 : memref<1x256xf32, #tpu.memory_space<vmem>> -> memref<256xf32, #tpu.memory_space<vmem>>
      %dma_start3A_831 = arith.constant 0 : i32
      %dma_start3A_832 = tpu.memref_slice %arg7[%add3A_827, %select_n3A_9, %dma_start3A_831] : memref<16384x8x256xf32, #tpu.memory_space<hbm>> -> memref<1x1x256xf32, #tpu.memory_space<hbm>>
      %dma_start3A_833 = tpu.memref_squeeze %dma_start3A_832 : memref<1x1x256xf32, #tpu.memory_space<hbm>> -> memref<256xf32, #tpu.memory_space<hbm>>
      %dma_start3A_834 = arith.constant 0 : i32
      %dma_start3A_835 = tpu.memref_slice %arg7[%add3A_827, %select_n3A_9, %dma_start3A_834] : memref<16384x8x256xf32, #tpu.memory_space<hbm>> -> memref<1x1x256xf32, #tpu.memory_space<hbm>>
      %dma_start3A_836 = tpu.memref_squeeze %dma_start3A_835 : memref<1x1x256xf32, #tpu.memory_space<hbm>> -> memref<256xf32, #tpu.memory_space<hbm>>
      %dma_start3A_837 = arith.constant 0 : i32
      %dma_start3A_838 = tpu.memref_slice %arg8[%squeeze3A_826, %dma_start3A_837] : memref<256x256xf32, #tpu.memory_space<vmem>> -> memref<1x256xf32, #tpu.memory_space<vmem>>
      %dma_start3A_839 = tpu.memref_squeeze %dma_start3A_838 : memref<1x256xf32, #tpu.memory_space<vmem>> -> memref<256xf32, #tpu.memory_space<vmem>>
      tpu.enqueue_dma source(%dma_start3A_839 : memref<256xf32, #tpu.memory_space<vmem>>) target(%dma_start3A_836 : memref<256xf32, #tpu.memory_space<hbm>>) target_semaphore(%arg10 : memref<!tpu.dma_semaphore, #tpu.memory_space<semaphore_mem>>)
      %mul3A_840 = arith.constant 64 : i32
      %mul3A_841 = arith.muli %mul3A_117, %mul3A_840 : i32
      %add3A_842 = arith.constant 32 : i32
      %add3A_843 = arith.addi %mul3A_841, %add3A_842 : i32
      %add3A_844 = arith.constant 1 : i32
      %add3A_845 = arith.addi %add3A_843, %add3A_844 : i32
      %slice3A_846 = vector.extract_strided_slice %and3A_818 {offsets = [1], sizes = [1], strides = [1]} : vector<16xi32> to vector<1xi32>
      %squeeze3A_847 = vector.extract %slice3A_846[0] : i32 from vector<1xi32>
      %add3A_848 = arith.addi %mul3A_32, %add3A_845 : i32
      %dma_start3A_849 = arith.constant 0 : i32
      %dma_start3A_850 = tpu.memref_slice %arg8[%squeeze3A_847, %dma_start3A_849] : memref<256x256xf32, #tpu.memory_space<vmem>> -> memref<1x256xf32, #tpu.memory_space<vmem>>
      %dma_start3A_851 = tpu.memref_squeeze %dma_start3A_850 : memref<1x256xf32, #tpu.memory_space<vmem>> -> memref<256xf32, #tpu.memory_space<vmem>>
      %dma_start3A_852 = arith.constant 0 : i32
      %dma_start3A_853 = tpu.memref_slice %arg7[%add3A_848, %select_n3A_9, %dma_start3A_852] : memref<16384x8x256xf32, #tpu.memory_space<hbm>> -> memref<1x1x256xf32, #tpu.memory_space<hbm>>
      %dma_start3A_854 = tpu.memref_squeeze %dma_start3A_853 : memref<1x1x256xf32, #tpu.memory_space<hbm>> -> memref<256xf32, #tpu.memory_space<hbm>>
      %dma_start3A_855 = arith.constant 0 : i32
      %dma_start3A_856 = tpu.memref_slice %arg7[%add3A_848, %select_n3A_9, %dma_start3A_855] : memref<16384x8x256xf32, #tpu.memory_space<hbm>> -> memref<1x1x256xf32, #tpu.memory_space<hbm>>
      %dma_start3A_857 = tpu.memref_squeeze %dma_start3A_856 : memref<1x1x256xf32, #tpu.memory_space<hbm>> -> memref<256xf32, #tpu.memory_space<hbm>>
      %dma_start3A_858 = arith.constant 0 : i32
      %dma_start3A_859 = tpu.memref_slice %arg8[%squeeze3A_847, %dma_start3A_858] : memref<256x256xf32, #tpu.memory_space<vmem>> -> memref<1x256xf32, #tpu.memory_space<vmem>>
      %dma_start3A_860 = tpu.memref_squeeze %dma_start3A_859 : memref<1x256xf32, #tpu.memory_space<vmem>> -> memref<256xf32, #tpu.memory_space<vmem>>
      tpu.enqueue_dma source(%dma_start3A_860 : memref<256xf32, #tpu.memory_space<vmem>>) target(%dma_start3A_857 : memref<256xf32, #tpu.memory_space<hbm>>) target_semaphore(%arg10 : memref<!tpu.dma_semaphore, #tpu.memory_space<semaphore_mem>>)
      %mul3A_861 = arith.constant 64 : i32
      %mul3A_862 = arith.muli %mul3A_117, %mul3A_861 : i32
      %add3A_863 = arith.constant 32 : i32
      %add3A_864 = arith.addi %mul3A_862, %add3A_863 : i32
      %add3A_865 = arith.constant 2 : i32
      %add3A_866 = arith.addi %add3A_864, %add3A_865 : i32
      %slice3A_867 = vector.extract_strided_slice %and3A_818 {offsets = [2], sizes = [1], strides = [1]} : vector<16xi32> to vector<1xi32>
      %squeeze3A_868 = vector.extract %slice3A_867[0] : i32 from vector<1xi32>
      %add3A_869 = arith.addi %mul3A_32, %add3A_866 : i32
      %dma_start3A_870 = arith.constant 0 : i32
      %dma_start3A_871 = tpu.memref_slice %arg8[%squeeze3A_868, %dma_start3A_870] : memref<256x256xf32, #tpu.memory_space<vmem>> -> memref<1x256xf32, #tpu.memory_space<vmem>>
      %dma_start3A_872 = tpu.memref_squeeze %dma_start3A_871 : memref<1x256xf32, #tpu.memory_space<vmem>> -> memref<256xf32, #tpu.memory_space<vmem>>
      %dma_start3A_873 = arith.constant 0 : i32
      %dma_start3A_874 = tpu.memref_slice %arg7[%add3A_869, %select_n3A_9, %dma_start3A_873] : memref<16384x8x256xf32, #tpu.memory_space<hbm>> -> memref<1x1x256xf32, #tpu.memory_space<hbm>>
      %dma_start3A_875 = tpu.memref_squeeze %dma_start3A_874 : memref<1x1x256xf32, #tpu.memory_space<hbm>> -> memref<256xf32, #tpu.memory_space<hbm>>
      %dma_start3A_876 = arith.constant 0 : i32
      %dma_start3A_877 = tpu.memref_slice %arg7[%add3A_869, %select_n3A_9, %dma_start3A_876] : memref<16384x8x256xf32, #tpu.memory_space<hbm>> -> memref<1x1x256xf32, #tpu.memory_space<hbm>>
      %dma_start3A_878 = tpu.memref_squeeze %dma_start3A_877 : memref<1x1x256xf32, #tpu.memory_space<hbm>> -> memref<256xf32, #tpu.memory_space<hbm>>
      %dma_start3A_879 = arith.constant 0 : i32
      %dma_start3A_880 = tpu.memref_slice %arg8[%squeeze3A_868, %dma_start3A_879] : memref<256x256xf32, #tpu.memory_space<vmem>> -> memref<1x256xf32, #tpu.memory_space<vmem>>
      %dma_start3A_881 = tpu.memref_squeeze %dma_start3A_880 : memref<1x256xf32, #tpu.memory_space<vmem>> -> memref<256xf32, #tpu.memory_space<vmem>>
      tpu.enqueue_dma source(%dma_start3A_881 : memref<256xf32, #tpu.memory_space<vmem>>) target(%dma_start3A_878 : memref<256xf32, #tpu.memory_space<hbm>>) target_semaphore(%arg10 : memref<!tpu.dma_semaphore, #tpu.memory_space<semaphore_mem>>)
      %mul3A_882 = arith.constant 64 : i32
      %mul3A_883 = arith.muli %mul3A_117, %mul3A_882 : i32
      %add3A_884 = arith.constant 32 : i32
      %add3A_885 = arith.addi %mul3A_883, %add3A_884 : i32
      %add3A_886 = arith.constant 3 : i32
      %add3A_887 = arith.addi %add3A_885, %add3A_886 : i32
      %slice3A_888 = vector.extract_strided_slice %and3A_818 {offsets = [3], sizes = [1], strides = [1]} : vector<16xi32> to vector<1xi32>
      %squeeze3A_889 = vector.extract %slice3A_888[0] : i32 from vector<1xi32>
      %add3A_890 = arith.addi %mul3A_32, %add3A_887 : i32
      %dma_start3A_891 = arith.constant 0 : i32
      %dma_start3A_892 = tpu.memref_slice %arg8[%squeeze3A_889, %dma_start3A_891] : memref<256x256xf32, #tpu.memory_space<vmem>> -> memref<1x256xf32, #tpu.memory_space<vmem>>
      %dma_start3A_893 = tpu.memref_squeeze %dma_start3A_892 : memref<1x256xf32, #tpu.memory_space<vmem>> -> memref<256xf32, #tpu.memory_space<vmem>>
      %dma_start3A_894 = arith.constant 0 : i32
      %dma_start3A_895 = tpu.memref_slice %arg7[%add3A_890, %select_n3A_9, %dma_start3A_894] : memref<16384x8x256xf32, #tpu.memory_space<hbm>> -> memref<1x1x256xf32, #tpu.memory_space<hbm>>
      %dma_start3A_896 = tpu.memref_squeeze %dma_start3A_895 : memref<1x1x256xf32, #tpu.memory_space<hbm>> -> memref<256xf32, #tpu.memory_space<hbm>>
      %dma_start3A_897 = arith.constant 0 : i32
      %dma_start3A_898 = tpu.memref_slice %arg7[%add3A_890, %select_n3A_9, %dma_start3A_897] : memref<16384x8x256xf32, #tpu.memory_space<hbm>> -> memref<1x1x256xf32, #tpu.memory_space<hbm>>
      %dma_start3A_899 = tpu.memref_squeeze %dma_start3A_898 : memref<1x1x256xf32, #tpu.memory_space<hbm>> -> memref<256xf32, #tpu.memory_space<hbm>>
      %dma_start3A_900 = arith.constant 0 : i32
      %dma_start3A_901 = tpu.memref_slice %arg8[%squeeze3A_889, %dma_start3A_900] : memref<256x256xf32, #tpu.memory_space<vmem>> -> memref<1x256xf32, #tpu.memory_space<vmem>>
      %dma_start3A_902 = tpu.memref_squeeze %dma_start3A_901 : memref<1x256xf32, #tpu.memory_space<vmem>> -> memref<256xf32, #tpu.memory_space<vmem>>
      tpu.enqueue_dma source(%dma_start3A_902 : memref<256xf32, #tpu.memory_space<vmem>>) target(%dma_start3A_899 : memref<256xf32, #tpu.memory_space<hbm>>) target_semaphore(%arg10 : memref<!tpu.dma_semaphore, #tpu.memory_space<semaphore_mem>>)
      %mul3A_903 = arith.constant 64 : i32
      %mul3A_904 = arith.muli %mul3A_117, %mul3A_903 : i32
      %add3A_905 = arith.constant 32 : i32
      %add3A_906 = arith.addi %mul3A_904, %add3A_905 : i32
      %add3A_907 = arith.constant 4 : i32
      %add3A_908 = arith.addi %add3A_906, %add3A_907 : i32
      %slice3A_909 = vector.extract_strided_slice %and3A_818 {offsets = [4], sizes = [1], strides = [1]} : vector<16xi32> to vector<1xi32>
      %squeeze3A_910 = vector.extract %slice3A_909[0] : i32 from vector<1xi32>
      %add3A_911 = arith.addi %mul3A_32, %add3A_908 : i32
      %dma_start3A_912 = arith.constant 0 : i32
      %dma_start3A_913 = tpu.memref_slice %arg8[%squeeze3A_910, %dma_start3A_912] : memref<256x256xf32, #tpu.memory_space<vmem>> -> memref<1x256xf32, #tpu.memory_space<vmem>>
      %dma_start3A_914 = tpu.memref_squeeze %dma_start3A_913 : memref<1x256xf32, #tpu.memory_space<vmem>> -> memref<256xf32, #tpu.memory_space<vmem>>
      %dma_start3A_915 = arith.constant 0 : i32
      %dma_start3A_916 = tpu.memref_slice %arg7[%add3A_911, %select_n3A_9, %dma_start3A_915] : memref<16384x8x256xf32, #tpu.memory_space<hbm>> -> memref<1x1x256xf32, #tpu.memory_space<hbm>>
      %dma_start3A_917 = tpu.memref_squeeze %dma_start3A_916 : memref<1x1x256xf32, #tpu.memory_space<hbm>> -> memref<256xf32, #tpu.memory_space<hbm>>
      %dma_start3A_918 = arith.constant 0 : i32
      %dma_start3A_919 = tpu.memref_slice %arg7[%add3A_911, %select_n3A_9, %dma_start3A_918] : memref<16384x8x256xf32, #tpu.memory_space<hbm>> -> memref<1x1x256xf32, #tpu.memory_space<hbm>>
      %dma_start3A_920 = tpu.memref_squeeze %dma_start3A_919 : memref<1x1x256xf32, #tpu.memory_space<hbm>> -> memref<256xf32, #tpu.memory_space<hbm>>
      %dma_start3A_921 = arith.constant 0 : i32
      %dma_start3A_922 = tpu.memref_slice %arg8[%squeeze3A_910, %dma_start3A_921] : memref<256x256xf32, #tpu.memory_space<vmem>> -> memref<1x256xf32, #tpu.memory_space<vmem>>
      %dma_start3A_923 = tpu.memref_squeeze %dma_start3A_922 : memref<1x256xf32, #tpu.memory_space<vmem>> -> memref<256xf32, #tpu.memory_space<vmem>>
      tpu.enqueue_dma source(%dma_start3A_923 : memref<256xf32, #tpu.memory_space<vmem>>) target(%dma_start3A_920 : memref<256xf32, #tpu.memory_space<hbm>>) target_semaphore(%arg10 : memref<!tpu.dma_semaphore, #tpu.memory_space<semaphore_mem>>)
      %mul3A_924 = arith.constant 64 : i32
      %mul3A_925 = arith.muli %mul3A_117, %mul3A_924 : i32
      %add3A_926 = arith.constant 32 : i32
      %add3A_927 = arith.addi %mul3A_925, %add3A_926 : i32
      %add3A_928 = arith.constant 5 : i32
      %add3A_929 = arith.addi %add3A_927, %add3A_928 : i32
      %slice3A_930 = vector.extract_strided_slice %and3A_818 {offsets = [5], sizes = [1], strides = [1]} : vector<16xi32> to vector<1xi32>
      %squeeze3A_931 = vector.extract %slice3A_930[0] : i32 from vector<1xi32>
      %add3A_932 = arith.addi %mul3A_32, %add3A_929 : i32
      %dma_start3A_933 = arith.constant 0 : i32
      %dma_start3A_934 = tpu.memref_slice %arg8[%squeeze3A_931, %dma_start3A_933] : memref<256x256xf32, #tpu.memory_space<vmem>> -> memref<1x256xf32, #tpu.memory_space<vmem>>
      %dma_start3A_935 = tpu.memref_squeeze %dma_start3A_934 : memref<1x256xf32, #tpu.memory_space<vmem>> -> memref<256xf32, #tpu.memory_space<vmem>>
      %dma_start3A_936 = arith.constant 0 : i32
      %dma_start3A_937 = tpu.memref_slice %arg7[%add3A_932, %select_n3A_9, %dma_start3A_936] : memref<16384x8x256xf32, #tpu.memory_space<hbm>> -> memref<1x1x256xf32, #tpu.memory_space<hbm>>
      %dma_start3A_938 = tpu.memref_squeeze %dma_start3A_937 : memref<1x1x256xf32, #tpu.memory_space<hbm>> -> memref<256xf32, #tpu.memory_space<hbm>>
      %dma_start3A_939 = arith.constant 0 : i32
      %dma_start3A_940 = tpu.memref_slice %arg7[%add3A_932, %select_n3A_9, %dma_start3A_939] : memref<16384x8x256xf32, #tpu.memory_space<hbm>> -> memref<1x1x256xf32, #tpu.memory_space<hbm>>
      %dma_start3A_941 = tpu.memref_squeeze %dma_start3A_940 : memref<1x1x256xf32, #tpu.memory_space<hbm>> -> memref<256xf32, #tpu.memory_space<hbm>>
      %dma_start3A_942 = arith.constant 0 : i32
      %dma_start3A_943 = tpu.memref_slice %arg8[%squeeze3A_931, %dma_start3A_942] : memref<256x256xf32, #tpu.memory_space<vmem>> -> memref<1x256xf32, #tpu.memory_space<vmem>>
      %dma_start3A_944 = tpu.memref_squeeze %dma_start3A_943 : memref<1x256xf32, #tpu.memory_space<vmem>> -> memref<256xf32, #tpu.memory_space<vmem>>
      tpu.enqueue_dma source(%dma_start3A_944 : memref<256xf32, #tpu.memory_space<vmem>>) target(%dma_start3A_941 : memref<256xf32, #tpu.memory_space<hbm>>) target_semaphore(%arg10 : memref<!tpu.dma_semaphore, #tpu.memory_space<semaphore_mem>>)
      %mul3A_945 = arith.constant 64 : i32
      %mul3A_946 = arith.muli %mul3A_117, %mul3A_945 : i32
      %add3A_947 = arith.constant 32 : i32
      %add3A_948 = arith.addi %mul3A_946, %add3A_947 : i32
      %add3A_949 = arith.constant 6 : i32
      %add3A_950 = arith.addi %add3A_948, %add3A_949 : i32
      %slice3A_951 = vector.extract_strided_slice %and3A_818 {offsets = [6], sizes = [1], strides = [1]} : vector<16xi32> to vector<1xi32>
      %squeeze3A_952 = vector.extract %slice3A_951[0] : i32 from vector<1xi32>
      %add3A_953 = arith.addi %mul3A_32, %add3A_950 : i32
      %dma_start3A_954 = arith.constant 0 : i32
      %dma_start3A_955 = tpu.memref_slice %arg8[%squeeze3A_952, %dma_start3A_954] : memref<256x256xf32, #tpu.memory_space<vmem>> -> memref<1x256xf32, #tpu.memory_space<vmem>>
      %dma_start3A_956 = tpu.memref_squeeze %dma_start3A_955 : memref<1x256xf32, #tpu.memory_space<vmem>> -> memref<256xf32, #tpu.memory_space<vmem>>
      %dma_start3A_957 = arith.constant 0 : i32
      %dma_start3A_958 = tpu.memref_slice %arg7[%add3A_953, %select_n3A_9, %dma_start3A_957] : memref<16384x8x256xf32, #tpu.memory_space<hbm>> -> memref<1x1x256xf32, #tpu.memory_space<hbm>>
      %dma_start3A_959 = tpu.memref_squeeze %dma_start3A_958 : memref<1x1x256xf32, #tpu.memory_space<hbm>> -> memref<256xf32, #tpu.memory_space<hbm>>
      %dma_start3A_960 = arith.constant 0 : i32
      %dma_start3A_961 = tpu.memref_slice %arg7[%add3A_953, %select_n3A_9, %dma_start3A_960] : memref<16384x8x256xf32, #tpu.memory_space<hbm>> -> memref<1x1x256xf32, #tpu.memory_space<hbm>>
      %dma_start3A_962 = tpu.memref_squeeze %dma_start3A_961 : memref<1x1x256xf32, #tpu.memory_space<hbm>> -> memref<256xf32, #tpu.memory_space<hbm>>
      %dma_start3A_963 = arith.constant 0 : i32
      %dma_start3A_964 = tpu.memref_slice %arg8[%squeeze3A_952, %dma_start3A_963] : memref<256x256xf32, #tpu.memory_space<vmem>> -> memref<1x256xf32, #tpu.memory_space<vmem>>
      %dma_start3A_965 = tpu.memref_squeeze %dma_start3A_964 : memref<1x256xf32, #tpu.memory_space<vmem>> -> memref<256xf32, #tpu.memory_space<vmem>>
      tpu.enqueue_dma source(%dma_start3A_965 : memref<256xf32, #tpu.memory_space<vmem>>) target(%dma_start3A_962 : memref<256xf32, #tpu.memory_space<hbm>>) target_semaphore(%arg10 : memref<!tpu.dma_semaphore, #tpu.memory_space<semaphore_mem>>)
      %mul3A_966 = arith.constant 64 : i32
      %mul3A_967 = arith.muli %mul3A_117, %mul3A_966 : i32
      %add3A_968 = arith.constant 32 : i32
      %add3A_969 = arith.addi %mul3A_967, %add3A_968 : i32
      %add3A_970 = arith.constant 7 : i32
      %add3A_971 = arith.addi %add3A_969, %add3A_970 : i32
      %slice3A_972 = vector.extract_strided_slice %and3A_818 {offsets = [7], sizes = [1], strides = [1]} : vector<16xi32> to vector<1xi32>
      %squeeze3A_973 = vector.extract %slice3A_972[0] : i32 from vector<1xi32>
      %add3A_974 = arith.addi %mul3A_32, %add3A_971 : i32
      %dma_start3A_975 = arith.constant 0 : i32
      %dma_start3A_976 = tpu.memref_slice %arg8[%squeeze3A_973, %dma_start3A_975] : memref<256x256xf32, #tpu.memory_space<vmem>> -> memref<1x256xf32, #tpu.memory_space<vmem>>
      %dma_start3A_977 = tpu.memref_squeeze %dma_start3A_976 : memref<1x256xf32, #tpu.memory_space<vmem>> -> memref<256xf32, #tpu.memory_space<vmem>>
      %dma_start3A_978 = arith.constant 0 : i32
      %dma_start3A_979 = tpu.memref_slice %arg7[%add3A_974, %select_n3A_9, %dma_start3A_978] : memref<16384x8x256xf32, #tpu.memory_space<hbm>> -> memref<1x1x256xf32, #tpu.memory_space<hbm>>
      %dma_start3A_980 = tpu.memref_squeeze %dma_start3A_979 : memref<1x1x256xf32, #tpu.memory_space<hbm>> -> memref<256xf32, #tpu.memory_space<hbm>>
      %dma_start3A_981 = arith.constant 0 : i32
      %dma_start3A_982 = tpu.memref_slice %arg7[%add3A_974, %select_n3A_9, %dma_start3A_981] : memref<16384x8x256xf32, #tpu.memory_space<hbm>> -> memref<1x1x256xf32, #tpu.memory_space<hbm>>
      %dma_start3A_983 = tpu.memref_squeeze %dma_start3A_982 : memref<1x1x256xf32, #tpu.memory_space<hbm>> -> memref<256xf32, #tpu.memory_space<hbm>>
      %dma_start3A_984 = arith.constant 0 : i32
      %dma_start3A_985 = tpu.memref_slice %arg8[%squeeze3A_973, %dma_start3A_984] : memref<256x256xf32, #tpu.memory_space<vmem>> -> memref<1x256xf32, #tpu.memory_space<vmem>>
      %dma_start3A_986 = tpu.memref_squeeze %dma_start3A_985 : memref<1x256xf32, #tpu.memory_space<vmem>> -> memref<256xf32, #tpu.memory_space<vmem>>
      tpu.enqueue_dma source(%dma_start3A_986 : memref<256xf32, #tpu.memory_space<vmem>>) target(%dma_start3A_983 : memref<256xf32, #tpu.memory_space<hbm>>) target_semaphore(%arg10 : memref<!tpu.dma_semaphore, #tpu.memory_space<semaphore_mem>>)
      %mul3A_987 = arith.constant 64 : i32
      %mul3A_988 = arith.muli %mul3A_117, %mul3A_987 : i32
      %add3A_989 = arith.constant 32 : i32
      %add3A_990 = arith.addi %mul3A_988, %add3A_989 : i32
      %add3A_991 = arith.constant 8 : i32
      %add3A_992 = arith.addi %add3A_990, %add3A_991 : i32
      %slice3A_993 = vector.extract_strided_slice %and3A_818 {offsets = [8], sizes = [1], strides = [1]} : vector<16xi32> to vector<1xi32>
      %squeeze3A_994 = vector.extract %slice3A_993[0] : i32 from vector<1xi32>
      %add3A_995 = arith.addi %mul3A_32, %add3A_992 : i32
      %dma_start3A_996 = arith.constant 0 : i32
      %dma_start3A_997 = tpu.memref_slice %arg8[%squeeze3A_994, %dma_start3A_996] : memref<256x256xf32, #tpu.memory_space<vmem>> -> memref<1x256xf32, #tpu.memory_space<vmem>>
      %dma_start3A_998 = tpu.memref_squeeze %dma_start3A_997 : memref<1x256xf32, #tpu.memory_space<vmem>> -> memref<256xf32, #tpu.memory_space<vmem>>
      %dma_start3A_999 = arith.constant 0 : i32
      %dma_start3A_1000 = tpu.memref_slice %arg7[%add3A_995, %select_n3A_9, %dma_start3A_999] : memref<16384x8x256xf32, #tpu.memory_space<hbm>> -> memref<1x1x256xf32, #tpu.memory_space<hbm>>
      %dma_start3A_1001 = tpu.memref_squeeze %dma_start3A_1000 : memref<1x1x256xf32, #tpu.memory_space<hbm>> -> memref<256xf32, #tpu.memory_space<hbm>>
      %dma_start3A_1002 = arith.constant 0 : i32
      %dma_start3A_1003 = tpu.memref_slice %arg7[%add3A_995, %select_n3A_9, %dma_start3A_1002] : memref<16384x8x256xf32, #tpu.memory_space<hbm>> -> memref<1x1x256xf32, #tpu.memory_space<hbm>>
      %dma_start3A_1004 = tpu.memref_squeeze %dma_start3A_1003 : memref<1x1x256xf32, #tpu.memory_space<hbm>> -> memref<256xf32, #tpu.memory_space<hbm>>
      %dma_start3A_1005 = arith.constant 0 : i32
      %dma_start3A_1006 = tpu.memref_slice %arg8[%squeeze3A_994, %dma_start3A_1005] : memref<256x256xf32, #tpu.memory_space<vmem>> -> memref<1x256xf32, #tpu.memory_space<vmem>>
      %dma_start3A_1007 = tpu.memref_squeeze %dma_start3A_1006 : memref<1x256xf32, #tpu.memory_space<vmem>> -> memref<256xf32, #tpu.memory_space<vmem>>
      tpu.enqueue_dma source(%dma_start3A_1007 : memref<256xf32, #tpu.memory_space<vmem>>) target(%dma_start3A_1004 : memref<256xf32, #tpu.memory_space<hbm>>) target_semaphore(%arg10 : memref<!tpu.dma_semaphore, #tpu.memory_space<semaphore_mem>>)
      %mul3A_1008 = arith.constant 64 : i32
      %mul3A_1009 = arith.muli %mul3A_117, %mul3A_1008 : i32
      %add3A_1010 = arith.constant 32 : i32
      %add3A_1011 = arith.addi %mul3A_1009, %add3A_1010 : i32
      %add3A_1012 = arith.constant 9 : i32
      %add3A_1013 = arith.addi %add3A_1011, %add3A_1012 : i32
      %slice3A_1014 = vector.extract_strided_slice %and3A_818 {offsets = [9], sizes = [1], strides = [1]} : vector<16xi32> to vector<1xi32>
      %squeeze3A_1015 = vector.extract %slice3A_1014[0] : i32 from vector<1xi32>
      %add3A_1016 = arith.addi %mul3A_32, %add3A_1013 : i32
      %dma_start3A_1017 = arith.constant 0 : i32
      %dma_start3A_1018 = tpu.memref_slice %arg8[%squeeze3A_1015, %dma_start3A_1017] : memref<256x256xf32, #tpu.memory_space<vmem>> -> memref<1x256xf32, #tpu.memory_space<vmem>>
      %dma_start3A_1019 = tpu.memref_squeeze %dma_start3A_1018 : memref<1x256xf32, #tpu.memory_space<vmem>> -> memref<256xf32, #tpu.memory_space<vmem>>
      %dma_start3A_1020 = arith.constant 0 : i32
      %dma_start3A_1021 = tpu.memref_slice %arg7[%add3A_1016, %select_n3A_9, %dma_start3A_1020] : memref<16384x8x256xf32, #tpu.memory_space<hbm>> -> memref<1x1x256xf32, #tpu.memory_space<hbm>>
      %dma_start3A_1022 = tpu.memref_squeeze %dma_start3A_1021 : memref<1x1x256xf32, #tpu.memory_space<hbm>> -> memref<256xf32, #tpu.memory_space<hbm>>
      %dma_start3A_1023 = arith.constant 0 : i32
      %dma_start3A_1024 = tpu.memref_slice %arg7[%add3A_1016, %select_n3A_9, %dma_start3A_1023] : memref<16384x8x256xf32, #tpu.memory_space<hbm>> -> memref<1x1x256xf32, #tpu.memory_space<hbm>>
      %dma_start3A_1025 = tpu.memref_squeeze %dma_start3A_1024 : memref<1x1x256xf32, #tpu.memory_space<hbm>> -> memref<256xf32, #tpu.memory_space<hbm>>
      %dma_start3A_1026 = arith.constant 0 : i32
      %dma_start3A_1027 = tpu.memref_slice %arg8[%squeeze3A_1015, %dma_start3A_1026] : memref<256x256xf32, #tpu.memory_space<vmem>> -> memref<1x256xf32, #tpu.memory_space<vmem>>
      %dma_start3A_1028 = tpu.memref_squeeze %dma_start3A_1027 : memref<1x256xf32, #tpu.memory_space<vmem>> -> memref<256xf32, #tpu.memory_space<vmem>>
      tpu.enqueue_dma source(%dma_start3A_1028 : memref<256xf32, #tpu.memory_space<vmem>>) target(%dma_start3A_1025 : memref<256xf32, #tpu.memory_space<hbm>>) target_semaphore(%arg10 : memref<!tpu.dma_semaphore, #tpu.memory_space<semaphore_mem>>)
      %mul3A_1029 = arith.constant 64 : i32
      %mul3A_1030 = arith.muli %mul3A_117, %mul3A_1029 : i32
      %add3A_1031 = arith.constant 32 : i32
      %add3A_1032 = arith.addi %mul3A_1030, %add3A_1031 : i32
      %add3A_1033 = arith.constant 10 : i32
      %add3A_1034 = arith.addi %add3A_1032, %add3A_1033 : i32
      %slice3A_1035 = vector.extract_strided_slice %and3A_818 {offsets = [10], sizes = [1], strides = [1]} : vector<16xi32> to vector<1xi32>
      %squeeze3A_1036 = vector.extract %slice3A_1035[0] : i32 from vector<1xi32>
      %add3A_1037 = arith.addi %mul3A_32, %add3A_1034 : i32
      %dma_start3A_1038 = arith.constant 0 : i32
      %dma_start3A_1039 = tpu.memref_slice %arg8[%squeeze3A_1036, %dma_start3A_1038] : memref<256x256xf32, #tpu.memory_space<vmem>> -> memref<1x256xf32, #tpu.memory_space<vmem>>
      %dma_start3A_1040 = tpu.memref_squeeze %dma_start3A_1039 : memref<1x256xf32, #tpu.memory_space<vmem>> -> memref<256xf32, #tpu.memory_space<vmem>>
      %dma_start3A_1041 = arith.constant 0 : i32
      %dma_start3A_1042 = tpu.memref_slice %arg7[%add3A_1037, %select_n3A_9, %dma_start3A_1041] : memref<16384x8x256xf32, #tpu.memory_space<hbm>> -> memref<1x1x256xf32, #tpu.memory_space<hbm>>
      %dma_start3A_1043 = tpu.memref_squeeze %dma_start3A_1042 : memref<1x1x256xf32, #tpu.memory_space<hbm>> -> memref<256xf32, #tpu.memory_space<hbm>>
      %dma_start3A_1044 = arith.constant 0 : i32
      %dma_start3A_1045 = tpu.memref_slice %arg7[%add3A_1037, %select_n3A_9, %dma_start3A_1044] : memref<16384x8x256xf32, #tpu.memory_space<hbm>> -> memref<1x1x256xf32, #tpu.memory_space<hbm>>
      %dma_start3A_1046 = tpu.memref_squeeze %dma_start3A_1045 : memref<1x1x256xf32, #tpu.memory_space<hbm>> -> memref<256xf32, #tpu.memory_space<hbm>>
      %dma_start3A_1047 = arith.constant 0 : i32
      %dma_start3A_1048 = tpu.memref_slice %arg8[%squeeze3A_1036, %dma_start3A_1047] : memref<256x256xf32, #tpu.memory_space<vmem>> -> memref<1x256xf32, #tpu.memory_space<vmem>>
      %dma_start3A_1049 = tpu.memref_squeeze %dma_start3A_1048 : memref<1x256xf32, #tpu.memory_space<vmem>> -> memref<256xf32, #tpu.memory_space<vmem>>
      tpu.enqueue_dma source(%dma_start3A_1049 : memref<256xf32, #tpu.memory_space<vmem>>) target(%dma_start3A_1046 : memref<256xf32, #tpu.memory_space<hbm>>) target_semaphore(%arg10 : memref<!tpu.dma_semaphore, #tpu.memory_space<semaphore_mem>>)
      %mul3A_1050 = arith.constant 64 : i32
      %mul3A_1051 = arith.muli %mul3A_117, %mul3A_1050 : i32
      %add3A_1052 = arith.constant 32 : i32
      %add3A_1053 = arith.addi %mul3A_1051, %add3A_1052 : i32
      %add3A_1054 = arith.constant 11 : i32
      %add3A_1055 = arith.addi %add3A_1053, %add3A_1054 : i32
      %slice3A_1056 = vector.extract_strided_slice %and3A_818 {offsets = [11], sizes = [1], strides = [1]} : vector<16xi32> to vector<1xi32>
      %squeeze3A_1057 = vector.extract %slice3A_1056[0] : i32 from vector<1xi32>
      %add3A_1058 = arith.addi %mul3A_32, %add3A_1055 : i32
      %dma_start3A_1059 = arith.constant 0 : i32
      %dma_start3A_1060 = tpu.memref_slice %arg8[%squeeze3A_1057, %dma_start3A_1059] : memref<256x256xf32, #tpu.memory_space<vmem>> -> memref<1x256xf32, #tpu.memory_space<vmem>>
      %dma_start3A_1061 = tpu.memref_squeeze %dma_start3A_1060 : memref<1x256xf32, #tpu.memory_space<vmem>> -> memref<256xf32, #tpu.memory_space<vmem>>
      %dma_start3A_1062 = arith.constant 0 : i32
      %dma_start3A_1063 = tpu.memref_slice %arg7[%add3A_1058, %select_n3A_9, %dma_start3A_1062] : memref<16384x8x256xf32, #tpu.memory_space<hbm>> -> memref<1x1x256xf32, #tpu.memory_space<hbm>>
      %dma_start3A_1064 = tpu.memref_squeeze %dma_start3A_1063 : memref<1x1x256xf32, #tpu.memory_space<hbm>> -> memref<256xf32, #tpu.memory_space<hbm>>
      %dma_start3A_1065 = arith.constant 0 : i32
      %dma_start3A_1066 = tpu.memref_slice %arg7[%add3A_1058, %select_n3A_9, %dma_start3A_1065] : memref<16384x8x256xf32, #tpu.memory_space<hbm>> -> memref<1x1x256xf32, #tpu.memory_space<hbm>>
      %dma_start3A_1067 = tpu.memref_squeeze %dma_start3A_1066 : memref<1x1x256xf32, #tpu.memory_space<hbm>> -> memref<256xf32, #tpu.memory_space<hbm>>
      %dma_start3A_1068 = arith.constant 0 : i32
      %dma_start3A_1069 = tpu.memref_slice %arg8[%squeeze3A_1057, %dma_start3A_1068] : memref<256x256xf32, #tpu.memory_space<vmem>> -> memref<1x256xf32, #tpu.memory_space<vmem>>
      %dma_start3A_1070 = tpu.memref_squeeze %dma_start3A_1069 : memref<1x256xf32, #tpu.memory_space<vmem>> -> memref<256xf32, #tpu.memory_space<vmem>>
      tpu.enqueue_dma source(%dma_start3A_1070 : memref<256xf32, #tpu.memory_space<vmem>>) target(%dma_start3A_1067 : memref<256xf32, #tpu.memory_space<hbm>>) target_semaphore(%arg10 : memref<!tpu.dma_semaphore, #tpu.memory_space<semaphore_mem>>)
      %mul3A_1071 = arith.constant 64 : i32
      %mul3A_1072 = arith.muli %mul3A_117, %mul3A_1071 : i32
      %add3A_1073 = arith.constant 32 : i32
      %add3A_1074 = arith.addi %mul3A_1072, %add3A_1073 : i32
      %add3A_1075 = arith.constant 12 : i32
      %add3A_1076 = arith.addi %add3A_1074, %add3A_1075 : i32
      %slice3A_1077 = vector.extract_strided_slice %and3A_818 {offsets = [12], sizes = [1], strides = [1]} : vector<16xi32> to vector<1xi32>
      %squeeze3A_1078 = vector.extract %slice3A_1077[0] : i32 from vector<1xi32>
      %add3A_1079 = arith.addi %mul3A_32, %add3A_1076 : i32
      %dma_start3A_1080 = arith.constant 0 : i32
      %dma_start3A_1081 = tpu.memref_slice %arg8[%squeeze3A_1078, %dma_start3A_1080] : memref<256x256xf32, #tpu.memory_space<vmem>> -> memref<1x256xf32, #tpu.memory_space<vmem>>
      %dma_start3A_1082 = tpu.memref_squeeze %dma_start3A_1081 : memref<1x256xf32, #tpu.memory_space<vmem>> -> memref<256xf32, #tpu.memory_space<vmem>>
      %dma_start3A_1083 = arith.constant 0 : i32
      %dma_start3A_1084 = tpu.memref_slice %arg7[%add3A_1079, %select_n3A_9, %dma_start3A_1083] : memref<16384x8x256xf32, #tpu.memory_space<hbm>> -> memref<1x1x256xf32, #tpu.memory_space<hbm>>
      %dma_start3A_1085 = tpu.memref_squeeze %dma_start3A_1084 : memref<1x1x256xf32, #tpu.memory_space<hbm>> -> memref<256xf32, #tpu.memory_space<hbm>>
      %dma_start3A_1086 = arith.constant 0 : i32
      %dma_start3A_1087 = tpu.memref_slice %arg7[%add3A_1079, %select_n3A_9, %dma_start3A_1086] : memref<16384x8x256xf32, #tpu.memory_space<hbm>> -> memref<1x1x256xf32, #tpu.memory_space<hbm>>
      %dma_start3A_1088 = tpu.memref_squeeze %dma_start3A_1087 : memref<1x1x256xf32, #tpu.memory_space<hbm>> -> memref<256xf32, #tpu.memory_space<hbm>>
      %dma_start3A_1089 = arith.constant 0 : i32
      %dma_start3A_1090 = tpu.memref_slice %arg8[%squeeze3A_1078, %dma_start3A_1089] : memref<256x256xf32, #tpu.memory_space<vmem>> -> memref<1x256xf32, #tpu.memory_space<vmem>>
      %dma_start3A_1091 = tpu.memref_squeeze %dma_start3A_1090 : memref<1x256xf32, #tpu.memory_space<vmem>> -> memref<256xf32, #tpu.memory_space<vmem>>
      tpu.enqueue_dma source(%dma_start3A_1091 : memref<256xf32, #tpu.memory_space<vmem>>) target(%dma_start3A_1088 : memref<256xf32, #tpu.memory_space<hbm>>) target_semaphore(%arg10 : memref<!tpu.dma_semaphore, #tpu.memory_space<semaphore_mem>>)
      %mul3A_1092 = arith.constant 64 : i32
      %mul3A_1093 = arith.muli %mul3A_117, %mul3A_1092 : i32
      %add3A_1094 = arith.constant 32 : i32
      %add3A_1095 = arith.addi %mul3A_1093, %add3A_1094 : i32
      %add3A_1096 = arith.constant 13 : i32
      %add3A_1097 = arith.addi %add3A_1095, %add3A_1096 : i32
      %slice3A_1098 = vector.extract_strided_slice %and3A_818 {offsets = [13], sizes = [1], strides = [1]} : vector<16xi32> to vector<1xi32>
      %squeeze3A_1099 = vector.extract %slice3A_1098[0] : i32 from vector<1xi32>
      %add3A_1100 = arith.addi %mul3A_32, %add3A_1097 : i32
      %dma_start3A_1101 = arith.constant 0 : i32
      %dma_start3A_1102 = tpu.memref_slice %arg8[%squeeze3A_1099, %dma_start3A_1101] : memref<256x256xf32, #tpu.memory_space<vmem>> -> memref<1x256xf32, #tpu.memory_space<vmem>>
      %dma_start3A_1103 = tpu.memref_squeeze %dma_start3A_1102 : memref<1x256xf32, #tpu.memory_space<vmem>> -> memref<256xf32, #tpu.memory_space<vmem>>
      %dma_start3A_1104 = arith.constant 0 : i32
      %dma_start3A_1105 = tpu.memref_slice %arg7[%add3A_1100, %select_n3A_9, %dma_start3A_1104] : memref<16384x8x256xf32, #tpu.memory_space<hbm>> -> memref<1x1x256xf32, #tpu.memory_space<hbm>>
      %dma_start3A_1106 = tpu.memref_squeeze %dma_start3A_1105 : memref<1x1x256xf32, #tpu.memory_space<hbm>> -> memref<256xf32, #tpu.memory_space<hbm>>
      %dma_start3A_1107 = arith.constant 0 : i32
      %dma_start3A_1108 = tpu.memref_slice %arg7[%add3A_1100, %select_n3A_9, %dma_start3A_1107] : memref<16384x8x256xf32, #tpu.memory_space<hbm>> -> memref<1x1x256xf32, #tpu.memory_space<hbm>>
      %dma_start3A_1109 = tpu.memref_squeeze %dma_start3A_1108 : memref<1x1x256xf32, #tpu.memory_space<hbm>> -> memref<256xf32, #tpu.memory_space<hbm>>
      %dma_start3A_1110 = arith.constant 0 : i32
      %dma_start3A_1111 = tpu.memref_slice %arg8[%squeeze3A_1099, %dma_start3A_1110] : memref<256x256xf32, #tpu.memory_space<vmem>> -> memref<1x256xf32, #tpu.memory_space<vmem>>
      %dma_start3A_1112 = tpu.memref_squeeze %dma_start3A_1111 : memref<1x256xf32, #tpu.memory_space<vmem>> -> memref<256xf32, #tpu.memory_space<vmem>>
      tpu.enqueue_dma source(%dma_start3A_1112 : memref<256xf32, #tpu.memory_space<vmem>>) target(%dma_start3A_1109 : memref<256xf32, #tpu.memory_space<hbm>>) target_semaphore(%arg10 : memref<!tpu.dma_semaphore, #tpu.memory_space<semaphore_mem>>)
      %mul3A_1113 = arith.constant 64 : i32
      %mul3A_1114 = arith.muli %mul3A_117, %mul3A_1113 : i32
      %add3A_1115 = arith.constant 32 : i32
      %add3A_1116 = arith.addi %mul3A_1114, %add3A_1115 : i32
      %add3A_1117 = arith.constant 14 : i32
      %add3A_1118 = arith.addi %add3A_1116, %add3A_1117 : i32
      %slice3A_1119 = vector.extract_strided_slice %and3A_818 {offsets = [14], sizes = [1], strides = [1]} : vector<16xi32> to vector<1xi32>
      %squeeze3A_1120 = vector.extract %slice3A_1119[0] : i32 from vector<1xi32>
      %add3A_1121 = arith.addi %mul3A_32, %add3A_1118 : i32
      %dma_start3A_1122 = arith.constant 0 : i32
      %dma_start3A_1123 = tpu.memref_slice %arg8[%squeeze3A_1120, %dma_start3A_1122] : memref<256x256xf32, #tpu.memory_space<vmem>> -> memref<1x256xf32, #tpu.memory_space<vmem>>
      %dma_start3A_1124 = tpu.memref_squeeze %dma_start3A_1123 : memref<1x256xf32, #tpu.memory_space<vmem>> -> memref<256xf32, #tpu.memory_space<vmem>>
      %dma_start3A_1125 = arith.constant 0 : i32
      %dma_start3A_1126 = tpu.memref_slice %arg7[%add3A_1121, %select_n3A_9, %dma_start3A_1125] : memref<16384x8x256xf32, #tpu.memory_space<hbm>> -> memref<1x1x256xf32, #tpu.memory_space<hbm>>
      %dma_start3A_1127 = tpu.memref_squeeze %dma_start3A_1126 : memref<1x1x256xf32, #tpu.memory_space<hbm>> -> memref<256xf32, #tpu.memory_space<hbm>>
      %dma_start3A_1128 = arith.constant 0 : i32
      %dma_start3A_1129 = tpu.memref_slice %arg7[%add3A_1121, %select_n3A_9, %dma_start3A_1128] : memref<16384x8x256xf32, #tpu.memory_space<hbm>> -> memref<1x1x256xf32, #tpu.memory_space<hbm>>
      %dma_start3A_1130 = tpu.memref_squeeze %dma_start3A_1129 : memref<1x1x256xf32, #tpu.memory_space<hbm>> -> memref<256xf32, #tpu.memory_space<hbm>>
      %dma_start3A_1131 = arith.constant 0 : i32
      %dma_start3A_1132 = tpu.memref_slice %arg8[%squeeze3A_1120, %dma_start3A_1131] : memref<256x256xf32, #tpu.memory_space<vmem>> -> memref<1x256xf32, #tpu.memory_space<vmem>>
      %dma_start3A_1133 = tpu.memref_squeeze %dma_start3A_1132 : memref<1x256xf32, #tpu.memory_space<vmem>> -> memref<256xf32, #tpu.memory_space<vmem>>
      tpu.enqueue_dma source(%dma_start3A_1133 : memref<256xf32, #tpu.memory_space<vmem>>) target(%dma_start3A_1130 : memref<256xf32, #tpu.memory_space<hbm>>) target_semaphore(%arg10 : memref<!tpu.dma_semaphore, #tpu.memory_space<semaphore_mem>>)
      %mul3A_1134 = arith.constant 64 : i32
      %mul3A_1135 = arith.muli %mul3A_117, %mul3A_1134 : i32
      %add3A_1136 = arith.constant 32 : i32
      %add3A_1137 = arith.addi %mul3A_1135, %add3A_1136 : i32
      %add3A_1138 = arith.constant 15 : i32
      %add3A_1139 = arith.addi %add3A_1137, %add3A_1138 : i32
      %slice3A_1140 = vector.extract_strided_slice %and3A_818 {offsets = [15], sizes = [1], strides = [1]} : vector<16xi32> to vector<1xi32>
      %squeeze3A_1141 = vector.extract %slice3A_1140[0] : i32 from vector<1xi32>
      %add3A_1142 = arith.addi %mul3A_32, %add3A_1139 : i32
      %dma_start3A_1143 = arith.constant 0 : i32
      %dma_start3A_1144 = tpu.memref_slice %arg8[%squeeze3A_1141, %dma_start3A_1143] : memref<256x256xf32, #tpu.memory_space<vmem>> -> memref<1x256xf32, #tpu.memory_space<vmem>>
      %dma_start3A_1145 = tpu.memref_squeeze %dma_start3A_1144 : memref<1x256xf32, #tpu.memory_space<vmem>> -> memref<256xf32, #tpu.memory_space<vmem>>
      %dma_start3A_1146 = arith.constant 0 : i32
      %dma_start3A_1147 = tpu.memref_slice %arg7[%add3A_1142, %select_n3A_9, %dma_start3A_1146] : memref<16384x8x256xf32, #tpu.memory_space<hbm>> -> memref<1x1x256xf32, #tpu.memory_space<hbm>>
      %dma_start3A_1148 = tpu.memref_squeeze %dma_start3A_1147 : memref<1x1x256xf32, #tpu.memory_space<hbm>> -> memref<256xf32, #tpu.memory_space<hbm>>
      %dma_start3A_1149 = arith.constant 0 : i32
      %dma_start3A_1150 = tpu.memref_slice %arg7[%add3A_1142, %select_n3A_9, %dma_start3A_1149] : memref<16384x8x256xf32, #tpu.memory_space<hbm>> -> memref<1x1x256xf32, #tpu.memory_space<hbm>>
      %dma_start3A_1151 = tpu.memref_squeeze %dma_start3A_1150 : memref<1x1x256xf32, #tpu.memory_space<hbm>> -> memref<256xf32, #tpu.memory_space<hbm>>
      %dma_start3A_1152 = arith.constant 0 : i32
      %dma_start3A_1153 = tpu.memref_slice %arg8[%squeeze3A_1141, %dma_start3A_1152] : memref<256x256xf32, #tpu.memory_space<vmem>> -> memref<1x256xf32, #tpu.memory_space<vmem>>
      %dma_start3A_1154 = tpu.memref_squeeze %dma_start3A_1153 : memref<1x256xf32, #tpu.memory_space<vmem>> -> memref<256xf32, #tpu.memory_space<vmem>>
      tpu.enqueue_dma source(%dma_start3A_1154 : memref<256xf32, #tpu.memory_space<vmem>>) target(%dma_start3A_1151 : memref<256xf32, #tpu.memory_space<hbm>>) target_semaphore(%arg10 : memref<!tpu.dma_semaphore, #tpu.memory_space<semaphore_mem>>)
      %mul3A_1155 = arith.constant 64 : i32
      %mul3A_1156 = arith.muli %mul3A_117, %mul3A_1155 : i32
      %add3A_1157 = arith.constant 48 : i32
      %add3A_1158 = arith.addi %mul3A_1156, %add3A_1157 : i32
      %get3A_1159 = arith.index_cast %add3A_1158 : i32 to index
      %get3A_1160 = tpu.vector_load %arg9[%get3A_1159] {strides = array<i32>} : memref<4096xi32, #tpu.memory_space<vmem>>, vector<16xi32>,
      %shift_right_logical3A_1161 = arith.shrui %get3A_1160, %broadcast_in_dim3A : vector<16xi32>
      %and3A_1162 = arith.constant 255 : i32
      %and3A_1163 = vector.broadcast %and3A_1162 : i32 to vector<16xi32>
      %and3A_1164 = arith.andi %shift_right_logical3A_1161, %and3A_1163 : vector<16xi32>
      %mul3A_1165 = arith.constant 64 : i32
      %mul3A_1166 = arith.muli %mul3A_117, %mul3A_1165 : i32
      %add3A_1167 = arith.constant 48 : i32
      %add3A_1168 = arith.addi %mul3A_1166, %add3A_1167 : i32
      %add3A_1169 = arith.constant 0 : i32
      %add3A_1170 = arith.addi %add3A_1168, %add3A_1169 : i32
      %slice3A_1171 = vector.extract_strided_slice %and3A_1164 {offsets = [0], sizes = [1], strides = [1]} : vector<16xi32> to vector<1xi32>
      %squeeze3A_1172 = vector.extract %slice3A_1171[0] : i32 from vector<1xi32>
      %add3A_1173 = arith.addi %mul3A_32, %add3A_1170 : i32
      %dma_start3A_1174 = arith.constant 0 : i32
      %dma_start3A_1175 = tpu.memref_slice %arg8[%squeeze3A_1172, %dma_start3A_1174] : memref<256x256xf32, #tpu.memory_space<vmem>> -> memref<1x256xf32, #tpu.memory_space<vmem>>
      %dma_start3A_1176 = tpu.memref_squeeze %dma_start3A_1175 : memref<1x256xf32, #tpu.memory_space<vmem>> -> memref<256xf32, #tpu.memory_space<vmem>>
      %dma_start3A_1177 = arith.constant 0 : i32
      %dma_start3A_1178 = tpu.memref_slice %arg7[%add3A_1173, %select_n3A_9, %dma_start3A_1177] : memref<16384x8x256xf32, #tpu.memory_space<hbm>> -> memref<1x1x256xf32, #tpu.memory_space<hbm>>
      %dma_start3A_1179 = tpu.memref_squeeze %dma_start3A_1178 : memref<1x1x256xf32, #tpu.memory_space<hbm>> -> memref<256xf32, #tpu.memory_space<hbm>>
      %dma_start3A_1180 = arith.constant 0 : i32
      %dma_start3A_1181 = tpu.memref_slice %arg7[%add3A_1173, %select_n3A_9, %dma_start3A_1180] : memref<16384x8x256xf32, #tpu.memory_space<hbm>> -> memref<1x1x256xf32, #tpu.memory_space<hbm>>
      %dma_start3A_1182 = tpu.memref_squeeze %dma_start3A_1181 : memref<1x1x256xf32, #tpu.memory_space<hbm>> -> memref<256xf32, #tpu.memory_space<hbm>>
      %dma_start3A_1183 = arith.constant 0 : i32
      %dma_start3A_1184 = tpu.memref_slice %arg8[%squeeze3A_1172, %dma_start3A_1183] : memref<256x256xf32, #tpu.memory_space<vmem>> -> memref<1x256xf32, #tpu.memory_space<vmem>>
      %dma_start3A_1185 = tpu.memref_squeeze %dma_start3A_1184 : memref<1x256xf32, #tpu.memory_space<vmem>> -> memref<256xf32, #tpu.memory_space<vmem>>
      tpu.enqueue_dma source(%dma_start3A_1185 : memref<256xf32, #tpu.memory_space<vmem>>) target(%dma_start3A_1182 : memref<256xf32, #tpu.memory_space<hbm>>) target_semaphore(%arg10 : memref<!tpu.dma_semaphore, #tpu.memory_space<semaphore_mem>>)
      %mul3A_1186 = arith.constant 64 : i32
      %mul3A_1187 = arith.muli %mul3A_117, %mul3A_1186 : i32
      %add3A_1188 = arith.constant 48 : i32
      %add3A_1189 = arith.addi %mul3A_1187, %add3A_1188 : i32
      %add3A_1190 = arith.constant 1 : i32
      %add3A_1191 = arith.addi %add3A_1189, %add3A_1190 : i32
      %slice3A_1192 = vector.extract_strided_slice %and3A_1164 {offsets = [1], sizes = [1], strides = [1]} : vector<16xi32> to vector<1xi32>
      %squeeze3A_1193 = vector.extract %slice3A_1192[0] : i32 from vector<1xi32>
      %add3A_1194 = arith.addi %mul3A_32, %add3A_1191 : i32
      %dma_start3A_1195 = arith.constant 0 : i32
      %dma_start3A_1196 = tpu.memref_slice %arg8[%squeeze3A_1193, %dma_start3A_1195] : memref<256x256xf32, #tpu.memory_space<vmem>> -> memref<1x256xf32, #tpu.memory_space<vmem>>
      %dma_start3A_1197 = tpu.memref_squeeze %dma_start3A_1196 : memref<1x256xf32, #tpu.memory_space<vmem>> -> memref<256xf32, #tpu.memory_space<vmem>>
      %dma_start3A_1198 = arith.constant 0 : i32
      %dma_start3A_1199 = tpu.memref_slice %arg7[%add3A_1194, %select_n3A_9, %dma_start3A_1198] : memref<16384x8x256xf32, #tpu.memory_space<hbm>> -> memref<1x1x256xf32, #tpu.memory_space<hbm>>
      %dma_start3A_1200 = tpu.memref_squeeze %dma_start3A_1199 : memref<1x1x256xf32, #tpu.memory_space<hbm>> -> memref<256xf32, #tpu.memory_space<hbm>>
      %dma_start3A_1201 = arith.constant 0 : i32
      %dma_start3A_1202 = tpu.memref_slice %arg7[%add3A_1194, %select_n3A_9, %dma_start3A_1201] : memref<16384x8x256xf32, #tpu.memory_space<hbm>> -> memref<1x1x256xf32, #tpu.memory_space<hbm>>
      %dma_start3A_1203 = tpu.memref_squeeze %dma_start3A_1202 : memref<1x1x256xf32, #tpu.memory_space<hbm>> -> memref<256xf32, #tpu.memory_space<hbm>>
      %dma_start3A_1204 = arith.constant 0 : i32
      %dma_start3A_1205 = tpu.memref_slice %arg8[%squeeze3A_1193, %dma_start3A_1204] : memref<256x256xf32, #tpu.memory_space<vmem>> -> memref<1x256xf32, #tpu.memory_space<vmem>>
      %dma_start3A_1206 = tpu.memref_squeeze %dma_start3A_1205 : memref<1x256xf32, #tpu.memory_space<vmem>> -> memref<256xf32, #tpu.memory_space<vmem>>
      tpu.enqueue_dma source(%dma_start3A_1206 : memref<256xf32, #tpu.memory_space<vmem>>) target(%dma_start3A_1203 : memref<256xf32, #tpu.memory_space<hbm>>) target_semaphore(%arg10 : memref<!tpu.dma_semaphore, #tpu.memory_space<semaphore_mem>>)
      %mul3A_1207 = arith.constant 64 : i32
      %mul3A_1208 = arith.muli %mul3A_117, %mul3A_1207 : i32
      %add3A_1209 = arith.constant 48 : i32
      %add3A_1210 = arith.addi %mul3A_1208, %add3A_1209 : i32
      %add3A_1211 = arith.constant 2 : i32
      %add3A_1212 = arith.addi %add3A_1210, %add3A_1211 : i32
      %slice3A_1213 = vector.extract_strided_slice %and3A_1164 {offsets = [2], sizes = [1], strides = [1]} : vector<16xi32> to vector<1xi32>
      %squeeze3A_1214 = vector.extract %slice3A_1213[0] : i32 from vector<1xi32>
      %add3A_1215 = arith.addi %mul3A_32, %add3A_1212 : i32
      %dma_start3A_1216 = arith.constant 0 : i32
      %dma_start3A_1217 = tpu.memref_slice %arg8[%squeeze3A_1214, %dma_start3A_1216] : memref<256x256xf32, #tpu.memory_space<vmem>> -> memref<1x256xf32, #tpu.memory_space<vmem>>
      %dma_start3A_1218 = tpu.memref_squeeze %dma_start3A_1217 : memref<1x256xf32, #tpu.memory_space<vmem>> -> memref<256xf32, #tpu.memory_space<vmem>>
      %dma_start3A_1219 = arith.constant 0 : i32
      %dma_start3A_1220 = tpu.memref_slice %arg7[%add3A_1215, %select_n3A_9, %dma_start3A_1219] : memref<16384x8x256xf32, #tpu.memory_space<hbm>> -> memref<1x1x256xf32, #tpu.memory_space<hbm>>
      %dma_start3A_1221 = tpu.memref_squeeze %dma_start3A_1220 : memref<1x1x256xf32, #tpu.memory_space<hbm>> -> memref<256xf32, #tpu.memory_space<hbm>>
      %dma_start3A_1222 = arith.constant 0 : i32
      %dma_start3A_1223 = tpu.memref_slice %arg7[%add3A_1215, %select_n3A_9, %dma_start3A_1222] : memref<16384x8x256xf32, #tpu.memory_space<hbm>> -> memref<1x1x256xf32, #tpu.memory_space<hbm>>
      %dma_start3A_1224 = tpu.memref_squeeze %dma_start3A_1223 : memref<1x1x256xf32, #tpu.memory_space<hbm>> -> memref<256xf32, #tpu.memory_space<hbm>>
      %dma_start3A_1225 = arith.constant 0 : i32
      %dma_start3A_1226 = tpu.memref_slice %arg8[%squeeze3A_1214, %dma_start3A_1225] : memref<256x256xf32, #tpu.memory_space<vmem>> -> memref<1x256xf32, #tpu.memory_space<vmem>>
      %dma_start3A_1227 = tpu.memref_squeeze %dma_start3A_1226 : memref<1x256xf32, #tpu.memory_space<vmem>> -> memref<256xf32, #tpu.memory_space<vmem>>
      tpu.enqueue_dma source(%dma_start3A_1227 : memref<256xf32, #tpu.memory_space<vmem>>) target(%dma_start3A_1224 : memref<256xf32, #tpu.memory_space<hbm>>) target_semaphore(%arg10 : memref<!tpu.dma_semaphore, #tpu.memory_space<semaphore_mem>>)
      %mul3A_1228 = arith.constant 64 : i32
      %mul3A_1229 = arith.muli %mul3A_117, %mul3A_1228 : i32
      %add3A_1230 = arith.constant 48 : i32
      %add3A_1231 = arith.addi %mul3A_1229, %add3A_1230 : i32
      %add3A_1232 = arith.constant 3 : i32
      %add3A_1233 = arith.addi %add3A_1231, %add3A_1232 : i32
      %slice3A_1234 = vector.extract_strided_slice %and3A_1164 {offsets = [3], sizes = [1], strides = [1]} : vector<16xi32> to vector<1xi32>
      %squeeze3A_1235 = vector.extract %slice3A_1234[0] : i32 from vector<1xi32>
      %add3A_1236 = arith.addi %mul3A_32, %add3A_1233 : i32
      %dma_start3A_1237 = arith.constant 0 : i32
      %dma_start3A_1238 = tpu.memref_slice %arg8[%squeeze3A_1235, %dma_start3A_1237] : memref<256x256xf32, #tpu.memory_space<vmem>> -> memref<1x256xf32, #tpu.memory_space<vmem>>
      %dma_start3A_1239 = tpu.memref_squeeze %dma_start3A_1238 : memref<1x256xf32, #tpu.memory_space<vmem>> -> memref<256xf32, #tpu.memory_space<vmem>>
      %dma_start3A_1240 = arith.constant 0 : i32
      %dma_start3A_1241 = tpu.memref_slice %arg7[%add3A_1236, %select_n3A_9, %dma_start3A_1240] : memref<16384x8x256xf32, #tpu.memory_space<hbm>> -> memref<1x1x256xf32, #tpu.memory_space<hbm>>
      %dma_start3A_1242 = tpu.memref_squeeze %dma_start3A_1241 : memref<1x1x256xf32, #tpu.memory_space<hbm>> -> memref<256xf32, #tpu.memory_space<hbm>>
      %dma_start3A_1243 = arith.constant 0 : i32
      %dma_start3A_1244 = tpu.memref_slice %arg7[%add3A_1236, %select_n3A_9, %dma_start3A_1243] : memref<16384x8x256xf32, #tpu.memory_space<hbm>> -> memref<1x1x256xf32, #tpu.memory_space<hbm>>
      %dma_start3A_1245 = tpu.memref_squeeze %dma_start3A_1244 : memref<1x1x256xf32, #tpu.memory_space<hbm>> -> memref<256xf32, #tpu.memory_space<hbm>>
      %dma_start3A_1246 = arith.constant 0 : i32
      %dma_start3A_1247 = tpu.memref_slice %arg8[%squeeze3A_1235, %dma_start3A_1246] : memref<256x256xf32, #tpu.memory_space<vmem>> -> memref<1x256xf32, #tpu.memory_space<vmem>>
      %dma_start3A_1248 = tpu.memref_squeeze %dma_start3A_1247 : memref<1x256xf32, #tpu.memory_space<vmem>> -> memref<256xf32, #tpu.memory_space<vmem>>
      tpu.enqueue_dma source(%dma_start3A_1248 : memref<256xf32, #tpu.memory_space<vmem>>) target(%dma_start3A_1245 : memref<256xf32, #tpu.memory_space<hbm>>) target_semaphore(%arg10 : memref<!tpu.dma_semaphore, #tpu.memory_space<semaphore_mem>>)
      %mul3A_1249 = arith.constant 64 : i32
      %mul3A_1250 = arith.muli %mul3A_117, %mul3A_1249 : i32
      %add3A_1251 = arith.constant 48 : i32
      %add3A_1252 = arith.addi %mul3A_1250, %add3A_1251 : i32
      %add3A_1253 = arith.constant 4 : i32
      %add3A_1254 = arith.addi %add3A_1252, %add3A_1253 : i32
      %slice3A_1255 = vector.extract_strided_slice %and3A_1164 {offsets = [4], sizes = [1], strides = [1]} : vector<16xi32> to vector<1xi32>
      %squeeze3A_1256 = vector.extract %slice3A_1255[0] : i32 from vector<1xi32>
      %add3A_1257 = arith.addi %mul3A_32, %add3A_1254 : i32
      %dma_start3A_1258 = arith.constant 0 : i32
      %dma_start3A_1259 = tpu.memref_slice %arg8[%squeeze3A_1256, %dma_start3A_1258] : memref<256x256xf32, #tpu.memory_space<vmem>> -> memref<1x256xf32, #tpu.memory_space<vmem>>
      %dma_start3A_1260 = tpu.memref_squeeze %dma_start3A_1259 : memref<1x256xf32, #tpu.memory_space<vmem>> -> memref<256xf32, #tpu.memory_space<vmem>>
      %dma_start3A_1261 = arith.constant 0 : i32
      %dma_start3A_1262 = tpu.memref_slice %arg7[%add3A_1257, %select_n3A_9, %dma_start3A_1261] : memref<16384x8x256xf32, #tpu.memory_space<hbm>> -> memref<1x1x256xf32, #tpu.memory_space<hbm>>
      %dma_start3A_1263 = tpu.memref_squeeze %dma_start3A_1262 : memref<1x1x256xf32, #tpu.memory_space<hbm>> -> memref<256xf32, #tpu.memory_space<hbm>>
      %dma_start3A_1264 = arith.constant 0 : i32
      %dma_start3A_1265 = tpu.memref_slice %arg7[%add3A_1257, %select_n3A_9, %dma_start3A_1264] : memref<16384x8x256xf32, #tpu.memory_space<hbm>> -> memref<1x1x256xf32, #tpu.memory_space<hbm>>
      %dma_start3A_1266 = tpu.memref_squeeze %dma_start3A_1265 : memref<1x1x256xf32, #tpu.memory_space<hbm>> -> memref<256xf32, #tpu.memory_space<hbm>>
      %dma_start3A_1267 = arith.constant 0 : i32
      %dma_start3A_1268 = tpu.memref_slice %arg8[%squeeze3A_1256, %dma_start3A_1267] : memref<256x256xf32, #tpu.memory_space<vmem>> -> memref<1x256xf32, #tpu.memory_space<vmem>>
      %dma_start3A_1269 = tpu.memref_squeeze %dma_start3A_1268 : memref<1x256xf32, #tpu.memory_space<vmem>> -> memref<256xf32, #tpu.memory_space<vmem>>
      tpu.enqueue_dma source(%dma_start3A_1269 : memref<256xf32, #tpu.memory_space<vmem>>) target(%dma_start3A_1266 : memref<256xf32, #tpu.memory_space<hbm>>) target_semaphore(%arg10 : memref<!tpu.dma_semaphore, #tpu.memory_space<semaphore_mem>>)
      %mul3A_1270 = arith.constant 64 : i32
      %mul3A_1271 = arith.muli %mul3A_117, %mul3A_1270 : i32
      %add3A_1272 = arith.constant 48 : i32
      %add3A_1273 = arith.addi %mul3A_1271, %add3A_1272 : i32
      %add3A_1274 = arith.constant 5 : i32
      %add3A_1275 = arith.addi %add3A_1273, %add3A_1274 : i32
      %slice3A_1276 = vector.extract_strided_slice %and3A_1164 {offsets = [5], sizes = [1], strides = [1]} : vector<16xi32> to vector<1xi32>
      %squeeze3A_1277 = vector.extract %slice3A_1276[0] : i32 from vector<1xi32>
      %add3A_1278 = arith.addi %mul3A_32, %add3A_1275 : i32
      %dma_start3A_1279 = arith.constant 0 : i32
      %dma_start3A_1280 = tpu.memref_slice %arg8[%squeeze3A_1277, %dma_start3A_1279] : memref<256x256xf32, #tpu.memory_space<vmem>> -> memref<1x256xf32, #tpu.memory_space<vmem>>
      %dma_start3A_1281 = tpu.memref_squeeze %dma_start3A_1280 : memref<1x256xf32, #tpu.memory_space<vmem>> -> memref<256xf32, #tpu.memory_space<vmem>>
      %dma_start3A_1282 = arith.constant 0 : i32
      %dma_start3A_1283 = tpu.memref_slice %arg7[%add3A_1278, %select_n3A_9, %dma_start3A_1282] : memref<16384x8x256xf32, #tpu.memory_space<hbm>> -> memref<1x1x256xf32, #tpu.memory_space<hbm>>
      %dma_start3A_1284 = tpu.memref_squeeze %dma_start3A_1283 : memref<1x1x256xf32, #tpu.memory_space<hbm>> -> memref<256xf32, #tpu.memory_space<hbm>>
      %dma_start3A_1285 = arith.constant 0 : i32
      %dma_start3A_1286 = tpu.memref_slice %arg7[%add3A_1278, %select_n3A_9, %dma_start3A_1285] : memref<16384x8x256xf32, #tpu.memory_space<hbm>> -> memref<1x1x256xf32, #tpu.memory_space<hbm>>
      %dma_start3A_1287 = tpu.memref_squeeze %dma_start3A_1286 : memref<1x1x256xf32, #tpu.memory_space<hbm>> -> memref<256xf32, #tpu.memory_space<hbm>>
      %dma_start3A_1288 = arith.constant 0 : i32
      %dma_start3A_1289 = tpu.memref_slice %arg8[%squeeze3A_1277, %dma_start3A_1288] : memref<256x256xf32, #tpu.memory_space<vmem>> -> memref<1x256xf32, #tpu.memory_space<vmem>>
      %dma_start3A_1290 = tpu.memref_squeeze %dma_start3A_1289 : memref<1x256xf32, #tpu.memory_space<vmem>> -> memref<256xf32, #tpu.memory_space<vmem>>
      tpu.enqueue_dma source(%dma_start3A_1290 : memref<256xf32, #tpu.memory_space<vmem>>) target(%dma_start3A_1287 : memref<256xf32, #tpu.memory_space<hbm>>) target_semaphore(%arg10 : memref<!tpu.dma_semaphore, #tpu.memory_space<semaphore_mem>>)
      %mul3A_1291 = arith.constant 64 : i32
      %mul3A_1292 = arith.muli %mul3A_117, %mul3A_1291 : i32
      %add3A_1293 = arith.constant 48 : i32
      %add3A_1294 = arith.addi %mul3A_1292, %add3A_1293 : i32
      %add3A_1295 = arith.constant 6 : i32
      %add3A_1296 = arith.addi %add3A_1294, %add3A_1295 : i32
      %slice3A_1297 = vector.extract_strided_slice %and3A_1164 {offsets = [6], sizes = [1], strides = [1]} : vector<16xi32> to vector<1xi32>
      %squeeze3A_1298 = vector.extract %slice3A_1297[0] : i32 from vector<1xi32>
      %add3A_1299 = arith.addi %mul3A_32, %add3A_1296 : i32
      %dma_start3A_1300 = arith.constant 0 : i32
      %dma_start3A_1301 = tpu.memref_slice %arg8[%squeeze3A_1298, %dma_start3A_1300] : memref<256x256xf32, #tpu.memory_space<vmem>> -> memref<1x256xf32, #tpu.memory_space<vmem>>
      %dma_start3A_1302 = tpu.memref_squeeze %dma_start3A_1301 : memref<1x256xf32, #tpu.memory_space<vmem>> -> memref<256xf32, #tpu.memory_space<vmem>>
      %dma_start3A_1303 = arith.constant 0 : i32
      %dma_start3A_1304 = tpu.memref_slice %arg7[%add3A_1299, %select_n3A_9, %dma_start3A_1303] : memref<16384x8x256xf32, #tpu.memory_space<hbm>> -> memref<1x1x256xf32, #tpu.memory_space<hbm>>
      %dma_start3A_1305 = tpu.memref_squeeze %dma_start3A_1304 : memref<1x1x256xf32, #tpu.memory_space<hbm>> -> memref<256xf32, #tpu.memory_space<hbm>>
      %dma_start3A_1306 = arith.constant 0 : i32
      %dma_start3A_1307 = tpu.memref_slice %arg7[%add3A_1299, %select_n3A_9, %dma_start3A_1306] : memref<16384x8x256xf32, #tpu.memory_space<hbm>> -> memref<1x1x256xf32, #tpu.memory_space<hbm>>
      %dma_start3A_1308 = tpu.memref_squeeze %dma_start3A_1307 : memref<1x1x256xf32, #tpu.memory_space<hbm>> -> memref<256xf32, #tpu.memory_space<hbm>>
      %dma_start3A_1309 = arith.constant 0 : i32
      %dma_start3A_1310 = tpu.memref_slice %arg8[%squeeze3A_1298, %dma_start3A_1309] : memref<256x256xf32, #tpu.memory_space<vmem>> -> memref<1x256xf32, #tpu.memory_space<vmem>>
      %dma_start3A_1311 = tpu.memref_squeeze %dma_start3A_1310 : memref<1x256xf32, #tpu.memory_space<vmem>> -> memref<256xf32, #tpu.memory_space<vmem>>
      tpu.enqueue_dma source(%dma_start3A_1311 : memref<256xf32, #tpu.memory_space<vmem>>) target(%dma_start3A_1308 : memref<256xf32, #tpu.memory_space<hbm>>) target_semaphore(%arg10 : memref<!tpu.dma_semaphore, #tpu.memory_space<semaphore_mem>>)
      %mul3A_1312 = arith.constant 64 : i32
      %mul3A_1313 = arith.muli %mul3A_117, %mul3A_1312 : i32
      %add3A_1314 = arith.constant 48 : i32
      %add3A_1315 = arith.addi %mul3A_1313, %add3A_1314 : i32
      %add3A_1316 = arith.constant 7 : i32
      %add3A_1317 = arith.addi %add3A_1315, %add3A_1316 : i32
      %slice3A_1318 = vector.extract_strided_slice %and3A_1164 {offsets = [7], sizes = [1], strides = [1]} : vector<16xi32> to vector<1xi32>
      %squeeze3A_1319 = vector.extract %slice3A_1318[0] : i32 from vector<1xi32>
      %add3A_1320 = arith.addi %mul3A_32, %add3A_1317 : i32
      %dma_start3A_1321 = arith.constant 0 : i32
      %dma_start3A_1322 = tpu.memref_slice %arg8[%squeeze3A_1319, %dma_start3A_1321] : memref<256x256xf32, #tpu.memory_space<vmem>> -> memref<1x256xf32, #tpu.memory_space<vmem>>
      %dma_start3A_1323 = tpu.memref_squeeze %dma_start3A_1322 : memref<1x256xf32, #tpu.memory_space<vmem>> -> memref<256xf32, #tpu.memory_space<vmem>>
      %dma_start3A_1324 = arith.constant 0 : i32
      %dma_start3A_1325 = tpu.memref_slice %arg7[%add3A_1320, %select_n3A_9, %dma_start3A_1324] : memref<16384x8x256xf32, #tpu.memory_space<hbm>> -> memref<1x1x256xf32, #tpu.memory_space<hbm>>
      %dma_start3A_1326 = tpu.memref_squeeze %dma_start3A_1325 : memref<1x1x256xf32, #tpu.memory_space<hbm>> -> memref<256xf32, #tpu.memory_space<hbm>>
      %dma_start3A_1327 = arith.constant 0 : i32
      %dma_start3A_1328 = tpu.memref_slice %arg7[%add3A_1320, %select_n3A_9, %dma_start3A_1327] : memref<16384x8x256xf32, #tpu.memory_space<hbm>> -> memref<1x1x256xf32, #tpu.memory_space<hbm>>
      %dma_start3A_1329 = tpu.memref_squeeze %dma_start3A_1328 : memref<1x1x256xf32, #tpu.memory_space<hbm>> -> memref<256xf32, #tpu.memory_space<hbm>>
      %dma_start3A_1330 = arith.constant 0 : i32
      %dma_start3A_1331 = tpu.memref_slice %arg8[%squeeze3A_1319, %dma_start3A_1330] : memref<256x256xf32, #tpu.memory_space<vmem>> -> memref<1x256xf32, #tpu.memory_space<vmem>>
      %dma_start3A_1332 = tpu.memref_squeeze %dma_start3A_1331 : memref<1x256xf32, #tpu.memory_space<vmem>> -> memref<256xf32, #tpu.memory_space<vmem>>
      tpu.enqueue_dma source(%dma_start3A_1332 : memref<256xf32, #tpu.memory_space<vmem>>) target(%dma_start3A_1329 : memref<256xf32, #tpu.memory_space<hbm>>) target_semaphore(%arg10 : memref<!tpu.dma_semaphore, #tpu.memory_space<semaphore_mem>>)
      %mul3A_1333 = arith.constant 64 : i32
      %mul3A_1334 = arith.muli %mul3A_117, %mul3A_1333 : i32
      %add3A_1335 = arith.constant 48 : i32
      %add3A_1336 = arith.addi %mul3A_1334, %add3A_1335 : i32
      %add3A_1337 = arith.constant 8 : i32
      %add3A_1338 = arith.addi %add3A_1336, %add3A_1337 : i32
      %slice3A_1339 = vector.extract_strided_slice %and3A_1164 {offsets = [8], sizes = [1], strides = [1]} : vector<16xi32> to vector<1xi32>
      %squeeze3A_1340 = vector.extract %slice3A_1339[0] : i32 from vector<1xi32>
      %add3A_1341 = arith.addi %mul3A_32, %add3A_1338 : i32
      %dma_start3A_1342 = arith.constant 0 : i32
      %dma_start3A_1343 = tpu.memref_slice %arg8[%squeeze3A_1340, %dma_start3A_1342] : memref<256x256xf32, #tpu.memory_space<vmem>> -> memref<1x256xf32, #tpu.memory_space<vmem>>
      %dma_start3A_1344 = tpu.memref_squeeze %dma_start3A_1343 : memref<1x256xf32, #tpu.memory_space<vmem>> -> memref<256xf32, #tpu.memory_space<vmem>>
      %dma_start3A_1345 = arith.constant 0 : i32
      %dma_start3A_1346 = tpu.memref_slice %arg7[%add3A_1341, %select_n3A_9, %dma_start3A_1345] : memref<16384x8x256xf32, #tpu.memory_space<hbm>> -> memref<1x1x256xf32, #tpu.memory_space<hbm>>
      %dma_start3A_1347 = tpu.memref_squeeze %dma_start3A_1346 : memref<1x1x256xf32, #tpu.memory_space<hbm>> -> memref<256xf32, #tpu.memory_space<hbm>>
      %dma_start3A_1348 = arith.constant 0 : i32
      %dma_start3A_1349 = tpu.memref_slice %arg7[%add3A_1341, %select_n3A_9, %dma_start3A_1348] : memref<16384x8x256xf32, #tpu.memory_space<hbm>> -> memref<1x1x256xf32, #tpu.memory_space<hbm>>
      %dma_start3A_1350 = tpu.memref_squeeze %dma_start3A_1349 : memref<1x1x256xf32, #tpu.memory_space<hbm>> -> memref<256xf32, #tpu.memory_space<hbm>>
      %dma_start3A_1351 = arith.constant 0 : i32
      %dma_start3A_1352 = tpu.memref_slice %arg8[%squeeze3A_1340, %dma_start3A_1351] : memref<256x256xf32, #tpu.memory_space<vmem>> -> memref<1x256xf32, #tpu.memory_space<vmem>>
      %dma_start3A_1353 = tpu.memref_squeeze %dma_start3A_1352 : memref<1x256xf32, #tpu.memory_space<vmem>> -> memref<256xf32, #tpu.memory_space<vmem>>
      tpu.enqueue_dma source(%dma_start3A_1353 : memref<256xf32, #tpu.memory_space<vmem>>) target(%dma_start3A_1350 : memref<256xf32, #tpu.memory_space<hbm>>) target_semaphore(%arg10 : memref<!tpu.dma_semaphore, #tpu.memory_space<semaphore_mem>>)
      %mul3A_1354 = arith.constant 64 : i32
      %mul3A_1355 = arith.muli %mul3A_117, %mul3A_1354 : i32
      %add3A_1356 = arith.constant 48 : i32
      %add3A_1357 = arith.addi %mul3A_1355, %add3A_1356 : i32
      %add3A_1358 = arith.constant 9 : i32
      %add3A_1359 = arith.addi %add3A_1357, %add3A_1358 : i32
      %slice3A_1360 = vector.extract_strided_slice %and3A_1164 {offsets = [9], sizes = [1], strides = [1]} : vector<16xi32> to vector<1xi32>
      %squeeze3A_1361 = vector.extract %slice3A_1360[0] : i32 from vector<1xi32>
      %add3A_1362 = arith.addi %mul3A_32, %add3A_1359 : i32
      %dma_start3A_1363 = arith.constant 0 : i32
      %dma_start3A_1364 = tpu.memref_slice %arg8[%squeeze3A_1361, %dma_start3A_1363] : memref<256x256xf32, #tpu.memory_space<vmem>> -> memref<1x256xf32, #tpu.memory_space<vmem>>
      %dma_start3A_1365 = tpu.memref_squeeze %dma_start3A_1364 : memref<1x256xf32, #tpu.memory_space<vmem>> -> memref<256xf32, #tpu.memory_space<vmem>>
      %dma_start3A_1366 = arith.constant 0 : i32
      %dma_start3A_1367 = tpu.memref_slice %arg7[%add3A_1362, %select_n3A_9, %dma_start3A_1366] : memref<16384x8x256xf32, #tpu.memory_space<hbm>> -> memref<1x1x256xf32, #tpu.memory_space<hbm>>
      %dma_start3A_1368 = tpu.memref_squeeze %dma_start3A_1367 : memref<1x1x256xf32, #tpu.memory_space<hbm>> -> memref<256xf32, #tpu.memory_space<hbm>>
      %dma_start3A_1369 = arith.constant 0 : i32
      %dma_start3A_1370 = tpu.memref_slice %arg7[%add3A_1362, %select_n3A_9, %dma_start3A_1369] : memref<16384x8x256xf32, #tpu.memory_space<hbm>> -> memref<1x1x256xf32, #tpu.memory_space<hbm>>
      %dma_start3A_1371 = tpu.memref_squeeze %dma_start3A_1370 : memref<1x1x256xf32, #tpu.memory_space<hbm>> -> memref<256xf32, #tpu.memory_space<hbm>>
      %dma_start3A_1372 = arith.constant 0 : i32
      %dma_start3A_1373 = tpu.memref_slice %arg8[%squeeze3A_1361, %dma_start3A_1372] : memref<256x256xf32, #tpu.memory_space<vmem>> -> memref<1x256xf32, #tpu.memory_space<vmem>>
      %dma_start3A_1374 = tpu.memref_squeeze %dma_start3A_1373 : memref<1x256xf32, #tpu.memory_space<vmem>> -> memref<256xf32, #tpu.memory_space<vmem>>
      tpu.enqueue_dma source(%dma_start3A_1374 : memref<256xf32, #tpu.memory_space<vmem>>) target(%dma_start3A_1371 : memref<256xf32, #tpu.memory_space<hbm>>) target_semaphore(%arg10 : memref<!tpu.dma_semaphore, #tpu.memory_space<semaphore_mem>>)
      %mul3A_1375 = arith.constant 64 : i32
      %mul3A_1376 = arith.muli %mul3A_117, %mul3A_1375 : i32
      %add3A_1377 = arith.constant 48 : i32
      %add3A_1378 = arith.addi %mul3A_1376, %add3A_1377 : i32
      %add3A_1379 = arith.constant 10 : i32
      %add3A_1380 = arith.addi %add3A_1378, %add3A_1379 : i32
      %slice3A_1381 = vector.extract_strided_slice %and3A_1164 {offsets = [10], sizes = [1], strides = [1]} : vector<16xi32> to vector<1xi32>
      %squeeze3A_1382 = vector.extract %slice3A_1381[0] : i32 from vector<1xi32>
      %add3A_1383 = arith.addi %mul3A_32, %add3A_1380 : i32
      %dma_start3A_1384 = arith.constant 0 : i32
      %dma_start3A_1385 = tpu.memref_slice %arg8[%squeeze3A_1382, %dma_start3A_1384] : memref<256x256xf32, #tpu.memory_space<vmem>> -> memref<1x256xf32, #tpu.memory_space<vmem>>
      %dma_start3A_1386 = tpu.memref_squeeze %dma_start3A_1385 : memref<1x256xf32, #tpu.memory_space<vmem>> -> memref<256xf32, #tpu.memory_space<vmem>>
      %dma_start3A_1387 = arith.constant 0 : i32
      %dma_start3A_1388 = tpu.memref_slice %arg7[%add3A_1383, %select_n3A_9, %dma_start3A_1387] : memref<16384x8x256xf32, #tpu.memory_space<hbm>> -> memref<1x1x256xf32, #tpu.memory_space<hbm>>
      %dma_start3A_1389 = tpu.memref_squeeze %dma_start3A_1388 : memref<1x1x256xf32, #tpu.memory_space<hbm>> -> memref<256xf32, #tpu.memory_space<hbm>>
      %dma_start3A_1390 = arith.constant 0 : i32
      %dma_start3A_1391 = tpu.memref_slice %arg7[%add3A_1383, %select_n3A_9, %dma_start3A_1390] : memref<16384x8x256xf32, #tpu.memory_space<hbm>> -> memref<1x1x256xf32, #tpu.memory_space<hbm>>
      %dma_start3A_1392 = tpu.memref_squeeze %dma_start3A_1391 : memref<1x1x256xf32, #tpu.memory_space<hbm>> -> memref<256xf32, #tpu.memory_space<hbm>>
      %dma_start3A_1393 = arith.constant 0 : i32
      %dma_start3A_1394 = tpu.memref_slice %arg8[%squeeze3A_1382, %dma_start3A_1393] : memref<256x256xf32, #tpu.memory_space<vmem>> -> memref<1x256xf32, #tpu.memory_space<vmem>>
      %dma_start3A_1395 = tpu.memref_squeeze %dma_start3A_1394 : memref<1x256xf32, #tpu.memory_space<vmem>> -> memref<256xf32, #tpu.memory_space<vmem>>
      tpu.enqueue_dma source(%dma_start3A_1395 : memref<256xf32, #tpu.memory_space<vmem>>) target(%dma_start3A_1392 : memref<256xf32, #tpu.memory_space<hbm>>) target_semaphore(%arg10 : memref<!tpu.dma_semaphore, #tpu.memory_space<semaphore_mem>>)
      %mul3A_1396 = arith.constant 64 : i32
      %mul3A_1397 = arith.muli %mul3A_117, %mul3A_1396 : i32
      %add3A_1398 = arith.constant 48 : i32
      %add3A_1399 = arith.addi %mul3A_1397, %add3A_1398 : i32
      %add3A_1400 = arith.constant 11 : i32
      %add3A_1401 = arith.addi %add3A_1399, %add3A_1400 : i32
      %slice3A_1402 = vector.extract_strided_slice %and3A_1164 {offsets = [11], sizes = [1], strides = [1]} : vector<16xi32> to vector<1xi32>
      %squeeze3A_1403 = vector.extract %slice3A_1402[0] : i32 from vector<1xi32>
      %add3A_1404 = arith.addi %mul3A_32, %add3A_1401 : i32
      %dma_start3A_1405 = arith.constant 0 : i32
      %dma_start3A_1406 = tpu.memref_slice %arg8[%squeeze3A_1403, %dma_start3A_1405] : memref<256x256xf32, #tpu.memory_space<vmem>> -> memref<1x256xf32, #tpu.memory_space<vmem>>
      %dma_start3A_1407 = tpu.memref_squeeze %dma_start3A_1406 : memref<1x256xf32, #tpu.memory_space<vmem>> -> memref<256xf32, #tpu.memory_space<vmem>>
      %dma_start3A_1408 = arith.constant 0 : i32
      %dma_start3A_1409 = tpu.memref_slice %arg7[%add3A_1404, %select_n3A_9, %dma_start3A_1408] : memref<16384x8x256xf32, #tpu.memory_space<hbm>> -> memref<1x1x256xf32, #tpu.memory_space<hbm>>
      %dma_start3A_1410 = tpu.memref_squeeze %dma_start3A_1409 : memref<1x1x256xf32, #tpu.memory_space<hbm>> -> memref<256xf32, #tpu.memory_space<hbm>>
      %dma_start3A_1411 = arith.constant 0 : i32
      %dma_start3A_1412 = tpu.memref_slice %arg7[%add3A_1404, %select_n3A_9, %dma_start3A_1411] : memref<16384x8x256xf32, #tpu.memory_space<hbm>> -> memref<1x1x256xf32, #tpu.memory_space<hbm>>
      %dma_start3A_1413 = tpu.memref_squeeze %dma_start3A_1412 : memref<1x1x256xf32, #tpu.memory_space<hbm>> -> memref<256xf32, #tpu.memory_space<hbm>>
      %dma_start3A_1414 = arith.constant 0 : i32
      %dma_start3A_1415 = tpu.memref_slice %arg8[%squeeze3A_1403, %dma_start3A_1414] : memref<256x256xf32, #tpu.memory_space<vmem>> -> memref<1x256xf32, #tpu.memory_space<vmem>>
      %dma_start3A_1416 = tpu.memref_squeeze %dma_start3A_1415 : memref<1x256xf32, #tpu.memory_space<vmem>> -> memref<256xf32, #tpu.memory_space<vmem>>
      tpu.enqueue_dma source(%dma_start3A_1416 : memref<256xf32, #tpu.memory_space<vmem>>) target(%dma_start3A_1413 : memref<256xf32, #tpu.memory_space<hbm>>) target_semaphore(%arg10 : memref<!tpu.dma_semaphore, #tpu.memory_space<semaphore_mem>>)
      %mul3A_1417 = arith.constant 64 : i32
      %mul3A_1418 = arith.muli %mul3A_117, %mul3A_1417 : i32
      %add3A_1419 = arith.constant 48 : i32
      %add3A_1420 = arith.addi %mul3A_1418, %add3A_1419 : i32
      %add3A_1421 = arith.constant 12 : i32
      %add3A_1422 = arith.addi %add3A_1420, %add3A_1421 : i32
      %slice3A_1423 = vector.extract_strided_slice %and3A_1164 {offsets = [12], sizes = [1], strides = [1]} : vector<16xi32> to vector<1xi32>
      %squeeze3A_1424 = vector.extract %slice3A_1423[0] : i32 from vector<1xi32>
      %add3A_1425 = arith.addi %mul3A_32, %add3A_1422 : i32
      %dma_start3A_1426 = arith.constant 0 : i32
      %dma_start3A_1427 = tpu.memref_slice %arg8[%squeeze3A_1424, %dma_start3A_1426] : memref<256x256xf32, #tpu.memory_space<vmem>> -> memref<1x256xf32, #tpu.memory_space<vmem>>
      %dma_start3A_1428 = tpu.memref_squeeze %dma_start3A_1427 : memref<1x256xf32, #tpu.memory_space<vmem>> -> memref<256xf32, #tpu.memory_space<vmem>>
      %dma_start3A_1429 = arith.constant 0 : i32
      %dma_start3A_1430 = tpu.memref_slice %arg7[%add3A_1425, %select_n3A_9, %dma_start3A_1429] : memref<16384x8x256xf32, #tpu.memory_space<hbm>> -> memref<1x1x256xf32, #tpu.memory_space<hbm>>
      %dma_start3A_1431 = tpu.memref_squeeze %dma_start3A_1430 : memref<1x1x256xf32, #tpu.memory_space<hbm>> -> memref<256xf32, #tpu.memory_space<hbm>>
      %dma_start3A_1432 = arith.constant 0 : i32
      %dma_start3A_1433 = tpu.memref_slice %arg7[%add3A_1425, %select_n3A_9, %dma_start3A_1432] : memref<16384x8x256xf32, #tpu.memory_space<hbm>> -> memref<1x1x256xf32, #tpu.memory_space<hbm>>
      %dma_start3A_1434 = tpu.memref_squeeze %dma_start3A_1433 : memref<1x1x256xf32, #tpu.memory_space<hbm>> -> memref<256xf32, #tpu.memory_space<hbm>>
      %dma_start3A_1435 = arith.constant 0 : i32
      %dma_start3A_1436 = tpu.memref_slice %arg8[%squeeze3A_1424, %dma_start3A_1435] : memref<256x256xf32, #tpu.memory_space<vmem>> -> memref<1x256xf32, #tpu.memory_space<vmem>>
      %dma_start3A_1437 = tpu.memref_squeeze %dma_start3A_1436 : memref<1x256xf32, #tpu.memory_space<vmem>> -> memref<256xf32, #tpu.memory_space<vmem>>
      tpu.enqueue_dma source(%dma_start3A_1437 : memref<256xf32, #tpu.memory_space<vmem>>) target(%dma_start3A_1434 : memref<256xf32, #tpu.memory_space<hbm>>) target_semaphore(%arg10 : memref<!tpu.dma_semaphore, #tpu.memory_space<semaphore_mem>>)
      %mul3A_1438 = arith.constant 64 : i32
      %mul3A_1439 = arith.muli %mul3A_117, %mul3A_1438 : i32
      %add3A_1440 = arith.constant 48 : i32
      %add3A_1441 = arith.addi %mul3A_1439, %add3A_1440 : i32
      %add3A_1442 = arith.constant 13 : i32
      %add3A_1443 = arith.addi %add3A_1441, %add3A_1442 : i32
      %slice3A_1444 = vector.extract_strided_slice %and3A_1164 {offsets = [13], sizes = [1], strides = [1]} : vector<16xi32> to vector<1xi32>
      %squeeze3A_1445 = vector.extract %slice3A_1444[0] : i32 from vector<1xi32>
      %add3A_1446 = arith.addi %mul3A_32, %add3A_1443 : i32
      %dma_start3A_1447 = arith.constant 0 : i32
      %dma_start3A_1448 = tpu.memref_slice %arg8[%squeeze3A_1445, %dma_start3A_1447] : memref<256x256xf32, #tpu.memory_space<vmem>> -> memref<1x256xf32, #tpu.memory_space<vmem>>
      %dma_start3A_1449 = tpu.memref_squeeze %dma_start3A_1448 : memref<1x256xf32, #tpu.memory_space<vmem>> -> memref<256xf32, #tpu.memory_space<vmem>>
      %dma_start3A_1450 = arith.constant 0 : i32
      %dma_start3A_1451 = tpu.memref_slice %arg7[%add3A_1446, %select_n3A_9, %dma_start3A_1450] : memref<16384x8x256xf32, #tpu.memory_space<hbm>> -> memref<1x1x256xf32, #tpu.memory_space<hbm>>
      %dma_start3A_1452 = tpu.memref_squeeze %dma_start3A_1451 : memref<1x1x256xf32, #tpu.memory_space<hbm>> -> memref<256xf32, #tpu.memory_space<hbm>>
      %dma_start3A_1453 = arith.constant 0 : i32
      %dma_start3A_1454 = tpu.memref_slice %arg7[%add3A_1446, %select_n3A_9, %dma_start3A_1453] : memref<16384x8x256xf32, #tpu.memory_space<hbm>> -> memref<1x1x256xf32, #tpu.memory_space<hbm>>
      %dma_start3A_1455 = tpu.memref_squeeze %dma_start3A_1454 : memref<1x1x256xf32, #tpu.memory_space<hbm>> -> memref<256xf32, #tpu.memory_space<hbm>>
      %dma_start3A_1456 = arith.constant 0 : i32
      %dma_start3A_1457 = tpu.memref_slice %arg8[%squeeze3A_1445, %dma_start3A_1456] : memref<256x256xf32, #tpu.memory_space<vmem>> -> memref<1x256xf32, #tpu.memory_space<vmem>>
      %dma_start3A_1458 = tpu.memref_squeeze %dma_start3A_1457 : memref<1x256xf32, #tpu.memory_space<vmem>> -> memref<256xf32, #tpu.memory_space<vmem>>
      tpu.enqueue_dma source(%dma_start3A_1458 : memref<256xf32, #tpu.memory_space<vmem>>) target(%dma_start3A_1455 : memref<256xf32, #tpu.memory_space<hbm>>) target_semaphore(%arg10 : memref<!tpu.dma_semaphore, #tpu.memory_space<semaphore_mem>>)
      %mul3A_1459 = arith.constant 64 : i32
      %mul3A_1460 = arith.muli %mul3A_117, %mul3A_1459 : i32
      %add3A_1461 = arith.constant 48 : i32
      %add3A_1462 = arith.addi %mul3A_1460, %add3A_1461 : i32
      %add3A_1463 = arith.constant 14 : i32
      %add3A_1464 = arith.addi %add3A_1462, %add3A_1463 : i32
      %slice3A_1465 = vector.extract_strided_slice %and3A_1164 {offsets = [14], sizes = [1], strides = [1]} : vector<16xi32> to vector<1xi32>
      %squeeze3A_1466 = vector.extract %slice3A_1465[0] : i32 from vector<1xi32>
      %add3A_1467 = arith.addi %mul3A_32, %add3A_1464 : i32
      %dma_start3A_1468 = arith.constant 0 : i32
      %dma_start3A_1469 = tpu.memref_slice %arg8[%squeeze3A_1466, %dma_start3A_1468] : memref<256x256xf32, #tpu.memory_space<vmem>> -> memref<1x256xf32, #tpu.memory_space<vmem>>
      %dma_start3A_1470 = tpu.memref_squeeze %dma_start3A_1469 : memref<1x256xf32, #tpu.memory_space<vmem>> -> memref<256xf32, #tpu.memory_space<vmem>>
      %dma_start3A_1471 = arith.constant 0 : i32
      %dma_start3A_1472 = tpu.memref_slice %arg7[%add3A_1467, %select_n3A_9, %dma_start3A_1471] : memref<16384x8x256xf32, #tpu.memory_space<hbm>> -> memref<1x1x256xf32, #tpu.memory_space<hbm>>
      %dma_start3A_1473 = tpu.memref_squeeze %dma_start3A_1472 : memref<1x1x256xf32, #tpu.memory_space<hbm>> -> memref<256xf32, #tpu.memory_space<hbm>>
      %dma_start3A_1474 = arith.constant 0 : i32
      %dma_start3A_1475 = tpu.memref_slice %arg7[%add3A_1467, %select_n3A_9, %dma_start3A_1474] : memref<16384x8x256xf32, #tpu.memory_space<hbm>> -> memref<1x1x256xf32, #tpu.memory_space<hbm>>
      %dma_start3A_1476 = tpu.memref_squeeze %dma_start3A_1475 : memref<1x1x256xf32, #tpu.memory_space<hbm>> -> memref<256xf32, #tpu.memory_space<hbm>>
      %dma_start3A_1477 = arith.constant 0 : i32
      %dma_start3A_1478 = tpu.memref_slice %arg8[%squeeze3A_1466, %dma_start3A_1477] : memref<256x256xf32, #tpu.memory_space<vmem>> -> memref<1x256xf32, #tpu.memory_space<vmem>>
      %dma_start3A_1479 = tpu.memref_squeeze %dma_start3A_1478 : memref<1x256xf32, #tpu.memory_space<vmem>> -> memref<256xf32, #tpu.memory_space<vmem>>
      tpu.enqueue_dma source(%dma_start3A_1479 : memref<256xf32, #tpu.memory_space<vmem>>) target(%dma_start3A_1476 : memref<256xf32, #tpu.memory_space<hbm>>) target_semaphore(%arg10 : memref<!tpu.dma_semaphore, #tpu.memory_space<semaphore_mem>>)
      %mul3A_1480 = arith.constant 64 : i32
      %mul3A_1481 = arith.muli %mul3A_117, %mul3A_1480 : i32
      %add3A_1482 = arith.constant 48 : i32
      %add3A_1483 = arith.addi %mul3A_1481, %add3A_1482 : i32
      %add3A_1484 = arith.constant 15 : i32
      %add3A_1485 = arith.addi %add3A_1483, %add3A_1484 : i32
      %slice3A_1486 = vector.extract_strided_slice %and3A_1164 {offsets = [15], sizes = [1], strides = [1]} : vector<16xi32> to vector<1xi32>
      %squeeze3A_1487 = vector.extract %slice3A_1486[0] : i32 from vector<1xi32>
      %add3A_1488 = arith.addi %mul3A_32, %add3A_1485 : i32
      %dma_start3A_1489 = arith.constant 0 : i32
      %dma_start3A_1490 = tpu.memref_slice %arg8[%squeeze3A_1487, %dma_start3A_1489] : memref<256x256xf32, #tpu.memory_space<vmem>> -> memref<1x256xf32, #tpu.memory_space<vmem>>
      %dma_start3A_1491 = tpu.memref_squeeze %dma_start3A_1490 : memref<1x256xf32, #tpu.memory_space<vmem>> -> memref<256xf32, #tpu.memory_space<vmem>>
      %dma_start3A_1492 = arith.constant 0 : i32
      %dma_start3A_1493 = tpu.memref_slice %arg7[%add3A_1488, %select_n3A_9, %dma_start3A_1492] : memref<16384x8x256xf32, #tpu.memory_space<hbm>> -> memref<1x1x256xf32, #tpu.memory_space<hbm>>
      %dma_start3A_1494 = tpu.memref_squeeze %dma_start3A_1493 : memref<1x1x256xf32, #tpu.memory_space<hbm>> -> memref<256xf32, #tpu.memory_space<hbm>>
      %dma_start3A_1495 = arith.constant 0 : i32
      %dma_start3A_1496 = tpu.memref_slice %arg7[%add3A_1488, %select_n3A_9, %dma_start3A_1495] : memref<16384x8x256xf32, #tpu.memory_space<hbm>> -> memref<1x1x256xf32, #tpu.memory_space<hbm>>
      %dma_start3A_1497 = tpu.memref_squeeze %dma_start3A_1496 : memref<1x1x256xf32, #tpu.memory_space<hbm>> -> memref<256xf32, #tpu.memory_space<hbm>>
      %dma_start3A_1498 = arith.constant 0 : i32
      %dma_start3A_1499 = tpu.memref_slice %arg8[%squeeze3A_1487, %dma_start3A_1498] : memref<256x256xf32, #tpu.memory_space<vmem>> -> memref<1x256xf32, #tpu.memory_space<vmem>>
      %dma_start3A_1500 = tpu.memref_squeeze %dma_start3A_1499 : memref<1x256xf32, #tpu.memory_space<vmem>> -> memref<256xf32, #tpu.memory_space<vmem>>
      tpu.enqueue_dma source(%dma_start3A_1500 : memref<256xf32, #tpu.memory_space<vmem>>) target(%dma_start3A_1497 : memref<256xf32, #tpu.memory_space<hbm>>) target_semaphore(%arg10 : memref<!tpu.dma_semaphore, #tpu.memory_space<semaphore_mem>>)
      %gt3A_1501 = arith.constant 0 : i32
      %gt3A_1502 = arith.cmpi sgt, %scan3A_115, %gt3A_1501 : i32
      %convert_element_type3A_1503 = arith.extui %gt3A_1502 : i1 to i32
      %cond3A_1504 = arith.constant 0 : i32
      %cond3A_1505 = arith.cmpi ne, %convert_element_type3A_1503, %cond3A_1504 : i32
      scf.if %cond3A_1505 {
        %dma_wait3A_2892 = arith.constant 0 : i32
        %dma_wait3A_2893 = tpu.memref_slice %arg7[%mul3A_32, %select_n3A_9, %dma_wait3A_2892] : memref<16384x8x256xf32, #tpu.memory_space<hbm>> -> memref<64x1x256xf32, #tpu.memory_space<hbm>>
        %dma_wait3A_2894 = tpu.memref_squeeze %dma_wait3A_2893 : memref<64x1x256xf32, #tpu.memory_space<hbm>> -> memref<64x256xf32, #tpu.memory_space<hbm>>
        %dma_wait3A_2895 = arith.constant 0 : i32
        %dma_wait3A_2896 = tpu.memref_slice %arg7[%mul3A_32, %select_n3A_9, %dma_wait3A_2895] : memref<16384x8x256xf32, #tpu.memory_space<hbm>> -> memref<64x1x256xf32, #tpu.memory_space<hbm>>
        %dma_wait3A_2897 = tpu.memref_squeeze %dma_wait3A_2896 : memref<64x1x256xf32, #tpu.memory_space<hbm>> -> memref<64x256xf32, #tpu.memory_space<hbm>>
        tpu.wait_dma2 semaphore(%arg11 : memref<!tpu.dma_semaphore, #tpu.memory_space<semaphore_mem>>) src(%dma_wait3A_2897 : memref<64x256xf32, #tpu.memory_space<hbm>>) dst(%dma_wait3A_2894 : memref<64x256xf32, #tpu.memory_space<hbm>>)
      } else {
      }
      %add3A_1506 = arith.constant 1 : i32
      %add3A_1507 = arith.addi %mul3A_117, %add3A_1506 : i32
      %mul3A_1508 = arith.constant 64 : i32
      %mul3A_1509 = arith.muli %add3A_1507, %mul3A_1508 : i32
      %add3A_1510 = arith.constant 0 : i32
      %add3A_1511 = arith.addi %mul3A_1509, %add3A_1510 : i32
      %get3A_1512 = arith.index_cast %add3A_1511 : i32 to index
      %get3A_1513 = tpu.vector_load %arg9[%get3A_1512] {strides = array<i32>} : memref<4096xi32, #tpu.memory_space<vmem>>, vector<16xi32>,
      %shift_right_logical3A_1514 = arith.shrui %get3A_1513, %broadcast_in_dim3A : vector<16xi32>
      %and3A_1515 = arith.constant 255 : i32
      %and3A_1516 = vector.broadcast %and3A_1515 : i32 to vector<16xi32>
      %and3A_1517 = arith.andi %shift_right_logical3A_1514, %and3A_1516 : vector<16xi32>
      %mul3A_1518 = arith.constant 64 : i32
      %mul3A_1519 = arith.muli %add3A_1507, %mul3A_1518 : i32
      %add3A_1520 = arith.constant 0 : i32
      %add3A_1521 = arith.addi %mul3A_1519, %add3A_1520 : i32
      %add3A_1522 = arith.constant 0 : i32
      %add3A_1523 = arith.addi %add3A_1521, %add3A_1522 : i32
      %slice3A_1524 = vector.extract_strided_slice %and3A_1517 {offsets = [0], sizes = [1], strides = [1]} : vector<16xi32> to vector<1xi32>
      %squeeze3A_1525 = vector.extract %slice3A_1524[0] : i32 from vector<1xi32>
      %add3A_1526 = arith.addi %mul3A_32, %add3A_1523 : i32
      %dma_start3A_1527 = arith.constant 0 : i32
      %dma_start3A_1528 = tpu.memref_slice %arg8[%squeeze3A_1525, %dma_start3A_1527] : memref<256x256xf32, #tpu.memory_space<vmem>> -> memref<1x256xf32, #tpu.memory_space<vmem>>
      %dma_start3A_1529 = tpu.memref_squeeze %dma_start3A_1528 : memref<1x256xf32, #tpu.memory_space<vmem>> -> memref<256xf32, #tpu.memory_space<vmem>>
      %dma_start3A_1530 = arith.constant 0 : i32
      %dma_start3A_1531 = tpu.memref_slice %arg7[%add3A_1526, %select_n3A_9, %dma_start3A_1530] : memref<16384x8x256xf32, #tpu.memory_space<hbm>> -> memref<1x1x256xf32, #tpu.memory_space<hbm>>
      %dma_start3A_1532 = tpu.memref_squeeze %dma_start3A_1531 : memref<1x1x256xf32, #tpu.memory_space<hbm>> -> memref<256xf32, #tpu.memory_space<hbm>>
      %dma_start3A_1533 = arith.constant 0 : i32
      %dma_start3A_1534 = tpu.memref_slice %arg7[%add3A_1526, %select_n3A_9, %dma_start3A_1533] : memref<16384x8x256xf32, #tpu.memory_space<hbm>> -> memref<1x1x256xf32, #tpu.memory_space<hbm>>
      %dma_start3A_1535 = tpu.memref_squeeze %dma_start3A_1534 : memref<1x1x256xf32, #tpu.memory_space<hbm>> -> memref<256xf32, #tpu.memory_space<hbm>>
      %dma_start3A_1536 = arith.constant 0 : i32
      %dma_start3A_1537 = tpu.memref_slice %arg8[%squeeze3A_1525, %dma_start3A_1536] : memref<256x256xf32, #tpu.memory_space<vmem>> -> memref<1x256xf32, #tpu.memory_space<vmem>>
      %dma_start3A_1538 = tpu.memref_squeeze %dma_start3A_1537 : memref<1x256xf32, #tpu.memory_space<vmem>> -> memref<256xf32, #tpu.memory_space<vmem>>
      tpu.enqueue_dma source(%dma_start3A_1538 : memref<256xf32, #tpu.memory_space<vmem>>) target(%dma_start3A_1535 : memref<256xf32, #tpu.memory_space<hbm>>) target_semaphore(%arg11 : memref<!tpu.dma_semaphore, #tpu.memory_space<semaphore_mem>>)
      %mul3A_1539 = arith.constant 64 : i32
      %mul3A_1540 = arith.muli %add3A_1507, %mul3A_1539 : i32
      %add3A_1541 = arith.constant 0 : i32
      %add3A_1542 = arith.addi %mul3A_1540, %add3A_1541 : i32
      %add3A_1543 = arith.constant 1 : i32
      %add3A_1544 = arith.addi %add3A_1542, %add3A_1543 : i32
      %slice3A_1545 = vector.extract_strided_slice %and3A_1517 {offsets = [1], sizes = [1], strides = [1]} : vector<16xi32> to vector<1xi32>
      %squeeze3A_1546 = vector.extract %slice3A_1545[0] : i32 from vector<1xi32>
      %add3A_1547 = arith.addi %mul3A_32, %add3A_1544 : i32
      %dma_start3A_1548 = arith.constant 0 : i32
      %dma_start3A_1549 = tpu.memref_slice %arg8[%squeeze3A_1546, %dma_start3A_1548] : memref<256x256xf32, #tpu.memory_space<vmem>> -> memref<1x256xf32, #tpu.memory_space<vmem>>
      %dma_start3A_1550 = tpu.memref_squeeze %dma_start3A_1549 : memref<1x256xf32, #tpu.memory_space<vmem>> -> memref<256xf32, #tpu.memory_space<vmem>>
      %dma_start3A_1551 = arith.constant 0 : i32
      %dma_start3A_1552 = tpu.memref_slice %arg7[%add3A_1547, %select_n3A_9, %dma_start3A_1551] : memref<16384x8x256xf32, #tpu.memory_space<hbm>> -> memref<1x1x256xf32, #tpu.memory_space<hbm>>
      %dma_start3A_1553 = tpu.memref_squeeze %dma_start3A_1552 : memref<1x1x256xf32, #tpu.memory_space<hbm>> -> memref<256xf32, #tpu.memory_space<hbm>>
      %dma_start3A_1554 = arith.constant 0 : i32
      %dma_start3A_1555 = tpu.memref_slice %arg7[%add3A_1547, %select_n3A_9, %dma_start3A_1554] : memref<16384x8x256xf32, #tpu.memory_space<hbm>> -> memref<1x1x256xf32, #tpu.memory_space<hbm>>
      %dma_start3A_1556 = tpu.memref_squeeze %dma_start3A_1555 : memref<1x1x256xf32, #tpu.memory_space<hbm>> -> memref<256xf32, #tpu.memory_space<hbm>>
      %dma_start3A_1557 = arith.constant 0 : i32
      %dma_start3A_1558 = tpu.memref_slice %arg8[%squeeze3A_1546, %dma_start3A_1557] : memref<256x256xf32, #tpu.memory_space<vmem>> -> memref<1x256xf32, #tpu.memory_space<vmem>>
      %dma_start3A_1559 = tpu.memref_squeeze %dma_start3A_1558 : memref<1x256xf32, #tpu.memory_space<vmem>> -> memref<256xf32, #tpu.memory_space<vmem>>
      tpu.enqueue_dma source(%dma_start3A_1559 : memref<256xf32, #tpu.memory_space<vmem>>) target(%dma_start3A_1556 : memref<256xf32, #tpu.memory_space<hbm>>) target_semaphore(%arg11 : memref<!tpu.dma_semaphore, #tpu.memory_space<semaphore_mem>>)
      %mul3A_1560 = arith.constant 64 : i32
      %mul3A_1561 = arith.muli %add3A_1507, %mul3A_1560 : i32
      %add3A_1562 = arith.constant 0 : i32
      %add3A_1563 = arith.addi %mul3A_1561, %add3A_1562 : i32
      %add3A_1564 = arith.constant 2 : i32
      %add3A_1565 = arith.addi %add3A_1563, %add3A_1564 : i32
      %slice3A_1566 = vector.extract_strided_slice %and3A_1517 {offsets = [2], sizes = [1], strides = [1]} : vector<16xi32> to vector<1xi32>
      %squeeze3A_1567 = vector.extract %slice3A_1566[0] : i32 from vector<1xi32>
      %add3A_1568 = arith.addi %mul3A_32, %add3A_1565 : i32
      %dma_start3A_1569 = arith.constant 0 : i32
      %dma_start3A_1570 = tpu.memref_slice %arg8[%squeeze3A_1567, %dma_start3A_1569] : memref<256x256xf32, #tpu.memory_space<vmem>> -> memref<1x256xf32, #tpu.memory_space<vmem>>
      %dma_start3A_1571 = tpu.memref_squeeze %dma_start3A_1570 : memref<1x256xf32, #tpu.memory_space<vmem>> -> memref<256xf32, #tpu.memory_space<vmem>>
      %dma_start3A_1572 = arith.constant 0 : i32
      %dma_start3A_1573 = tpu.memref_slice %arg7[%add3A_1568, %select_n3A_9, %dma_start3A_1572] : memref<16384x8x256xf32, #tpu.memory_space<hbm>> -> memref<1x1x256xf32, #tpu.memory_space<hbm>>
      %dma_start3A_1574 = tpu.memref_squeeze %dma_start3A_1573 : memref<1x1x256xf32, #tpu.memory_space<hbm>> -> memref<256xf32, #tpu.memory_space<hbm>>
      %dma_start3A_1575 = arith.constant 0 : i32
      %dma_start3A_1576 = tpu.memref_slice %arg7[%add3A_1568, %select_n3A_9, %dma_start3A_1575] : memref<16384x8x256xf32, #tpu.memory_space<hbm>> -> memref<1x1x256xf32, #tpu.memory_space<hbm>>
      %dma_start3A_1577 = tpu.memref_squeeze %dma_start3A_1576 : memref<1x1x256xf32, #tpu.memory_space<hbm>> -> memref<256xf32, #tpu.memory_space<hbm>>
      %dma_start3A_1578 = arith.constant 0 : i32
      %dma_start3A_1579 = tpu.memref_slice %arg8[%squeeze3A_1567, %dma_start3A_1578] : memref<256x256xf32, #tpu.memory_space<vmem>> -> memref<1x256xf32, #tpu.memory_space<vmem>>
      %dma_start3A_1580 = tpu.memref_squeeze %dma_start3A_1579 : memref<1x256xf32, #tpu.memory_space<vmem>> -> memref<256xf32, #tpu.memory_space<vmem>>
      tpu.enqueue_dma source(%dma_start3A_1580 : memref<256xf32, #tpu.memory_space<vmem>>) target(%dma_start3A_1577 : memref<256xf32, #tpu.memory_space<hbm>>) target_semaphore(%arg11 : memref<!tpu.dma_semaphore, #tpu.memory_space<semaphore_mem>>)
      %mul3A_1581 = arith.constant 64 : i32
      %mul3A_1582 = arith.muli %add3A_1507, %mul3A_1581 : i32
      %add3A_1583 = arith.constant 0 : i32
      %add3A_1584 = arith.addi %mul3A_1582, %add3A_1583 : i32
      %add3A_1585 = arith.constant 3 : i32
      %add3A_1586 = arith.addi %add3A_1584, %add3A_1585 : i32
      %slice3A_1587 = vector.extract_strided_slice %and3A_1517 {offsets = [3], sizes = [1], strides = [1]} : vector<16xi32> to vector<1xi32>
      %squeeze3A_1588 = vector.extract %slice3A_1587[0] : i32 from vector<1xi32>
      %add3A_1589 = arith.addi %mul3A_32, %add3A_1586 : i32
      %dma_start3A_1590 = arith.constant 0 : i32
      %dma_start3A_1591 = tpu.memref_slice %arg8[%squeeze3A_1588, %dma_start3A_1590] : memref<256x256xf32, #tpu.memory_space<vmem>> -> memref<1x256xf32, #tpu.memory_space<vmem>>
      %dma_start3A_1592 = tpu.memref_squeeze %dma_start3A_1591 : memref<1x256xf32, #tpu.memory_space<vmem>> -> memref<256xf32, #tpu.memory_space<vmem>>
      %dma_start3A_1593 = arith.constant 0 : i32
      %dma_start3A_1594 = tpu.memref_slice %arg7[%add3A_1589, %select_n3A_9, %dma_start3A_1593] : memref<16384x8x256xf32, #tpu.memory_space<hbm>> -> memref<1x1x256xf32, #tpu.memory_space<hbm>>
      %dma_start3A_1595 = tpu.memref_squeeze %dma_start3A_1594 : memref<1x1x256xf32, #tpu.memory_space<hbm>> -> memref<256xf32, #tpu.memory_space<hbm>>
      %dma_start3A_1596 = arith.constant 0 : i32
      %dma_start3A_1597 = tpu.memref_slice %arg7[%add3A_1589, %select_n3A_9, %dma_start3A_1596] : memref<16384x8x256xf32, #tpu.memory_space<hbm>> -> memref<1x1x256xf32, #tpu.memory_space<hbm>>
      %dma_start3A_1598 = tpu.memref_squeeze %dma_start3A_1597 : memref<1x1x256xf32, #tpu.memory_space<hbm>> -> memref<256xf32, #tpu.memory_space<hbm>>
      %dma_start3A_1599 = arith.constant 0 : i32
      %dma_start3A_1600 = tpu.memref_slice %arg8[%squeeze3A_1588, %dma_start3A_1599] : memref<256x256xf32, #tpu.memory_space<vmem>> -> memref<1x256xf32, #tpu.memory_space<vmem>>
      %dma_start3A_1601 = tpu.memref_squeeze %dma_start3A_1600 : memref<1x256xf32, #tpu.memory_space<vmem>> -> memref<256xf32, #tpu.memory_space<vmem>>
      tpu.enqueue_dma source(%dma_start3A_1601 : memref<256xf32, #tpu.memory_space<vmem>>) target(%dma_start3A_1598 : memref<256xf32, #tpu.memory_space<hbm>>) target_semaphore(%arg11 : memref<!tpu.dma_semaphore, #tpu.memory_space<semaphore_mem>>)
      %mul3A_1602 = arith.constant 64 : i32
      %mul3A_1603 = arith.muli %add3A_1507, %mul3A_1602 : i32
      %add3A_1604 = arith.constant 0 : i32
      %add3A_1605 = arith.addi %mul3A_1603, %add3A_1604 : i32
      %add3A_1606 = arith.constant 4 : i32
      %add3A_1607 = arith.addi %add3A_1605, %add3A_1606 : i32
      %slice3A_1608 = vector.extract_strided_slice %and3A_1517 {offsets = [4], sizes = [1], strides = [1]} : vector<16xi32> to vector<1xi32>
      %squeeze3A_1609 = vector.extract %slice3A_1608[0] : i32 from vector<1xi32>
      %add3A_1610 = arith.addi %mul3A_32, %add3A_1607 : i32
      %dma_start3A_1611 = arith.constant 0 : i32
      %dma_start3A_1612 = tpu.memref_slice %arg8[%squeeze3A_1609, %dma_start3A_1611] : memref<256x256xf32, #tpu.memory_space<vmem>> -> memref<1x256xf32, #tpu.memory_space<vmem>>
      %dma_start3A_1613 = tpu.memref_squeeze %dma_start3A_1612 : memref<1x256xf32, #tpu.memory_space<vmem>> -> memref<256xf32, #tpu.memory_space<vmem>>
      %dma_start3A_1614 = arith.constant 0 : i32
      %dma_start3A_1615 = tpu.memref_slice %arg7[%add3A_1610, %select_n3A_9, %dma_start3A_1614] : memref<16384x8x256xf32, #tpu.memory_space<hbm>> -> memref<1x1x256xf32, #tpu.memory_space<hbm>>
      %dma_start3A_1616 = tpu.memref_squeeze %dma_start3A_1615 : memref<1x1x256xf32, #tpu.memory_space<hbm>> -> memref<256xf32, #tpu.memory_space<hbm>>
      %dma_start3A_1617 = arith.constant 0 : i32
      %dma_start3A_1618 = tpu.memref_slice %arg7[%add3A_1610, %select_n3A_9, %dma_start3A_1617] : memref<16384x8x256xf32, #tpu.memory_space<hbm>> -> memref<1x1x256xf32, #tpu.memory_space<hbm>>
      %dma_start3A_1619 = tpu.memref_squeeze %dma_start3A_1618 : memref<1x1x256xf32, #tpu.memory_space<hbm>> -> memref<256xf32, #tpu.memory_space<hbm>>
      %dma_start3A_1620 = arith.constant 0 : i32
      %dma_start3A_1621 = tpu.memref_slice %arg8[%squeeze3A_1609, %dma_start3A_1620] : memref<256x256xf32, #tpu.memory_space<vmem>> -> memref<1x256xf32, #tpu.memory_space<vmem>>
      %dma_start3A_1622 = tpu.memref_squeeze %dma_start3A_1621 : memref<1x256xf32, #tpu.memory_space<vmem>> -> memref<256xf32, #tpu.memory_space<vmem>>
      tpu.enqueue_dma source(%dma_start3A_1622 : memref<256xf32, #tpu.memory_space<vmem>>) target(%dma_start3A_1619 : memref<256xf32, #tpu.memory_space<hbm>>) target_semaphore(%arg11 : memref<!tpu.dma_semaphore, #tpu.memory_space<semaphore_mem>>)
      %mul3A_1623 = arith.constant 64 : i32
      %mul3A_1624 = arith.muli %add3A_1507, %mul3A_1623 : i32
      %add3A_1625 = arith.constant 0 : i32
      %add3A_1626 = arith.addi %mul3A_1624, %add3A_1625 : i32
      %add3A_1627 = arith.constant 5 : i32
      %add3A_1628 = arith.addi %add3A_1626, %add3A_1627 : i32
      %slice3A_1629 = vector.extract_strided_slice %and3A_1517 {offsets = [5], sizes = [1], strides = [1]} : vector<16xi32> to vector<1xi32>
      %squeeze3A_1630 = vector.extract %slice3A_1629[0] : i32 from vector<1xi32>
      %add3A_1631 = arith.addi %mul3A_32, %add3A_1628 : i32
      %dma_start3A_1632 = arith.constant 0 : i32
      %dma_start3A_1633 = tpu.memref_slice %arg8[%squeeze3A_1630, %dma_start3A_1632] : memref<256x256xf32, #tpu.memory_space<vmem>> -> memref<1x256xf32, #tpu.memory_space<vmem>>
      %dma_start3A_1634 = tpu.memref_squeeze %dma_start3A_1633 : memref<1x256xf32, #tpu.memory_space<vmem>> -> memref<256xf32, #tpu.memory_space<vmem>>
      %dma_start3A_1635 = arith.constant 0 : i32
      %dma_start3A_1636 = tpu.memref_slice %arg7[%add3A_1631, %select_n3A_9, %dma_start3A_1635] : memref<16384x8x256xf32, #tpu.memory_space<hbm>> -> memref<1x1x256xf32, #tpu.memory_space<hbm>>
      %dma_start3A_1637 = tpu.memref_squeeze %dma_start3A_1636 : memref<1x1x256xf32, #tpu.memory_space<hbm>> -> memref<256xf32, #tpu.memory_space<hbm>>
      %dma_start3A_1638 = arith.constant 0 : i32
      %dma_start3A_1639 = tpu.memref_slice %arg7[%add3A_1631, %select_n3A_9, %dma_start3A_1638] : memref<16384x8x256xf32, #tpu.memory_space<hbm>> -> memref<1x1x256xf32, #tpu.memory_space<hbm>>
      %dma_start3A_1640 = tpu.memref_squeeze %dma_start3A_1639 : memref<1x1x256xf32, #tpu.memory_space<hbm>> -> memref<256xf32, #tpu.memory_space<hbm>>
      %dma_start3A_1641 = arith.constant 0 : i32
      %dma_start3A_1642 = tpu.memref_slice %arg8[%squeeze3A_1630, %dma_start3A_1641] : memref<256x256xf32, #tpu.memory_space<vmem>> -> memref<1x256xf32, #tpu.memory_space<vmem>>
      %dma_start3A_1643 = tpu.memref_squeeze %dma_start3A_1642 : memref<1x256xf32, #tpu.memory_space<vmem>> -> memref<256xf32, #tpu.memory_space<vmem>>
      tpu.enqueue_dma source(%dma_start3A_1643 : memref<256xf32, #tpu.memory_space<vmem>>) target(%dma_start3A_1640 : memref<256xf32, #tpu.memory_space<hbm>>) target_semaphore(%arg11 : memref<!tpu.dma_semaphore, #tpu.memory_space<semaphore_mem>>)
      %mul3A_1644 = arith.constant 64 : i32
      %mul3A_1645 = arith.muli %add3A_1507, %mul3A_1644 : i32
      %add3A_1646 = arith.constant 0 : i32
      %add3A_1647 = arith.addi %mul3A_1645, %add3A_1646 : i32
      %add3A_1648 = arith.constant 6 : i32
      %add3A_1649 = arith.addi %add3A_1647, %add3A_1648 : i32
      %slice3A_1650 = vector.extract_strided_slice %and3A_1517 {offsets = [6], sizes = [1], strides = [1]} : vector<16xi32> to vector<1xi32>
      %squeeze3A_1651 = vector.extract %slice3A_1650[0] : i32 from vector<1xi32>
      %add3A_1652 = arith.addi %mul3A_32, %add3A_1649 : i32
      %dma_start3A_1653 = arith.constant 0 : i32
      %dma_start3A_1654 = tpu.memref_slice %arg8[%squeeze3A_1651, %dma_start3A_1653] : memref<256x256xf32, #tpu.memory_space<vmem>> -> memref<1x256xf32, #tpu.memory_space<vmem>>
      %dma_start3A_1655 = tpu.memref_squeeze %dma_start3A_1654 : memref<1x256xf32, #tpu.memory_space<vmem>> -> memref<256xf32, #tpu.memory_space<vmem>>
      %dma_start3A_1656 = arith.constant 0 : i32
      %dma_start3A_1657 = tpu.memref_slice %arg7[%add3A_1652, %select_n3A_9, %dma_start3A_1656] : memref<16384x8x256xf32, #tpu.memory_space<hbm>> -> memref<1x1x256xf32, #tpu.memory_space<hbm>>
      %dma_start3A_1658 = tpu.memref_squeeze %dma_start3A_1657 : memref<1x1x256xf32, #tpu.memory_space<hbm>> -> memref<256xf32, #tpu.memory_space<hbm>>
      %dma_start3A_1659 = arith.constant 0 : i32
      %dma_start3A_1660 = tpu.memref_slice %arg7[%add3A_1652, %select_n3A_9, %dma_start3A_1659] : memref<16384x8x256xf32, #tpu.memory_space<hbm>> -> memref<1x1x256xf32, #tpu.memory_space<hbm>>
      %dma_start3A_1661 = tpu.memref_squeeze %dma_start3A_1660 : memref<1x1x256xf32, #tpu.memory_space<hbm>> -> memref<256xf32, #tpu.memory_space<hbm>>
      %dma_start3A_1662 = arith.constant 0 : i32
      %dma_start3A_1663 = tpu.memref_slice %arg8[%squeeze3A_1651, %dma_start3A_1662] : memref<256x256xf32, #tpu.memory_space<vmem>> -> memref<1x256xf32, #tpu.memory_space<vmem>>
      %dma_start3A_1664 = tpu.memref_squeeze %dma_start3A_1663 : memref<1x256xf32, #tpu.memory_space<vmem>> -> memref<256xf32, #tpu.memory_space<vmem>>
      tpu.enqueue_dma source(%dma_start3A_1664 : memref<256xf32, #tpu.memory_space<vmem>>) target(%dma_start3A_1661 : memref<256xf32, #tpu.memory_space<hbm>>) target_semaphore(%arg11 : memref<!tpu.dma_semaphore, #tpu.memory_space<semaphore_mem>>)
      %mul3A_1665 = arith.constant 64 : i32
      %mul3A_1666 = arith.muli %add3A_1507, %mul3A_1665 : i32
      %add3A_1667 = arith.constant 0 : i32
      %add3A_1668 = arith.addi %mul3A_1666, %add3A_1667 : i32
      %add3A_1669 = arith.constant 7 : i32
      %add3A_1670 = arith.addi %add3A_1668, %add3A_1669 : i32
      %slice3A_1671 = vector.extract_strided_slice %and3A_1517 {offsets = [7], sizes = [1], strides = [1]} : vector<16xi32> to vector<1xi32>
      %squeeze3A_1672 = vector.extract %slice3A_1671[0] : i32 from vector<1xi32>
      %add3A_1673 = arith.addi %mul3A_32, %add3A_1670 : i32
      %dma_start3A_1674 = arith.constant 0 : i32
      %dma_start3A_1675 = tpu.memref_slice %arg8[%squeeze3A_1672, %dma_start3A_1674] : memref<256x256xf32, #tpu.memory_space<vmem>> -> memref<1x256xf32, #tpu.memory_space<vmem>>
      %dma_start3A_1676 = tpu.memref_squeeze %dma_start3A_1675 : memref<1x256xf32, #tpu.memory_space<vmem>> -> memref<256xf32, #tpu.memory_space<vmem>>
      %dma_start3A_1677 = arith.constant 0 : i32
      %dma_start3A_1678 = tpu.memref_slice %arg7[%add3A_1673, %select_n3A_9, %dma_start3A_1677] : memref<16384x8x256xf32, #tpu.memory_space<hbm>> -> memref<1x1x256xf32, #tpu.memory_space<hbm>>
      %dma_start3A_1679 = tpu.memref_squeeze %dma_start3A_1678 : memref<1x1x256xf32, #tpu.memory_space<hbm>> -> memref<256xf32, #tpu.memory_space<hbm>>
      %dma_start3A_1680 = arith.constant 0 : i32
      %dma_start3A_1681 = tpu.memref_slice %arg7[%add3A_1673, %select_n3A_9, %dma_start3A_1680] : memref<16384x8x256xf32, #tpu.memory_space<hbm>> -> memref<1x1x256xf32, #tpu.memory_space<hbm>>
      %dma_start3A_1682 = tpu.memref_squeeze %dma_start3A_1681 : memref<1x1x256xf32, #tpu.memory_space<hbm>> -> memref<256xf32, #tpu.memory_space<hbm>>
      %dma_start3A_1683 = arith.constant 0 : i32
      %dma_start3A_1684 = tpu.memref_slice %arg8[%squeeze3A_1672, %dma_start3A_1683] : memref<256x256xf32, #tpu.memory_space<vmem>> -> memref<1x256xf32, #tpu.memory_space<vmem>>
      %dma_start3A_1685 = tpu.memref_squeeze %dma_start3A_1684 : memref<1x256xf32, #tpu.memory_space<vmem>> -> memref<256xf32, #tpu.memory_space<vmem>>
      tpu.enqueue_dma source(%dma_start3A_1685 : memref<256xf32, #tpu.memory_space<vmem>>) target(%dma_start3A_1682 : memref<256xf32, #tpu.memory_space<hbm>>) target_semaphore(%arg11 : memref<!tpu.dma_semaphore, #tpu.memory_space<semaphore_mem>>)
      %mul3A_1686 = arith.constant 64 : i32
      %mul3A_1687 = arith.muli %add3A_1507, %mul3A_1686 : i32
      %add3A_1688 = arith.constant 0 : i32
      %add3A_1689 = arith.addi %mul3A_1687, %add3A_1688 : i32
      %add3A_1690 = arith.constant 8 : i32
      %add3A_1691 = arith.addi %add3A_1689, %add3A_1690 : i32
      %slice3A_1692 = vector.extract_strided_slice %and3A_1517 {offsets = [8], sizes = [1], strides = [1]} : vector<16xi32> to vector<1xi32>
      %squeeze3A_1693 = vector.extract %slice3A_1692[0] : i32 from vector<1xi32>
      %add3A_1694 = arith.addi %mul3A_32, %add3A_1691 : i32
      %dma_start3A_1695 = arith.constant 0 : i32
      %dma_start3A_1696 = tpu.memref_slice %arg8[%squeeze3A_1693, %dma_start3A_1695] : memref<256x256xf32, #tpu.memory_space<vmem>> -> memref<1x256xf32, #tpu.memory_space<vmem>>
      %dma_start3A_1697 = tpu.memref_squeeze %dma_start3A_1696 : memref<1x256xf32, #tpu.memory_space<vmem>> -> memref<256xf32, #tpu.memory_space<vmem>>
      %dma_start3A_1698 = arith.constant 0 : i32
      %dma_start3A_1699 = tpu.memref_slice %arg7[%add3A_1694, %select_n3A_9, %dma_start3A_1698] : memref<16384x8x256xf32, #tpu.memory_space<hbm>> -> memref<1x1x256xf32, #tpu.memory_space<hbm>>
      %dma_start3A_1700 = tpu.memref_squeeze %dma_start3A_1699 : memref<1x1x256xf32, #tpu.memory_space<hbm>> -> memref<256xf32, #tpu.memory_space<hbm>>
      %dma_start3A_1701 = arith.constant 0 : i32
      %dma_start3A_1702 = tpu.memref_slice %arg7[%add3A_1694, %select_n3A_9, %dma_start3A_1701] : memref<16384x8x256xf32, #tpu.memory_space<hbm>> -> memref<1x1x256xf32, #tpu.memory_space<hbm>>
      %dma_start3A_1703 = tpu.memref_squeeze %dma_start3A_1702 : memref<1x1x256xf32, #tpu.memory_space<hbm>> -> memref<256xf32, #tpu.memory_space<hbm>>
      %dma_start3A_1704 = arith.constant 0 : i32
      %dma_start3A_1705 = tpu.memref_slice %arg8[%squeeze3A_1693, %dma_start3A_1704] : memref<256x256xf32, #tpu.memory_space<vmem>> -> memref<1x256xf32, #tpu.memory_space<vmem>>
      %dma_start3A_1706 = tpu.memref_squeeze %dma_start3A_1705 : memref<1x256xf32, #tpu.memory_space<vmem>> -> memref<256xf32, #tpu.memory_space<vmem>>
      tpu.enqueue_dma source(%dma_start3A_1706 : memref<256xf32, #tpu.memory_space<vmem>>) target(%dma_start3A_1703 : memref<256xf32, #tpu.memory_space<hbm>>) target_semaphore(%arg11 : memref<!tpu.dma_semaphore, #tpu.memory_space<semaphore_mem>>)
      %mul3A_1707 = arith.constant 64 : i32
      %mul3A_1708 = arith.muli %add3A_1507, %mul3A_1707 : i32
      %add3A_1709 = arith.constant 0 : i32
      %add3A_1710 = arith.addi %mul3A_1708, %add3A_1709 : i32
      %add3A_1711 = arith.constant 9 : i32
      %add3A_1712 = arith.addi %add3A_1710, %add3A_1711 : i32
      %slice3A_1713 = vector.extract_strided_slice %and3A_1517 {offsets = [9], sizes = [1], strides = [1]} : vector<16xi32> to vector<1xi32>
      %squeeze3A_1714 = vector.extract %slice3A_1713[0] : i32 from vector<1xi32>
      %add3A_1715 = arith.addi %mul3A_32, %add3A_1712 : i32
      %dma_start3A_1716 = arith.constant 0 : i32
      %dma_start3A_1717 = tpu.memref_slice %arg8[%squeeze3A_1714, %dma_start3A_1716] : memref<256x256xf32, #tpu.memory_space<vmem>> -> memref<1x256xf32, #tpu.memory_space<vmem>>
      %dma_start3A_1718 = tpu.memref_squeeze %dma_start3A_1717 : memref<1x256xf32, #tpu.memory_space<vmem>> -> memref<256xf32, #tpu.memory_space<vmem>>
      %dma_start3A_1719 = arith.constant 0 : i32
      %dma_start3A_1720 = tpu.memref_slice %arg7[%add3A_1715, %select_n3A_9, %dma_start3A_1719] : memref<16384x8x256xf32, #tpu.memory_space<hbm>> -> memref<1x1x256xf32, #tpu.memory_space<hbm>>
      %dma_start3A_1721 = tpu.memref_squeeze %dma_start3A_1720 : memref<1x1x256xf32, #tpu.memory_space<hbm>> -> memref<256xf32, #tpu.memory_space<hbm>>
      %dma_start3A_1722 = arith.constant 0 : i32
      %dma_start3A_1723 = tpu.memref_slice %arg7[%add3A_1715, %select_n3A_9, %dma_start3A_1722] : memref<16384x8x256xf32, #tpu.memory_space<hbm>> -> memref<1x1x256xf32, #tpu.memory_space<hbm>>
      %dma_start3A_1724 = tpu.memref_squeeze %dma_start3A_1723 : memref<1x1x256xf32, #tpu.memory_space<hbm>> -> memref<256xf32, #tpu.memory_space<hbm>>
      %dma_start3A_1725 = arith.constant 0 : i32
      %dma_start3A_1726 = tpu.memref_slice %arg8[%squeeze3A_1714, %dma_start3A_1725] : memref<256x256xf32, #tpu.memory_space<vmem>> -> memref<1x256xf32, #tpu.memory_space<vmem>>
      %dma_start3A_1727 = tpu.memref_squeeze %dma_start3A_1726 : memref<1x256xf32, #tpu.memory_space<vmem>> -> memref<256xf32, #tpu.memory_space<vmem>>
      tpu.enqueue_dma source(%dma_start3A_1727 : memref<256xf32, #tpu.memory_space<vmem>>) target(%dma_start3A_1724 : memref<256xf32, #tpu.memory_space<hbm>>) target_semaphore(%arg11 : memref<!tpu.dma_semaphore, #tpu.memory_space<semaphore_mem>>)
      %mul3A_1728 = arith.constant 64 : i32
      %mul3A_1729 = arith.muli %add3A_1507, %mul3A_1728 : i32
      %add3A_1730 = arith.constant 0 : i32
      %add3A_1731 = arith.addi %mul3A_1729, %add3A_1730 : i32
      %add3A_1732 = arith.constant 10 : i32
      %add3A_1733 = arith.addi %add3A_1731, %add3A_1732 : i32
      %slice3A_1734 = vector.extract_strided_slice %and3A_1517 {offsets = [10], sizes = [1], strides = [1]} : vector<16xi32> to vector<1xi32>
      %squeeze3A_1735 = vector.extract %slice3A_1734[0] : i32 from vector<1xi32>
      %add3A_1736 = arith.addi %mul3A_32, %add3A_1733 : i32
      %dma_start3A_1737 = arith.constant 0 : i32
      %dma_start3A_1738 = tpu.memref_slice %arg8[%squeeze3A_1735, %dma_start3A_1737] : memref<256x256xf32, #tpu.memory_space<vmem>> -> memref<1x256xf32, #tpu.memory_space<vmem>>
      %dma_start3A_1739 = tpu.memref_squeeze %dma_start3A_1738 : memref<1x256xf32, #tpu.memory_space<vmem>> -> memref<256xf32, #tpu.memory_space<vmem>>
      %dma_start3A_1740 = arith.constant 0 : i32
      %dma_start3A_1741 = tpu.memref_slice %arg7[%add3A_1736, %select_n3A_9, %dma_start3A_1740] : memref<16384x8x256xf32, #tpu.memory_space<hbm>> -> memref<1x1x256xf32, #tpu.memory_space<hbm>>
      %dma_start3A_1742 = tpu.memref_squeeze %dma_start3A_1741 : memref<1x1x256xf32, #tpu.memory_space<hbm>> -> memref<256xf32, #tpu.memory_space<hbm>>
      %dma_start3A_1743 = arith.constant 0 : i32
      %dma_start3A_1744 = tpu.memref_slice %arg7[%add3A_1736, %select_n3A_9, %dma_start3A_1743] : memref<16384x8x256xf32, #tpu.memory_space<hbm>> -> memref<1x1x256xf32, #tpu.memory_space<hbm>>
      %dma_start3A_1745 = tpu.memref_squeeze %dma_start3A_1744 : memref<1x1x256xf32, #tpu.memory_space<hbm>> -> memref<256xf32, #tpu.memory_space<hbm>>
      %dma_start3A_1746 = arith.constant 0 : i32
      %dma_start3A_1747 = tpu.memref_slice %arg8[%squeeze3A_1735, %dma_start3A_1746] : memref<256x256xf32, #tpu.memory_space<vmem>> -> memref<1x256xf32, #tpu.memory_space<vmem>>
      %dma_start3A_1748 = tpu.memref_squeeze %dma_start3A_1747 : memref<1x256xf32, #tpu.memory_space<vmem>> -> memref<256xf32, #tpu.memory_space<vmem>>
      tpu.enqueue_dma source(%dma_start3A_1748 : memref<256xf32, #tpu.memory_space<vmem>>) target(%dma_start3A_1745 : memref<256xf32, #tpu.memory_space<hbm>>) target_semaphore(%arg11 : memref<!tpu.dma_semaphore, #tpu.memory_space<semaphore_mem>>)
      %mul3A_1749 = arith.constant 64 : i32
      %mul3A_1750 = arith.muli %add3A_1507, %mul3A_1749 : i32
      %add3A_1751 = arith.constant 0 : i32
      %add3A_1752 = arith.addi %mul3A_1750, %add3A_1751 : i32
      %add3A_1753 = arith.constant 11 : i32
      %add3A_1754 = arith.addi %add3A_1752, %add3A_1753 : i32
      %slice3A_1755 = vector.extract_strided_slice %and3A_1517 {offsets = [11], sizes = [1], strides = [1]} : vector<16xi32> to vector<1xi32>
      %squeeze3A_1756 = vector.extract %slice3A_1755[0] : i32 from vector<1xi32>
      %add3A_1757 = arith.addi %mul3A_32, %add3A_1754 : i32
      %dma_start3A_1758 = arith.constant 0 : i32
      %dma_start3A_1759 = tpu.memref_slice %arg8[%squeeze3A_1756, %dma_start3A_1758] : memref<256x256xf32, #tpu.memory_space<vmem>> -> memref<1x256xf32, #tpu.memory_space<vmem>>
      %dma_start3A_1760 = tpu.memref_squeeze %dma_start3A_1759 : memref<1x256xf32, #tpu.memory_space<vmem>> -> memref<256xf32, #tpu.memory_space<vmem>>
      %dma_start3A_1761 = arith.constant 0 : i32
      %dma_start3A_1762 = tpu.memref_slice %arg7[%add3A_1757, %select_n3A_9, %dma_start3A_1761] : memref<16384x8x256xf32, #tpu.memory_space<hbm>> -> memref<1x1x256xf32, #tpu.memory_space<hbm>>
      %dma_start3A_1763 = tpu.memref_squeeze %dma_start3A_1762 : memref<1x1x256xf32, #tpu.memory_space<hbm>> -> memref<256xf32, #tpu.memory_space<hbm>>
      %dma_start3A_1764 = arith.constant 0 : i32
      %dma_start3A_1765 = tpu.memref_slice %arg7[%add3A_1757, %select_n3A_9, %dma_start3A_1764] : memref<16384x8x256xf32, #tpu.memory_space<hbm>> -> memref<1x1x256xf32, #tpu.memory_space<hbm>>
      %dma_start3A_1766 = tpu.memref_squeeze %dma_start3A_1765 : memref<1x1x256xf32, #tpu.memory_space<hbm>> -> memref<256xf32, #tpu.memory_space<hbm>>
      %dma_start3A_1767 = arith.constant 0 : i32
      %dma_start3A_1768 = tpu.memref_slice %arg8[%squeeze3A_1756, %dma_start3A_1767] : memref<256x256xf32, #tpu.memory_space<vmem>> -> memref<1x256xf32, #tpu.memory_space<vmem>>
      %dma_start3A_1769 = tpu.memref_squeeze %dma_start3A_1768 : memref<1x256xf32, #tpu.memory_space<vmem>> -> memref<256xf32, #tpu.memory_space<vmem>>
      tpu.enqueue_dma source(%dma_start3A_1769 : memref<256xf32, #tpu.memory_space<vmem>>) target(%dma_start3A_1766 : memref<256xf32, #tpu.memory_space<hbm>>) target_semaphore(%arg11 : memref<!tpu.dma_semaphore, #tpu.memory_space<semaphore_mem>>)
      %mul3A_1770 = arith.constant 64 : i32
      %mul3A_1771 = arith.muli %add3A_1507, %mul3A_1770 : i32
      %add3A_1772 = arith.constant 0 : i32
      %add3A_1773 = arith.addi %mul3A_1771, %add3A_1772 : i32
      %add3A_1774 = arith.constant 12 : i32
      %add3A_1775 = arith.addi %add3A_1773, %add3A_1774 : i32
      %slice3A_1776 = vector.extract_strided_slice %and3A_1517 {offsets = [12], sizes = [1], strides = [1]} : vector<16xi32> to vector<1xi32>
      %squeeze3A_1777 = vector.extract %slice3A_1776[0] : i32 from vector<1xi32>
      %add3A_1778 = arith.addi %mul3A_32, %add3A_1775 : i32
      %dma_start3A_1779 = arith.constant 0 : i32
      %dma_start3A_1780 = tpu.memref_slice %arg8[%squeeze3A_1777, %dma_start3A_1779] : memref<256x256xf32, #tpu.memory_space<vmem>> -> memref<1x256xf32, #tpu.memory_space<vmem>>
      %dma_start3A_1781 = tpu.memref_squeeze %dma_start3A_1780 : memref<1x256xf32, #tpu.memory_space<vmem>> -> memref<256xf32, #tpu.memory_space<vmem>>
      %dma_start3A_1782 = arith.constant 0 : i32
      %dma_start3A_1783 = tpu.memref_slice %arg7[%add3A_1778, %select_n3A_9, %dma_start3A_1782] : memref<16384x8x256xf32, #tpu.memory_space<hbm>> -> memref<1x1x256xf32, #tpu.memory_space<hbm>>
      %dma_start3A_1784 = tpu.memref_squeeze %dma_start3A_1783 : memref<1x1x256xf32, #tpu.memory_space<hbm>> -> memref<256xf32, #tpu.memory_space<hbm>>
      %dma_start3A_1785 = arith.constant 0 : i32
      %dma_start3A_1786 = tpu.memref_slice %arg7[%add3A_1778, %select_n3A_9, %dma_start3A_1785] : memref<16384x8x256xf32, #tpu.memory_space<hbm>> -> memref<1x1x256xf32, #tpu.memory_space<hbm>>
      %dma_start3A_1787 = tpu.memref_squeeze %dma_start3A_1786 : memref<1x1x256xf32, #tpu.memory_space<hbm>> -> memref<256xf32, #tpu.memory_space<hbm>>
      %dma_start3A_1788 = arith.constant 0 : i32
      %dma_start3A_1789 = tpu.memref_slice %arg8[%squeeze3A_1777, %dma_start3A_1788] : memref<256x256xf32, #tpu.memory_space<vmem>> -> memref<1x256xf32, #tpu.memory_space<vmem>>
      %dma_start3A_1790 = tpu.memref_squeeze %dma_start3A_1789 : memref<1x256xf32, #tpu.memory_space<vmem>> -> memref<256xf32, #tpu.memory_space<vmem>>
      tpu.enqueue_dma source(%dma_start3A_1790 : memref<256xf32, #tpu.memory_space<vmem>>) target(%dma_start3A_1787 : memref<256xf32, #tpu.memory_space<hbm>>) target_semaphore(%arg11 : memref<!tpu.dma_semaphore, #tpu.memory_space<semaphore_mem>>)
      %mul3A_1791 = arith.constant 64 : i32
      %mul3A_1792 = arith.muli %add3A_1507, %mul3A_1791 : i32
      %add3A_1793 = arith.constant 0 : i32
      %add3A_1794 = arith.addi %mul3A_1792, %add3A_1793 : i32
      %add3A_1795 = arith.constant 13 : i32
      %add3A_1796 = arith.addi %add3A_1794, %add3A_1795 : i32
      %slice3A_1797 = vector.extract_strided_slice %and3A_1517 {offsets = [13], sizes = [1], strides = [1]} : vector<16xi32> to vector<1xi32>
      %squeeze3A_1798 = vector.extract %slice3A_1797[0] : i32 from vector<1xi32>
      %add3A_1799 = arith.addi %mul3A_32, %add3A_1796 : i32
      %dma_start3A_1800 = arith.constant 0 : i32
      %dma_start3A_1801 = tpu.memref_slice %arg8[%squeeze3A_1798, %dma_start3A_1800] : memref<256x256xf32, #tpu.memory_space<vmem>> -> memref<1x256xf32, #tpu.memory_space<vmem>>
      %dma_start3A_1802 = tpu.memref_squeeze %dma_start3A_1801 : memref<1x256xf32, #tpu.memory_space<vmem>> -> memref<256xf32, #tpu.memory_space<vmem>>
      %dma_start3A_1803 = arith.constant 0 : i32
      %dma_start3A_1804 = tpu.memref_slice %arg7[%add3A_1799, %select_n3A_9, %dma_start3A_1803] : memref<16384x8x256xf32, #tpu.memory_space<hbm>> -> memref<1x1x256xf32, #tpu.memory_space<hbm>>
      %dma_start3A_1805 = tpu.memref_squeeze %dma_start3A_1804 : memref<1x1x256xf32, #tpu.memory_space<hbm>> -> memref<256xf32, #tpu.memory_space<hbm>>
      %dma_start3A_1806 = arith.constant 0 : i32
      %dma_start3A_1807 = tpu.memref_slice %arg7[%add3A_1799, %select_n3A_9, %dma_start3A_1806] : memref<16384x8x256xf32, #tpu.memory_space<hbm>> -> memref<1x1x256xf32, #tpu.memory_space<hbm>>
      %dma_start3A_1808 = tpu.memref_squeeze %dma_start3A_1807 : memref<1x1x256xf32, #tpu.memory_space<hbm>> -> memref<256xf32, #tpu.memory_space<hbm>>
      %dma_start3A_1809 = arith.constant 0 : i32
      %dma_start3A_1810 = tpu.memref_slice %arg8[%squeeze3A_1798, %dma_start3A_1809] : memref<256x256xf32, #tpu.memory_space<vmem>> -> memref<1x256xf32, #tpu.memory_space<vmem>>
      %dma_start3A_1811 = tpu.memref_squeeze %dma_start3A_1810 : memref<1x256xf32, #tpu.memory_space<vmem>> -> memref<256xf32, #tpu.memory_space<vmem>>
      tpu.enqueue_dma source(%dma_start3A_1811 : memref<256xf32, #tpu.memory_space<vmem>>) target(%dma_start3A_1808 : memref<256xf32, #tpu.memory_space<hbm>>) target_semaphore(%arg11 : memref<!tpu.dma_semaphore, #tpu.memory_space<semaphore_mem>>)
      %mul3A_1812 = arith.constant 64 : i32
      %mul3A_1813 = arith.muli %add3A_1507, %mul3A_1812 : i32
      %add3A_1814 = arith.constant 0 : i32
      %add3A_1815 = arith.addi %mul3A_1813, %add3A_1814 : i32
      %add3A_1816 = arith.constant 14 : i32
      %add3A_1817 = arith.addi %add3A_1815, %add3A_1816 : i32
      %slice3A_1818 = vector.extract_strided_slice %and3A_1517 {offsets = [14], sizes = [1], strides = [1]} : vector<16xi32> to vector<1xi32>
      %squeeze3A_1819 = vector.extract %slice3A_1818[0] : i32 from vector<1xi32>
      %add3A_1820 = arith.addi %mul3A_32, %add3A_1817 : i32
      %dma_start3A_1821 = arith.constant 0 : i32
      %dma_start3A_1822 = tpu.memref_slice %arg8[%squeeze3A_1819, %dma_start3A_1821] : memref<256x256xf32, #tpu.memory_space<vmem>> -> memref<1x256xf32, #tpu.memory_space<vmem>>
      %dma_start3A_1823 = tpu.memref_squeeze %dma_start3A_1822 : memref<1x256xf32, #tpu.memory_space<vmem>> -> memref<256xf32, #tpu.memory_space<vmem>>
      %dma_start3A_1824 = arith.constant 0 : i32
      %dma_start3A_1825 = tpu.memref_slice %arg7[%add3A_1820, %select_n3A_9, %dma_start3A_1824] : memref<16384x8x256xf32, #tpu.memory_space<hbm>> -> memref<1x1x256xf32, #tpu.memory_space<hbm>>
      %dma_start3A_1826 = tpu.memref_squeeze %dma_start3A_1825 : memref<1x1x256xf32, #tpu.memory_space<hbm>> -> memref<256xf32, #tpu.memory_space<hbm>>
      %dma_start3A_1827 = arith.constant 0 : i32
      %dma_start3A_1828 = tpu.memref_slice %arg7[%add3A_1820, %select_n3A_9, %dma_start3A_1827] : memref<16384x8x256xf32, #tpu.memory_space<hbm>> -> memref<1x1x256xf32, #tpu.memory_space<hbm>>
      %dma_start3A_1829 = tpu.memref_squeeze %dma_start3A_1828 : memref<1x1x256xf32, #tpu.memory_space<hbm>> -> memref<256xf32, #tpu.memory_space<hbm>>
      %dma_start3A_1830 = arith.constant 0 : i32
      %dma_start3A_1831 = tpu.memref_slice %arg8[%squeeze3A_1819, %dma_start3A_1830] : memref<256x256xf32, #tpu.memory_space<vmem>> -> memref<1x256xf32, #tpu.memory_space<vmem>>
      %dma_start3A_1832 = tpu.memref_squeeze %dma_start3A_1831 : memref<1x256xf32, #tpu.memory_space<vmem>> -> memref<256xf32, #tpu.memory_space<vmem>>
      tpu.enqueue_dma source(%dma_start3A_1832 : memref<256xf32, #tpu.memory_space<vmem>>) target(%dma_start3A_1829 : memref<256xf32, #tpu.memory_space<hbm>>) target_semaphore(%arg11 : memref<!tpu.dma_semaphore, #tpu.memory_space<semaphore_mem>>)
      %mul3A_1833 = arith.constant 64 : i32
      %mul3A_1834 = arith.muli %add3A_1507, %mul3A_1833 : i32
      %add3A_1835 = arith.constant 0 : i32
      %add3A_1836 = arith.addi %mul3A_1834, %add3A_1835 : i32
      %add3A_1837 = arith.constant 15 : i32
      %add3A_1838 = arith.addi %add3A_1836, %add3A_1837 : i32
      %slice3A_1839 = vector.extract_strided_slice %and3A_1517 {offsets = [15], sizes = [1], strides = [1]} : vector<16xi32> to vector<1xi32>
      %squeeze3A_1840 = vector.extract %slice3A_1839[0] : i32 from vector<1xi32>
      %add3A_1841 = arith.addi %mul3A_32, %add3A_1838 : i32
      %dma_start3A_1842 = arith.constant 0 : i32
      %dma_start3A_1843 = tpu.memref_slice %arg8[%squeeze3A_1840, %dma_start3A_1842] : memref<256x256xf32, #tpu.memory_space<vmem>> -> memref<1x256xf32, #tpu.memory_space<vmem>>
      %dma_start3A_1844 = tpu.memref_squeeze %dma_start3A_1843 : memref<1x256xf32, #tpu.memory_space<vmem>> -> memref<256xf32, #tpu.memory_space<vmem>>
      %dma_start3A_1845 = arith.constant 0 : i32
      %dma_start3A_1846 = tpu.memref_slice %arg7[%add3A_1841, %select_n3A_9, %dma_start3A_1845] : memref<16384x8x256xf32, #tpu.memory_space<hbm>> -> memref<1x1x256xf32, #tpu.memory_space<hbm>>
      %dma_start3A_1847 = tpu.memref_squeeze %dma_start3A_1846 : memref<1x1x256xf32, #tpu.memory_space<hbm>> -> memref<256xf32, #tpu.memory_space<hbm>>
      %dma_start3A_1848 = arith.constant 0 : i32
      %dma_start3A_1849 = tpu.memref_slice %arg7[%add3A_1841, %select_n3A_9, %dma_start3A_1848] : memref<16384x8x256xf32, #tpu.memory_space<hbm>> -> memref<1x1x256xf32, #tpu.memory_space<hbm>>
      %dma_start3A_1850 = tpu.memref_squeeze %dma_start3A_1849 : memref<1x1x256xf32, #tpu.memory_space<hbm>> -> memref<256xf32, #tpu.memory_space<hbm>>
      %dma_start3A_1851 = arith.constant 0 : i32
      %dma_start3A_1852 = tpu.memref_slice %arg8[%squeeze3A_1840, %dma_start3A_1851] : memref<256x256xf32, #tpu.memory_space<vmem>> -> memref<1x256xf32, #tpu.memory_space<vmem>>
      %dma_start3A_1853 = tpu.memref_squeeze %dma_start3A_1852 : memref<1x256xf32, #tpu.memory_space<vmem>> -> memref<256xf32, #tpu.memory_space<vmem>>
      tpu.enqueue_dma source(%dma_start3A_1853 : memref<256xf32, #tpu.memory_space<vmem>>) target(%dma_start3A_1850 : memref<256xf32, #tpu.memory_space<hbm>>) target_semaphore(%arg11 : memref<!tpu.dma_semaphore, #tpu.memory_space<semaphore_mem>>)
      %mul3A_1854 = arith.constant 64 : i32
      %mul3A_1855 = arith.muli %add3A_1507, %mul3A_1854 : i32
      %add3A_1856 = arith.constant 16 : i32
      %add3A_1857 = arith.addi %mul3A_1855, %add3A_1856 : i32
      %get3A_1858 = arith.index_cast %add3A_1857 : i32 to index
      %get3A_1859 = tpu.vector_load %arg9[%get3A_1858] {strides = array<i32>} : memref<4096xi32, #tpu.memory_space<vmem>>, vector<16xi32>,
      %shift_right_logical3A_1860 = arith.shrui %get3A_1859, %broadcast_in_dim3A : vector<16xi32>
      %and3A_1861 = arith.constant 255 : i32
      %and3A_1862 = vector.broadcast %and3A_1861 : i32 to vector<16xi32>
      %and3A_1863 = arith.andi %shift_right_logical3A_1860, %and3A_1862 : vector<16xi32>
      %mul3A_1864 = arith.constant 64 : i32
      %mul3A_1865 = arith.muli %add3A_1507, %mul3A_1864 : i32
      %add3A_1866 = arith.constant 16 : i32
      %add3A_1867 = arith.addi %mul3A_1865, %add3A_1866 : i32
      %add3A_1868 = arith.constant 0 : i32
      %add3A_1869 = arith.addi %add3A_1867, %add3A_1868 : i32
      %slice3A_1870 = vector.extract_strided_slice %and3A_1863 {offsets = [0], sizes = [1], strides = [1]} : vector<16xi32> to vector<1xi32>
      %squeeze3A_1871 = vector.extract %slice3A_1870[0] : i32 from vector<1xi32>
      %add3A_1872 = arith.addi %mul3A_32, %add3A_1869 : i32
      %dma_start3A_1873 = arith.constant 0 : i32
      %dma_start3A_1874 = tpu.memref_slice %arg8[%squeeze3A_1871, %dma_start3A_1873] : memref<256x256xf32, #tpu.memory_space<vmem>> -> memref<1x256xf32, #tpu.memory_space<vmem>>
      %dma_start3A_1875 = tpu.memref_squeeze %dma_start3A_1874 : memref<1x256xf32, #tpu.memory_space<vmem>> -> memref<256xf32, #tpu.memory_space<vmem>>
      %dma_start3A_1876 = arith.constant 0 : i32
      %dma_start3A_1877 = tpu.memref_slice %arg7[%add3A_1872, %select_n3A_9, %dma_start3A_1876] : memref<16384x8x256xf32, #tpu.memory_space<hbm>> -> memref<1x1x256xf32, #tpu.memory_space<hbm>>
      %dma_start3A_1878 = tpu.memref_squeeze %dma_start3A_1877 : memref<1x1x256xf32, #tpu.memory_space<hbm>> -> memref<256xf32, #tpu.memory_space<hbm>>
      %dma_start3A_1879 = arith.constant 0 : i32
      %dma_start3A_1880 = tpu.memref_slice %arg7[%add3A_1872, %select_n3A_9, %dma_start3A_1879] : memref<16384x8x256xf32, #tpu.memory_space<hbm>> -> memref<1x1x256xf32, #tpu.memory_space<hbm>>
      %dma_start3A_1881 = tpu.memref_squeeze %dma_start3A_1880 : memref<1x1x256xf32, #tpu.memory_space<hbm>> -> memref<256xf32, #tpu.memory_space<hbm>>
      %dma_start3A_1882 = arith.constant 0 : i32
      %dma_start3A_1883 = tpu.memref_slice %arg8[%squeeze3A_1871, %dma_start3A_1882] : memref<256x256xf32, #tpu.memory_space<vmem>> -> memref<1x256xf32, #tpu.memory_space<vmem>>
      %dma_start3A_1884 = tpu.memref_squeeze %dma_start3A_1883 : memref<1x256xf32, #tpu.memory_space<vmem>> -> memref<256xf32, #tpu.memory_space<vmem>>
      tpu.enqueue_dma source(%dma_start3A_1884 : memref<256xf32, #tpu.memory_space<vmem>>) target(%dma_start3A_1881 : memref<256xf32, #tpu.memory_space<hbm>>) target_semaphore(%arg11 : memref<!tpu.dma_semaphore, #tpu.memory_space<semaphore_mem>>)
      %mul3A_1885 = arith.constant 64 : i32
      %mul3A_1886 = arith.muli %add3A_1507, %mul3A_1885 : i32
      %add3A_1887 = arith.constant 16 : i32
      %add3A_1888 = arith.addi %mul3A_1886, %add3A_1887 : i32
      %add3A_1889 = arith.constant 1 : i32
      %add3A_1890 = arith.addi %add3A_1888, %add3A_1889 : i32
      %slice3A_1891 = vector.extract_strided_slice %and3A_1863 {offsets = [1], sizes = [1], strides = [1]} : vector<16xi32> to vector<1xi32>
      %squeeze3A_1892 = vector.extract %slice3A_1891[0] : i32 from vector<1xi32>
      %add3A_1893 = arith.addi %mul3A_32, %add3A_1890 : i32
      %dma_start3A_1894 = arith.constant 0 : i32
      %dma_start3A_1895 = tpu.memref_slice %arg8[%squeeze3A_1892, %dma_start3A_1894] : memref<256x256xf32, #tpu.memory_space<vmem>> -> memref<1x256xf32, #tpu.memory_space<vmem>>
      %dma_start3A_1896 = tpu.memref_squeeze %dma_start3A_1895 : memref<1x256xf32, #tpu.memory_space<vmem>> -> memref<256xf32, #tpu.memory_space<vmem>>
      %dma_start3A_1897 = arith.constant 0 : i32
      %dma_start3A_1898 = tpu.memref_slice %arg7[%add3A_1893, %select_n3A_9, %dma_start3A_1897] : memref<16384x8x256xf32, #tpu.memory_space<hbm>> -> memref<1x1x256xf32, #tpu.memory_space<hbm>>
      %dma_start3A_1899 = tpu.memref_squeeze %dma_start3A_1898 : memref<1x1x256xf32, #tpu.memory_space<hbm>> -> memref<256xf32, #tpu.memory_space<hbm>>
      %dma_start3A_1900 = arith.constant 0 : i32
      %dma_start3A_1901 = tpu.memref_slice %arg7[%add3A_1893, %select_n3A_9, %dma_start3A_1900] : memref<16384x8x256xf32, #tpu.memory_space<hbm>> -> memref<1x1x256xf32, #tpu.memory_space<hbm>>
      %dma_start3A_1902 = tpu.memref_squeeze %dma_start3A_1901 : memref<1x1x256xf32, #tpu.memory_space<hbm>> -> memref<256xf32, #tpu.memory_space<hbm>>
      %dma_start3A_1903 = arith.constant 0 : i32
      %dma_start3A_1904 = tpu.memref_slice %arg8[%squeeze3A_1892, %dma_start3A_1903] : memref<256x256xf32, #tpu.memory_space<vmem>> -> memref<1x256xf32, #tpu.memory_space<vmem>>
      %dma_start3A_1905 = tpu.memref_squeeze %dma_start3A_1904 : memref<1x256xf32, #tpu.memory_space<vmem>> -> memref<256xf32, #tpu.memory_space<vmem>>
      tpu.enqueue_dma source(%dma_start3A_1905 : memref<256xf32, #tpu.memory_space<vmem>>) target(%dma_start3A_1902 : memref<256xf32, #tpu.memory_space<hbm>>) target_semaphore(%arg11 : memref<!tpu.dma_semaphore, #tpu.memory_space<semaphore_mem>>)
      %mul3A_1906 = arith.constant 64 : i32
      %mul3A_1907 = arith.muli %add3A_1507, %mul3A_1906 : i32
      %add3A_1908 = arith.constant 16 : i32
      %add3A_1909 = arith.addi %mul3A_1907, %add3A_1908 : i32
      %add3A_1910 = arith.constant 2 : i32
      %add3A_1911 = arith.addi %add3A_1909, %add3A_1910 : i32
      %slice3A_1912 = vector.extract_strided_slice %and3A_1863 {offsets = [2], sizes = [1], strides = [1]} : vector<16xi32> to vector<1xi32>
      %squeeze3A_1913 = vector.extract %slice3A_1912[0] : i32 from vector<1xi32>
      %add3A_1914 = arith.addi %mul3A_32, %add3A_1911 : i32
      %dma_start3A_1915 = arith.constant 0 : i32
      %dma_start3A_1916 = tpu.memref_slice %arg8[%squeeze3A_1913, %dma_start3A_1915] : memref<256x256xf32, #tpu.memory_space<vmem>> -> memref<1x256xf32, #tpu.memory_space<vmem>>
      %dma_start3A_1917 = tpu.memref_squeeze %dma_start3A_1916 : memref<1x256xf32, #tpu.memory_space<vmem>> -> memref<256xf32, #tpu.memory_space<vmem>>
      %dma_start3A_1918 = arith.constant 0 : i32
      %dma_start3A_1919 = tpu.memref_slice %arg7[%add3A_1914, %select_n3A_9, %dma_start3A_1918] : memref<16384x8x256xf32, #tpu.memory_space<hbm>> -> memref<1x1x256xf32, #tpu.memory_space<hbm>>
      %dma_start3A_1920 = tpu.memref_squeeze %dma_start3A_1919 : memref<1x1x256xf32, #tpu.memory_space<hbm>> -> memref<256xf32, #tpu.memory_space<hbm>>
      %dma_start3A_1921 = arith.constant 0 : i32
      %dma_start3A_1922 = tpu.memref_slice %arg7[%add3A_1914, %select_n3A_9, %dma_start3A_1921] : memref<16384x8x256xf32, #tpu.memory_space<hbm>> -> memref<1x1x256xf32, #tpu.memory_space<hbm>>
      %dma_start3A_1923 = tpu.memref_squeeze %dma_start3A_1922 : memref<1x1x256xf32, #tpu.memory_space<hbm>> -> memref<256xf32, #tpu.memory_space<hbm>>
      %dma_start3A_1924 = arith.constant 0 : i32
      %dma_start3A_1925 = tpu.memref_slice %arg8[%squeeze3A_1913, %dma_start3A_1924] : memref<256x256xf32, #tpu.memory_space<vmem>> -> memref<1x256xf32, #tpu.memory_space<vmem>>
      %dma_start3A_1926 = tpu.memref_squeeze %dma_start3A_1925 : memref<1x256xf32, #tpu.memory_space<vmem>> -> memref<256xf32, #tpu.memory_space<vmem>>
      tpu.enqueue_dma source(%dma_start3A_1926 : memref<256xf32, #tpu.memory_space<vmem>>) target(%dma_start3A_1923 : memref<256xf32, #tpu.memory_space<hbm>>) target_semaphore(%arg11 : memref<!tpu.dma_semaphore, #tpu.memory_space<semaphore_mem>>)
      %mul3A_1927 = arith.constant 64 : i32
      %mul3A_1928 = arith.muli %add3A_1507, %mul3A_1927 : i32
      %add3A_1929 = arith.constant 16 : i32
      %add3A_1930 = arith.addi %mul3A_1928, %add3A_1929 : i32
      %add3A_1931 = arith.constant 3 : i32
      %add3A_1932 = arith.addi %add3A_1930, %add3A_1931 : i32
      %slice3A_1933 = vector.extract_strided_slice %and3A_1863 {offsets = [3], sizes = [1], strides = [1]} : vector<16xi32> to vector<1xi32>
      %squeeze3A_1934 = vector.extract %slice3A_1933[0] : i32 from vector<1xi32>
      %add3A_1935 = arith.addi %mul3A_32, %add3A_1932 : i32
      %dma_start3A_1936 = arith.constant 0 : i32
      %dma_start3A_1937 = tpu.memref_slice %arg8[%squeeze3A_1934, %dma_start3A_1936] : memref<256x256xf32, #tpu.memory_space<vmem>> -> memref<1x256xf32, #tpu.memory_space<vmem>>
      %dma_start3A_1938 = tpu.memref_squeeze %dma_start3A_1937 : memref<1x256xf32, #tpu.memory_space<vmem>> -> memref<256xf32, #tpu.memory_space<vmem>>
      %dma_start3A_1939 = arith.constant 0 : i32
      %dma_start3A_1940 = tpu.memref_slice %arg7[%add3A_1935, %select_n3A_9, %dma_start3A_1939] : memref<16384x8x256xf32, #tpu.memory_space<hbm>> -> memref<1x1x256xf32, #tpu.memory_space<hbm>>
      %dma_start3A_1941 = tpu.memref_squeeze %dma_start3A_1940 : memref<1x1x256xf32, #tpu.memory_space<hbm>> -> memref<256xf32, #tpu.memory_space<hbm>>
      %dma_start3A_1942 = arith.constant 0 : i32
      %dma_start3A_1943 = tpu.memref_slice %arg7[%add3A_1935, %select_n3A_9, %dma_start3A_1942] : memref<16384x8x256xf32, #tpu.memory_space<hbm>> -> memref<1x1x256xf32, #tpu.memory_space<hbm>>
      %dma_start3A_1944 = tpu.memref_squeeze %dma_start3A_1943 : memref<1x1x256xf32, #tpu.memory_space<hbm>> -> memref<256xf32, #tpu.memory_space<hbm>>
      %dma_start3A_1945 = arith.constant 0 : i32
      %dma_start3A_1946 = tpu.memref_slice %arg8[%squeeze3A_1934, %dma_start3A_1945] : memref<256x256xf32, #tpu.memory_space<vmem>> -> memref<1x256xf32, #tpu.memory_space<vmem>>
      %dma_start3A_1947 = tpu.memref_squeeze %dma_start3A_1946 : memref<1x256xf32, #tpu.memory_space<vmem>> -> memref<256xf32, #tpu.memory_space<vmem>>
      tpu.enqueue_dma source(%dma_start3A_1947 : memref<256xf32, #tpu.memory_space<vmem>>) target(%dma_start3A_1944 : memref<256xf32, #tpu.memory_space<hbm>>) target_semaphore(%arg11 : memref<!tpu.dma_semaphore, #tpu.memory_space<semaphore_mem>>)
      %mul3A_1948 = arith.constant 64 : i32
      %mul3A_1949 = arith.muli %add3A_1507, %mul3A_1948 : i32
      %add3A_1950 = arith.constant 16 : i32
      %add3A_1951 = arith.addi %mul3A_1949, %add3A_1950 : i32
      %add3A_1952 = arith.constant 4 : i32
      %add3A_1953 = arith.addi %add3A_1951, %add3A_1952 : i32
      %slice3A_1954 = vector.extract_strided_slice %and3A_1863 {offsets = [4], sizes = [1], strides = [1]} : vector<16xi32> to vector<1xi32>
      %squeeze3A_1955 = vector.extract %slice3A_1954[0] : i32 from vector<1xi32>
      %add3A_1956 = arith.addi %mul3A_32, %add3A_1953 : i32
      %dma_start3A_1957 = arith.constant 0 : i32
      %dma_start3A_1958 = tpu.memref_slice %arg8[%squeeze3A_1955, %dma_start3A_1957] : memref<256x256xf32, #tpu.memory_space<vmem>> -> memref<1x256xf32, #tpu.memory_space<vmem>>
      %dma_start3A_1959 = tpu.memref_squeeze %dma_start3A_1958 : memref<1x256xf32, #tpu.memory_space<vmem>> -> memref<256xf32, #tpu.memory_space<vmem>>
      %dma_start3A_1960 = arith.constant 0 : i32
      %dma_start3A_1961 = tpu.memref_slice %arg7[%add3A_1956, %select_n3A_9, %dma_start3A_1960] : memref<16384x8x256xf32, #tpu.memory_space<hbm>> -> memref<1x1x256xf32, #tpu.memory_space<hbm>>
      %dma_start3A_1962 = tpu.memref_squeeze %dma_start3A_1961 : memref<1x1x256xf32, #tpu.memory_space<hbm>> -> memref<256xf32, #tpu.memory_space<hbm>>
      %dma_start3A_1963 = arith.constant 0 : i32
      %dma_start3A_1964 = tpu.memref_slice %arg7[%add3A_1956, %select_n3A_9, %dma_start3A_1963] : memref<16384x8x256xf32, #tpu.memory_space<hbm>> -> memref<1x1x256xf32, #tpu.memory_space<hbm>>
      %dma_start3A_1965 = tpu.memref_squeeze %dma_start3A_1964 : memref<1x1x256xf32, #tpu.memory_space<hbm>> -> memref<256xf32, #tpu.memory_space<hbm>>
      %dma_start3A_1966 = arith.constant 0 : i32
      %dma_start3A_1967 = tpu.memref_slice %arg8[%squeeze3A_1955, %dma_start3A_1966] : memref<256x256xf32, #tpu.memory_space<vmem>> -> memref<1x256xf32, #tpu.memory_space<vmem>>
      %dma_start3A_1968 = tpu.memref_squeeze %dma_start3A_1967 : memref<1x256xf32, #tpu.memory_space<vmem>> -> memref<256xf32, #tpu.memory_space<vmem>>
      tpu.enqueue_dma source(%dma_start3A_1968 : memref<256xf32, #tpu.memory_space<vmem>>) target(%dma_start3A_1965 : memref<256xf32, #tpu.memory_space<hbm>>) target_semaphore(%arg11 : memref<!tpu.dma_semaphore, #tpu.memory_space<semaphore_mem>>)
      %mul3A_1969 = arith.constant 64 : i32
      %mul3A_1970 = arith.muli %add3A_1507, %mul3A_1969 : i32
      %add3A_1971 = arith.constant 16 : i32
      %add3A_1972 = arith.addi %mul3A_1970, %add3A_1971 : i32
      %add3A_1973 = arith.constant 5 : i32
      %add3A_1974 = arith.addi %add3A_1972, %add3A_1973 : i32
      %slice3A_1975 = vector.extract_strided_slice %and3A_1863 {offsets = [5], sizes = [1], strides = [1]} : vector<16xi32> to vector<1xi32>
      %squeeze3A_1976 = vector.extract %slice3A_1975[0] : i32 from vector<1xi32>
      %add3A_1977 = arith.addi %mul3A_32, %add3A_1974 : i32
      %dma_start3A_1978 = arith.constant 0 : i32
      %dma_start3A_1979 = tpu.memref_slice %arg8[%squeeze3A_1976, %dma_start3A_1978] : memref<256x256xf32, #tpu.memory_space<vmem>> -> memref<1x256xf32, #tpu.memory_space<vmem>>
      %dma_start3A_1980 = tpu.memref_squeeze %dma_start3A_1979 : memref<1x256xf32, #tpu.memory_space<vmem>> -> memref<256xf32, #tpu.memory_space<vmem>>
      %dma_start3A_1981 = arith.constant 0 : i32
      %dma_start3A_1982 = tpu.memref_slice %arg7[%add3A_1977, %select_n3A_9, %dma_start3A_1981] : memref<16384x8x256xf32, #tpu.memory_space<hbm>> -> memref<1x1x256xf32, #tpu.memory_space<hbm>>
      %dma_start3A_1983 = tpu.memref_squeeze %dma_start3A_1982 : memref<1x1x256xf32, #tpu.memory_space<hbm>> -> memref<256xf32, #tpu.memory_space<hbm>>
      %dma_start3A_1984 = arith.constant 0 : i32
      %dma_start3A_1985 = tpu.memref_slice %arg7[%add3A_1977, %select_n3A_9, %dma_start3A_1984] : memref<16384x8x256xf32, #tpu.memory_space<hbm>> -> memref<1x1x256xf32, #tpu.memory_space<hbm>>
      %dma_start3A_1986 = tpu.memref_squeeze %dma_start3A_1985 : memref<1x1x256xf32, #tpu.memory_space<hbm>> -> memref<256xf32, #tpu.memory_space<hbm>>
      %dma_start3A_1987 = arith.constant 0 : i32
      %dma_start3A_1988 = tpu.memref_slice %arg8[%squeeze3A_1976, %dma_start3A_1987] : memref<256x256xf32, #tpu.memory_space<vmem>> -> memref<1x256xf32, #tpu.memory_space<vmem>>
      %dma_start3A_1989 = tpu.memref_squeeze %dma_start3A_1988 : memref<1x256xf32, #tpu.memory_space<vmem>> -> memref<256xf32, #tpu.memory_space<vmem>>
      tpu.enqueue_dma source(%dma_start3A_1989 : memref<256xf32, #tpu.memory_space<vmem>>) target(%dma_start3A_1986 : memref<256xf32, #tpu.memory_space<hbm>>) target_semaphore(%arg11 : memref<!tpu.dma_semaphore, #tpu.memory_space<semaphore_mem>>)
      %mul3A_1990 = arith.constant 64 : i32
      %mul3A_1991 = arith.muli %add3A_1507, %mul3A_1990 : i32
      %add3A_1992 = arith.constant 16 : i32
      %add3A_1993 = arith.addi %mul3A_1991, %add3A_1992 : i32
      %add3A_1994 = arith.constant 6 : i32
      %add3A_1995 = arith.addi %add3A_1993, %add3A_1994 : i32
      %slice3A_1996 = vector.extract_strided_slice %and3A_1863 {offsets = [6], sizes = [1], strides = [1]} : vector<16xi32> to vector<1xi32>
      %squeeze3A_1997 = vector.extract %slice3A_1996[0] : i32 from vector<1xi32>
      %add3A_1998 = arith.addi %mul3A_32, %add3A_1995 : i32
      %dma_start3A_1999 = arith.constant 0 : i32
      %dma_start3A_2000 = tpu.memref_slice %arg8[%squeeze3A_1997, %dma_start3A_1999] : memref<256x256xf32, #tpu.memory_space<vmem>> -> memref<1x256xf32, #tpu.memory_space<vmem>>
      %dma_start3A_2001 = tpu.memref_squeeze %dma_start3A_2000 : memref<1x256xf32, #tpu.memory_space<vmem>> -> memref<256xf32, #tpu.memory_space<vmem>>
      %dma_start3A_2002 = arith.constant 0 : i32
      %dma_start3A_2003 = tpu.memref_slice %arg7[%add3A_1998, %select_n3A_9, %dma_start3A_2002] : memref<16384x8x256xf32, #tpu.memory_space<hbm>> -> memref<1x1x256xf32, #tpu.memory_space<hbm>>
      %dma_start3A_2004 = tpu.memref_squeeze %dma_start3A_2003 : memref<1x1x256xf32, #tpu.memory_space<hbm>> -> memref<256xf32, #tpu.memory_space<hbm>>
      %dma_start3A_2005 = arith.constant 0 : i32
      %dma_start3A_2006 = tpu.memref_slice %arg7[%add3A_1998, %select_n3A_9, %dma_start3A_2005] : memref<16384x8x256xf32, #tpu.memory_space<hbm>> -> memref<1x1x256xf32, #tpu.memory_space<hbm>>
      %dma_start3A_2007 = tpu.memref_squeeze %dma_start3A_2006 : memref<1x1x256xf32, #tpu.memory_space<hbm>> -> memref<256xf32, #tpu.memory_space<hbm>>
      %dma_start3A_2008 = arith.constant 0 : i32
      %dma_start3A_2009 = tpu.memref_slice %arg8[%squeeze3A_1997, %dma_start3A_2008] : memref<256x256xf32, #tpu.memory_space<vmem>> -> memref<1x256xf32, #tpu.memory_space<vmem>>
      %dma_start3A_2010 = tpu.memref_squeeze %dma_start3A_2009 : memref<1x256xf32, #tpu.memory_space<vmem>> -> memref<256xf32, #tpu.memory_space<vmem>>
      tpu.enqueue_dma source(%dma_start3A_2010 : memref<256xf32, #tpu.memory_space<vmem>>) target(%dma_start3A_2007 : memref<256xf32, #tpu.memory_space<hbm>>) target_semaphore(%arg11 : memref<!tpu.dma_semaphore, #tpu.memory_space<semaphore_mem>>)
      %mul3A_2011 = arith.constant 64 : i32
      %mul3A_2012 = arith.muli %add3A_1507, %mul3A_2011 : i32
      %add3A_2013 = arith.constant 16 : i32
      %add3A_2014 = arith.addi %mul3A_2012, %add3A_2013 : i32
      %add3A_2015 = arith.constant 7 : i32
      %add3A_2016 = arith.addi %add3A_2014, %add3A_2015 : i32
      %slice3A_2017 = vector.extract_strided_slice %and3A_1863 {offsets = [7], sizes = [1], strides = [1]} : vector<16xi32> to vector<1xi32>
      %squeeze3A_2018 = vector.extract %slice3A_2017[0] : i32 from vector<1xi32>
      %add3A_2019 = arith.addi %mul3A_32, %add3A_2016 : i32
      %dma_start3A_2020 = arith.constant 0 : i32
      %dma_start3A_2021 = tpu.memref_slice %arg8[%squeeze3A_2018, %dma_start3A_2020] : memref<256x256xf32, #tpu.memory_space<vmem>> -> memref<1x256xf32, #tpu.memory_space<vmem>>
      %dma_start3A_2022 = tpu.memref_squeeze %dma_start3A_2021 : memref<1x256xf32, #tpu.memory_space<vmem>> -> memref<256xf32, #tpu.memory_space<vmem>>
      %dma_start3A_2023 = arith.constant 0 : i32
      %dma_start3A_2024 = tpu.memref_slice %arg7[%add3A_2019, %select_n3A_9, %dma_start3A_2023] : memref<16384x8x256xf32, #tpu.memory_space<hbm>> -> memref<1x1x256xf32, #tpu.memory_space<hbm>>
      %dma_start3A_2025 = tpu.memref_squeeze %dma_start3A_2024 : memref<1x1x256xf32, #tpu.memory_space<hbm>> -> memref<256xf32, #tpu.memory_space<hbm>>
      %dma_start3A_2026 = arith.constant 0 : i32
      %dma_start3A_2027 = tpu.memref_slice %arg7[%add3A_2019, %select_n3A_9, %dma_start3A_2026] : memref<16384x8x256xf32, #tpu.memory_space<hbm>> -> memref<1x1x256xf32, #tpu.memory_space<hbm>>
      %dma_start3A_2028 = tpu.memref_squeeze %dma_start3A_2027 : memref<1x1x256xf32, #tpu.memory_space<hbm>> -> memref<256xf32, #tpu.memory_space<hbm>>
      %dma_start3A_2029 = arith.constant 0 : i32
      %dma_start3A_2030 = tpu.memref_slice %arg8[%squeeze3A_2018, %dma_start3A_2029] : memref<256x256xf32, #tpu.memory_space<vmem>> -> memref<1x256xf32, #tpu.memory_space<vmem>>
      %dma_start3A_2031 = tpu.memref_squeeze %dma_start3A_2030 : memref<1x256xf32, #tpu.memory_space<vmem>> -> memref<256xf32, #tpu.memory_space<vmem>>
      tpu.enqueue_dma source(%dma_start3A_2031 : memref<256xf32, #tpu.memory_space<vmem>>) target(%dma_start3A_2028 : memref<256xf32, #tpu.memory_space<hbm>>) target_semaphore(%arg11 : memref<!tpu.dma_semaphore, #tpu.memory_space<semaphore_mem>>)
      %mul3A_2032 = arith.constant 64 : i32
      %mul3A_2033 = arith.muli %add3A_1507, %mul3A_2032 : i32
      %add3A_2034 = arith.constant 16 : i32
      %add3A_2035 = arith.addi %mul3A_2033, %add3A_2034 : i32
      %add3A_2036 = arith.constant 8 : i32
      %add3A_2037 = arith.addi %add3A_2035, %add3A_2036 : i32
      %slice3A_2038 = vector.extract_strided_slice %and3A_1863 {offsets = [8], sizes = [1], strides = [1]} : vector<16xi32> to vector<1xi32>
      %squeeze3A_2039 = vector.extract %slice3A_2038[0] : i32 from vector<1xi32>
      %add3A_2040 = arith.addi %mul3A_32, %add3A_2037 : i32
      %dma_start3A_2041 = arith.constant 0 : i32
      %dma_start3A_2042 = tpu.memref_slice %arg8[%squeeze3A_2039, %dma_start3A_2041] : memref<256x256xf32, #tpu.memory_space<vmem>> -> memref<1x256xf32, #tpu.memory_space<vmem>>
      %dma_start3A_2043 = tpu.memref_squeeze %dma_start3A_2042 : memref<1x256xf32, #tpu.memory_space<vmem>> -> memref<256xf32, #tpu.memory_space<vmem>>
      %dma_start3A_2044 = arith.constant 0 : i32
      %dma_start3A_2045 = tpu.memref_slice %arg7[%add3A_2040, %select_n3A_9, %dma_start3A_2044] : memref<16384x8x256xf32, #tpu.memory_space<hbm>> -> memref<1x1x256xf32, #tpu.memory_space<hbm>>
      %dma_start3A_2046 = tpu.memref_squeeze %dma_start3A_2045 : memref<1x1x256xf32, #tpu.memory_space<hbm>> -> memref<256xf32, #tpu.memory_space<hbm>>
      %dma_start3A_2047 = arith.constant 0 : i32
      %dma_start3A_2048 = tpu.memref_slice %arg7[%add3A_2040, %select_n3A_9, %dma_start3A_2047] : memref<16384x8x256xf32, #tpu.memory_space<hbm>> -> memref<1x1x256xf32, #tpu.memory_space<hbm>>
      %dma_start3A_2049 = tpu.memref_squeeze %dma_start3A_2048 : memref<1x1x256xf32, #tpu.memory_space<hbm>> -> memref<256xf32, #tpu.memory_space<hbm>>
      %dma_start3A_2050 = arith.constant 0 : i32
      %dma_start3A_2051 = tpu.memref_slice %arg8[%squeeze3A_2039, %dma_start3A_2050] : memref<256x256xf32, #tpu.memory_space<vmem>> -> memref<1x256xf32, #tpu.memory_space<vmem>>
      %dma_start3A_2052 = tpu.memref_squeeze %dma_start3A_2051 : memref<1x256xf32, #tpu.memory_space<vmem>> -> memref<256xf32, #tpu.memory_space<vmem>>
      tpu.enqueue_dma source(%dma_start3A_2052 : memref<256xf32, #tpu.memory_space<vmem>>) target(%dma_start3A_2049 : memref<256xf32, #tpu.memory_space<hbm>>) target_semaphore(%arg11 : memref<!tpu.dma_semaphore, #tpu.memory_space<semaphore_mem>>)
      %mul3A_2053 = arith.constant 64 : i32
      %mul3A_2054 = arith.muli %add3A_1507, %mul3A_2053 : i32
      %add3A_2055 = arith.constant 16 : i32
      %add3A_2056 = arith.addi %mul3A_2054, %add3A_2055 : i32
      %add3A_2057 = arith.constant 9 : i32
      %add3A_2058 = arith.addi %add3A_2056, %add3A_2057 : i32
      %slice3A_2059 = vector.extract_strided_slice %and3A_1863 {offsets = [9], sizes = [1], strides = [1]} : vector<16xi32> to vector<1xi32>
      %squeeze3A_2060 = vector.extract %slice3A_2059[0] : i32 from vector<1xi32>
      %add3A_2061 = arith.addi %mul3A_32, %add3A_2058 : i32
      %dma_start3A_2062 = arith.constant 0 : i32
      %dma_start3A_2063 = tpu.memref_slice %arg8[%squeeze3A_2060, %dma_start3A_2062] : memref<256x256xf32, #tpu.memory_space<vmem>> -> memref<1x256xf32, #tpu.memory_space<vmem>>
      %dma_start3A_2064 = tpu.memref_squeeze %dma_start3A_2063 : memref<1x256xf32, #tpu.memory_space<vmem>> -> memref<256xf32, #tpu.memory_space<vmem>>
      %dma_start3A_2065 = arith.constant 0 : i32
      %dma_start3A_2066 = tpu.memref_slice %arg7[%add3A_2061, %select_n3A_9, %dma_start3A_2065] : memref<16384x8x256xf32, #tpu.memory_space<hbm>> -> memref<1x1x256xf32, #tpu.memory_space<hbm>>
      %dma_start3A_2067 = tpu.memref_squeeze %dma_start3A_2066 : memref<1x1x256xf32, #tpu.memory_space<hbm>> -> memref<256xf32, #tpu.memory_space<hbm>>
      %dma_start3A_2068 = arith.constant 0 : i32
      %dma_start3A_2069 = tpu.memref_slice %arg7[%add3A_2061, %select_n3A_9, %dma_start3A_2068] : memref<16384x8x256xf32, #tpu.memory_space<hbm>> -> memref<1x1x256xf32, #tpu.memory_space<hbm>>
      %dma_start3A_2070 = tpu.memref_squeeze %dma_start3A_2069 : memref<1x1x256xf32, #tpu.memory_space<hbm>> -> memref<256xf32, #tpu.memory_space<hbm>>
      %dma_start3A_2071 = arith.constant 0 : i32
      %dma_start3A_2072 = tpu.memref_slice %arg8[%squeeze3A_2060, %dma_start3A_2071] : memref<256x256xf32, #tpu.memory_space<vmem>> -> memref<1x256xf32, #tpu.memory_space<vmem>>
      %dma_start3A_2073 = tpu.memref_squeeze %dma_start3A_2072 : memref<1x256xf32, #tpu.memory_space<vmem>> -> memref<256xf32, #tpu.memory_space<vmem>>
      tpu.enqueue_dma source(%dma_start3A_2073 : memref<256xf32, #tpu.memory_space<vmem>>) target(%dma_start3A_2070 : memref<256xf32, #tpu.memory_space<hbm>>) target_semaphore(%arg11 : memref<!tpu.dma_semaphore, #tpu.memory_space<semaphore_mem>>)
      %mul3A_2074 = arith.constant 64 : i32
      %mul3A_2075 = arith.muli %add3A_1507, %mul3A_2074 : i32
      %add3A_2076 = arith.constant 16 : i32
      %add3A_2077 = arith.addi %mul3A_2075, %add3A_2076 : i32
      %add3A_2078 = arith.constant 10 : i32
      %add3A_2079 = arith.addi %add3A_2077, %add3A_2078 : i32
      %slice3A_2080 = vector.extract_strided_slice %and3A_1863 {offsets = [10], sizes = [1], strides = [1]} : vector<16xi32> to vector<1xi32>
      %squeeze3A_2081 = vector.extract %slice3A_2080[0] : i32 from vector<1xi32>
      %add3A_2082 = arith.addi %mul3A_32, %add3A_2079 : i32
      %dma_start3A_2083 = arith.constant 0 : i32
      %dma_start3A_2084 = tpu.memref_slice %arg8[%squeeze3A_2081, %dma_start3A_2083] : memref<256x256xf32, #tpu.memory_space<vmem>> -> memref<1x256xf32, #tpu.memory_space<vmem>>
      %dma_start3A_2085 = tpu.memref_squeeze %dma_start3A_2084 : memref<1x256xf32, #tpu.memory_space<vmem>> -> memref<256xf32, #tpu.memory_space<vmem>>
      %dma_start3A_2086 = arith.constant 0 : i32
      %dma_start3A_2087 = tpu.memref_slice %arg7[%add3A_2082, %select_n3A_9, %dma_start3A_2086] : memref<16384x8x256xf32, #tpu.memory_space<hbm>> -> memref<1x1x256xf32, #tpu.memory_space<hbm>>
      %dma_start3A_2088 = tpu.memref_squeeze %dma_start3A_2087 : memref<1x1x256xf32, #tpu.memory_space<hbm>> -> memref<256xf32, #tpu.memory_space<hbm>>
      %dma_start3A_2089 = arith.constant 0 : i32
      %dma_start3A_2090 = tpu.memref_slice %arg7[%add3A_2082, %select_n3A_9, %dma_start3A_2089] : memref<16384x8x256xf32, #tpu.memory_space<hbm>> -> memref<1x1x256xf32, #tpu.memory_space<hbm>>
      %dma_start3A_2091 = tpu.memref_squeeze %dma_start3A_2090 : memref<1x1x256xf32, #tpu.memory_space<hbm>> -> memref<256xf32, #tpu.memory_space<hbm>>
      %dma_start3A_2092 = arith.constant 0 : i32
      %dma_start3A_2093 = tpu.memref_slice %arg8[%squeeze3A_2081, %dma_start3A_2092] : memref<256x256xf32, #tpu.memory_space<vmem>> -> memref<1x256xf32, #tpu.memory_space<vmem>>
      %dma_start3A_2094 = tpu.memref_squeeze %dma_start3A_2093 : memref<1x256xf32, #tpu.memory_space<vmem>> -> memref<256xf32, #tpu.memory_space<vmem>>
      tpu.enqueue_dma source(%dma_start3A_2094 : memref<256xf32, #tpu.memory_space<vmem>>) target(%dma_start3A_2091 : memref<256xf32, #tpu.memory_space<hbm>>) target_semaphore(%arg11 : memref<!tpu.dma_semaphore, #tpu.memory_space<semaphore_mem>>)
      %mul3A_2095 = arith.constant 64 : i32
      %mul3A_2096 = arith.muli %add3A_1507, %mul3A_2095 : i32
      %add3A_2097 = arith.constant 16 : i32
      %add3A_2098 = arith.addi %mul3A_2096, %add3A_2097 : i32
      %add3A_2099 = arith.constant 11 : i32
      %add3A_2100 = arith.addi %add3A_2098, %add3A_2099 : i32
      %slice3A_2101 = vector.extract_strided_slice %and3A_1863 {offsets = [11], sizes = [1], strides = [1]} : vector<16xi32> to vector<1xi32>
      %squeeze3A_2102 = vector.extract %slice3A_2101[0] : i32 from vector<1xi32>
      %add3A_2103 = arith.addi %mul3A_32, %add3A_2100 : i32
      %dma_start3A_2104 = arith.constant 0 : i32
      %dma_start3A_2105 = tpu.memref_slice %arg8[%squeeze3A_2102, %dma_start3A_2104] : memref<256x256xf32, #tpu.memory_space<vmem>> -> memref<1x256xf32, #tpu.memory_space<vmem>>
      %dma_start3A_2106 = tpu.memref_squeeze %dma_start3A_2105 : memref<1x256xf32, #tpu.memory_space<vmem>> -> memref<256xf32, #tpu.memory_space<vmem>>
      %dma_start3A_2107 = arith.constant 0 : i32
      %dma_start3A_2108 = tpu.memref_slice %arg7[%add3A_2103, %select_n3A_9, %dma_start3A_2107] : memref<16384x8x256xf32, #tpu.memory_space<hbm>> -> memref<1x1x256xf32, #tpu.memory_space<hbm>>
      %dma_start3A_2109 = tpu.memref_squeeze %dma_start3A_2108 : memref<1x1x256xf32, #tpu.memory_space<hbm>> -> memref<256xf32, #tpu.memory_space<hbm>>
      %dma_start3A_2110 = arith.constant 0 : i32
      %dma_start3A_2111 = tpu.memref_slice %arg7[%add3A_2103, %select_n3A_9, %dma_start3A_2110] : memref<16384x8x256xf32, #tpu.memory_space<hbm>> -> memref<1x1x256xf32, #tpu.memory_space<hbm>>
      %dma_start3A_2112 = tpu.memref_squeeze %dma_start3A_2111 : memref<1x1x256xf32, #tpu.memory_space<hbm>> -> memref<256xf32, #tpu.memory_space<hbm>>
      %dma_start3A_2113 = arith.constant 0 : i32
      %dma_start3A_2114 = tpu.memref_slice %arg8[%squeeze3A_2102, %dma_start3A_2113] : memref<256x256xf32, #tpu.memory_space<vmem>> -> memref<1x256xf32, #tpu.memory_space<vmem>>
      %dma_start3A_2115 = tpu.memref_squeeze %dma_start3A_2114 : memref<1x256xf32, #tpu.memory_space<vmem>> -> memref<256xf32, #tpu.memory_space<vmem>>
      tpu.enqueue_dma source(%dma_start3A_2115 : memref<256xf32, #tpu.memory_space<vmem>>) target(%dma_start3A_2112 : memref<256xf32, #tpu.memory_space<hbm>>) target_semaphore(%arg11 : memref<!tpu.dma_semaphore, #tpu.memory_space<semaphore_mem>>)
      %mul3A_2116 = arith.constant 64 : i32
      %mul3A_2117 = arith.muli %add3A_1507, %mul3A_2116 : i32
      %add3A_2118 = arith.constant 16 : i32
      %add3A_2119 = arith.addi %mul3A_2117, %add3A_2118 : i32
      %add3A_2120 = arith.constant 12 : i32
      %add3A_2121 = arith.addi %add3A_2119, %add3A_2120 : i32
      %slice3A_2122 = vector.extract_strided_slice %and3A_1863 {offsets = [12], sizes = [1], strides = [1]} : vector<16xi32> to vector<1xi32>
      %squeeze3A_2123 = vector.extract %slice3A_2122[0] : i32 from vector<1xi32>
      %add3A_2124 = arith.addi %mul3A_32, %add3A_2121 : i32
      %dma_start3A_2125 = arith.constant 0 : i32
      %dma_start3A_2126 = tpu.memref_slice %arg8[%squeeze3A_2123, %dma_start3A_2125] : memref<256x256xf32, #tpu.memory_space<vmem>> -> memref<1x256xf32, #tpu.memory_space<vmem>>
      %dma_start3A_2127 = tpu.memref_squeeze %dma_start3A_2126 : memref<1x256xf32, #tpu.memory_space<vmem>> -> memref<256xf32, #tpu.memory_space<vmem>>
      %dma_start3A_2128 = arith.constant 0 : i32
      %dma_start3A_2129 = tpu.memref_slice %arg7[%add3A_2124, %select_n3A_9, %dma_start3A_2128] : memref<16384x8x256xf32, #tpu.memory_space<hbm>> -> memref<1x1x256xf32, #tpu.memory_space<hbm>>
      %dma_start3A_2130 = tpu.memref_squeeze %dma_start3A_2129 : memref<1x1x256xf32, #tpu.memory_space<hbm>> -> memref<256xf32, #tpu.memory_space<hbm>>
      %dma_start3A_2131 = arith.constant 0 : i32
      %dma_start3A_2132 = tpu.memref_slice %arg7[%add3A_2124, %select_n3A_9, %dma_start3A_2131] : memref<16384x8x256xf32, #tpu.memory_space<hbm>> -> memref<1x1x256xf32, #tpu.memory_space<hbm>>
      %dma_start3A_2133 = tpu.memref_squeeze %dma_start3A_2132 : memref<1x1x256xf32, #tpu.memory_space<hbm>> -> memref<256xf32, #tpu.memory_space<hbm>>
      %dma_start3A_2134 = arith.constant 0 : i32
      %dma_start3A_2135 = tpu.memref_slice %arg8[%squeeze3A_2123, %dma_start3A_2134] : memref<256x256xf32, #tpu.memory_space<vmem>> -> memref<1x256xf32, #tpu.memory_space<vmem>>
      %dma_start3A_2136 = tpu.memref_squeeze %dma_start3A_2135 : memref<1x256xf32, #tpu.memory_space<vmem>> -> memref<256xf32, #tpu.memory_space<vmem>>
      tpu.enqueue_dma source(%dma_start3A_2136 : memref<256xf32, #tpu.memory_space<vmem>>) target(%dma_start3A_2133 : memref<256xf32, #tpu.memory_space<hbm>>) target_semaphore(%arg11 : memref<!tpu.dma_semaphore, #tpu.memory_space<semaphore_mem>>)
      %mul3A_2137 = arith.constant 64 : i32
      %mul3A_2138 = arith.muli %add3A_1507, %mul3A_2137 : i32
      %add3A_2139 = arith.constant 16 : i32
      %add3A_2140 = arith.addi %mul3A_2138, %add3A_2139 : i32
      %add3A_2141 = arith.constant 13 : i32
      %add3A_2142 = arith.addi %add3A_2140, %add3A_2141 : i32
      %slice3A_2143 = vector.extract_strided_slice %and3A_1863 {offsets = [13], sizes = [1], strides = [1]} : vector<16xi32> to vector<1xi32>
      %squeeze3A_2144 = vector.extract %slice3A_2143[0] : i32 from vector<1xi32>
      %add3A_2145 = arith.addi %mul3A_32, %add3A_2142 : i32
      %dma_start3A_2146 = arith.constant 0 : i32
      %dma_start3A_2147 = tpu.memref_slice %arg8[%squeeze3A_2144, %dma_start3A_2146] : memref<256x256xf32, #tpu.memory_space<vmem>> -> memref<1x256xf32, #tpu.memory_space<vmem>>
      %dma_start3A_2148 = tpu.memref_squeeze %dma_start3A_2147 : memref<1x256xf32, #tpu.memory_space<vmem>> -> memref<256xf32, #tpu.memory_space<vmem>>
      %dma_start3A_2149 = arith.constant 0 : i32
      %dma_start3A_2150 = tpu.memref_slice %arg7[%add3A_2145, %select_n3A_9, %dma_start3A_2149] : memref<16384x8x256xf32, #tpu.memory_space<hbm>> -> memref<1x1x256xf32, #tpu.memory_space<hbm>>
      %dma_start3A_2151 = tpu.memref_squeeze %dma_start3A_2150 : memref<1x1x256xf32, #tpu.memory_space<hbm>> -> memref<256xf32, #tpu.memory_space<hbm>>
      %dma_start3A_2152 = arith.constant 0 : i32
      %dma_start3A_2153 = tpu.memref_slice %arg7[%add3A_2145, %select_n3A_9, %dma_start3A_2152] : memref<16384x8x256xf32, #tpu.memory_space<hbm>> -> memref<1x1x256xf32, #tpu.memory_space<hbm>>
      %dma_start3A_2154 = tpu.memref_squeeze %dma_start3A_2153 : memref<1x1x256xf32, #tpu.memory_space<hbm>> -> memref<256xf32, #tpu.memory_space<hbm>>
      %dma_start3A_2155 = arith.constant 0 : i32
      %dma_start3A_2156 = tpu.memref_slice %arg8[%squeeze3A_2144, %dma_start3A_2155] : memref<256x256xf32, #tpu.memory_space<vmem>> -> memref<1x256xf32, #tpu.memory_space<vmem>>
      %dma_start3A_2157 = tpu.memref_squeeze %dma_start3A_2156 : memref<1x256xf32, #tpu.memory_space<vmem>> -> memref<256xf32, #tpu.memory_space<vmem>>
      tpu.enqueue_dma source(%dma_start3A_2157 : memref<256xf32, #tpu.memory_space<vmem>>) target(%dma_start3A_2154 : memref<256xf32, #tpu.memory_space<hbm>>) target_semaphore(%arg11 : memref<!tpu.dma_semaphore, #tpu.memory_space<semaphore_mem>>)
      %mul3A_2158 = arith.constant 64 : i32
      %mul3A_2159 = arith.muli %add3A_1507, %mul3A_2158 : i32
      %add3A_2160 = arith.constant 16 : i32
      %add3A_2161 = arith.addi %mul3A_2159, %add3A_2160 : i32
      %add3A_2162 = arith.constant 14 : i32
      %add3A_2163 = arith.addi %add3A_2161, %add3A_2162 : i32
      %slice3A_2164 = vector.extract_strided_slice %and3A_1863 {offsets = [14], sizes = [1], strides = [1]} : vector<16xi32> to vector<1xi32>
      %squeeze3A_2165 = vector.extract %slice3A_2164[0] : i32 from vector<1xi32>
      %add3A_2166 = arith.addi %mul3A_32, %add3A_2163 : i32
      %dma_start3A_2167 = arith.constant 0 : i32
      %dma_start3A_2168 = tpu.memref_slice %arg8[%squeeze3A_2165, %dma_start3A_2167] : memref<256x256xf32, #tpu.memory_space<vmem>> -> memref<1x256xf32, #tpu.memory_space<vmem>>
      %dma_start3A_2169 = tpu.memref_squeeze %dma_start3A_2168 : memref<1x256xf32, #tpu.memory_space<vmem>> -> memref<256xf32, #tpu.memory_space<vmem>>
      %dma_start3A_2170 = arith.constant 0 : i32
      %dma_start3A_2171 = tpu.memref_slice %arg7[%add3A_2166, %select_n3A_9, %dma_start3A_2170] : memref<16384x8x256xf32, #tpu.memory_space<hbm>> -> memref<1x1x256xf32, #tpu.memory_space<hbm>>
      %dma_start3A_2172 = tpu.memref_squeeze %dma_start3A_2171 : memref<1x1x256xf32, #tpu.memory_space<hbm>> -> memref<256xf32, #tpu.memory_space<hbm>>
      %dma_start3A_2173 = arith.constant 0 : i32
      %dma_start3A_2174 = tpu.memref_slice %arg7[%add3A_2166, %select_n3A_9, %dma_start3A_2173] : memref<16384x8x256xf32, #tpu.memory_space<hbm>> -> memref<1x1x256xf32, #tpu.memory_space<hbm>>
      %dma_start3A_2175 = tpu.memref_squeeze %dma_start3A_2174 : memref<1x1x256xf32, #tpu.memory_space<hbm>> -> memref<256xf32, #tpu.memory_space<hbm>>
      %dma_start3A_2176 = arith.constant 0 : i32
      %dma_start3A_2177 = tpu.memref_slice %arg8[%squeeze3A_2165, %dma_start3A_2176] : memref<256x256xf32, #tpu.memory_space<vmem>> -> memref<1x256xf32, #tpu.memory_space<vmem>>
      %dma_start3A_2178 = tpu.memref_squeeze %dma_start3A_2177 : memref<1x256xf32, #tpu.memory_space<vmem>> -> memref<256xf32, #tpu.memory_space<vmem>>
      tpu.enqueue_dma source(%dma_start3A_2178 : memref<256xf32, #tpu.memory_space<vmem>>) target(%dma_start3A_2175 : memref<256xf32, #tpu.memory_space<hbm>>) target_semaphore(%arg11 : memref<!tpu.dma_semaphore, #tpu.memory_space<semaphore_mem>>)
      %mul3A_2179 = arith.constant 64 : i32
      %mul3A_2180 = arith.muli %add3A_1507, %mul3A_2179 : i32
      %add3A_2181 = arith.constant 16 : i32
      %add3A_2182 = arith.addi %mul3A_2180, %add3A_2181 : i32
      %add3A_2183 = arith.constant 15 : i32
      %add3A_2184 = arith.addi %add3A_2182, %add3A_2183 : i32
      %slice3A_2185 = vector.extract_strided_slice %and3A_1863 {offsets = [15], sizes = [1], strides = [1]} : vector<16xi32> to vector<1xi32>
      %squeeze3A_2186 = vector.extract %slice3A_2185[0] : i32 from vector<1xi32>
      %add3A_2187 = arith.addi %mul3A_32, %add3A_2184 : i32
      %dma_start3A_2188 = arith.constant 0 : i32
      %dma_start3A_2189 = tpu.memref_slice %arg8[%squeeze3A_2186, %dma_start3A_2188] : memref<256x256xf32, #tpu.memory_space<vmem>> -> memref<1x256xf32, #tpu.memory_space<vmem>>
      %dma_start3A_2190 = tpu.memref_squeeze %dma_start3A_2189 : memref<1x256xf32, #tpu.memory_space<vmem>> -> memref<256xf32, #tpu.memory_space<vmem>>
      %dma_start3A_2191 = arith.constant 0 : i32
      %dma_start3A_2192 = tpu.memref_slice %arg7[%add3A_2187, %select_n3A_9, %dma_start3A_2191] : memref<16384x8x256xf32, #tpu.memory_space<hbm>> -> memref<1x1x256xf32, #tpu.memory_space<hbm>>
      %dma_start3A_2193 = tpu.memref_squeeze %dma_start3A_2192 : memref<1x1x256xf32, #tpu.memory_space<hbm>> -> memref<256xf32, #tpu.memory_space<hbm>>
      %dma_start3A_2194 = arith.constant 0 : i32
      %dma_start3A_2195 = tpu.memref_slice %arg7[%add3A_2187, %select_n3A_9, %dma_start3A_2194] : memref<16384x8x256xf32, #tpu.memory_space<hbm>> -> memref<1x1x256xf32, #tpu.memory_space<hbm>>
      %dma_start3A_2196 = tpu.memref_squeeze %dma_start3A_2195 : memref<1x1x256xf32, #tpu.memory_space<hbm>> -> memref<256xf32, #tpu.memory_space<hbm>>
      %dma_start3A_2197 = arith.constant 0 : i32
      %dma_start3A_2198 = tpu.memref_slice %arg8[%squeeze3A_2186, %dma_start3A_2197] : memref<256x256xf32, #tpu.memory_space<vmem>> -> memref<1x256xf32, #tpu.memory_space<vmem>>
      %dma_start3A_2199 = tpu.memref_squeeze %dma_start3A_2198 : memref<1x256xf32, #tpu.memory_space<vmem>> -> memref<256xf32, #tpu.memory_space<vmem>>
      tpu.enqueue_dma source(%dma_start3A_2199 : memref<256xf32, #tpu.memory_space<vmem>>) target(%dma_start3A_2196 : memref<256xf32, #tpu.memory_space<hbm>>) target_semaphore(%arg11 : memref<!tpu.dma_semaphore, #tpu.memory_space<semaphore_mem>>)
      %mul3A_2200 = arith.constant 64 : i32
      %mul3A_2201 = arith.muli %add3A_1507, %mul3A_2200 : i32
      %add3A_2202 = arith.constant 32 : i32
      %add3A_2203 = arith.addi %mul3A_2201, %add3A_2202 : i32
      %get3A_2204 = arith.index_cast %add3A_2203 : i32 to index
      %get3A_2205 = tpu.vector_load %arg9[%get3A_2204] {strides = array<i32>} : memref<4096xi32, #tpu.memory_space<vmem>>, vector<16xi32>,
      %shift_right_logical3A_2206 = arith.shrui %get3A_2205, %broadcast_in_dim3A : vector<16xi32>
      %and3A_2207 = arith.constant 255 : i32
      %and3A_2208 = vector.broadcast %and3A_2207 : i32 to vector<16xi32>
      %and3A_2209 = arith.andi %shift_right_logical3A_2206, %and3A_2208 : vector<16xi32>
      %mul3A_2210 = arith.constant 64 : i32
      %mul3A_2211 = arith.muli %add3A_1507, %mul3A_2210 : i32
      %add3A_2212 = arith.constant 32 : i32
      %add3A_2213 = arith.addi %mul3A_2211, %add3A_2212 : i32
      %add3A_2214 = arith.constant 0 : i32
      %add3A_2215 = arith.addi %add3A_2213, %add3A_2214 : i32
      %slice3A_2216 = vector.extract_strided_slice %and3A_2209 {offsets = [0], sizes = [1], strides = [1]} : vector<16xi32> to vector<1xi32>
      %squeeze3A_2217 = vector.extract %slice3A_2216[0] : i32 from vector<1xi32>
      %add3A_2218 = arith.addi %mul3A_32, %add3A_2215 : i32
      %dma_start3A_2219 = arith.constant 0 : i32
      %dma_start3A_2220 = tpu.memref_slice %arg8[%squeeze3A_2217, %dma_start3A_2219] : memref<256x256xf32, #tpu.memory_space<vmem>> -> memref<1x256xf32, #tpu.memory_space<vmem>>
      %dma_start3A_2221 = tpu.memref_squeeze %dma_start3A_2220 : memref<1x256xf32, #tpu.memory_space<vmem>> -> memref<256xf32, #tpu.memory_space<vmem>>
      %dma_start3A_2222 = arith.constant 0 : i32
      %dma_start3A_2223 = tpu.memref_slice %arg7[%add3A_2218, %select_n3A_9, %dma_start3A_2222] : memref<16384x8x256xf32, #tpu.memory_space<hbm>> -> memref<1x1x256xf32, #tpu.memory_space<hbm>>
      %dma_start3A_2224 = tpu.memref_squeeze %dma_start3A_2223 : memref<1x1x256xf32, #tpu.memory_space<hbm>> -> memref<256xf32, #tpu.memory_space<hbm>>
      %dma_start3A_2225 = arith.constant 0 : i32
      %dma_start3A_2226 = tpu.memref_slice %arg7[%add3A_2218, %select_n3A_9, %dma_start3A_2225] : memref<16384x8x256xf32, #tpu.memory_space<hbm>> -> memref<1x1x256xf32, #tpu.memory_space<hbm>>
      %dma_start3A_2227 = tpu.memref_squeeze %dma_start3A_2226 : memref<1x1x256xf32, #tpu.memory_space<hbm>> -> memref<256xf32, #tpu.memory_space<hbm>>
      %dma_start3A_2228 = arith.constant 0 : i32
      %dma_start3A_2229 = tpu.memref_slice %arg8[%squeeze3A_2217, %dma_start3A_2228] : memref<256x256xf32, #tpu.memory_space<vmem>> -> memref<1x256xf32, #tpu.memory_space<vmem>>
      %dma_start3A_2230 = tpu.memref_squeeze %dma_start3A_2229 : memref<1x256xf32, #tpu.memory_space<vmem>> -> memref<256xf32, #tpu.memory_space<vmem>>
      tpu.enqueue_dma source(%dma_start3A_2230 : memref<256xf32, #tpu.memory_space<vmem>>) target(%dma_start3A_2227 : memref<256xf32, #tpu.memory_space<hbm>>) target_semaphore(%arg11 : memref<!tpu.dma_semaphore, #tpu.memory_space<semaphore_mem>>)
      %mul3A_2231 = arith.constant 64 : i32
      %mul3A_2232 = arith.muli %add3A_1507, %mul3A_2231 : i32
      %add3A_2233 = arith.constant 32 : i32
      %add3A_2234 = arith.addi %mul3A_2232, %add3A_2233 : i32
      %add3A_2235 = arith.constant 1 : i32
      %add3A_2236 = arith.addi %add3A_2234, %add3A_2235 : i32
      %slice3A_2237 = vector.extract_strided_slice %and3A_2209 {offsets = [1], sizes = [1], strides = [1]} : vector<16xi32> to vector<1xi32>
      %squeeze3A_2238 = vector.extract %slice3A_2237[0] : i32 from vector<1xi32>
      %add3A_2239 = arith.addi %mul3A_32, %add3A_2236 : i32
      %dma_start3A_2240 = arith.constant 0 : i32
      %dma_start3A_2241 = tpu.memref_slice %arg8[%squeeze3A_2238, %dma_start3A_2240] : memref<256x256xf32, #tpu.memory_space<vmem>> -> memref<1x256xf32, #tpu.memory_space<vmem>>
      %dma_start3A_2242 = tpu.memref_squeeze %dma_start3A_2241 : memref<1x256xf32, #tpu.memory_space<vmem>> -> memref<256xf32, #tpu.memory_space<vmem>>
      %dma_start3A_2243 = arith.constant 0 : i32
      %dma_start3A_2244 = tpu.memref_slice %arg7[%add3A_2239, %select_n3A_9, %dma_start3A_2243] : memref<16384x8x256xf32, #tpu.memory_space<hbm>> -> memref<1x1x256xf32, #tpu.memory_space<hbm>>
      %dma_start3A_2245 = tpu.memref_squeeze %dma_start3A_2244 : memref<1x1x256xf32, #tpu.memory_space<hbm>> -> memref<256xf32, #tpu.memory_space<hbm>>
      %dma_start3A_2246 = arith.constant 0 : i32
      %dma_start3A_2247 = tpu.memref_slice %arg7[%add3A_2239, %select_n3A_9, %dma_start3A_2246] : memref<16384x8x256xf32, #tpu.memory_space<hbm>> -> memref<1x1x256xf32, #tpu.memory_space<hbm>>
      %dma_start3A_2248 = tpu.memref_squeeze %dma_start3A_2247 : memref<1x1x256xf32, #tpu.memory_space<hbm>> -> memref<256xf32, #tpu.memory_space<hbm>>
      %dma_start3A_2249 = arith.constant 0 : i32
      %dma_start3A_2250 = tpu.memref_slice %arg8[%squeeze3A_2238, %dma_start3A_2249] : memref<256x256xf32, #tpu.memory_space<vmem>> -> memref<1x256xf32, #tpu.memory_space<vmem>>
      %dma_start3A_2251 = tpu.memref_squeeze %dma_start3A_2250 : memref<1x256xf32, #tpu.memory_space<vmem>> -> memref<256xf32, #tpu.memory_space<vmem>>
      tpu.enqueue_dma source(%dma_start3A_2251 : memref<256xf32, #tpu.memory_space<vmem>>) target(%dma_start3A_2248 : memref<256xf32, #tpu.memory_space<hbm>>) target_semaphore(%arg11 : memref<!tpu.dma_semaphore, #tpu.memory_space<semaphore_mem>>)
      %mul3A_2252 = arith.constant 64 : i32
      %mul3A_2253 = arith.muli %add3A_1507, %mul3A_2252 : i32
      %add3A_2254 = arith.constant 32 : i32
      %add3A_2255 = arith.addi %mul3A_2253, %add3A_2254 : i32
      %add3A_2256 = arith.constant 2 : i32
      %add3A_2257 = arith.addi %add3A_2255, %add3A_2256 : i32
      %slice3A_2258 = vector.extract_strided_slice %and3A_2209 {offsets = [2], sizes = [1], strides = [1]} : vector<16xi32> to vector<1xi32>
      %squeeze3A_2259 = vector.extract %slice3A_2258[0] : i32 from vector<1xi32>
      %add3A_2260 = arith.addi %mul3A_32, %add3A_2257 : i32
      %dma_start3A_2261 = arith.constant 0 : i32
      %dma_start3A_2262 = tpu.memref_slice %arg8[%squeeze3A_2259, %dma_start3A_2261] : memref<256x256xf32, #tpu.memory_space<vmem>> -> memref<1x256xf32, #tpu.memory_space<vmem>>
      %dma_start3A_2263 = tpu.memref_squeeze %dma_start3A_2262 : memref<1x256xf32, #tpu.memory_space<vmem>> -> memref<256xf32, #tpu.memory_space<vmem>>
      %dma_start3A_2264 = arith.constant 0 : i32
      %dma_start3A_2265 = tpu.memref_slice %arg7[%add3A_2260, %select_n3A_9, %dma_start3A_2264] : memref<16384x8x256xf32, #tpu.memory_space<hbm>> -> memref<1x1x256xf32, #tpu.memory_space<hbm>>
      %dma_start3A_2266 = tpu.memref_squeeze %dma_start3A_2265 : memref<1x1x256xf32, #tpu.memory_space<hbm>> -> memref<256xf32, #tpu.memory_space<hbm>>
      %dma_start3A_2267 = arith.constant 0 : i32
      %dma_start3A_2268 = tpu.memref_slice %arg7[%add3A_2260, %select_n3A_9, %dma_start3A_2267] : memref<16384x8x256xf32, #tpu.memory_space<hbm>> -> memref<1x1x256xf32, #tpu.memory_space<hbm>>
      %dma_start3A_2269 = tpu.memref_squeeze %dma_start3A_2268 : memref<1x1x256xf32, #tpu.memory_space<hbm>> -> memref<256xf32, #tpu.memory_space<hbm>>
      %dma_start3A_2270 = arith.constant 0 : i32
      %dma_start3A_2271 = tpu.memref_slice %arg8[%squeeze3A_2259, %dma_start3A_2270] : memref<256x256xf32, #tpu.memory_space<vmem>> -> memref<1x256xf32, #tpu.memory_space<vmem>>
      %dma_start3A_2272 = tpu.memref_squeeze %dma_start3A_2271 : memref<1x256xf32, #tpu.memory_space<vmem>> -> memref<256xf32, #tpu.memory_space<vmem>>
      tpu.enqueue_dma source(%dma_start3A_2272 : memref<256xf32, #tpu.memory_space<vmem>>) target(%dma_start3A_2269 : memref<256xf32, #tpu.memory_space<hbm>>) target_semaphore(%arg11 : memref<!tpu.dma_semaphore, #tpu.memory_space<semaphore_mem>>)
      %mul3A_2273 = arith.constant 64 : i32
      %mul3A_2274 = arith.muli %add3A_1507, %mul3A_2273 : i32
      %add3A_2275 = arith.constant 32 : i32
      %add3A_2276 = arith.addi %mul3A_2274, %add3A_2275 : i32
      %add3A_2277 = arith.constant 3 : i32
      %add3A_2278 = arith.addi %add3A_2276, %add3A_2277 : i32
      %slice3A_2279 = vector.extract_strided_slice %and3A_2209 {offsets = [3], sizes = [1], strides = [1]} : vector<16xi32> to vector<1xi32>
      %squeeze3A_2280 = vector.extract %slice3A_2279[0] : i32 from vector<1xi32>
      %add3A_2281 = arith.addi %mul3A_32, %add3A_2278 : i32
      %dma_start3A_2282 = arith.constant 0 : i32
      %dma_start3A_2283 = tpu.memref_slice %arg8[%squeeze3A_2280, %dma_start3A_2282] : memref<256x256xf32, #tpu.memory_space<vmem>> -> memref<1x256xf32, #tpu.memory_space<vmem>>
      %dma_start3A_2284 = tpu.memref_squeeze %dma_start3A_2283 : memref<1x256xf32, #tpu.memory_space<vmem>> -> memref<256xf32, #tpu.memory_space<vmem>>
      %dma_start3A_2285 = arith.constant 0 : i32
      %dma_start3A_2286 = tpu.memref_slice %arg7[%add3A_2281, %select_n3A_9, %dma_start3A_2285] : memref<16384x8x256xf32, #tpu.memory_space<hbm>> -> memref<1x1x256xf32, #tpu.memory_space<hbm>>
      %dma_start3A_2287 = tpu.memref_squeeze %dma_start3A_2286 : memref<1x1x256xf32, #tpu.memory_space<hbm>> -> memref<256xf32, #tpu.memory_space<hbm>>
      %dma_start3A_2288 = arith.constant 0 : i32
      %dma_start3A_2289 = tpu.memref_slice %arg7[%add3A_2281, %select_n3A_9, %dma_start3A_2288] : memref<16384x8x256xf32, #tpu.memory_space<hbm>> -> memref<1x1x256xf32, #tpu.memory_space<hbm>>
      %dma_start3A_2290 = tpu.memref_squeeze %dma_start3A_2289 : memref<1x1x256xf32, #tpu.memory_space<hbm>> -> memref<256xf32, #tpu.memory_space<hbm>>
      %dma_start3A_2291 = arith.constant 0 : i32
      %dma_start3A_2292 = tpu.memref_slice %arg8[%squeeze3A_2280, %dma_start3A_2291] : memref<256x256xf32, #tpu.memory_space<vmem>> -> memref<1x256xf32, #tpu.memory_space<vmem>>
      %dma_start3A_2293 = tpu.memref_squeeze %dma_start3A_2292 : memref<1x256xf32, #tpu.memory_space<vmem>> -> memref<256xf32, #tpu.memory_space<vmem>>
      tpu.enqueue_dma source(%dma_start3A_2293 : memref<256xf32, #tpu.memory_space<vmem>>) target(%dma_start3A_2290 : memref<256xf32, #tpu.memory_space<hbm>>) target_semaphore(%arg11 : memref<!tpu.dma_semaphore, #tpu.memory_space<semaphore_mem>>)
      %mul3A_2294 = arith.constant 64 : i32
      %mul3A_2295 = arith.muli %add3A_1507, %mul3A_2294 : i32
      %add3A_2296 = arith.constant 32 : i32
      %add3A_2297 = arith.addi %mul3A_2295, %add3A_2296 : i32
      %add3A_2298 = arith.constant 4 : i32
      %add3A_2299 = arith.addi %add3A_2297, %add3A_2298 : i32
      %slice3A_2300 = vector.extract_strided_slice %and3A_2209 {offsets = [4], sizes = [1], strides = [1]} : vector<16xi32> to vector<1xi32>
      %squeeze3A_2301 = vector.extract %slice3A_2300[0] : i32 from vector<1xi32>
      %add3A_2302 = arith.addi %mul3A_32, %add3A_2299 : i32
      %dma_start3A_2303 = arith.constant 0 : i32
      %dma_start3A_2304 = tpu.memref_slice %arg8[%squeeze3A_2301, %dma_start3A_2303] : memref<256x256xf32, #tpu.memory_space<vmem>> -> memref<1x256xf32, #tpu.memory_space<vmem>>
      %dma_start3A_2305 = tpu.memref_squeeze %dma_start3A_2304 : memref<1x256xf32, #tpu.memory_space<vmem>> -> memref<256xf32, #tpu.memory_space<vmem>>
      %dma_start3A_2306 = arith.constant 0 : i32
      %dma_start3A_2307 = tpu.memref_slice %arg7[%add3A_2302, %select_n3A_9, %dma_start3A_2306] : memref<16384x8x256xf32, #tpu.memory_space<hbm>> -> memref<1x1x256xf32, #tpu.memory_space<hbm>>
      %dma_start3A_2308 = tpu.memref_squeeze %dma_start3A_2307 : memref<1x1x256xf32, #tpu.memory_space<hbm>> -> memref<256xf32, #tpu.memory_space<hbm>>
      %dma_start3A_2309 = arith.constant 0 : i32
      %dma_start3A_2310 = tpu.memref_slice %arg7[%add3A_2302, %select_n3A_9, %dma_start3A_2309] : memref<16384x8x256xf32, #tpu.memory_space<hbm>> -> memref<1x1x256xf32, #tpu.memory_space<hbm>>
      %dma_start3A_2311 = tpu.memref_squeeze %dma_start3A_2310 : memref<1x1x256xf32, #tpu.memory_space<hbm>> -> memref<256xf32, #tpu.memory_space<hbm>>
      %dma_start3A_2312 = arith.constant 0 : i32
      %dma_start3A_2313 = tpu.memref_slice %arg8[%squeeze3A_2301, %dma_start3A_2312] : memref<256x256xf32, #tpu.memory_space<vmem>> -> memref<1x256xf32, #tpu.memory_space<vmem>>
      %dma_start3A_2314 = tpu.memref_squeeze %dma_start3A_2313 : memref<1x256xf32, #tpu.memory_space<vmem>> -> memref<256xf32, #tpu.memory_space<vmem>>
      tpu.enqueue_dma source(%dma_start3A_2314 : memref<256xf32, #tpu.memory_space<vmem>>) target(%dma_start3A_2311 : memref<256xf32, #tpu.memory_space<hbm>>) target_semaphore(%arg11 : memref<!tpu.dma_semaphore, #tpu.memory_space<semaphore_mem>>)
      %mul3A_2315 = arith.constant 64 : i32
      %mul3A_2316 = arith.muli %add3A_1507, %mul3A_2315 : i32
      %add3A_2317 = arith.constant 32 : i32
      %add3A_2318 = arith.addi %mul3A_2316, %add3A_2317 : i32
      %add3A_2319 = arith.constant 5 : i32
      %add3A_2320 = arith.addi %add3A_2318, %add3A_2319 : i32
      %slice3A_2321 = vector.extract_strided_slice %and3A_2209 {offsets = [5], sizes = [1], strides = [1]} : vector<16xi32> to vector<1xi32>
      %squeeze3A_2322 = vector.extract %slice3A_2321[0] : i32 from vector<1xi32>
      %add3A_2323 = arith.addi %mul3A_32, %add3A_2320 : i32
      %dma_start3A_2324 = arith.constant 0 : i32
      %dma_start3A_2325 = tpu.memref_slice %arg8[%squeeze3A_2322, %dma_start3A_2324] : memref<256x256xf32, #tpu.memory_space<vmem>> -> memref<1x256xf32, #tpu.memory_space<vmem>>
      %dma_start3A_2326 = tpu.memref_squeeze %dma_start3A_2325 : memref<1x256xf32, #tpu.memory_space<vmem>> -> memref<256xf32, #tpu.memory_space<vmem>>
      %dma_start3A_2327 = arith.constant 0 : i32
      %dma_start3A_2328 = tpu.memref_slice %arg7[%add3A_2323, %select_n3A_9, %dma_start3A_2327] : memref<16384x8x256xf32, #tpu.memory_space<hbm>> -> memref<1x1x256xf32, #tpu.memory_space<hbm>>
      %dma_start3A_2329 = tpu.memref_squeeze %dma_start3A_2328 : memref<1x1x256xf32, #tpu.memory_space<hbm>> -> memref<256xf32, #tpu.memory_space<hbm>>
      %dma_start3A_2330 = arith.constant 0 : i32
      %dma_start3A_2331 = tpu.memref_slice %arg7[%add3A_2323, %select_n3A_9, %dma_start3A_2330] : memref<16384x8x256xf32, #tpu.memory_space<hbm>> -> memref<1x1x256xf32, #tpu.memory_space<hbm>>
      %dma_start3A_2332 = tpu.memref_squeeze %dma_start3A_2331 : memref<1x1x256xf32, #tpu.memory_space<hbm>> -> memref<256xf32, #tpu.memory_space<hbm>>
      %dma_start3A_2333 = arith.constant 0 : i32
      %dma_start3A_2334 = tpu.memref_slice %arg8[%squeeze3A_2322, %dma_start3A_2333] : memref<256x256xf32, #tpu.memory_space<vmem>> -> memref<1x256xf32, #tpu.memory_space<vmem>>
      %dma_start3A_2335 = tpu.memref_squeeze %dma_start3A_2334 : memref<1x256xf32, #tpu.memory_space<vmem>> -> memref<256xf32, #tpu.memory_space<vmem>>
      tpu.enqueue_dma source(%dma_start3A_2335 : memref<256xf32, #tpu.memory_space<vmem>>) target(%dma_start3A_2332 : memref<256xf32, #tpu.memory_space<hbm>>) target_semaphore(%arg11 : memref<!tpu.dma_semaphore, #tpu.memory_space<semaphore_mem>>)
      %mul3A_2336 = arith.constant 64 : i32
      %mul3A_2337 = arith.muli %add3A_1507, %mul3A_2336 : i32
      %add3A_2338 = arith.constant 32 : i32
      %add3A_2339 = arith.addi %mul3A_2337, %add3A_2338 : i32
      %add3A_2340 = arith.constant 6 : i32
      %add3A_2341 = arith.addi %add3A_2339, %add3A_2340 : i32
      %slice3A_2342 = vector.extract_strided_slice %and3A_2209 {offsets = [6], sizes = [1], strides = [1]} : vector<16xi32> to vector<1xi32>
      %squeeze3A_2343 = vector.extract %slice3A_2342[0] : i32 from vector<1xi32>
      %add3A_2344 = arith.addi %mul3A_32, %add3A_2341 : i32
      %dma_start3A_2345 = arith.constant 0 : i32
      %dma_start3A_2346 = tpu.memref_slice %arg8[%squeeze3A_2343, %dma_start3A_2345] : memref<256x256xf32, #tpu.memory_space<vmem>> -> memref<1x256xf32, #tpu.memory_space<vmem>>
      %dma_start3A_2347 = tpu.memref_squeeze %dma_start3A_2346 : memref<1x256xf32, #tpu.memory_space<vmem>> -> memref<256xf32, #tpu.memory_space<vmem>>
      %dma_start3A_2348 = arith.constant 0 : i32
      %dma_start3A_2349 = tpu.memref_slice %arg7[%add3A_2344, %select_n3A_9, %dma_start3A_2348] : memref<16384x8x256xf32, #tpu.memory_space<hbm>> -> memref<1x1x256xf32, #tpu.memory_space<hbm>>
      %dma_start3A_2350 = tpu.memref_squeeze %dma_start3A_2349 : memref<1x1x256xf32, #tpu.memory_space<hbm>> -> memref<256xf32, #tpu.memory_space<hbm>>
      %dma_start3A_2351 = arith.constant 0 : i32
      %dma_start3A_2352 = tpu.memref_slice %arg7[%add3A_2344, %select_n3A_9, %dma_start3A_2351] : memref<16384x8x256xf32, #tpu.memory_space<hbm>> -> memref<1x1x256xf32, #tpu.memory_space<hbm>>
      %dma_start3A_2353 = tpu.memref_squeeze %dma_start3A_2352 : memref<1x1x256xf32, #tpu.memory_space<hbm>> -> memref<256xf32, #tpu.memory_space<hbm>>
      %dma_start3A_2354 = arith.constant 0 : i32
      %dma_start3A_2355 = tpu.memref_slice %arg8[%squeeze3A_2343, %dma_start3A_2354] : memref<256x256xf32, #tpu.memory_space<vmem>> -> memref<1x256xf32, #tpu.memory_space<vmem>>
      %dma_start3A_2356 = tpu.memref_squeeze %dma_start3A_2355 : memref<1x256xf32, #tpu.memory_space<vmem>> -> memref<256xf32, #tpu.memory_space<vmem>>
      tpu.enqueue_dma source(%dma_start3A_2356 : memref<256xf32, #tpu.memory_space<vmem>>) target(%dma_start3A_2353 : memref<256xf32, #tpu.memory_space<hbm>>) target_semaphore(%arg11 : memref<!tpu.dma_semaphore, #tpu.memory_space<semaphore_mem>>)
      %mul3A_2357 = arith.constant 64 : i32
      %mul3A_2358 = arith.muli %add3A_1507, %mul3A_2357 : i32
      %add3A_2359 = arith.constant 32 : i32
      %add3A_2360 = arith.addi %mul3A_2358, %add3A_2359 : i32
      %add3A_2361 = arith.constant 7 : i32
      %add3A_2362 = arith.addi %add3A_2360, %add3A_2361 : i32
      %slice3A_2363 = vector.extract_strided_slice %and3A_2209 {offsets = [7], sizes = [1], strides = [1]} : vector<16xi32> to vector<1xi32>
      %squeeze3A_2364 = vector.extract %slice3A_2363[0] : i32 from vector<1xi32>
      %add3A_2365 = arith.addi %mul3A_32, %add3A_2362 : i32
      %dma_start3A_2366 = arith.constant 0 : i32
      %dma_start3A_2367 = tpu.memref_slice %arg8[%squeeze3A_2364, %dma_start3A_2366] : memref<256x256xf32, #tpu.memory_space<vmem>> -> memref<1x256xf32, #tpu.memory_space<vmem>>
      %dma_start3A_2368 = tpu.memref_squeeze %dma_start3A_2367 : memref<1x256xf32, #tpu.memory_space<vmem>> -> memref<256xf32, #tpu.memory_space<vmem>>
      %dma_start3A_2369 = arith.constant 0 : i32
      %dma_start3A_2370 = tpu.memref_slice %arg7[%add3A_2365, %select_n3A_9, %dma_start3A_2369] : memref<16384x8x256xf32, #tpu.memory_space<hbm>> -> memref<1x1x256xf32, #tpu.memory_space<hbm>>
      %dma_start3A_2371 = tpu.memref_squeeze %dma_start3A_2370 : memref<1x1x256xf32, #tpu.memory_space<hbm>> -> memref<256xf32, #tpu.memory_space<hbm>>
      %dma_start3A_2372 = arith.constant 0 : i32
      %dma_start3A_2373 = tpu.memref_slice %arg7[%add3A_2365, %select_n3A_9, %dma_start3A_2372] : memref<16384x8x256xf32, #tpu.memory_space<hbm>> -> memref<1x1x256xf32, #tpu.memory_space<hbm>>
      %dma_start3A_2374 = tpu.memref_squeeze %dma_start3A_2373 : memref<1x1x256xf32, #tpu.memory_space<hbm>> -> memref<256xf32, #tpu.memory_space<hbm>>
      %dma_start3A_2375 = arith.constant 0 : i32
      %dma_start3A_2376 = tpu.memref_slice %arg8[%squeeze3A_2364, %dma_start3A_2375] : memref<256x256xf32, #tpu.memory_space<vmem>> -> memref<1x256xf32, #tpu.memory_space<vmem>>
      %dma_start3A_2377 = tpu.memref_squeeze %dma_start3A_2376 : memref<1x256xf32, #tpu.memory_space<vmem>> -> memref<256xf32, #tpu.memory_space<vmem>>
      tpu.enqueue_dma source(%dma_start3A_2377 : memref<256xf32, #tpu.memory_space<vmem>>) target(%dma_start3A_2374 : memref<256xf32, #tpu.memory_space<hbm>>) target_semaphore(%arg11 : memref<!tpu.dma_semaphore, #tpu.memory_space<semaphore_mem>>)
      %mul3A_2378 = arith.constant 64 : i32
      %mul3A_2379 = arith.muli %add3A_1507, %mul3A_2378 : i32
      %add3A_2380 = arith.constant 32 : i32
      %add3A_2381 = arith.addi %mul3A_2379, %add3A_2380 : i32
      %add3A_2382 = arith.constant 8 : i32
      %add3A_2383 = arith.addi %add3A_2381, %add3A_2382 : i32
      %slice3A_2384 = vector.extract_strided_slice %and3A_2209 {offsets = [8], sizes = [1], strides = [1]} : vector<16xi32> to vector<1xi32>
      %squeeze3A_2385 = vector.extract %slice3A_2384[0] : i32 from vector<1xi32>
      %add3A_2386 = arith.addi %mul3A_32, %add3A_2383 : i32
      %dma_start3A_2387 = arith.constant 0 : i32
      %dma_start3A_2388 = tpu.memref_slice %arg8[%squeeze3A_2385, %dma_start3A_2387] : memref<256x256xf32, #tpu.memory_space<vmem>> -> memref<1x256xf32, #tpu.memory_space<vmem>>
      %dma_start3A_2389 = tpu.memref_squeeze %dma_start3A_2388 : memref<1x256xf32, #tpu.memory_space<vmem>> -> memref<256xf32, #tpu.memory_space<vmem>>
      %dma_start3A_2390 = arith.constant 0 : i32
      %dma_start3A_2391 = tpu.memref_slice %arg7[%add3A_2386, %select_n3A_9, %dma_start3A_2390] : memref<16384x8x256xf32, #tpu.memory_space<hbm>> -> memref<1x1x256xf32, #tpu.memory_space<hbm>>
      %dma_start3A_2392 = tpu.memref_squeeze %dma_start3A_2391 : memref<1x1x256xf32, #tpu.memory_space<hbm>> -> memref<256xf32, #tpu.memory_space<hbm>>
      %dma_start3A_2393 = arith.constant 0 : i32
      %dma_start3A_2394 = tpu.memref_slice %arg7[%add3A_2386, %select_n3A_9, %dma_start3A_2393] : memref<16384x8x256xf32, #tpu.memory_space<hbm>> -> memref<1x1x256xf32, #tpu.memory_space<hbm>>
      %dma_start3A_2395 = tpu.memref_squeeze %dma_start3A_2394 : memref<1x1x256xf32, #tpu.memory_space<hbm>> -> memref<256xf32, #tpu.memory_space<hbm>>
      %dma_start3A_2396 = arith.constant 0 : i32
      %dma_start3A_2397 = tpu.memref_slice %arg8[%squeeze3A_2385, %dma_start3A_2396] : memref<256x256xf32, #tpu.memory_space<vmem>> -> memref<1x256xf32, #tpu.memory_space<vmem>>
      %dma_start3A_2398 = tpu.memref_squeeze %dma_start3A_2397 : memref<1x256xf32, #tpu.memory_space<vmem>> -> memref<256xf32, #tpu.memory_space<vmem>>
      tpu.enqueue_dma source(%dma_start3A_2398 : memref<256xf32, #tpu.memory_space<vmem>>) target(%dma_start3A_2395 : memref<256xf32, #tpu.memory_space<hbm>>) target_semaphore(%arg11 : memref<!tpu.dma_semaphore, #tpu.memory_space<semaphore_mem>>)
      %mul3A_2399 = arith.constant 64 : i32
      %mul3A_2400 = arith.muli %add3A_1507, %mul3A_2399 : i32
      %add3A_2401 = arith.constant 32 : i32
      %add3A_2402 = arith.addi %mul3A_2400, %add3A_2401 : i32
      %add3A_2403 = arith.constant 9 : i32
      %add3A_2404 = arith.addi %add3A_2402, %add3A_2403 : i32
      %slice3A_2405 = vector.extract_strided_slice %and3A_2209 {offsets = [9], sizes = [1], strides = [1]} : vector<16xi32> to vector<1xi32>
      %squeeze3A_2406 = vector.extract %slice3A_2405[0] : i32 from vector<1xi32>
      %add3A_2407 = arith.addi %mul3A_32, %add3A_2404 : i32
      %dma_start3A_2408 = arith.constant 0 : i32
      %dma_start3A_2409 = tpu.memref_slice %arg8[%squeeze3A_2406, %dma_start3A_2408] : memref<256x256xf32, #tpu.memory_space<vmem>> -> memref<1x256xf32, #tpu.memory_space<vmem>>
      %dma_start3A_2410 = tpu.memref_squeeze %dma_start3A_2409 : memref<1x256xf32, #tpu.memory_space<vmem>> -> memref<256xf32, #tpu.memory_space<vmem>>
      %dma_start3A_2411 = arith.constant 0 : i32
      %dma_start3A_2412 = tpu.memref_slice %arg7[%add3A_2407, %select_n3A_9, %dma_start3A_2411] : memref<16384x8x256xf32, #tpu.memory_space<hbm>> -> memref<1x1x256xf32, #tpu.memory_space<hbm>>
      %dma_start3A_2413 = tpu.memref_squeeze %dma_start3A_2412 : memref<1x1x256xf32, #tpu.memory_space<hbm>> -> memref<256xf32, #tpu.memory_space<hbm>>
      %dma_start3A_2414 = arith.constant 0 : i32
      %dma_start3A_2415 = tpu.memref_slice %arg7[%add3A_2407, %select_n3A_9, %dma_start3A_2414] : memref<16384x8x256xf32, #tpu.memory_space<hbm>> -> memref<1x1x256xf32, #tpu.memory_space<hbm>>
      %dma_start3A_2416 = tpu.memref_squeeze %dma_start3A_2415 : memref<1x1x256xf32, #tpu.memory_space<hbm>> -> memref<256xf32, #tpu.memory_space<hbm>>
      %dma_start3A_2417 = arith.constant 0 : i32
      %dma_start3A_2418 = tpu.memref_slice %arg8[%squeeze3A_2406, %dma_start3A_2417] : memref<256x256xf32, #tpu.memory_space<vmem>> -> memref<1x256xf32, #tpu.memory_space<vmem>>
      %dma_start3A_2419 = tpu.memref_squeeze %dma_start3A_2418 : memref<1x256xf32, #tpu.memory_space<vmem>> -> memref<256xf32, #tpu.memory_space<vmem>>
      tpu.enqueue_dma source(%dma_start3A_2419 : memref<256xf32, #tpu.memory_space<vmem>>) target(%dma_start3A_2416 : memref<256xf32, #tpu.memory_space<hbm>>) target_semaphore(%arg11 : memref<!tpu.dma_semaphore, #tpu.memory_space<semaphore_mem>>)
      %mul3A_2420 = arith.constant 64 : i32
      %mul3A_2421 = arith.muli %add3A_1507, %mul3A_2420 : i32
      %add3A_2422 = arith.constant 32 : i32
      %add3A_2423 = arith.addi %mul3A_2421, %add3A_2422 : i32
      %add3A_2424 = arith.constant 10 : i32
      %add3A_2425 = arith.addi %add3A_2423, %add3A_2424 : i32
      %slice3A_2426 = vector.extract_strided_slice %and3A_2209 {offsets = [10], sizes = [1], strides = [1]} : vector<16xi32> to vector<1xi32>
      %squeeze3A_2427 = vector.extract %slice3A_2426[0] : i32 from vector<1xi32>
      %add3A_2428 = arith.addi %mul3A_32, %add3A_2425 : i32
      %dma_start3A_2429 = arith.constant 0 : i32
      %dma_start3A_2430 = tpu.memref_slice %arg8[%squeeze3A_2427, %dma_start3A_2429] : memref<256x256xf32, #tpu.memory_space<vmem>> -> memref<1x256xf32, #tpu.memory_space<vmem>>
      %dma_start3A_2431 = tpu.memref_squeeze %dma_start3A_2430 : memref<1x256xf32, #tpu.memory_space<vmem>> -> memref<256xf32, #tpu.memory_space<vmem>>
      %dma_start3A_2432 = arith.constant 0 : i32
      %dma_start3A_2433 = tpu.memref_slice %arg7[%add3A_2428, %select_n3A_9, %dma_start3A_2432] : memref<16384x8x256xf32, #tpu.memory_space<hbm>> -> memref<1x1x256xf32, #tpu.memory_space<hbm>>
      %dma_start3A_2434 = tpu.memref_squeeze %dma_start3A_2433 : memref<1x1x256xf32, #tpu.memory_space<hbm>> -> memref<256xf32, #tpu.memory_space<hbm>>
      %dma_start3A_2435 = arith.constant 0 : i32
      %dma_start3A_2436 = tpu.memref_slice %arg7[%add3A_2428, %select_n3A_9, %dma_start3A_2435] : memref<16384x8x256xf32, #tpu.memory_space<hbm>> -> memref<1x1x256xf32, #tpu.memory_space<hbm>>
      %dma_start3A_2437 = tpu.memref_squeeze %dma_start3A_2436 : memref<1x1x256xf32, #tpu.memory_space<hbm>> -> memref<256xf32, #tpu.memory_space<hbm>>
      %dma_start3A_2438 = arith.constant 0 : i32
      %dma_start3A_2439 = tpu.memref_slice %arg8[%squeeze3A_2427, %dma_start3A_2438] : memref<256x256xf32, #tpu.memory_space<vmem>> -> memref<1x256xf32, #tpu.memory_space<vmem>>
      %dma_start3A_2440 = tpu.memref_squeeze %dma_start3A_2439 : memref<1x256xf32, #tpu.memory_space<vmem>> -> memref<256xf32, #tpu.memory_space<vmem>>
      tpu.enqueue_dma source(%dma_start3A_2440 : memref<256xf32, #tpu.memory_space<vmem>>) target(%dma_start3A_2437 : memref<256xf32, #tpu.memory_space<hbm>>) target_semaphore(%arg11 : memref<!tpu.dma_semaphore, #tpu.memory_space<semaphore_mem>>)
      %mul3A_2441 = arith.constant 64 : i32
      %mul3A_2442 = arith.muli %add3A_1507, %mul3A_2441 : i32
      %add3A_2443 = arith.constant 32 : i32
      %add3A_2444 = arith.addi %mul3A_2442, %add3A_2443 : i32
      %add3A_2445 = arith.constant 11 : i32
      %add3A_2446 = arith.addi %add3A_2444, %add3A_2445 : i32
      %slice3A_2447 = vector.extract_strided_slice %and3A_2209 {offsets = [11], sizes = [1], strides = [1]} : vector<16xi32> to vector<1xi32>
      %squeeze3A_2448 = vector.extract %slice3A_2447[0] : i32 from vector<1xi32>
      %add3A_2449 = arith.addi %mul3A_32, %add3A_2446 : i32
      %dma_start3A_2450 = arith.constant 0 : i32
      %dma_start3A_2451 = tpu.memref_slice %arg8[%squeeze3A_2448, %dma_start3A_2450] : memref<256x256xf32, #tpu.memory_space<vmem>> -> memref<1x256xf32, #tpu.memory_space<vmem>>
      %dma_start3A_2452 = tpu.memref_squeeze %dma_start3A_2451 : memref<1x256xf32, #tpu.memory_space<vmem>> -> memref<256xf32, #tpu.memory_space<vmem>>
      %dma_start3A_2453 = arith.constant 0 : i32
      %dma_start3A_2454 = tpu.memref_slice %arg7[%add3A_2449, %select_n3A_9, %dma_start3A_2453] : memref<16384x8x256xf32, #tpu.memory_space<hbm>> -> memref<1x1x256xf32, #tpu.memory_space<hbm>>
      %dma_start3A_2455 = tpu.memref_squeeze %dma_start3A_2454 : memref<1x1x256xf32, #tpu.memory_space<hbm>> -> memref<256xf32, #tpu.memory_space<hbm>>
      %dma_start3A_2456 = arith.constant 0 : i32
      %dma_start3A_2457 = tpu.memref_slice %arg7[%add3A_2449, %select_n3A_9, %dma_start3A_2456] : memref<16384x8x256xf32, #tpu.memory_space<hbm>> -> memref<1x1x256xf32, #tpu.memory_space<hbm>>
      %dma_start3A_2458 = tpu.memref_squeeze %dma_start3A_2457 : memref<1x1x256xf32, #tpu.memory_space<hbm>> -> memref<256xf32, #tpu.memory_space<hbm>>
      %dma_start3A_2459 = arith.constant 0 : i32
      %dma_start3A_2460 = tpu.memref_slice %arg8[%squeeze3A_2448, %dma_start3A_2459] : memref<256x256xf32, #tpu.memory_space<vmem>> -> memref<1x256xf32, #tpu.memory_space<vmem>>
      %dma_start3A_2461 = tpu.memref_squeeze %dma_start3A_2460 : memref<1x256xf32, #tpu.memory_space<vmem>> -> memref<256xf32, #tpu.memory_space<vmem>>
      tpu.enqueue_dma source(%dma_start3A_2461 : memref<256xf32, #tpu.memory_space<vmem>>) target(%dma_start3A_2458 : memref<256xf32, #tpu.memory_space<hbm>>) target_semaphore(%arg11 : memref<!tpu.dma_semaphore, #tpu.memory_space<semaphore_mem>>)
      %mul3A_2462 = arith.constant 64 : i32
      %mul3A_2463 = arith.muli %add3A_1507, %mul3A_2462 : i32
      %add3A_2464 = arith.constant 32 : i32
      %add3A_2465 = arith.addi %mul3A_2463, %add3A_2464 : i32
      %add3A_2466 = arith.constant 12 : i32
      %add3A_2467 = arith.addi %add3A_2465, %add3A_2466 : i32
      %slice3A_2468 = vector.extract_strided_slice %and3A_2209 {offsets = [12], sizes = [1], strides = [1]} : vector<16xi32> to vector<1xi32>
      %squeeze3A_2469 = vector.extract %slice3A_2468[0] : i32 from vector<1xi32>
      %add3A_2470 = arith.addi %mul3A_32, %add3A_2467 : i32
      %dma_start3A_2471 = arith.constant 0 : i32
      %dma_start3A_2472 = tpu.memref_slice %arg8[%squeeze3A_2469, %dma_start3A_2471] : memref<256x256xf32, #tpu.memory_space<vmem>> -> memref<1x256xf32, #tpu.memory_space<vmem>>
      %dma_start3A_2473 = tpu.memref_squeeze %dma_start3A_2472 : memref<1x256xf32, #tpu.memory_space<vmem>> -> memref<256xf32, #tpu.memory_space<vmem>>
      %dma_start3A_2474 = arith.constant 0 : i32
      %dma_start3A_2475 = tpu.memref_slice %arg7[%add3A_2470, %select_n3A_9, %dma_start3A_2474] : memref<16384x8x256xf32, #tpu.memory_space<hbm>> -> memref<1x1x256xf32, #tpu.memory_space<hbm>>
      %dma_start3A_2476 = tpu.memref_squeeze %dma_start3A_2475 : memref<1x1x256xf32, #tpu.memory_space<hbm>> -> memref<256xf32, #tpu.memory_space<hbm>>
      %dma_start3A_2477 = arith.constant 0 : i32
      %dma_start3A_2478 = tpu.memref_slice %arg7[%add3A_2470, %select_n3A_9, %dma_start3A_2477] : memref<16384x8x256xf32, #tpu.memory_space<hbm>> -> memref<1x1x256xf32, #tpu.memory_space<hbm>>
      %dma_start3A_2479 = tpu.memref_squeeze %dma_start3A_2478 : memref<1x1x256xf32, #tpu.memory_space<hbm>> -> memref<256xf32, #tpu.memory_space<hbm>>
      %dma_start3A_2480 = arith.constant 0 : i32
      %dma_start3A_2481 = tpu.memref_slice %arg8[%squeeze3A_2469, %dma_start3A_2480] : memref<256x256xf32, #tpu.memory_space<vmem>> -> memref<1x256xf32, #tpu.memory_space<vmem>>
      %dma_start3A_2482 = tpu.memref_squeeze %dma_start3A_2481 : memref<1x256xf32, #tpu.memory_space<vmem>> -> memref<256xf32, #tpu.memory_space<vmem>>
      tpu.enqueue_dma source(%dma_start3A_2482 : memref<256xf32, #tpu.memory_space<vmem>>) target(%dma_start3A_2479 : memref<256xf32, #tpu.memory_space<hbm>>) target_semaphore(%arg11 : memref<!tpu.dma_semaphore, #tpu.memory_space<semaphore_mem>>)
      %mul3A_2483 = arith.constant 64 : i32
      %mul3A_2484 = arith.muli %add3A_1507, %mul3A_2483 : i32
      %add3A_2485 = arith.constant 32 : i32
      %add3A_2486 = arith.addi %mul3A_2484, %add3A_2485 : i32
      %add3A_2487 = arith.constant 13 : i32
      %add3A_2488 = arith.addi %add3A_2486, %add3A_2487 : i32
      %slice3A_2489 = vector.extract_strided_slice %and3A_2209 {offsets = [13], sizes = [1], strides = [1]} : vector<16xi32> to vector<1xi32>
      %squeeze3A_2490 = vector.extract %slice3A_2489[0] : i32 from vector<1xi32>
      %add3A_2491 = arith.addi %mul3A_32, %add3A_2488 : i32
      %dma_start3A_2492 = arith.constant 0 : i32
      %dma_start3A_2493 = tpu.memref_slice %arg8[%squeeze3A_2490, %dma_start3A_2492] : memref<256x256xf32, #tpu.memory_space<vmem>> -> memref<1x256xf32, #tpu.memory_space<vmem>>
      %dma_start3A_2494 = tpu.memref_squeeze %dma_start3A_2493 : memref<1x256xf32, #tpu.memory_space<vmem>> -> memref<256xf32, #tpu.memory_space<vmem>>
      %dma_start3A_2495 = arith.constant 0 : i32
      %dma_start3A_2496 = tpu.memref_slice %arg7[%add3A_2491, %select_n3A_9, %dma_start3A_2495] : memref<16384x8x256xf32, #tpu.memory_space<hbm>> -> memref<1x1x256xf32, #tpu.memory_space<hbm>>
      %dma_start3A_2497 = tpu.memref_squeeze %dma_start3A_2496 : memref<1x1x256xf32, #tpu.memory_space<hbm>> -> memref<256xf32, #tpu.memory_space<hbm>>
      %dma_start3A_2498 = arith.constant 0 : i32
      %dma_start3A_2499 = tpu.memref_slice %arg7[%add3A_2491, %select_n3A_9, %dma_start3A_2498] : memref<16384x8x256xf32, #tpu.memory_space<hbm>> -> memref<1x1x256xf32, #tpu.memory_space<hbm>>
      %dma_start3A_2500 = tpu.memref_squeeze %dma_start3A_2499 : memref<1x1x256xf32, #tpu.memory_space<hbm>> -> memref<256xf32, #tpu.memory_space<hbm>>
      %dma_start3A_2501 = arith.constant 0 : i32
      %dma_start3A_2502 = tpu.memref_slice %arg8[%squeeze3A_2490, %dma_start3A_2501] : memref<256x256xf32, #tpu.memory_space<vmem>> -> memref<1x256xf32, #tpu.memory_space<vmem>>
      %dma_start3A_2503 = tpu.memref_squeeze %dma_start3A_2502 : memref<1x256xf32, #tpu.memory_space<vmem>> -> memref<256xf32, #tpu.memory_space<vmem>>
      tpu.enqueue_dma source(%dma_start3A_2503 : memref<256xf32, #tpu.memory_space<vmem>>) target(%dma_start3A_2500 : memref<256xf32, #tpu.memory_space<hbm>>) target_semaphore(%arg11 : memref<!tpu.dma_semaphore, #tpu.memory_space<semaphore_mem>>)
      %mul3A_2504 = arith.constant 64 : i32
      %mul3A_2505 = arith.muli %add3A_1507, %mul3A_2504 : i32
      %add3A_2506 = arith.constant 32 : i32
      %add3A_2507 = arith.addi %mul3A_2505, %add3A_2506 : i32
      %add3A_2508 = arith.constant 14 : i32
      %add3A_2509 = arith.addi %add3A_2507, %add3A_2508 : i32
      %slice3A_2510 = vector.extract_strided_slice %and3A_2209 {offsets = [14], sizes = [1], strides = [1]} : vector<16xi32> to vector<1xi32>
      %squeeze3A_2511 = vector.extract %slice3A_2510[0] : i32 from vector<1xi32>
      %add3A_2512 = arith.addi %mul3A_32, %add3A_2509 : i32
      %dma_start3A_2513 = arith.constant 0 : i32
      %dma_start3A_2514 = tpu.memref_slice %arg8[%squeeze3A_2511, %dma_start3A_2513] : memref<256x256xf32, #tpu.memory_space<vmem>> -> memref<1x256xf32, #tpu.memory_space<vmem>>
      %dma_start3A_2515 = tpu.memref_squeeze %dma_start3A_2514 : memref<1x256xf32, #tpu.memory_space<vmem>> -> memref<256xf32, #tpu.memory_space<vmem>>
      %dma_start3A_2516 = arith.constant 0 : i32
      %dma_start3A_2517 = tpu.memref_slice %arg7[%add3A_2512, %select_n3A_9, %dma_start3A_2516] : memref<16384x8x256xf32, #tpu.memory_space<hbm>> -> memref<1x1x256xf32, #tpu.memory_space<hbm>>
      %dma_start3A_2518 = tpu.memref_squeeze %dma_start3A_2517 : memref<1x1x256xf32, #tpu.memory_space<hbm>> -> memref<256xf32, #tpu.memory_space<hbm>>
      %dma_start3A_2519 = arith.constant 0 : i32
      %dma_start3A_2520 = tpu.memref_slice %arg7[%add3A_2512, %select_n3A_9, %dma_start3A_2519] : memref<16384x8x256xf32, #tpu.memory_space<hbm>> -> memref<1x1x256xf32, #tpu.memory_space<hbm>>
      %dma_start3A_2521 = tpu.memref_squeeze %dma_start3A_2520 : memref<1x1x256xf32, #tpu.memory_space<hbm>> -> memref<256xf32, #tpu.memory_space<hbm>>
      %dma_start3A_2522 = arith.constant 0 : i32
      %dma_start3A_2523 = tpu.memref_slice %arg8[%squeeze3A_2511, %dma_start3A_2522] : memref<256x256xf32, #tpu.memory_space<vmem>> -> memref<1x256xf32, #tpu.memory_space<vmem>>
      %dma_start3A_2524 = tpu.memref_squeeze %dma_start3A_2523 : memref<1x256xf32, #tpu.memory_space<vmem>> -> memref<256xf32, #tpu.memory_space<vmem>>
      tpu.enqueue_dma source(%dma_start3A_2524 : memref<256xf32, #tpu.memory_space<vmem>>) target(%dma_start3A_2521 : memref<256xf32, #tpu.memory_space<hbm>>) target_semaphore(%arg11 : memref<!tpu.dma_semaphore, #tpu.memory_space<semaphore_mem>>)
      %mul3A_2525 = arith.constant 64 : i32
      %mul3A_2526 = arith.muli %add3A_1507, %mul3A_2525 : i32
      %add3A_2527 = arith.constant 32 : i32
      %add3A_2528 = arith.addi %mul3A_2526, %add3A_2527 : i32
      %add3A_2529 = arith.constant 15 : i32
      %add3A_2530 = arith.addi %add3A_2528, %add3A_2529 : i32
      %slice3A_2531 = vector.extract_strided_slice %and3A_2209 {offsets = [15], sizes = [1], strides = [1]} : vector<16xi32> to vector<1xi32>
      %squeeze3A_2532 = vector.extract %slice3A_2531[0] : i32 from vector<1xi32>
      %add3A_2533 = arith.addi %mul3A_32, %add3A_2530 : i32
      %dma_start3A_2534 = arith.constant 0 : i32
      %dma_start3A_2535 = tpu.memref_slice %arg8[%squeeze3A_2532, %dma_start3A_2534] : memref<256x256xf32, #tpu.memory_space<vmem>> -> memref<1x256xf32, #tpu.memory_space<vmem>>
      %dma_start3A_2536 = tpu.memref_squeeze %dma_start3A_2535 : memref<1x256xf32, #tpu.memory_space<vmem>> -> memref<256xf32, #tpu.memory_space<vmem>>
      %dma_start3A_2537 = arith.constant 0 : i32
      %dma_start3A_2538 = tpu.memref_slice %arg7[%add3A_2533, %select_n3A_9, %dma_start3A_2537] : memref<16384x8x256xf32, #tpu.memory_space<hbm>> -> memref<1x1x256xf32, #tpu.memory_space<hbm>>
      %dma_start3A_2539 = tpu.memref_squeeze %dma_start3A_2538 : memref<1x1x256xf32, #tpu.memory_space<hbm>> -> memref<256xf32, #tpu.memory_space<hbm>>
      %dma_start3A_2540 = arith.constant 0 : i32
      %dma_start3A_2541 = tpu.memref_slice %arg7[%add3A_2533, %select_n3A_9, %dma_start3A_2540] : memref<16384x8x256xf32, #tpu.memory_space<hbm>> -> memref<1x1x256xf32, #tpu.memory_space<hbm>>
      %dma_start3A_2542 = tpu.memref_squeeze %dma_start3A_2541 : memref<1x1x256xf32, #tpu.memory_space<hbm>> -> memref<256xf32, #tpu.memory_space<hbm>>
      %dma_start3A_2543 = arith.constant 0 : i32
      %dma_start3A_2544 = tpu.memref_slice %arg8[%squeeze3A_2532, %dma_start3A_2543] : memref<256x256xf32, #tpu.memory_space<vmem>> -> memref<1x256xf32, #tpu.memory_space<vmem>>
      %dma_start3A_2545 = tpu.memref_squeeze %dma_start3A_2544 : memref<1x256xf32, #tpu.memory_space<vmem>> -> memref<256xf32, #tpu.memory_space<vmem>>
      tpu.enqueue_dma source(%dma_start3A_2545 : memref<256xf32, #tpu.memory_space<vmem>>) target(%dma_start3A_2542 : memref<256xf32, #tpu.memory_space<hbm>>) target_semaphore(%arg11 : memref<!tpu.dma_semaphore, #tpu.memory_space<semaphore_mem>>)
      %mul3A_2546 = arith.constant 64 : i32
      %mul3A_2547 = arith.muli %add3A_1507, %mul3A_2546 : i32
      %add3A_2548 = arith.constant 48 : i32
      %add3A_2549 = arith.addi %mul3A_2547, %add3A_2548 : i32
      %get3A_2550 = arith.index_cast %add3A_2549 : i32 to index
      %get3A_2551 = tpu.vector_load %arg9[%get3A_2550] {strides = array<i32>} : memref<4096xi32, #tpu.memory_space<vmem>>, vector<16xi32>,
      %shift_right_logical3A_2552 = arith.shrui %get3A_2551, %broadcast_in_dim3A : vector<16xi32>
      %and3A_2553 = arith.constant 255 : i32
      %and3A_2554 = vector.broadcast %and3A_2553 : i32 to vector<16xi32>
      %and3A_2555 = arith.andi %shift_right_logical3A_2552, %and3A_2554 : vector<16xi32>
      %mul3A_2556 = arith.constant 64 : i32
      %mul3A_2557 = arith.muli %add3A_1507, %mul3A_2556 : i32
      %add3A_2558 = arith.constant 48 : i32
      %add3A_2559 = arith.addi %mul3A_2557, %add3A_2558 : i32
      %add3A_2560 = arith.constant 0 : i32
      %add3A_2561 = arith.addi %add3A_2559, %add3A_2560 : i32
      %slice3A_2562 = vector.extract_strided_slice %and3A_2555 {offsets = [0], sizes = [1], strides = [1]} : vector<16xi32> to vector<1xi32>
      %squeeze3A_2563 = vector.extract %slice3A_2562[0] : i32 from vector<1xi32>
      %add3A_2564 = arith.addi %mul3A_32, %add3A_2561 : i32
      %dma_start3A_2565 = arith.constant 0 : i32
      %dma_start3A_2566 = tpu.memref_slice %arg8[%squeeze3A_2563, %dma_start3A_2565] : memref<256x256xf32, #tpu.memory_space<vmem>> -> memref<1x256xf32, #tpu.memory_space<vmem>>
      %dma_start3A_2567 = tpu.memref_squeeze %dma_start3A_2566 : memref<1x256xf32, #tpu.memory_space<vmem>> -> memref<256xf32, #tpu.memory_space<vmem>>
      %dma_start3A_2568 = arith.constant 0 : i32
      %dma_start3A_2569 = tpu.memref_slice %arg7[%add3A_2564, %select_n3A_9, %dma_start3A_2568] : memref<16384x8x256xf32, #tpu.memory_space<hbm>> -> memref<1x1x256xf32, #tpu.memory_space<hbm>>
      %dma_start3A_2570 = tpu.memref_squeeze %dma_start3A_2569 : memref<1x1x256xf32, #tpu.memory_space<hbm>> -> memref<256xf32, #tpu.memory_space<hbm>>
      %dma_start3A_2571 = arith.constant 0 : i32
      %dma_start3A_2572 = tpu.memref_slice %arg7[%add3A_2564, %select_n3A_9, %dma_start3A_2571] : memref<16384x8x256xf32, #tpu.memory_space<hbm>> -> memref<1x1x256xf32, #tpu.memory_space<hbm>>
      %dma_start3A_2573 = tpu.memref_squeeze %dma_start3A_2572 : memref<1x1x256xf32, #tpu.memory_space<hbm>> -> memref<256xf32, #tpu.memory_space<hbm>>
      %dma_start3A_2574 = arith.constant 0 : i32
      %dma_start3A_2575 = tpu.memref_slice %arg8[%squeeze3A_2563, %dma_start3A_2574] : memref<256x256xf32, #tpu.memory_space<vmem>> -> memref<1x256xf32, #tpu.memory_space<vmem>>
      %dma_start3A_2576 = tpu.memref_squeeze %dma_start3A_2575 : memref<1x256xf32, #tpu.memory_space<vmem>> -> memref<256xf32, #tpu.memory_space<vmem>>
      tpu.enqueue_dma source(%dma_start3A_2576 : memref<256xf32, #tpu.memory_space<vmem>>) target(%dma_start3A_2573 : memref<256xf32, #tpu.memory_space<hbm>>) target_semaphore(%arg11 : memref<!tpu.dma_semaphore, #tpu.memory_space<semaphore_mem>>)
      %mul3A_2577 = arith.constant 64 : i32
      %mul3A_2578 = arith.muli %add3A_1507, %mul3A_2577 : i32
      %add3A_2579 = arith.constant 48 : i32
      %add3A_2580 = arith.addi %mul3A_2578, %add3A_2579 : i32
      %add3A_2581 = arith.constant 1 : i32
      %add3A_2582 = arith.addi %add3A_2580, %add3A_2581 : i32
      %slice3A_2583 = vector.extract_strided_slice %and3A_2555 {offsets = [1], sizes = [1], strides = [1]} : vector<16xi32> to vector<1xi32>
      %squeeze3A_2584 = vector.extract %slice3A_2583[0] : i32 from vector<1xi32>
      %add3A_2585 = arith.addi %mul3A_32, %add3A_2582 : i32
      %dma_start3A_2586 = arith.constant 0 : i32
      %dma_start3A_2587 = tpu.memref_slice %arg8[%squeeze3A_2584, %dma_start3A_2586] : memref<256x256xf32, #tpu.memory_space<vmem>> -> memref<1x256xf32, #tpu.memory_space<vmem>>
      %dma_start3A_2588 = tpu.memref_squeeze %dma_start3A_2587 : memref<1x256xf32, #tpu.memory_space<vmem>> -> memref<256xf32, #tpu.memory_space<vmem>>
      %dma_start3A_2589 = arith.constant 0 : i32
      %dma_start3A_2590 = tpu.memref_slice %arg7[%add3A_2585, %select_n3A_9, %dma_start3A_2589] : memref<16384x8x256xf32, #tpu.memory_space<hbm>> -> memref<1x1x256xf32, #tpu.memory_space<hbm>>
      %dma_start3A_2591 = tpu.memref_squeeze %dma_start3A_2590 : memref<1x1x256xf32, #tpu.memory_space<hbm>> -> memref<256xf32, #tpu.memory_space<hbm>>
      %dma_start3A_2592 = arith.constant 0 : i32
      %dma_start3A_2593 = tpu.memref_slice %arg7[%add3A_2585, %select_n3A_9, %dma_start3A_2592] : memref<16384x8x256xf32, #tpu.memory_space<hbm>> -> memref<1x1x256xf32, #tpu.memory_space<hbm>>
      %dma_start3A_2594 = tpu.memref_squeeze %dma_start3A_2593 : memref<1x1x256xf32, #tpu.memory_space<hbm>> -> memref<256xf32, #tpu.memory_space<hbm>>
      %dma_start3A_2595 = arith.constant 0 : i32
      %dma_start3A_2596 = tpu.memref_slice %arg8[%squeeze3A_2584, %dma_start3A_2595] : memref<256x256xf32, #tpu.memory_space<vmem>> -> memref<1x256xf32, #tpu.memory_space<vmem>>
      %dma_start3A_2597 = tpu.memref_squeeze %dma_start3A_2596 : memref<1x256xf32, #tpu.memory_space<vmem>> -> memref<256xf32, #tpu.memory_space<vmem>>
      tpu.enqueue_dma source(%dma_start3A_2597 : memref<256xf32, #tpu.memory_space<vmem>>) target(%dma_start3A_2594 : memref<256xf32, #tpu.memory_space<hbm>>) target_semaphore(%arg11 : memref<!tpu.dma_semaphore, #tpu.memory_space<semaphore_mem>>)
      %mul3A_2598 = arith.constant 64 : i32
      %mul3A_2599 = arith.muli %add3A_1507, %mul3A_2598 : i32
      %add3A_2600 = arith.constant 48 : i32
      %add3A_2601 = arith.addi %mul3A_2599, %add3A_2600 : i32
      %add3A_2602 = arith.constant 2 : i32
      %add3A_2603 = arith.addi %add3A_2601, %add3A_2602 : i32
      %slice3A_2604 = vector.extract_strided_slice %and3A_2555 {offsets = [2], sizes = [1], strides = [1]} : vector<16xi32> to vector<1xi32>
      %squeeze3A_2605 = vector.extract %slice3A_2604[0] : i32 from vector<1xi32>
      %add3A_2606 = arith.addi %mul3A_32, %add3A_2603 : i32
      %dma_start3A_2607 = arith.constant 0 : i32
      %dma_start3A_2608 = tpu.memref_slice %arg8[%squeeze3A_2605, %dma_start3A_2607] : memref<256x256xf32, #tpu.memory_space<vmem>> -> memref<1x256xf32, #tpu.memory_space<vmem>>
      %dma_start3A_2609 = tpu.memref_squeeze %dma_start3A_2608 : memref<1x256xf32, #tpu.memory_space<vmem>> -> memref<256xf32, #tpu.memory_space<vmem>>
      %dma_start3A_2610 = arith.constant 0 : i32
      %dma_start3A_2611 = tpu.memref_slice %arg7[%add3A_2606, %select_n3A_9, %dma_start3A_2610] : memref<16384x8x256xf32, #tpu.memory_space<hbm>> -> memref<1x1x256xf32, #tpu.memory_space<hbm>>
      %dma_start3A_2612 = tpu.memref_squeeze %dma_start3A_2611 : memref<1x1x256xf32, #tpu.memory_space<hbm>> -> memref<256xf32, #tpu.memory_space<hbm>>
      %dma_start3A_2613 = arith.constant 0 : i32
      %dma_start3A_2614 = tpu.memref_slice %arg7[%add3A_2606, %select_n3A_9, %dma_start3A_2613] : memref<16384x8x256xf32, #tpu.memory_space<hbm>> -> memref<1x1x256xf32, #tpu.memory_space<hbm>>
      %dma_start3A_2615 = tpu.memref_squeeze %dma_start3A_2614 : memref<1x1x256xf32, #tpu.memory_space<hbm>> -> memref<256xf32, #tpu.memory_space<hbm>>
      %dma_start3A_2616 = arith.constant 0 : i32
      %dma_start3A_2617 = tpu.memref_slice %arg8[%squeeze3A_2605, %dma_start3A_2616] : memref<256x256xf32, #tpu.memory_space<vmem>> -> memref<1x256xf32, #tpu.memory_space<vmem>>
      %dma_start3A_2618 = tpu.memref_squeeze %dma_start3A_2617 : memref<1x256xf32, #tpu.memory_space<vmem>> -> memref<256xf32, #tpu.memory_space<vmem>>
      tpu.enqueue_dma source(%dma_start3A_2618 : memref<256xf32, #tpu.memory_space<vmem>>) target(%dma_start3A_2615 : memref<256xf32, #tpu.memory_space<hbm>>) target_semaphore(%arg11 : memref<!tpu.dma_semaphore, #tpu.memory_space<semaphore_mem>>)
      %mul3A_2619 = arith.constant 64 : i32
      %mul3A_2620 = arith.muli %add3A_1507, %mul3A_2619 : i32
      %add3A_2621 = arith.constant 48 : i32
      %add3A_2622 = arith.addi %mul3A_2620, %add3A_2621 : i32
      %add3A_2623 = arith.constant 3 : i32
      %add3A_2624 = arith.addi %add3A_2622, %add3A_2623 : i32
      %slice3A_2625 = vector.extract_strided_slice %and3A_2555 {offsets = [3], sizes = [1], strides = [1]} : vector<16xi32> to vector<1xi32>
      %squeeze3A_2626 = vector.extract %slice3A_2625[0] : i32 from vector<1xi32>
      %add3A_2627 = arith.addi %mul3A_32, %add3A_2624 : i32
      %dma_start3A_2628 = arith.constant 0 : i32
      %dma_start3A_2629 = tpu.memref_slice %arg8[%squeeze3A_2626, %dma_start3A_2628] : memref<256x256xf32, #tpu.memory_space<vmem>> -> memref<1x256xf32, #tpu.memory_space<vmem>>
      %dma_start3A_2630 = tpu.memref_squeeze %dma_start3A_2629 : memref<1x256xf32, #tpu.memory_space<vmem>> -> memref<256xf32, #tpu.memory_space<vmem>>
      %dma_start3A_2631 = arith.constant 0 : i32
      %dma_start3A_2632 = tpu.memref_slice %arg7[%add3A_2627, %select_n3A_9, %dma_start3A_2631] : memref<16384x8x256xf32, #tpu.memory_space<hbm>> -> memref<1x1x256xf32, #tpu.memory_space<hbm>>
      %dma_start3A_2633 = tpu.memref_squeeze %dma_start3A_2632 : memref<1x1x256xf32, #tpu.memory_space<hbm>> -> memref<256xf32, #tpu.memory_space<hbm>>
      %dma_start3A_2634 = arith.constant 0 : i32
      %dma_start3A_2635 = tpu.memref_slice %arg7[%add3A_2627, %select_n3A_9, %dma_start3A_2634] : memref<16384x8x256xf32, #tpu.memory_space<hbm>> -> memref<1x1x256xf32, #tpu.memory_space<hbm>>
      %dma_start3A_2636 = tpu.memref_squeeze %dma_start3A_2635 : memref<1x1x256xf32, #tpu.memory_space<hbm>> -> memref<256xf32, #tpu.memory_space<hbm>>
      %dma_start3A_2637 = arith.constant 0 : i32
      %dma_start3A_2638 = tpu.memref_slice %arg8[%squeeze3A_2626, %dma_start3A_2637] : memref<256x256xf32, #tpu.memory_space<vmem>> -> memref<1x256xf32, #tpu.memory_space<vmem>>
      %dma_start3A_2639 = tpu.memref_squeeze %dma_start3A_2638 : memref<1x256xf32, #tpu.memory_space<vmem>> -> memref<256xf32, #tpu.memory_space<vmem>>
      tpu.enqueue_dma source(%dma_start3A_2639 : memref<256xf32, #tpu.memory_space<vmem>>) target(%dma_start3A_2636 : memref<256xf32, #tpu.memory_space<hbm>>) target_semaphore(%arg11 : memref<!tpu.dma_semaphore, #tpu.memory_space<semaphore_mem>>)
      %mul3A_2640 = arith.constant 64 : i32
      %mul3A_2641 = arith.muli %add3A_1507, %mul3A_2640 : i32
      %add3A_2642 = arith.constant 48 : i32
      %add3A_2643 = arith.addi %mul3A_2641, %add3A_2642 : i32
      %add3A_2644 = arith.constant 4 : i32
      %add3A_2645 = arith.addi %add3A_2643, %add3A_2644 : i32
      %slice3A_2646 = vector.extract_strided_slice %and3A_2555 {offsets = [4], sizes = [1], strides = [1]} : vector<16xi32> to vector<1xi32>
      %squeeze3A_2647 = vector.extract %slice3A_2646[0] : i32 from vector<1xi32>
      %add3A_2648 = arith.addi %mul3A_32, %add3A_2645 : i32
      %dma_start3A_2649 = arith.constant 0 : i32
      %dma_start3A_2650 = tpu.memref_slice %arg8[%squeeze3A_2647, %dma_start3A_2649] : memref<256x256xf32, #tpu.memory_space<vmem>> -> memref<1x256xf32, #tpu.memory_space<vmem>>
      %dma_start3A_2651 = tpu.memref_squeeze %dma_start3A_2650 : memref<1x256xf32, #tpu.memory_space<vmem>> -> memref<256xf32, #tpu.memory_space<vmem>>
      %dma_start3A_2652 = arith.constant 0 : i32
      %dma_start3A_2653 = tpu.memref_slice %arg7[%add3A_2648, %select_n3A_9, %dma_start3A_2652] : memref<16384x8x256xf32, #tpu.memory_space<hbm>> -> memref<1x1x256xf32, #tpu.memory_space<hbm>>
      %dma_start3A_2654 = tpu.memref_squeeze %dma_start3A_2653 : memref<1x1x256xf32, #tpu.memory_space<hbm>> -> memref<256xf32, #tpu.memory_space<hbm>>
      %dma_start3A_2655 = arith.constant 0 : i32
      %dma_start3A_2656 = tpu.memref_slice %arg7[%add3A_2648, %select_n3A_9, %dma_start3A_2655] : memref<16384x8x256xf32, #tpu.memory_space<hbm>> -> memref<1x1x256xf32, #tpu.memory_space<hbm>>
      %dma_start3A_2657 = tpu.memref_squeeze %dma_start3A_2656 : memref<1x1x256xf32, #tpu.memory_space<hbm>> -> memref<256xf32, #tpu.memory_space<hbm>>
      %dma_start3A_2658 = arith.constant 0 : i32
      %dma_start3A_2659 = tpu.memref_slice %arg8[%squeeze3A_2647, %dma_start3A_2658] : memref<256x256xf32, #tpu.memory_space<vmem>> -> memref<1x256xf32, #tpu.memory_space<vmem>>
      %dma_start3A_2660 = tpu.memref_squeeze %dma_start3A_2659 : memref<1x256xf32, #tpu.memory_space<vmem>> -> memref<256xf32, #tpu.memory_space<vmem>>
      tpu.enqueue_dma source(%dma_start3A_2660 : memref<256xf32, #tpu.memory_space<vmem>>) target(%dma_start3A_2657 : memref<256xf32, #tpu.memory_space<hbm>>) target_semaphore(%arg11 : memref<!tpu.dma_semaphore, #tpu.memory_space<semaphore_mem>>)
      %mul3A_2661 = arith.constant 64 : i32
      %mul3A_2662 = arith.muli %add3A_1507, %mul3A_2661 : i32
      %add3A_2663 = arith.constant 48 : i32
      %add3A_2664 = arith.addi %mul3A_2662, %add3A_2663 : i32
      %add3A_2665 = arith.constant 5 : i32
      %add3A_2666 = arith.addi %add3A_2664, %add3A_2665 : i32
      %slice3A_2667 = vector.extract_strided_slice %and3A_2555 {offsets = [5], sizes = [1], strides = [1]} : vector<16xi32> to vector<1xi32>
      %squeeze3A_2668 = vector.extract %slice3A_2667[0] : i32 from vector<1xi32>
      %add3A_2669 = arith.addi %mul3A_32, %add3A_2666 : i32
      %dma_start3A_2670 = arith.constant 0 : i32
      %dma_start3A_2671 = tpu.memref_slice %arg8[%squeeze3A_2668, %dma_start3A_2670] : memref<256x256xf32, #tpu.memory_space<vmem>> -> memref<1x256xf32, #tpu.memory_space<vmem>>
      %dma_start3A_2672 = tpu.memref_squeeze %dma_start3A_2671 : memref<1x256xf32, #tpu.memory_space<vmem>> -> memref<256xf32, #tpu.memory_space<vmem>>
      %dma_start3A_2673 = arith.constant 0 : i32
      %dma_start3A_2674 = tpu.memref_slice %arg7[%add3A_2669, %select_n3A_9, %dma_start3A_2673] : memref<16384x8x256xf32, #tpu.memory_space<hbm>> -> memref<1x1x256xf32, #tpu.memory_space<hbm>>
      %dma_start3A_2675 = tpu.memref_squeeze %dma_start3A_2674 : memref<1x1x256xf32, #tpu.memory_space<hbm>> -> memref<256xf32, #tpu.memory_space<hbm>>
      %dma_start3A_2676 = arith.constant 0 : i32
      %dma_start3A_2677 = tpu.memref_slice %arg7[%add3A_2669, %select_n3A_9, %dma_start3A_2676] : memref<16384x8x256xf32, #tpu.memory_space<hbm>> -> memref<1x1x256xf32, #tpu.memory_space<hbm>>
      %dma_start3A_2678 = tpu.memref_squeeze %dma_start3A_2677 : memref<1x1x256xf32, #tpu.memory_space<hbm>> -> memref<256xf32, #tpu.memory_space<hbm>>
      %dma_start3A_2679 = arith.constant 0 : i32
      %dma_start3A_2680 = tpu.memref_slice %arg8[%squeeze3A_2668, %dma_start3A_2679] : memref<256x256xf32, #tpu.memory_space<vmem>> -> memref<1x256xf32, #tpu.memory_space<vmem>>
      %dma_start3A_2681 = tpu.memref_squeeze %dma_start3A_2680 : memref<1x256xf32, #tpu.memory_space<vmem>> -> memref<256xf32, #tpu.memory_space<vmem>>
      tpu.enqueue_dma source(%dma_start3A_2681 : memref<256xf32, #tpu.memory_space<vmem>>) target(%dma_start3A_2678 : memref<256xf32, #tpu.memory_space<hbm>>) target_semaphore(%arg11 : memref<!tpu.dma_semaphore, #tpu.memory_space<semaphore_mem>>)
      %mul3A_2682 = arith.constant 64 : i32
      %mul3A_2683 = arith.muli %add3A_1507, %mul3A_2682 : i32
      %add3A_2684 = arith.constant 48 : i32
      %add3A_2685 = arith.addi %mul3A_2683, %add3A_2684 : i32
      %add3A_2686 = arith.constant 6 : i32
      %add3A_2687 = arith.addi %add3A_2685, %add3A_2686 : i32
      %slice3A_2688 = vector.extract_strided_slice %and3A_2555 {offsets = [6], sizes = [1], strides = [1]} : vector<16xi32> to vector<1xi32>
      %squeeze3A_2689 = vector.extract %slice3A_2688[0] : i32 from vector<1xi32>
      %add3A_2690 = arith.addi %mul3A_32, %add3A_2687 : i32
      %dma_start3A_2691 = arith.constant 0 : i32
      %dma_start3A_2692 = tpu.memref_slice %arg8[%squeeze3A_2689, %dma_start3A_2691] : memref<256x256xf32, #tpu.memory_space<vmem>> -> memref<1x256xf32, #tpu.memory_space<vmem>>
      %dma_start3A_2693 = tpu.memref_squeeze %dma_start3A_2692 : memref<1x256xf32, #tpu.memory_space<vmem>> -> memref<256xf32, #tpu.memory_space<vmem>>
      %dma_start3A_2694 = arith.constant 0 : i32
      %dma_start3A_2695 = tpu.memref_slice %arg7[%add3A_2690, %select_n3A_9, %dma_start3A_2694] : memref<16384x8x256xf32, #tpu.memory_space<hbm>> -> memref<1x1x256xf32, #tpu.memory_space<hbm>>
      %dma_start3A_2696 = tpu.memref_squeeze %dma_start3A_2695 : memref<1x1x256xf32, #tpu.memory_space<hbm>> -> memref<256xf32, #tpu.memory_space<hbm>>
      %dma_start3A_2697 = arith.constant 0 : i32
      %dma_start3A_2698 = tpu.memref_slice %arg7[%add3A_2690, %select_n3A_9, %dma_start3A_2697] : memref<16384x8x256xf32, #tpu.memory_space<hbm>> -> memref<1x1x256xf32, #tpu.memory_space<hbm>>
      %dma_start3A_2699 = tpu.memref_squeeze %dma_start3A_2698 : memref<1x1x256xf32, #tpu.memory_space<hbm>> -> memref<256xf32, #tpu.memory_space<hbm>>
      %dma_start3A_2700 = arith.constant 0 : i32
      %dma_start3A_2701 = tpu.memref_slice %arg8[%squeeze3A_2689, %dma_start3A_2700] : memref<256x256xf32, #tpu.memory_space<vmem>> -> memref<1x256xf32, #tpu.memory_space<vmem>>
      %dma_start3A_2702 = tpu.memref_squeeze %dma_start3A_2701 : memref<1x256xf32, #tpu.memory_space<vmem>> -> memref<256xf32, #tpu.memory_space<vmem>>
      tpu.enqueue_dma source(%dma_start3A_2702 : memref<256xf32, #tpu.memory_space<vmem>>) target(%dma_start3A_2699 : memref<256xf32, #tpu.memory_space<hbm>>) target_semaphore(%arg11 : memref<!tpu.dma_semaphore, #tpu.memory_space<semaphore_mem>>)
      %mul3A_2703 = arith.constant 64 : i32
      %mul3A_2704 = arith.muli %add3A_1507, %mul3A_2703 : i32
      %add3A_2705 = arith.constant 48 : i32
      %add3A_2706 = arith.addi %mul3A_2704, %add3A_2705 : i32
      %add3A_2707 = arith.constant 7 : i32
      %add3A_2708 = arith.addi %add3A_2706, %add3A_2707 : i32
      %slice3A_2709 = vector.extract_strided_slice %and3A_2555 {offsets = [7], sizes = [1], strides = [1]} : vector<16xi32> to vector<1xi32>
      %squeeze3A_2710 = vector.extract %slice3A_2709[0] : i32 from vector<1xi32>
      %add3A_2711 = arith.addi %mul3A_32, %add3A_2708 : i32
      %dma_start3A_2712 = arith.constant 0 : i32
      %dma_start3A_2713 = tpu.memref_slice %arg8[%squeeze3A_2710, %dma_start3A_2712] : memref<256x256xf32, #tpu.memory_space<vmem>> -> memref<1x256xf32, #tpu.memory_space<vmem>>
      %dma_start3A_2714 = tpu.memref_squeeze %dma_start3A_2713 : memref<1x256xf32, #tpu.memory_space<vmem>> -> memref<256xf32, #tpu.memory_space<vmem>>
      %dma_start3A_2715 = arith.constant 0 : i32
      %dma_start3A_2716 = tpu.memref_slice %arg7[%add3A_2711, %select_n3A_9, %dma_start3A_2715] : memref<16384x8x256xf32, #tpu.memory_space<hbm>> -> memref<1x1x256xf32, #tpu.memory_space<hbm>>
      %dma_start3A_2717 = tpu.memref_squeeze %dma_start3A_2716 : memref<1x1x256xf32, #tpu.memory_space<hbm>> -> memref<256xf32, #tpu.memory_space<hbm>>
      %dma_start3A_2718 = arith.constant 0 : i32
      %dma_start3A_2719 = tpu.memref_slice %arg7[%add3A_2711, %select_n3A_9, %dma_start3A_2718] : memref<16384x8x256xf32, #tpu.memory_space<hbm>> -> memref<1x1x256xf32, #tpu.memory_space<hbm>>
      %dma_start3A_2720 = tpu.memref_squeeze %dma_start3A_2719 : memref<1x1x256xf32, #tpu.memory_space<hbm>> -> memref<256xf32, #tpu.memory_space<hbm>>
      %dma_start3A_2721 = arith.constant 0 : i32
      %dma_start3A_2722 = tpu.memref_slice %arg8[%squeeze3A_2710, %dma_start3A_2721] : memref<256x256xf32, #tpu.memory_space<vmem>> -> memref<1x256xf32, #tpu.memory_space<vmem>>
      %dma_start3A_2723 = tpu.memref_squeeze %dma_start3A_2722 : memref<1x256xf32, #tpu.memory_space<vmem>> -> memref<256xf32, #tpu.memory_space<vmem>>
      tpu.enqueue_dma source(%dma_start3A_2723 : memref<256xf32, #tpu.memory_space<vmem>>) target(%dma_start3A_2720 : memref<256xf32, #tpu.memory_space<hbm>>) target_semaphore(%arg11 : memref<!tpu.dma_semaphore, #tpu.memory_space<semaphore_mem>>)
      %mul3A_2724 = arith.constant 64 : i32
      %mul3A_2725 = arith.muli %add3A_1507, %mul3A_2724 : i32
      %add3A_2726 = arith.constant 48 : i32
      %add3A_2727 = arith.addi %mul3A_2725, %add3A_2726 : i32
      %add3A_2728 = arith.constant 8 : i32
      %add3A_2729 = arith.addi %add3A_2727, %add3A_2728 : i32
      %slice3A_2730 = vector.extract_strided_slice %and3A_2555 {offsets = [8], sizes = [1], strides = [1]} : vector<16xi32> to vector<1xi32>
      %squeeze3A_2731 = vector.extract %slice3A_2730[0] : i32 from vector<1xi32>
      %add3A_2732 = arith.addi %mul3A_32, %add3A_2729 : i32
      %dma_start3A_2733 = arith.constant 0 : i32
      %dma_start3A_2734 = tpu.memref_slice %arg8[%squeeze3A_2731, %dma_start3A_2733] : memref<256x256xf32, #tpu.memory_space<vmem>> -> memref<1x256xf32, #tpu.memory_space<vmem>>
      %dma_start3A_2735 = tpu.memref_squeeze %dma_start3A_2734 : memref<1x256xf32, #tpu.memory_space<vmem>> -> memref<256xf32, #tpu.memory_space<vmem>>
      %dma_start3A_2736 = arith.constant 0 : i32
      %dma_start3A_2737 = tpu.memref_slice %arg7[%add3A_2732, %select_n3A_9, %dma_start3A_2736] : memref<16384x8x256xf32, #tpu.memory_space<hbm>> -> memref<1x1x256xf32, #tpu.memory_space<hbm>>
      %dma_start3A_2738 = tpu.memref_squeeze %dma_start3A_2737 : memref<1x1x256xf32, #tpu.memory_space<hbm>> -> memref<256xf32, #tpu.memory_space<hbm>>
      %dma_start3A_2739 = arith.constant 0 : i32
      %dma_start3A_2740 = tpu.memref_slice %arg7[%add3A_2732, %select_n3A_9, %dma_start3A_2739] : memref<16384x8x256xf32, #tpu.memory_space<hbm>> -> memref<1x1x256xf32, #tpu.memory_space<hbm>>
      %dma_start3A_2741 = tpu.memref_squeeze %dma_start3A_2740 : memref<1x1x256xf32, #tpu.memory_space<hbm>> -> memref<256xf32, #tpu.memory_space<hbm>>
      %dma_start3A_2742 = arith.constant 0 : i32
      %dma_start3A_2743 = tpu.memref_slice %arg8[%squeeze3A_2731, %dma_start3A_2742] : memref<256x256xf32, #tpu.memory_space<vmem>> -> memref<1x256xf32, #tpu.memory_space<vmem>>
      %dma_start3A_2744 = tpu.memref_squeeze %dma_start3A_2743 : memref<1x256xf32, #tpu.memory_space<vmem>> -> memref<256xf32, #tpu.memory_space<vmem>>
      tpu.enqueue_dma source(%dma_start3A_2744 : memref<256xf32, #tpu.memory_space<vmem>>) target(%dma_start3A_2741 : memref<256xf32, #tpu.memory_space<hbm>>) target_semaphore(%arg11 : memref<!tpu.dma_semaphore, #tpu.memory_space<semaphore_mem>>)
      %mul3A_2745 = arith.constant 64 : i32
      %mul3A_2746 = arith.muli %add3A_1507, %mul3A_2745 : i32
      %add3A_2747 = arith.constant 48 : i32
      %add3A_2748 = arith.addi %mul3A_2746, %add3A_2747 : i32
      %add3A_2749 = arith.constant 9 : i32
      %add3A_2750 = arith.addi %add3A_2748, %add3A_2749 : i32
      %slice3A_2751 = vector.extract_strided_slice %and3A_2555 {offsets = [9], sizes = [1], strides = [1]} : vector<16xi32> to vector<1xi32>
      %squeeze3A_2752 = vector.extract %slice3A_2751[0] : i32 from vector<1xi32>
      %add3A_2753 = arith.addi %mul3A_32, %add3A_2750 : i32
      %dma_start3A_2754 = arith.constant 0 : i32
      %dma_start3A_2755 = tpu.memref_slice %arg8[%squeeze3A_2752, %dma_start3A_2754] : memref<256x256xf32, #tpu.memory_space<vmem>> -> memref<1x256xf32, #tpu.memory_space<vmem>>
      %dma_start3A_2756 = tpu.memref_squeeze %dma_start3A_2755 : memref<1x256xf32, #tpu.memory_space<vmem>> -> memref<256xf32, #tpu.memory_space<vmem>>
      %dma_start3A_2757 = arith.constant 0 : i32
      %dma_start3A_2758 = tpu.memref_slice %arg7[%add3A_2753, %select_n3A_9, %dma_start3A_2757] : memref<16384x8x256xf32, #tpu.memory_space<hbm>> -> memref<1x1x256xf32, #tpu.memory_space<hbm>>
      %dma_start3A_2759 = tpu.memref_squeeze %dma_start3A_2758 : memref<1x1x256xf32, #tpu.memory_space<hbm>> -> memref<256xf32, #tpu.memory_space<hbm>>
      %dma_start3A_2760 = arith.constant 0 : i32
      %dma_start3A_2761 = tpu.memref_slice %arg7[%add3A_2753, %select_n3A_9, %dma_start3A_2760] : memref<16384x8x256xf32, #tpu.memory_space<hbm>> -> memref<1x1x256xf32, #tpu.memory_space<hbm>>
      %dma_start3A_2762 = tpu.memref_squeeze %dma_start3A_2761 : memref<1x1x256xf32, #tpu.memory_space<hbm>> -> memref<256xf32, #tpu.memory_space<hbm>>
      %dma_start3A_2763 = arith.constant 0 : i32
      %dma_start3A_2764 = tpu.memref_slice %arg8[%squeeze3A_2752, %dma_start3A_2763] : memref<256x256xf32, #tpu.memory_space<vmem>> -> memref<1x256xf32, #tpu.memory_space<vmem>>
      %dma_start3A_2765 = tpu.memref_squeeze %dma_start3A_2764 : memref<1x256xf32, #tpu.memory_space<vmem>> -> memref<256xf32, #tpu.memory_space<vmem>>
      tpu.enqueue_dma source(%dma_start3A_2765 : memref<256xf32, #tpu.memory_space<vmem>>) target(%dma_start3A_2762 : memref<256xf32, #tpu.memory_space<hbm>>) target_semaphore(%arg11 : memref<!tpu.dma_semaphore, #tpu.memory_space<semaphore_mem>>)
      %mul3A_2766 = arith.constant 64 : i32
      %mul3A_2767 = arith.muli %add3A_1507, %mul3A_2766 : i32
      %add3A_2768 = arith.constant 48 : i32
      %add3A_2769 = arith.addi %mul3A_2767, %add3A_2768 : i32
      %add3A_2770 = arith.constant 10 : i32
      %add3A_2771 = arith.addi %add3A_2769, %add3A_2770 : i32
      %slice3A_2772 = vector.extract_strided_slice %and3A_2555 {offsets = [10], sizes = [1], strides = [1]} : vector<16xi32> to vector<1xi32>
      %squeeze3A_2773 = vector.extract %slice3A_2772[0] : i32 from vector<1xi32>
      %add3A_2774 = arith.addi %mul3A_32, %add3A_2771 : i32
      %dma_start3A_2775 = arith.constant 0 : i32
      %dma_start3A_2776 = tpu.memref_slice %arg8[%squeeze3A_2773, %dma_start3A_2775] : memref<256x256xf32, #tpu.memory_space<vmem>> -> memref<1x256xf32, #tpu.memory_space<vmem>>
      %dma_start3A_2777 = tpu.memref_squeeze %dma_start3A_2776 : memref<1x256xf32, #tpu.memory_space<vmem>> -> memref<256xf32, #tpu.memory_space<vmem>>
      %dma_start3A_2778 = arith.constant 0 : i32
      %dma_start3A_2779 = tpu.memref_slice %arg7[%add3A_2774, %select_n3A_9, %dma_start3A_2778] : memref<16384x8x256xf32, #tpu.memory_space<hbm>> -> memref<1x1x256xf32, #tpu.memory_space<hbm>>
      %dma_start3A_2780 = tpu.memref_squeeze %dma_start3A_2779 : memref<1x1x256xf32, #tpu.memory_space<hbm>> -> memref<256xf32, #tpu.memory_space<hbm>>
      %dma_start3A_2781 = arith.constant 0 : i32
      %dma_start3A_2782 = tpu.memref_slice %arg7[%add3A_2774, %select_n3A_9, %dma_start3A_2781] : memref<16384x8x256xf32, #tpu.memory_space<hbm>> -> memref<1x1x256xf32, #tpu.memory_space<hbm>>
      %dma_start3A_2783 = tpu.memref_squeeze %dma_start3A_2782 : memref<1x1x256xf32, #tpu.memory_space<hbm>> -> memref<256xf32, #tpu.memory_space<hbm>>
      %dma_start3A_2784 = arith.constant 0 : i32
      %dma_start3A_2785 = tpu.memref_slice %arg8[%squeeze3A_2773, %dma_start3A_2784] : memref<256x256xf32, #tpu.memory_space<vmem>> -> memref<1x256xf32, #tpu.memory_space<vmem>>
      %dma_start3A_2786 = tpu.memref_squeeze %dma_start3A_2785 : memref<1x256xf32, #tpu.memory_space<vmem>> -> memref<256xf32, #tpu.memory_space<vmem>>
      tpu.enqueue_dma source(%dma_start3A_2786 : memref<256xf32, #tpu.memory_space<vmem>>) target(%dma_start3A_2783 : memref<256xf32, #tpu.memory_space<hbm>>) target_semaphore(%arg11 : memref<!tpu.dma_semaphore, #tpu.memory_space<semaphore_mem>>)
      %mul3A_2787 = arith.constant 64 : i32
      %mul3A_2788 = arith.muli %add3A_1507, %mul3A_2787 : i32
      %add3A_2789 = arith.constant 48 : i32
      %add3A_2790 = arith.addi %mul3A_2788, %add3A_2789 : i32
      %add3A_2791 = arith.constant 11 : i32
      %add3A_2792 = arith.addi %add3A_2790, %add3A_2791 : i32
      %slice3A_2793 = vector.extract_strided_slice %and3A_2555 {offsets = [11], sizes = [1], strides = [1]} : vector<16xi32> to vector<1xi32>
      %squeeze3A_2794 = vector.extract %slice3A_2793[0] : i32 from vector<1xi32>
      %add3A_2795 = arith.addi %mul3A_32, %add3A_2792 : i32
      %dma_start3A_2796 = arith.constant 0 : i32
      %dma_start3A_2797 = tpu.memref_slice %arg8[%squeeze3A_2794, %dma_start3A_2796] : memref<256x256xf32, #tpu.memory_space<vmem>> -> memref<1x256xf32, #tpu.memory_space<vmem>>
      %dma_start3A_2798 = tpu.memref_squeeze %dma_start3A_2797 : memref<1x256xf32, #tpu.memory_space<vmem>> -> memref<256xf32, #tpu.memory_space<vmem>>
      %dma_start3A_2799 = arith.constant 0 : i32
      %dma_start3A_2800 = tpu.memref_slice %arg7[%add3A_2795, %select_n3A_9, %dma_start3A_2799] : memref<16384x8x256xf32, #tpu.memory_space<hbm>> -> memref<1x1x256xf32, #tpu.memory_space<hbm>>
      %dma_start3A_2801 = tpu.memref_squeeze %dma_start3A_2800 : memref<1x1x256xf32, #tpu.memory_space<hbm>> -> memref<256xf32, #tpu.memory_space<hbm>>
      %dma_start3A_2802 = arith.constant 0 : i32
      %dma_start3A_2803 = tpu.memref_slice %arg7[%add3A_2795, %select_n3A_9, %dma_start3A_2802] : memref<16384x8x256xf32, #tpu.memory_space<hbm>> -> memref<1x1x256xf32, #tpu.memory_space<hbm>>
      %dma_start3A_2804 = tpu.memref_squeeze %dma_start3A_2803 : memref<1x1x256xf32, #tpu.memory_space<hbm>> -> memref<256xf32, #tpu.memory_space<hbm>>
      %dma_start3A_2805 = arith.constant 0 : i32
      %dma_start3A_2806 = tpu.memref_slice %arg8[%squeeze3A_2794, %dma_start3A_2805] : memref<256x256xf32, #tpu.memory_space<vmem>> -> memref<1x256xf32, #tpu.memory_space<vmem>>
      %dma_start3A_2807 = tpu.memref_squeeze %dma_start3A_2806 : memref<1x256xf32, #tpu.memory_space<vmem>> -> memref<256xf32, #tpu.memory_space<vmem>>
      tpu.enqueue_dma source(%dma_start3A_2807 : memref<256xf32, #tpu.memory_space<vmem>>) target(%dma_start3A_2804 : memref<256xf32, #tpu.memory_space<hbm>>) target_semaphore(%arg11 : memref<!tpu.dma_semaphore, #tpu.memory_space<semaphore_mem>>)
      %mul3A_2808 = arith.constant 64 : i32
      %mul3A_2809 = arith.muli %add3A_1507, %mul3A_2808 : i32
      %add3A_2810 = arith.constant 48 : i32
      %add3A_2811 = arith.addi %mul3A_2809, %add3A_2810 : i32
      %add3A_2812 = arith.constant 12 : i32
      %add3A_2813 = arith.addi %add3A_2811, %add3A_2812 : i32
      %slice3A_2814 = vector.extract_strided_slice %and3A_2555 {offsets = [12], sizes = [1], strides = [1]} : vector<16xi32> to vector<1xi32>
      %squeeze3A_2815 = vector.extract %slice3A_2814[0] : i32 from vector<1xi32>
      %add3A_2816 = arith.addi %mul3A_32, %add3A_2813 : i32
      %dma_start3A_2817 = arith.constant 0 : i32
      %dma_start3A_2818 = tpu.memref_slice %arg8[%squeeze3A_2815, %dma_start3A_2817] : memref<256x256xf32, #tpu.memory_space<vmem>> -> memref<1x256xf32, #tpu.memory_space<vmem>>
      %dma_start3A_2819 = tpu.memref_squeeze %dma_start3A_2818 : memref<1x256xf32, #tpu.memory_space<vmem>> -> memref<256xf32, #tpu.memory_space<vmem>>
      %dma_start3A_2820 = arith.constant 0 : i32
      %dma_start3A_2821 = tpu.memref_slice %arg7[%add3A_2816, %select_n3A_9, %dma_start3A_2820] : memref<16384x8x256xf32, #tpu.memory_space<hbm>> -> memref<1x1x256xf32, #tpu.memory_space<hbm>>
      %dma_start3A_2822 = tpu.memref_squeeze %dma_start3A_2821 : memref<1x1x256xf32, #tpu.memory_space<hbm>> -> memref<256xf32, #tpu.memory_space<hbm>>
      %dma_start3A_2823 = arith.constant 0 : i32
      %dma_start3A_2824 = tpu.memref_slice %arg7[%add3A_2816, %select_n3A_9, %dma_start3A_2823] : memref<16384x8x256xf32, #tpu.memory_space<hbm>> -> memref<1x1x256xf32, #tpu.memory_space<hbm>>
      %dma_start3A_2825 = tpu.memref_squeeze %dma_start3A_2824 : memref<1x1x256xf32, #tpu.memory_space<hbm>> -> memref<256xf32, #tpu.memory_space<hbm>>
      %dma_start3A_2826 = arith.constant 0 : i32
      %dma_start3A_2827 = tpu.memref_slice %arg8[%squeeze3A_2815, %dma_start3A_2826] : memref<256x256xf32, #tpu.memory_space<vmem>> -> memref<1x256xf32, #tpu.memory_space<vmem>>
      %dma_start3A_2828 = tpu.memref_squeeze %dma_start3A_2827 : memref<1x256xf32, #tpu.memory_space<vmem>> -> memref<256xf32, #tpu.memory_space<vmem>>
      tpu.enqueue_dma source(%dma_start3A_2828 : memref<256xf32, #tpu.memory_space<vmem>>) target(%dma_start3A_2825 : memref<256xf32, #tpu.memory_space<hbm>>) target_semaphore(%arg11 : memref<!tpu.dma_semaphore, #tpu.memory_space<semaphore_mem>>)
      %mul3A_2829 = arith.constant 64 : i32
      %mul3A_2830 = arith.muli %add3A_1507, %mul3A_2829 : i32
      %add3A_2831 = arith.constant 48 : i32
      %add3A_2832 = arith.addi %mul3A_2830, %add3A_2831 : i32
      %add3A_2833 = arith.constant 13 : i32
      %add3A_2834 = arith.addi %add3A_2832, %add3A_2833 : i32
      %slice3A_2835 = vector.extract_strided_slice %and3A_2555 {offsets = [13], sizes = [1], strides = [1]} : vector<16xi32> to vector<1xi32>
      %squeeze3A_2836 = vector.extract %slice3A_2835[0] : i32 from vector<1xi32>
      %add3A_2837 = arith.addi %mul3A_32, %add3A_2834 : i32
      %dma_start3A_2838 = arith.constant 0 : i32
      %dma_start3A_2839 = tpu.memref_slice %arg8[%squeeze3A_2836, %dma_start3A_2838] : memref<256x256xf32, #tpu.memory_space<vmem>> -> memref<1x256xf32, #tpu.memory_space<vmem>>
      %dma_start3A_2840 = tpu.memref_squeeze %dma_start3A_2839 : memref<1x256xf32, #tpu.memory_space<vmem>> -> memref<256xf32, #tpu.memory_space<vmem>>
      %dma_start3A_2841 = arith.constant 0 : i32
      %dma_start3A_2842 = tpu.memref_slice %arg7[%add3A_2837, %select_n3A_9, %dma_start3A_2841] : memref<16384x8x256xf32, #tpu.memory_space<hbm>> -> memref<1x1x256xf32, #tpu.memory_space<hbm>>
      %dma_start3A_2843 = tpu.memref_squeeze %dma_start3A_2842 : memref<1x1x256xf32, #tpu.memory_space<hbm>> -> memref<256xf32, #tpu.memory_space<hbm>>
      %dma_start3A_2844 = arith.constant 0 : i32
      %dma_start3A_2845 = tpu.memref_slice %arg7[%add3A_2837, %select_n3A_9, %dma_start3A_2844] : memref<16384x8x256xf32, #tpu.memory_space<hbm>> -> memref<1x1x256xf32, #tpu.memory_space<hbm>>
      %dma_start3A_2846 = tpu.memref_squeeze %dma_start3A_2845 : memref<1x1x256xf32, #tpu.memory_space<hbm>> -> memref<256xf32, #tpu.memory_space<hbm>>
      %dma_start3A_2847 = arith.constant 0 : i32
      %dma_start3A_2848 = tpu.memref_slice %arg8[%squeeze3A_2836, %dma_start3A_2847] : memref<256x256xf32, #tpu.memory_space<vmem>> -> memref<1x256xf32, #tpu.memory_space<vmem>>
      %dma_start3A_2849 = tpu.memref_squeeze %dma_start3A_2848 : memref<1x256xf32, #tpu.memory_space<vmem>> -> memref<256xf32, #tpu.memory_space<vmem>>
      tpu.enqueue_dma source(%dma_start3A_2849 : memref<256xf32, #tpu.memory_space<vmem>>) target(%dma_start3A_2846 : memref<256xf32, #tpu.memory_space<hbm>>) target_semaphore(%arg11 : memref<!tpu.dma_semaphore, #tpu.memory_space<semaphore_mem>>)
      %mul3A_2850 = arith.constant 64 : i32
      %mul3A_2851 = arith.muli %add3A_1507, %mul3A_2850 : i32
      %add3A_2852 = arith.constant 48 : i32
      %add3A_2853 = arith.addi %mul3A_2851, %add3A_2852 : i32
      %add3A_2854 = arith.constant 14 : i32
      %add3A_2855 = arith.addi %add3A_2853, %add3A_2854 : i32
      %slice3A_2856 = vector.extract_strided_slice %and3A_2555 {offsets = [14], sizes = [1], strides = [1]} : vector<16xi32> to vector<1xi32>
      %squeeze3A_2857 = vector.extract %slice3A_2856[0] : i32 from vector<1xi32>
      %add3A_2858 = arith.addi %mul3A_32, %add3A_2855 : i32
      %dma_start3A_2859 = arith.constant 0 : i32
      %dma_start3A_2860 = tpu.memref_slice %arg8[%squeeze3A_2857, %dma_start3A_2859] : memref<256x256xf32, #tpu.memory_space<vmem>> -> memref<1x256xf32, #tpu.memory_space<vmem>>
      %dma_start3A_2861 = tpu.memref_squeeze %dma_start3A_2860 : memref<1x256xf32, #tpu.memory_space<vmem>> -> memref<256xf32, #tpu.memory_space<vmem>>
      %dma_start3A_2862 = arith.constant 0 : i32
      %dma_start3A_2863 = tpu.memref_slice %arg7[%add3A_2858, %select_n3A_9, %dma_start3A_2862] : memref<16384x8x256xf32, #tpu.memory_space<hbm>> -> memref<1x1x256xf32, #tpu.memory_space<hbm>>
      %dma_start3A_2864 = tpu.memref_squeeze %dma_start3A_2863 : memref<1x1x256xf32, #tpu.memory_space<hbm>> -> memref<256xf32, #tpu.memory_space<hbm>>
      %dma_start3A_2865 = arith.constant 0 : i32
      %dma_start3A_2866 = tpu.memref_slice %arg7[%add3A_2858, %select_n3A_9, %dma_start3A_2865] : memref<16384x8x256xf32, #tpu.memory_space<hbm>> -> memref<1x1x256xf32, #tpu.memory_space<hbm>>
      %dma_start3A_2867 = tpu.memref_squeeze %dma_start3A_2866 : memref<1x1x256xf32, #tpu.memory_space<hbm>> -> memref<256xf32, #tpu.memory_space<hbm>>
      %dma_start3A_2868 = arith.constant 0 : i32
      %dma_start3A_2869 = tpu.memref_slice %arg8[%squeeze3A_2857, %dma_start3A_2868] : memref<256x256xf32, #tpu.memory_space<vmem>> -> memref<1x256xf32, #tpu.memory_space<vmem>>
      %dma_start3A_2870 = tpu.memref_squeeze %dma_start3A_2869 : memref<1x256xf32, #tpu.memory_space<vmem>> -> memref<256xf32, #tpu.memory_space<vmem>>
      tpu.enqueue_dma source(%dma_start3A_2870 : memref<256xf32, #tpu.memory_space<vmem>>) target(%dma_start3A_2867 : memref<256xf32, #tpu.memory_space<hbm>>) target_semaphore(%arg11 : memref<!tpu.dma_semaphore, #tpu.memory_space<semaphore_mem>>)
      %mul3A_2871 = arith.constant 64 : i32
      %mul3A_2872 = arith.muli %add3A_1507, %mul3A_2871 : i32
      %add3A_2873 = arith.constant 48 : i32
      %add3A_2874 = arith.addi %mul3A_2872, %add3A_2873 : i32
      %add3A_2875 = arith.constant 15 : i32
      %add3A_2876 = arith.addi %add3A_2874, %add3A_2875 : i32
      %slice3A_2877 = vector.extract_strided_slice %and3A_2555 {offsets = [15], sizes = [1], strides = [1]} : vector<16xi32> to vector<1xi32>
      %squeeze3A_2878 = vector.extract %slice3A_2877[0] : i32 from vector<1xi32>
      %add3A_2879 = arith.addi %mul3A_32, %add3A_2876 : i32
      %dma_start3A_2880 = arith.constant 0 : i32
      %dma_start3A_2881 = tpu.memref_slice %arg8[%squeeze3A_2878, %dma_start3A_2880] : memref<256x256xf32, #tpu.memory_space<vmem>> -> memref<1x256xf32, #tpu.memory_space<vmem>>
      %dma_start3A_2882 = tpu.memref_squeeze %dma_start3A_2881 : memref<1x256xf32, #tpu.memory_space<vmem>> -> memref<256xf32, #tpu.memory_space<vmem>>
      %dma_start3A_2883 = arith.constant 0 : i32
      %dma_start3A_2884 = tpu.memref_slice %arg7[%add3A_2879, %select_n3A_9, %dma_start3A_2883] : memref<16384x8x256xf32, #tpu.memory_space<hbm>> -> memref<1x1x256xf32, #tpu.memory_space<hbm>>
      %dma_start3A_2885 = tpu.memref_squeeze %dma_start3A_2884 : memref<1x1x256xf32, #tpu.memory_space<hbm>> -> memref<256xf32, #tpu.memory_space<hbm>>
      %dma_start3A_2886 = arith.constant 0 : i32
      %dma_start3A_2887 = tpu.memref_slice %arg7[%add3A_2879, %select_n3A_9, %dma_start3A_2886] : memref<16384x8x256xf32, #tpu.memory_space<hbm>> -> memref<1x1x256xf32, #tpu.memory_space<hbm>>
      %dma_start3A_2888 = tpu.memref_squeeze %dma_start3A_2887 : memref<1x1x256xf32, #tpu.memory_space<hbm>> -> memref<256xf32, #tpu.memory_space<hbm>>
      %dma_start3A_2889 = arith.constant 0 : i32
      %dma_start3A_2890 = tpu.memref_slice %arg8[%squeeze3A_2878, %dma_start3A_2889] : memref<256x256xf32, #tpu.memory_space<vmem>> -> memref<1x256xf32, #tpu.memory_space<vmem>>
      %dma_start3A_2891 = tpu.memref_squeeze %dma_start3A_2890 : memref<1x256xf32, #tpu.memory_space<vmem>> -> memref<256xf32, #tpu.memory_space<vmem>>
      tpu.enqueue_dma source(%dma_start3A_2891 : memref<256xf32, #tpu.memory_space<vmem>>) target(%dma_start3A_2888 : memref<256xf32, #tpu.memory_space<hbm>>) target_semaphore(%arg11 : memref<!tpu.dma_semaphore, #tpu.memory_space<semaphore_mem>>)
    }
    %scan3A_102 = arith.constant 32 : i32
    %dma_wait3A_103 = arith.constant 0 : i32
    %dma_wait3A_104 = tpu.memref_slice %arg7[%mul3A_32, %select_n3A_9, %dma_wait3A_103] : memref<16384x8x256xf32, #tpu.memory_space<hbm>> -> memref<64x1x256xf32, #tpu.memory_space<hbm>>
    %dma_wait3A_105 = tpu.memref_squeeze %dma_wait3A_104 : memref<64x1x256xf32, #tpu.memory_space<hbm>> -> memref<64x256xf32, #tpu.memory_space<hbm>>
    %dma_wait3A_106 = arith.constant 0 : i32
    %dma_wait3A_107 = tpu.memref_slice %arg7[%mul3A_32, %select_n3A_9, %dma_wait3A_106] : memref<16384x8x256xf32, #tpu.memory_space<hbm>> -> memref<64x1x256xf32, #tpu.memory_space<hbm>>
    %dma_wait3A_108 = tpu.memref_squeeze %dma_wait3A_107 : memref<64x1x256xf32, #tpu.memory_space<hbm>> -> memref<64x256xf32, #tpu.memory_space<hbm>>
    tpu.wait_dma2 semaphore(%arg10 : memref<!tpu.dma_semaphore, #tpu.memory_space<semaphore_mem>>) src(%dma_wait3A_108 : memref<64x256xf32, #tpu.memory_space<hbm>>) dst(%dma_wait3A_105 : memref<64x256xf32, #tpu.memory_space<hbm>>)
    %dma_wait3A_109 = arith.constant 0 : i32
    %dma_wait3A_110 = tpu.memref_slice %arg7[%mul3A_32, %select_n3A_9, %dma_wait3A_109] : memref<16384x8x256xf32, #tpu.memory_space<hbm>> -> memref<64x1x256xf32, #tpu.memory_space<hbm>>
    %dma_wait3A_111 = tpu.memref_squeeze %dma_wait3A_110 : memref<64x1x256xf32, #tpu.memory_space<hbm>> -> memref<64x256xf32, #tpu.memory_space<hbm>>
    %dma_wait3A_112 = arith.constant 0 : i32
    %dma_wait3A_113 = tpu.memref_slice %arg7[%mul3A_32, %select_n3A_9, %dma_wait3A_112] : memref<16384x8x256xf32, #tpu.memory_space<hbm>> -> memref<64x1x256xf32, #tpu.memory_space<hbm>>
    %dma_wait3A_114 = tpu.memref_squeeze %dma_wait3A_113 : memref<64x1x256xf32, #tpu.memory_space<hbm>> -> memref<64x256xf32, #tpu.memory_space<hbm>>
    tpu.wait_dma2 semaphore(%arg11 : memref<!tpu.dma_semaphore, #tpu.memory_space<semaphore_mem>>) src(%dma_wait3A_114 : memref<64x256xf32, #tpu.memory_space<hbm>>) dst(%dma_wait3A_111 : memref<64x256xf32, #tpu.memory_space<hbm>>)
    return
  }
}

</mosaic_0001>

<sc_bundles>
// kernel: kernel.3.cloned.1.call-start
scs
__scs_entry_jumppad:
0x0: {  	(pc) =	sbr.rel $0x88, $3  }
0x1: {  	(tag) =	ssettag $0x0;
	lr =	simm.s32 $0x1  }
0x2: {  	[smem:$0x3F9C] =	sst lr;
	_ =	strace $0xD0000000  }
0x3: {  	_ = 	snop  }
0x4: {  	_ = 	snop  }
0x5: {  	_ = 	snop  }
0x6: {  	_ = 	snop  }
0x7: {  	_ = 	snop  }
__scs_overlays_trampoline_lowered:
0x8: {  	[smem:$0x3FAB] =	sst s0  }
0x9: {  	[smem:$0x3FAC] =	sst s1  }
0xa: {  	[smem:$0x3FAD] =	sst s2  }
0xb: {  	[smem:$0x3FAE] =	sst s3  }
0xc: {  	[smem:$0x3FAF] =	sst s4  }
0xd: {  	[smem:$0x3FB0] =	sst s5  }
0xe: {  	[smem:$0x3FB1] =	sst s6  }
0xf: {  	[smem:$0x3FB2] =	sst s7  }
0x10: {  	[smem:$0x3FB3] =	sst s8  }
0x11: {  	[smem:$0x3FB4] =	sst s9;
	s0 =	simm.s32 @!p0 $0x0  }
0x12: {  	s1 =	sld [smem:$0x3F9A];
	s0 =	simm.s32 @p0 $0x1  }
0x13: {  	[smem:$0x3FB5] =	sst s0;
	s0 =	simm.s32 @!p1 $0x0  }
0x14: {  	s2 =	sld [smem:$0x3F99];
	s0 =	simm.s32 @p1 $0x1  }
0x15: {  	[smem:$0x3FB6] =	sst s0;
	s0 =	simm.s32 @!p2 $0x0  }
0x16: {  	s3 =	sld [smem:$0x3FDB];
	s0 =	simm.s32 @p2 $0x1  }
0x17: {  	s4 =	simm.s32 $0x1BF5;
	[smem:$0x3FB8] =	sst s0  }
0x18: {  	s0 =	sld [smem:$0x3F9B];
	_ =	swait.ge [sflag:s4], $0x0  }
0x19: {  	s7 =	sld [smem:$0x3F9C]  }
0x1a: {  	s8 =	sadd.s32 $0xFFFFE003, lr  }
0x1b: {  	s9 =	sadd.s32 $0xFFFFFEF7, lr;
	s5 =	simm.s32 $0xFFFFFFFF;
	p2 =	slt.u32 s8, $0xFFFFF086  }
0x1c: {  	p1 =	slt.u32 s9, $0xF7A;
	s5 =	simm.s32 @!p2 $0x0  }
0x1d: {  	s5 =	simm.s32 @p1 $0x1;
	p0 =	seq.s32 s7, s2  }
0x1e: {  	s7 =	smul.u32 @!p0 $0xF7A, s2;
	p2 =	seq.s32 @!p0 s5, $0x0  }
0x1f: {  	s9 =	smul.u32 $0xF7A, s1;
	s8 =	simm.s32 @!p0 $0x1BF5;
	p2 =	por !p2, p0  }
0x20: {  	[sflag:s8] =	ssyncset.s32 @!p0 $0xFFFFF086;
	s6 =	sadd.s32 @!p0 s3, s7;
	s7 =	simm.s32 @!p0 $0x108  }
0x21: {  	s3 =	sadd.s32 s3, s9;
	s6 =	sadd.s32 @!p0 $0x88, s6;
	s7 =	simm.s32 @p2 $0x1082  }
0x22: {  	[simem:s7], [sflag:s8] =	dma.local @!p0 [hbm:s6], $0xF7A  }
0x23: {  	s9 =	sor.u32 $0xD0000000, s2;
	s6 =	simm.s32 $0x108;
	_ =	swait.ge @!p0 [sflag:s8], $0x0  }
0x24: {  	s3 =	sadd.s32 $0x88, s3;
	s6 =	simm.s32 @!p1 $0x1082;
	[sflag:s4] =	ssyncset.s32 $0xFFFFF086  }
0x25: {  	[simem:s6], [sflag:s4] =	dma.local [hbm:s3], $0xF7A  }
0x26: {  	[smem:$0x3F9C] =	sst s1;
	(tag) =	ssettag s2;
	_ =	strace s9  }
0x27: {  	s1 =	sld [smem:$0x3FAC]  }
0x28: {  	s2 =	sld [smem:$0x3FAD]  }
0x29: {  	s4 =	sld [smem:$0x3FAF]  }
0x2a: {  	p0 =	seq.s32 s5, $0x0;
	s5 =	sld [smem:$0x3FB0]  }
0x2b: {  	s6 =	sld [smem:$0x3FB1]  }
0x2c: {  	s7 =	sld [smem:$0x3FB2]  }
0x2d: {  	s3 =	simm.s32 $0x108;
	s8 =	sld [smem:$0x3FB3]  }
0x2e: {  	s3 =	simm.s32 @!p0 $0x1082;
	s9 =	sld [smem:$0x3FB4]  }
0x2f: {  	lr =	sadd.s32 s0, s3;
	s0 =	sld [smem:$0x3FAB]  }
0x30: {  	s3 =	sld [smem:$0x3FAE]  }
0x31: {  	[smem:$0x3FB7] =	sst s10  }
0x32: {  	s10 =	sld [smem:$0x3FB5];
	_ =	sdelay $0x3  }
0x33: {  	p0 =	seq.s32 s10, $0x1;
	s10 =	sld [smem:$0x3FB7];
	_ =	sdelay $0x3  }
0x34: {  	[smem:$0x3FB7] =	sst s10  }
0x35: {  	s10 =	sld [smem:$0x3FB6];
	_ =	sdelay $0x3  }
0x36: {  	p1 =	seq.s32 s10, $0x1;
	s10 =	sld [smem:$0x3FB7];
	_ =	sdelay $0x3  }
0x37: {  	[smem:$0x3FB7] =	sst s10  }
0x38: {  	s10 =	sld [smem:$0x3FB8]  }
0x39: {  	_ = 	snop;
	(pc) =	sbr.ind lr, $3  }
0x3a: {  	_ = 	snop  }
0x3b: {  	_ = 	snop  }
0x3c: {  	p2 =	seq.s32 s10, $0x1;
	s10 =	sld [smem:$0x3FB7]  }
0x3d: {  	_ =	shalt  }
0x3e: {  	_ =	shalt  }
0x3f: {  	_ =	shalt  }
0x40: {  	_ =	shalt  }
0x41: {  	_ =	shalt  }
0x42: {  	_ =	shalt  }
0x43: {  	_ =	shalt  }
0x44: {  	_ =	shalt  }
0x45: {  	_ =	shalt  }
0x46: {  	_ =	shalt  }
0x47: {  	_ =	shalt  }
0x48: {  	_ =	shalt  }
0x49: {  	_ =	shalt  }
0x4a: {  	_ =	shalt  }
0x4b: {  	_ =	shalt  }
0x4c: {  	_ =	shalt  }
0x4d: {  	_ =	shalt  }
0x4e: {  	_ =	shalt  }
0x4f: {  	_ =	shalt  }
0x50: {  	_ =	shalt  }
0x51: {  	_ =	shalt  }
0x52: {  	_ =	shalt  }
0x53: {  	_ =	shalt  }
0x54: {  	_ =	shalt  }
0x55: {  	_ =	shalt  }
0x56: {  	_ =	shalt  }
0x57: {  	_ =	shalt  }
0x58: {  	_ =	shalt  }
0x59: {  	_ =	shalt  }
0x5a: {  	_ =	shalt  }
0x5b: {  	_ =	shalt  }
0x5c: {  	_ =	shalt  }
0x5d: {  	_ =	shalt  }
0x5e: {  	_ =	shalt  }
0x5f: {  	_ =	shalt  }
0x60: {  	_ =	shalt  }
0x61: {  	_ =	shalt  }
0x62: {  	_ =	shalt  }
0x63: {  	_ =	shalt  }
0x64: {  	_ =	shalt  }
0x65: {  	_ =	shalt  }
0x66: {  	_ =	shalt  }
0x67: {  	_ =	shalt  }
0x68: {  	_ =	shalt  }
0x69: {  	_ =	shalt  }
0x6a: {  	_ =	shalt  }
0x6b: {  	_ =	shalt  }
0x6c: {  	_ =	shalt  }
0x6d: {  	_ =	shalt  }
0x6e: {  	_ =	shalt  }
0x6f: {  	_ =	shalt  }
0x70: {  	_ =	shalt  }
0x71: {  	_ =	shalt  }
0x72: {  	_ =	shalt  }
0x73: {  	_ =	shalt  }
0x74: {  	_ =	shalt  }
0x75: {  	_ =	shalt  }
0x76: {  	_ =	shalt  }
0x77: {  	_ =	shalt  }
0x78: {  	_ =	shalt  }
0x79: {  	_ =	shalt  }
0x7a: {  	_ =	shalt  }
0x7b: {  	_ =	shalt  }
0x7c: {  	_ =	shalt  }
0x7d: {  	_ =	shalt  }
0x7e: {  	_ =	shalt  }
0x7f: {  	_ =	shalt  }
0x80: {  	_ =	shalt  }
0x81: {  	_ =	shalt  }
0x82: {  	_ =	shalt  }
0x83: {  	_ =	shalt  }
0x84: {  	_ =	shalt  }
0x85: {  	_ =	shalt  }
0x86: {  	_ =	shalt  }
0x87: {  	_ =	shalt  }
.Lfunc_end0:
.L_simem_size_0:
called_computation_lowered:
.L_overlay_start_0:
0x88: {  	s2 =	sld [smem:$0x3FD9]  }
0x89: {  	s3 =	sld [smem:$0x3FFE];
	_ =	sdelay $0x1  }
0x8a: {  	s1 =	srdreg.scid  }
0x8b: {  	s0 =	sand.u32 $0x1, s1  }
0x8c: {  	s17 =	sshll.u32 s0, $0xA;
	s2 =	sadd.s32 s3, s2  }
0x8d: {  	s2 =	sadd.s32 s2, s17  }
0x8e: {  	[smem:$0x3FC3] =	sst s2  }
0x8f: {  	_ = 	snop  }
0x90: {  	s2 =	sld [smem:$0x3FC8]  }
0x91: {  	s18 =	sld [smem:$0x3FC7]  }
0x92: {  	s4 =	sld [smem:$0x3FC6]  }
0x93: {  	s5 =	sld [smem:$0x3FC5]  }
0x94: {  	s6 =	sld [smem:$0x3FD0];
	(tm) =	ssettm $0x1  }
0x95: {  	s7 =	sld [smem:$0x3FFB];
	_ =	sdelay $0x3  }
0x96: {  	_ =	strace s7  }
0x97: {  	s7 =	sld [smem:$0x3FFC];
	_ =	sdelay $0x3  }
0x98: {  	_ =	strace s7  }
0x99: {  	s7 =	sld [smem:$0x3FFD];
	_ =	sdelay $0x3  }
0x9a: {  	_ =	strace s7  }
0x9b: {  	_ =	strace $0x8FFFFFFF  }
0x9c: {  	s19 =	sld [smem:$0x3FDB];
	_ =	sdelay $0x1  }
0x9d: {  	s8 =	simm.s32 $_scs_section_size  }
0x9e: {  	s9 =	simm.s32 $_size__tile_overlayer_lowered;
	s10 =	simm.s32 $_tile_overlayer_lowered  }
0x9f: {  	s22 =	simm.s32 $0x1BFF;
	s21 =	sshll.u32 s10, $0x1;
	s7 =	sadd.s32 s8, s19  }
0xa0: {  	s11 =	simm.s32 $0x0;
	s20 =	sshll.u32 s9, $0x1;
	s9 =	sadd.s32 s21, s7  }
0xa1: {  	[timem:s11], [sflag:s22] =	dma.local [hbm:s9], s20  }
0xa2: {  	_ =	swait.ge [sflag:s22], s20  }
0xa3: {  	s8 =	ssub.s32 $0x0, s20;
	[sflag:s22] =	ssyncset.done $0x0  }
0xa4: {  	[sflag:s22] =	ssyncadd.s32 s8;
	_ =	sdelay $0x1  }
0xa5: {  	s23 =	simm.s32 $0x1B8B  }
0xa6: {  	_ =	swait.ge [sflag:s23], $0x1  }
0xa7: {  	[sflag:s23] =	ssyncset.done $0x0  }
0xa8: {  	s25 =	simm.s32 $0x1B8E;
	s24 =	sld [smem:$0x3FFE];
	[sflag:s23] =	ssyncadd.s32 $0xFFFFFFFF  }
0xa9: {  	s26 =	simm.s32 $execute0_lowered;
	[smem:$0x3FD2] =	sst s25  }
0xaa: {  	s9 =	sshll.u32 s26, $0x1;
	_ =	strace $0x80000046;
	[dreg:$0x1] =	wrdreg $0xFFFFFFFF  }
0xab: {  	s28 =	simm.s32 $_size_execute0_lowered;
	s7 =	sadd.s32 s7, s9;
	[dreg:$0x0] =	wrdreg $0x0  }
0xac: {  	s9 =	sshll.u32 s28, $0x1;
	[dreg:$0x2] =	wrdreg s7  }
0xad: {  	[dreg:$0x3] =	wrdreg s9  }
0xae: {  	[dreg:$0x4] =	wrdreg $0xC0  }
0xaf: {  	_ =	task [dreg:s11], $0x5FFFF  }
0xb0: {  	[dreg:$0x1] =	wrdreg $0xFFFFFFFF  }
0xb1: {  	[dreg:$0x0] =	wrdreg $0x60  }
0xb2: {  	[dreg:$0x2] =	wrdreg s6  }
0xb3: {  	[dreg:$0x3] =	wrdreg s2  }
0xb4: {  	[dreg:$0x4] =	wrdreg s18  }
0xb5: {  	[dreg:$0x5] =	wrdreg s4  }
0xb6: {  	[dreg:$0x6] =	wrdreg s5  }
0xb7: {  	[dreg:$0x7] =	wrdreg s24  }
0xb8: {  	[dreg:$0x8] =	wrdreg $0x9  }
0xb9: {  	_ =	task.clear_ibuf [dreg:s11], $0x9FFFF;
	_ =	strace $0x90000046  }
0xba: {  	s29 =	simm.s32 $0x9;
	_ =	strace $0x80000048  }
0xbb: {  	_ =	swait.ge [sflag:s29], $0x1  }
0xbc: {  	[sflag:s29] =	ssyncadd.s32 $0xFFFFFFFF  }
0xbd: {  	_ =	strace $0x90000048  }
0xbe: {  	_ =	sfence  }
0xbf: {  	s30 =	sld [smem:$0x0];
	_ =	sdelay $0x2  }
0xc0: {  	s31 =	sshll.u32 s1, $0xD;
	s1 =	sshrl.u32 s1, $0x2  }
0xc1: {  	s3 =	sand.u32 $0x4000, s31;
	s1 =	sadd.s32 s1, s30  }
0xc2: {  	s0 =	sor.u32 s3, s0;
	s1 =	sshll.u32 s1, $0x11  }
0xc3: {  	s0 =	sor.u32 s1, s0  }
0xc4: {  	s0 =	sadd.s32 $0x8F2B, s0  }
0xc5: {  	[sflag:s0] =	ssyncadd.remote.s32 $0x1  }
0xc6: {  	_ =	sfence.sel $0xFFFF  }
0xc7: {  	[dreg:$0x0] =	wrdreg $0xFFFFFFFF;
	(pc) =	sbr.abs _section_cstart, $3  }
0xc8: {  	[dreg:$0x1] =	wrdreg $0xFFFFFFFF  }
0xc9: {  	_ =	task.clear_ibuf [dreg:s11], $0x2FFFF;
	_ =	strace $0x9FFFFFFF  }
0xca: {  	(tm) =	ssettm $0x7FFFFFFF  }
0xcb: {  	_ =	shalt  }
tec
execute0_lowered:
.L_overlay_start_1:
0x0: {  	(tag) =	ssettag $0x1  }
0x1: {  	s7 =	rddreg [dreg:$0x0]  }
0x2: {  	s9 =	rddreg [dreg:$0x1]  }
0x3: {  	s1 =	rddreg [dreg:$0x2]  }
0x4: {  	s6 =	rddreg [dreg:$0x3]  }
0x5: {  	s2 =	rddreg [dreg:$0x4]  }
0x6: {  	s4 =	rddreg [dreg:$0x5]  }
0x7: {  	s0 =	rddreg [dreg:$0x6];
	s3 =	simm.s32 $0x0  }
0x8: {  	s5 =	srdreg.scid;
	[smem:$0x7FF] =	sst s3  }
0x9: {  	s5 =	sand.u32 $0x1, s5;
	s10 =	sadd.s32 $0x400, s4;
	s4 =	stileid.u32  }
0xa: {  	_ =	strace $0x80000047;
	s8 =	ssub.s32 $0x2, s5;
	s15 =	sshll.u32 s4, $0x15  }
0xb: {  	s12 =	sand.u32 $0x3, s4;
	s13 =	sshll.u32 s4, $0x1;
	s16 =	sshll.u32 s5, $0x7  }
0xc: {  	s5 =	sshll.u32 s5, $0x8;
	s17 =	sshll.u32 s4, $0x7;
	s11 =	sshrl.u32 s8, $0x1  }
0xd: {  	s12 =	sshll.u32 s12, $0x8;
	s8 =	ssub.s32 s8, s11;
	s11 =	sand.u32 $0x1800000, s15  }
0xe: {  	s6 =	sadd.s32 s6, s5;
	s15 =	sand.u32 $0x6, s13;
	s11 =	sor.u32 s12, s11  }
0xf: {  	s13 =	sshrl.u32 s15, $0x1;
	s12 =	sand.u32 $0x600, s17;
	s8 =	smax.u32 s8, $0x1  }
0x10: {  	s11 =	sor.u32 s16, s11;
	s7 =	sadd.s32 s7, s12;
	p0 =	sgt.s32 s13, $0x1  }
0x11: {  	p1 =	seq.s32 s13, $0x0;
	s14 =	sor.u32 $0x20000, s11;
	s16 =	sor.u32 $0x20800, s11  }
0x12: {  	s21 =	sor.u32 $0x21000, s11;
	s23 =	sor.u32 $0x21800, s11;
	s24 =	sor.u32 $0x22000, s11  }
0x13: {  	s29 =	sor.u32 $0x22800, s11;
	s31 =	sshrl.u32 s11, $0x3;
	s17 =	sor.u32 $0x800, s11  }
0x14: {  	s1 =	smov.u32 @p1 s9;
	s9 =	simm.s32 $0x800;
	p1 =	seq.s32 s13, $0x2  }
0x15: {  	s13 =	simm.s32 $0x3;
	s14 =	sshrl.u32 s14, $0x3;
	s19 =	sshrl.u32 s16, $0x3  }
0x16: {  	s22 =	sshrl.u32 s21, $0x3;
	s26 =	sshrl.u32 s24, $0x3;
	s16 =	sshll.u32 s15, $0x2  }
0x17: {  	s30 =	sshrl.u32 s29, $0x3;
	p2 =	sne.s32 @p1 s15, $0x6;
	s15 =	simm.s32 $0x2  }
0x18: {  	s18 =	sadd.s32 s14, s10;
	s20 =	sadd.s32 s19, s10;
	s12 =	sadd.s32 s22, s10  }
0x19: {  	s14 =	sshrl.u32 s23, $0x3;
	s28 =	sadd.s32 s26, s10;
	[dreg:$0x7] =	wrdreg s18  }
0x1a: {  	s22 =	sor.u32 $0x1800, s11;
	s23 =	sor.u32 $0x2000, s11;
	[dreg:$0x8] =	wrdreg s20  }
0x1b: {  	v0 =	vmov s16;
	p2 =	por !p1, !p2;
	s16 =	simm.s32 $0x0;
	[dreg:$0x9] =	wrdreg s12  }
0x1c: {  	s25 =	sadd.s32 s14, s10;
	[dreg:$0xb] =	wrdreg s28;
	s12 =	sadd.s32 s30, s10  }
0x1d: {  	s14 =	sadd.s32 s31, s10;
	s18 =	sshrl.u32 s17, $0x3;
	[dreg:$0xa] =	wrdreg s25  }
0x1e: {  	s20 =	sor.u32 $0x1000, s11;
	s28 =	sor.u32 $0x2800, s11;
	[dreg:$0xc] =	wrdreg s12  }
0x1f: {  	s30 =	sor.u32 $0x3000, s11;
	s31 =	sor.u32 $0x3800, s11;
	[dreg:$0xd] =	wrdreg s14  }
0x20: {  	s19 =	sadd.s32 s18, s10;
	s21 =	sshrl.u32 s20, $0x3;
	s14 =	sshrl.u32 s22, $0x3  }
0x21: {  	s25 =	sshrl.u32 s23, $0x3;
	s29 =	sshrl.u32 s28, $0x3;
	s18 =	sshrl.u32 s31, $0x3  }
0x22: {  	s20 =	sor.u32 $0x4000, s11;
	s22 =	sor.u32 $0x4800, s11;
	s23 =	sor.u32 $0x5000, s11  }
0x23: {  	s28 =	sor.u32 $0x5800, s11;
	s31 =	sor.u32 $0x6800, s11;
	[dreg:$0xe] =	wrdreg s19  }
0x24: {  	s12 =	sadd.s32 s21, s10;
	s24 =	sadd.s32 s14, s10;
	s26 =	sadd.s32 s25, s10  }
0x25: {  	s14 =	sshrl.u32 s30, $0x3;
	s19 =	sadd.s32 s18, s10;
	s21 =	sshrl.u32 s20, $0x3  }
0x26: {  	s25 =	sshrl.u32 s23, $0x3;
	s30 =	sor.u32 $0x6000, s11;
	[dreg:$0xf] =	wrdreg s12  }
0x27: {  	s18 =	sshrl.u32 s31, $0x3;
	s20 =	sor.u32 $0x7000, s11;
	[dreg:$0x10] =	wrdreg s24  }
0x28: {  	s23 =	sor.u32 $0x8000, s11;
	s31 =	sor.u32 $0x9800, s11;
	[dreg:$0x11] =	wrdreg s26  }
0x29: {  	s12 =	sadd.s32 s29, s10;
	s14 =	sadd.s32 s14, s10;
	[dreg:$0x14] =	wrdreg s19  }
0x2a: {  	s26 =	sadd.s32 s25, s10;
	s29 =	sshrl.u32 s28, $0x3;
	s19 =	sadd.s32 s18, s10  }
0x2b: {  	s25 =	sshrl.u32 s23, $0x3;
	s28 =	sor.u32 $0x8800, s11;
	[dreg:$0x12] =	wrdreg s12  }
0x2c: {  	s18 =	sshrl.u32 s31, $0x3;
	s23 =	sor.u32 $0xB000, s11;
	[dreg:$0x13] =	wrdreg s14  }
0x2d: {  	s31 =	sor.u32 $0xC800, s11;
	s12 =	sadd.s32 s21, s10;
	[dreg:$0x17] =	wrdreg s26  }
0x2e: {  	s14 =	sshrl.u32 s22, $0x3;
	[dreg:$0x1a] =	wrdreg s19;
	s21 =	sshrl.u32 s20, $0x3  }
0x2f: {  	s22 =	sor.u32 $0x7800, s11;
	s26 =	sadd.s32 s25, s10;
	s19 =	sadd.s32 s18, s10  }
0x30: {  	s20 =	sor.u32 $0xA000, s11;
	s25 =	sshrl.u32 s23, $0x3;
	s18 =	sshrl.u32 s31, $0x3  }
0x31: {  	s23 =	sor.u32 $0xE000, s11;
	s31 =	sor.u32 $0xF800, s11;
	[dreg:$0x15] =	wrdreg s12  }
0x32: {  	s24 =	sadd.s32 s14, s10;
	s12 =	sadd.s32 s29, s10;
	s14 =	sshrl.u32 s30, $0x3  }
0x33: {  	[dreg:$0x1d] =	wrdreg s26;
	s29 =	sshrl.u32 s28, $0x3;
	s30 =	sor.u32 $0x9000, s11  }
0x34: {  	[smem:$0x797] =	sst s19;
	s26 =	sadd.s32 s25, s10;
	s28 =	sor.u32 $0xB800, s11  }
0x35: {  	s19 =	sadd.s32 s18, s10;
	s25 =	sshrl.u32 s23, $0x3;
	s18 =	sshrl.u32 s31, $0x3  }
0x36: {  	s23 =	sor.u32 $0x11000, s11;
	s31 =	sor.u32 $0x12800, s11;
	[dreg:$0x16] =	wrdreg s24  }
0x37: {  	[dreg:$0x18] =	wrdreg s12;
	s14 =	sadd.s32 s14, s10;
	s12 =	sadd.s32 s21, s10  }
0x38: {  	s21 =	sshrl.u32 s20, $0x3;
	[smem:$0x79A] =	sst s26;
	s20 =	sor.u32 $0xD000, s11  }
0x39: {  	[smem:$0x79D] =	sst s19;
	s26 =	sadd.s32 s25, s10;
	s19 =	sadd.s32 s18, s10  }
0x3a: {  	s25 =	sshrl.u32 s23, $0x3;
	s18 =	sshrl.u32 s31, $0x3;
	s23 =	sor.u32 $0x14000, s11  }
0x3b: {  	s31 =	sor.u32 $0x15800, s11;
	[dreg:$0x19] =	wrdreg s14;
	s14 =	sshrl.u32 s22, $0x3  }
0x3c: {  	[dreg:$0x1b] =	wrdreg s12;
	s12 =	sadd.s32 s29, s10;
	s22 =	sor.u32 $0xA800, s11  }
0x3d: {  	s29 =	sshrl.u32 s28, $0x3;
	s28 =	sor.u32 $0xE800, s11;
	[smem:$0x7A0] =	sst s26  }
0x3e: {  	[smem:$0x7A3] =	sst s19;
	s26 =	sadd.s32 s25, s10;
	s19 =	sadd.s32 s18, s10  }
0x3f: {  	s25 =	sshrl.u32 s23, $0x3;
	s18 =	sshrl.u32 s31, $0x3;
	s23 =	sor.u32 $0x17000, s11  }
0x40: {  	s31 =	sor.u32 $0x18800, s11;
	s24 =	sadd.s32 s14, s10;
	s14 =	sshrl.u32 s30, $0x3  }
0x41: {  	[dreg:$0x1e] =	wrdreg s12;
	s12 =	sadd.s32 s21, s10;
	s30 =	sor.u32 $0xC000, s11  }
0x42: {  	s21 =	sshrl.u32 s20, $0x3;
	s20 =	sor.u32 $0x10000, s11;
	[smem:$0x7A6] =	sst s26  }
0x43: {  	[smem:$0x7A9] =	sst s19;
	s26 =	sadd.s32 s25, s10;
	s19 =	sadd.s32 s18, s10  }
0x44: {  	s25 =	sshrl.u32 s23, $0x3;
	s18 =	sshrl.u32 s31, $0x3;
	[dreg:$0x1c] =	wrdreg s24  }
0x45: {  	s23 =	sor.u32 $0x1A000, s11;
	s31 =	sor.u32 $0x1B800, s11;
	[smem:$0x798] =	sst s12  }
0x46: {  	s14 =	sadd.s32 s14, s10;
	s12 =	sadd.s32 s29, s10;
	[smem:$0x7AC] =	sst s26  }
0x47: {  	s29 =	sshrl.u32 s28, $0x3;
	s28 =	sor.u32 $0x11800, s11;
	[smem:$0x7AF] =	sst s19  }
0x48: {  	s26 =	sadd.s32 s25, s10;
	s19 =	sadd.s32 s18, s10;
	s25 =	sshrl.u32 s23, $0x3  }
0x49: {  	s18 =	sshrl.u32 s31, $0x3;
	s23 =	sor.u32 $0x1D000, s11;
	[dreg:$0x1f] =	wrdreg s14  }
0x4a: {  	s31 =	sor.u32 $0x1E800, s11;
	s14 =	sshrl.u32 s22, $0x3;
	[smem:$0x79B] =	sst s12  }
0x4b: {  	s22 =	sor.u32 $0xD800, s11;
	s12 =	sadd.s32 s21, s10;
	[smem:$0x7B2] =	sst s26  }
0x4c: {  	s21 =	sshrl.u32 s20, $0x3;
	s20 =	sor.u32 $0x13000, s11;
	[smem:$0x7B5] =	sst s19  }
0x4d: {  	s26 =	sadd.s32 s25, s10;
	s19 =	sadd.s32 s18, s10;
	s25 =	sshrl.u32 s23, $0x3  }
0x4e: {  	s18 =	sshrl.u32 s31, $0x3;
	s23 =	sor.u32 $0x3F800, s11;
	s31 =	sor.u32 $0x3E000, s11  }
0x4f: {  	s24 =	sadd.s32 s14, s10;
	s14 =	sshrl.u32 s30, $0x3;
	[smem:$0x79E] =	sst s12  }
0x50: {  	s30 =	sor.u32 $0xF000, s11;
	s12 =	sadd.s32 s29, s10;
	[smem:$0x7B8] =	sst s26  }
0x51: {  	s29 =	sshrl.u32 s28, $0x3;
	s28 =	sor.u32 $0x14800, s11;
	[smem:$0x7BB] =	sst s19  }
0x52: {  	s26 =	sadd.s32 s25, s10;
	s19 =	sadd.s32 s18, s10;
	s25 =	sshrl.u32 s23, $0x3  }
0x53: {  	s18 =	sshrl.u32 s31, $0x3;
	s23 =	sor.u32 $0x3C800, s11;
	[smem:$0x799] =	sst s24  }
0x54: {  	s31 =	sor.u32 $0x3B000, s11;
	s14 =	sadd.s32 s14, s10;
	[smem:$0x7A1] =	sst s12  }
0x55: {  	s12 =	sadd.s32 s21, s10;
	s21 =	sshrl.u32 s20, $0x3;
	[smem:$0x7BE] =	sst s26  }
0x56: {  	s20 =	sor.u32 $0x16000, s11;
	[smem:$0x7C1] =	sst s19;
	s26 =	sadd.s32 s25, s10  }
0x57: {  	s19 =	sadd.s32 s18, s10;
	s25 =	sshrl.u32 s23, $0x3;
	s18 =	sshrl.u32 s31, $0x3  }
0x58: {  	s23 =	sor.u32 $0x39800, s11;
	s31 =	sor.u32 $0x38000, s11;
	[smem:$0x79C] =	sst s14  }
0x59: {  	s14 =	sshrl.u32 s22, $0x3;
	s22 =	sor.u32 $0x10800, s11;
	[smem:$0x7A4] =	sst s12  }
0x5a: {  	s12 =	sadd.s32 s29, s10;
	s29 =	sshrl.u32 s28, $0x3;
	[smem:$0x7C4] =	sst s26  }
0x5b: {  	s28 =	sor.u32 $0x17800, s11;
	[smem:$0x7C7] =	sst s19;
	s26 =	sadd.s32 s25, s10  }
0x5c: {  	s19 =	sadd.s32 s18, s10;
	s25 =	sshrl.u32 s23, $0x3;
	s18 =	sshrl.u32 s31, $0x3  }
0x5d: {  	s23 =	sor.u32 $0x36800, s11;
	s31 =	sor.u32 $0x35000, s11;
	s24 =	sadd.s32 s14, s10  }
0x5e: {  	s14 =	sshrl.u32 s30, $0x3;
	s30 =	sor.u32 $0x12000, s11;
	[smem:$0x7A7] =	sst s12  }
0x5f: {  	s12 =	sadd.s32 s21, s10;
	s21 =	sshrl.u32 s20, $0x3;
	[smem:$0x7CA] =	sst s26  }
0x60: {  	s20 =	sor.u32 $0x19000, s11;
	[smem:$0x7CD] =	sst s19;
	s26 =	sadd.s32 s25, s10  }
0x61: {  	s19 =	sadd.s32 s18, s10;
	s25 =	sshrl.u32 s23, $0x3;
	s18 =	sshrl.u32 s31, $0x3  }
0x62: {  	s23 =	sor.u32 $0x33800, s11;
	s31 =	sor.u32 $0x32000, s11;
	[smem:$0x79F] =	sst s24  }
0x63: {  	s14 =	sadd.s32 s14, s10;
	[smem:$0x7AA] =	sst s12;
	s12 =	sadd.s32 s29, s10  }
0x64: {  	s29 =	sshrl.u32 s28, $0x3;
	s28 =	sor.u32 $0x1A800, s11;
	[smem:$0x7D0] =	sst s26  }
0x65: {  	[smem:$0x7D3] =	sst s19;
	s26 =	sadd.s32 s25, s10;
	s19 =	sadd.s32 s18, s10  }
0x66: {  	s25 =	sshrl.u32 s23, $0x3;
	s18 =	sshrl.u32 s31, $0x3;
	s23 =	sor.u32 $0x30800, s11  }
0x67: {  	s31 =	sor.u32 $0x2F000, s11;
	[smem:$0x7A2] =	sst s14;
	s14 =	sshrl.u32 s22, $0x3  }
0x68: {  	s22 =	sor.u32 $0x13800, s11;
	[smem:$0x7AD] =	sst s12;
	s12 =	sadd.s32 s21, s10  }
0x69: {  	s21 =	sshrl.u32 s20, $0x3;
	s20 =	sor.u32 $0x1C000, s11;
	[smem:$0x7D6] =	sst s26  }
0x6a: {  	[smem:$0x7D9] =	sst s19;
	s26 =	sadd.s32 s25, s10;
	s19 =	sadd.s32 s18, s10  }
0x6b: {  	s25 =	sshrl.u32 s23, $0x3;
	s18 =	sshrl.u32 s31, $0x3;
	s23 =	sor.u32 $0x2D800, s11  }
0x6c: {  	s31 =	sor.u32 $0x2C000, s11;
	s24 =	sadd.s32 s14, s10;
	s14 =	sshrl.u32 s30, $0x3  }
0x6d: {  	s30 =	sor.u32 $0x15000, s11;
	[smem:$0x7B0] =	sst s12;
	s12 =	sadd.s32 s29, s10  }
0x6e: {  	s29 =	sshrl.u32 s28, $0x3;
	s28 =	sor.u32 $0x1D800, s11;
	[smem:$0x7DC] =	sst s26  }
0x6f: {  	[smem:$0x7DF] =	sst s19;
	s26 =	sadd.s32 s25, s10;
	s19 =	sadd.s32 s18, s10  }
0x70: {  	s25 =	sshrl.u32 s23, $0x3;
	s18 =	sshrl.u32 s31, $0x3;
	[smem:$0x7A5] =	sst s24  }
0x71: {  	s23 =	sor.u32 $0x2A800, s11;
	s31 =	sor.u32 $0x29000, s11;
	[smem:$0x7B3] =	sst s12  }
0x72: {  	s14 =	sadd.s32 s14, s10;
	s12 =	sadd.s32 s21, s10;
	[smem:$0x7E2] =	sst s26  }
0x73: {  	s21 =	sshrl.u32 s20, $0x3;
	s20 =	sor.u32 $0x1F000, s11;
	[smem:$0x7E5] =	sst s19  }
0x74: {  	s26 =	sadd.s32 s25, s10;
	s19 =	sadd.s32 s18, s10;
	s25 =	sshrl.u32 s23, $0x3  }
0x75: {  	s18 =	sshrl.u32 s31, $0x3;
	s23 =	sor.u32 $0x27800, s11;
	[smem:$0x7A8] =	sst s14  }
0x76: {  	s31 =	sor.u32 $0x26000, s11;
	s14 =	sshrl.u32 s22, $0x3;
	[smem:$0x7B6] =	sst s12  }
0x77: {  	s22 =	sor.u32 $0x16800, s11;
	s12 =	sadd.s32 s29, s10;
	[smem:$0x7E8] =	sst s26  }
0x78: {  	s29 =	sshrl.u32 s28, $0x3;
	s28 =	sor.u32 $0x3F000, s11;
	[smem:$0x7EB] =	sst s19  }
0x79: {  	s26 =	sadd.s32 s25, s10;
	s19 =	sadd.s32 s18, s10;
	s25 =	sshrl.u32 s23, $0x3  }
0x7a: {  	s18 =	sshrl.u32 s31, $0x3;
	s23 =	sor.u32 $0x24800, s11;
	[smem:$0x7B9] =	sst s12  }
0x7b: {  	s24 =	sadd.s32 s14, s10;
	s14 =	sshrl.u32 s30, $0x3;
	[smem:$0x7EE] =	sst s26  }
0x7c: {  	s30 =	sor.u32 $0x18000, s11;
	s12 =	sadd.s32 s21, s10;
	[smem:$0x7F1] =	sst s19  }
0x7d: {  	s21 =	sshrl.u32 s20, $0x3;
	s20 =	sor.u32 $0x3D800, s11;
	[smem:$0x7AB] =	sst s24  }
0x7e: {  	s26 =	sadd.s32 s25, s10;
	s19 =	sadd.s32 s18, s10;
	[smem:$0x7BC] =	sst s12  }
0x7f: {  	s25 =	sshrl.u32 s23, $0x3;
	s14 =	sadd.s32 s14, s10;
	[smem:$0x7F4] =	sst s26  }
0x80: {  	s12 =	sadd.s32 s29, s10;
	s29 =	sshrl.u32 s28, $0x3;
	[smem:$0x7F7] =	sst s19  }
0x81: {  	s28 =	sor.u32 $0x3C000, s11;
	s26 =	sadd.s32 s25, s10;
	[smem:$0x7AE] =	sst s14  }
0x82: {  	s14 =	sshrl.u32 s22, $0x3;
	s22 =	sor.u32 $0x19800, s11;
	[smem:$0x7BF] =	sst s12  }
0x83: {  	s12 =	sadd.s32 s21, s10;
	s21 =	sshrl.u32 s20, $0x3;
	s20 =	sor.u32 $0x3A800, s11  }
0x84: {  	[smem:$0x7FA] =	sst s26;
	s24 =	sadd.s32 s14, s10;
	s14 =	sshrl.u32 s30, $0x3  }
0x85: {  	s30 =	sor.u32 $0x1B000, s11;
	[smem:$0x7C2] =	sst s12;
	s12 =	sadd.s32 s29, s10  }
0x86: {  	s29 =	sshrl.u32 s28, $0x3;
	s28 =	sor.u32 $0x39000, s11;
	[smem:$0x7B1] =	sst s24  }
0x87: {  	s14 =	sadd.s32 s14, s10;
	[smem:$0x7C5] =	sst s12;
	s12 =	sadd.s32 s21, s10  }
0x88: {  	s21 =	sshrl.u32 s20, $0x3;
	s20 =	sor.u32 $0x37800, s11;
	[smem:$0x7B4] =	sst s14  }
0x89: {  	s14 =	sshrl.u32 s22, $0x3;
	s22 =	sor.u32 $0x1C800, s11;
	[smem:$0x7C8] =	sst s12  }
0x8a: {  	s12 =	sadd.s32 s29, s10;
	s29 =	sshrl.u32 s28, $0x3;
	s28 =	sor.u32 $0x36000, s11  }
0x8b: {  	s24 =	sadd.s32 s14, s10;
	s14 =	sshrl.u32 s30, $0x3;
	s30 =	sor.u32 $0x1E000, s11  }
0x8c: {  	[smem:$0x7CB] =	sst s12;
	s12 =	sadd.s32 s21, s10;
	s21 =	sshrl.u32 s20, $0x3  }
0x8d: {  	s20 =	sor.u32 $0x34800, s11;
	[smem:$0x7B7] =	sst s24;
	s14 =	sadd.s32 s14, s10  }
0x8e: {  	[smem:$0x7CE] =	sst s12;
	s12 =	sadd.s32 s29, s10;
	s29 =	sshrl.u32 s28, $0x3  }
0x8f: {  	s28 =	sor.u32 $0x33000, s11;
	[smem:$0x7BA] =	sst s14;
	s14 =	sshrl.u32 s22, $0x3  }
0x90: {  	s22 =	sor.u32 $0x1F800, s11;
	[smem:$0x7D1] =	sst s12;
	s12 =	sadd.s32 s21, s10  }
0x91: {  	s21 =	sshrl.u32 s20, $0x3;
	s20 =	sor.u32 $0x31800, s11;
	s24 =	sadd.s32 s14, s10  }
0x92: {  	s14 =	sshrl.u32 s30, $0x3;
	s30 =	sor.u32 $0x3E800, s11;
	[smem:$0x7D4] =	sst s12  }
0x93: {  	s12 =	sadd.s32 s29, s10;
	s29 =	sshrl.u32 s28, $0x3;
	[smem:$0x7BD] =	sst s24  }
0x94: {  	s28 =	sor.u32 $0x30000, s11;
	s14 =	sadd.s32 s14, s10;
	[smem:$0x7D7] =	sst s12  }
0x95: {  	s12 =	sadd.s32 s21, s10;
	s21 =	sshrl.u32 s20, $0x3;
	s20 =	sor.u32 $0x2E800, s11  }
0x96: {  	[smem:$0x7C0] =	sst s14;
	s14 =	sshrl.u32 s22, $0x3;
	s22 =	sor.u32 $0x3D000, s11  }
0x97: {  	[smem:$0x7DA] =	sst s12;
	s12 =	sadd.s32 s29, s10;
	s29 =	sshrl.u32 s28, $0x3  }
0x98: {  	s28 =	sor.u32 $0x2D000, s11;
	s24 =	sadd.s32 s14, s10;
	s14 =	sshrl.u32 s30, $0x3  }
0x99: {  	s30 =	sor.u32 $0x3B800, s11;
	[smem:$0x7DD] =	sst s12;
	s12 =	sadd.s32 s21, s10  }
0x9a: {  	s21 =	sshrl.u32 s20, $0x3;
	s20 =	sor.u32 $0x2B800, s11;
	[smem:$0x7C3] =	sst s24  }
0x9b: {  	s14 =	sadd.s32 s14, s10;
	[smem:$0x7E0] =	sst s12;
	s12 =	sadd.s32 s29, s10  }
0x9c: {  	s29 =	sshrl.u32 s28, $0x3;
	s28 =	sor.u32 $0x2A000, s11;
	[smem:$0x7C6] =	sst s14  }
0x9d: {  	s14 =	sshrl.u32 s22, $0x3;
	s22 =	sor.u32 $0x3A000, s11;
	[smem:$0x7E3] =	sst s12  }
0x9e: {  	s12 =	sadd.s32 s21, s10;
	s21 =	sshrl.u32 s20, $0x3;
	s20 =	sor.u32 $0x28800, s11  }
0x9f: {  	s24 =	sadd.s32 s14, s10;
	s14 =	sshrl.u32 s30, $0x3;
	s30 =	sor.u32 $0x38800, s11  }
0xa0: {  	[smem:$0x7E6] =	sst s12;
	s12 =	sadd.s32 s29, s10;
	s29 =	sshrl.u32 s28, $0x3  }
0xa1: {  	s28 =	sor.u32 $0x27000, s11;
	[smem:$0x7C9] =	sst s24;
	s14 =	sadd.s32 s14, s10  }
0xa2: {  	[smem:$0x7E9] =	sst s12;
	s12 =	sadd.s32 s21, s10;
	s21 =	sshrl.u32 s20, $0x3  }
0xa3: {  	s20 =	sor.u32 $0x25800, s11;
	[smem:$0x7CC] =	sst s14;
	s14 =	sshrl.u32 s22, $0x3  }
0xa4: {  	s22 =	sor.u32 $0x37000, s11;
	[smem:$0x7EC] =	sst s12;
	s12 =	sadd.s32 s29, s10  }
0xa5: {  	s29 =	sshrl.u32 s28, $0x3;
	s28 =	sor.u32 $0x24000, s11;
	s24 =	sadd.s32 s14, s10  }
0xa6: {  	s14 =	sshrl.u32 s30, $0x3;
	s30 =	sor.u32 $0x35800, s11;
	[smem:$0x7EF] =	sst s12  }
0xa7: {  	s12 =	sadd.s32 s21, s10;
	s21 =	sshrl.u32 s20, $0x3;
	[smem:$0x7CF] =	sst s24  }
0xa8: {  	s14 =	sadd.s32 s14, s10;
	[smem:$0x7F2] =	sst s12;
	s12 =	sadd.s32 s29, s10  }
0xa9: {  	s29 =	sshrl.u32 s28, $0x3;
	[smem:$0x7D2] =	sst s14;
	s14 =	sshrl.u32 s22, $0x3  }
0xaa: {  	s22 =	sor.u32 $0x34000, s11;
	s24 =	sadd.s32 s14, s10;
	s14 =	sshrl.u32 s30, $0x3  }
0xab: {  	[smem:$0x7F5] =	sst s12;
	s12 =	sadd.s32 s21, s10;
	s14 =	sadd.s32 s14, s10  }
0xac: {  	s30 =	sor.u32 $0x32800, s11;
	[smem:$0x7D8] =	sst s14;
	s14 =	sshrl.u32 s22, $0x3  }
0xad: {  	[smem:$0x7D5] =	sst s24;
	s24 =	sadd.s32 s14, s10;
	s14 =	sshrl.u32 s30, $0x3  }
0xae: {  	[smem:$0x7F8] =	sst s12;
	s22 =	sor.u32 $0x31000, s11;
	s14 =	sadd.s32 s14, s10  }
0xaf: {  	s30 =	sor.u32 $0x2F800, s11;
	[smem:$0x7DE] =	sst s14;
	s14 =	sshrl.u32 s22, $0x3  }
0xb0: {  	[smem:$0x7DB] =	sst s24;
	s24 =	sadd.s32 s14, s10;
	s14 =	sshrl.u32 s30, $0x3  }
0xb1: {  	s12 =	sadd.s32 s29, s10;
	s22 =	sor.u32 $0x2E000, s11;
	s14 =	sadd.s32 s14, s10  }
0xb2: {  	s30 =	sor.u32 $0x2C800, s11;
	[smem:$0x7E4] =	sst s14;
	s14 =	sshrl.u32 s22, $0x3  }
0xb3: {  	[smem:$0x7E1] =	sst s24;
	s24 =	sadd.s32 s14, s10;
	s14 =	sshrl.u32 s30, $0x3  }
0xb4: {  	[smem:$0x7FB] =	sst s12;
	s22 =	sor.u32 $0x2B000, s11;
	s14 =	sadd.s32 s14, s10  }
0xb5: {  	s30 =	sor.u32 $0x29800, s11;
	[smem:$0x7EA] =	sst s14;
	s14 =	sshrl.u32 s22, $0x3  }
0xb6: {  	[smem:$0x7E7] =	sst s24;
	s24 =	sadd.s32 s14, s10;
	s14 =	sshrl.u32 s30, $0x3  }
0xb7: {  	s12 =	simm.s32 $0x4;
	s22 =	sor.u32 $0x28000, s11;
	s14 =	sadd.s32 s14, s10  }
0xb8: {  	s30 =	sor.u32 $0x26800, s11;
	[smem:$0x7F0] =	sst s14;
	s14 =	sshrl.u32 s22, $0x3  }
0xb9: {  	[smem:$0x7ED] =	sst s24;
	s24 =	sadd.s32 s14, s10;
	s14 =	sshrl.u32 s30, $0x3  }
0xba: {  	s22 =	sor.u32 $0x25000, s11;
	s30 =	sor.u32 $0x23800, s11;
	s14 =	sadd.s32 s14, s10  }
0xbb: {  	s11 =	sor.u32 $0x23000, s11;
	[smem:$0x7F6] =	sst s14;
	s14 =	sshrl.u32 s22, $0x3  }
0xbc: {  	[smem:$0x7F3] =	sst s24;
	s24 =	sadd.s32 s14, s10;
	s14 =	sshrl.u32 s30, $0x3  }
0xbd: {  	s11 =	sshrl.u32 s11, $0x3;
	[smem:$0x7F9] =	sst s24;
	s31 =	sadd.s32 s14, s10  }
0xbe: {  	s10 =	sadd.s32 s11, s10;
	s11 =	simm.s32 $0x10000;
	[smem:$0x7FC] =	sst s31  }
0xbf: {  	s14 =	simm.s32 $0x1;
	[smem:$0x7FD] =	sst s10;
	s10 =	simm.s32 $0x1000  }
.LBB2_1:
.Ltmp0:
0xc0: {  	(pc) =	sbr.rel @p0 .LBB2_3-.Ltmp0, $1  }
0xc1: {  	_ =	sdelay $0x3  }
.Ltmp1:
0xc2: {  	(pc) =	sbr.rel .LBB2_5-.Ltmp1, $2  }
0xc3: {  	_ =	sdelay $0x2  }
0xc4: {  	s17 =	smov.u32 s1  }
.LBB2_3:
.Ltmp2:
0xc5: {  	(pc) =	sbr.rel @!p2 .LBB2_6-.Ltmp2, $3  }
0xc6: {  	_ =	sdelay $0x1  }
0xc7: {  	s17 =	simm.s32 @p1 $0x800;
	s18 =	simm.s32 @p1 $0x1000;
	s19 =	simm.s32 @p1 $0x0  }
0xc8: {  	[tilespmem:s19], [sflag:$0x3] =	stream.strided.gather @p1 [hbm4b:s6+s17], $0x10000, s18, s17, $0x38;
	[tilespmem:$0x11000] =	vst v63  }
0xc9: {  	s17 =	smov.u32 s2  }
0xca: {  	s17 =	smov.u32 @p1 s2  }
.LBB2_5:
0xcb: {  	s17 =	sadd.s32 s17, s5  }
0xcc: {  	[tilespmem:s3], [sflag:$0x3] =	stream.strided.gather [hbm4b:s17+s9], $0x10000, s10, s9, $0x38;
	[tilespmem:$0x11000] =	vst v63  }
.LBB2_6:
0xcd: {  	s17 =	simm.s32 $0x0  }
0xce: {  	[tilespmem:s11], [sflag:$0x4] =	stream.linear.gather [hbm4b:s7+s17], $0x1000, $0x38;
	[tilespmem:$0x11000] =	vst v63  }
0xcf: {  	_ =	swait.ge [sflag:s12], $0x1000  }
0xd0: {  	[sflag:s12] =	ssyncset.done $0x0  }
0xd1: {  	[sflag:s12] =	ssyncadd.s32 $0xFFFFF000  }
0xd2: {  	_ =	swait.ge [sflag:s13], $0x10000  }
0xd3: {  	[sflag:s13] =	ssyncset.done $0x0  }
0xd4: {  	s18 =	simm.s32 $0x10040;
	[sflag:s13] =	ssyncadd.s32 $0xFFFF0000  }
.LBB2_7:
0xd5: {  	p3 =	seq.s32 s17, $0x0  }
0xd6: {  	s19 =	simm.s32 @!p3 $0x1  }
0xd7: {  	_ =	swait.ge @!p3 [sflag:s19], $0x800  }
0xd8: {  	[sflag:s19] =	ssyncset.done @!p3 $0x0  }
0xd9: {  	[sflag:s19] =	ssyncadd.s32 @!p3 $0xFFFFF800  }
0xda: {  	v1 =	vld [tilespmem:s18+$0xFFFFFFC0];
	_ =	sdelay $0x4  }
0xdb: {  	v1 =	vshrl.u32 v1, v0  }
0xdc: {  	v1 =	vand.u32 $0xFF, v1  }
0xdd: {  	(v2sf) =	vpush v1, $0x0;
	_ =	sdelay $0x4  }
0xde: {  	(v2sf) =	vpush v1, $0x1;
	_ =	sdelay $0x5  }
0xdf: {  	(v2sf) =	vpush v1, $0x2;
	_ =	sdelay $0x3  }
0xe0: {  	s28 =	spop (v2sf)  }
0xe1: {  	s21 =	sshll.u32 s28, $0x8;
	s19 =	sshll.u32 s28, $0x7  }
0xe2: {  	s20 =	rddreg [dreg:$0xd];
	(v2sf) =	vpush v1, $0x3;
	s21 =	sand.u32 $0xF800, s21;
	s19 =	sand.u32 $0x380, s19  }
0xe3: {  	s20 =	sadd.s32 s17, s20;
	s19 =	sor.u32 s19, s21  }
0xe4: {  	[hbm4b:s20+s3] =	stream.linear.scatter [tilespmem:s19], [sflag:$0x1], $0x80, $0x38;
	[tilespmem:$0x11000] =	vst v63  }
0xe5: {  	s29 =	spop (v2sf);
	s19 =	sor.u32 $0x400, s19;
	s20 =	sadd.s32 $0x80, s20  }
0xe6: {  	[hbm4b:s20+s3] =	stream.linear.scatter [tilespmem:s19], [sflag:$0x1], $0x80, $0x38;
	[tilespmem:$0x11000] =	vst v63  }
0xe7: {  	s31 =	sshll.u32 s29, $0x8;
	s19 =	sshll.u32 s29, $0x7  }
0xe8: {  	s30 =	rddreg [dreg:$0xe];
	(v2sf) =	vpush v1, $0x4;
	s21 =	sand.u32 $0xF800, s31;
	s19 =	sand.u32 $0x380, s19  }
0xe9: {  	s20 =	sadd.s32 s17, s30;
	s19 =	sor.u32 s19, s21  }
0xea: {  	[hbm4b:s20+s3] =	stream.linear.scatter [tilespmem:s19], [sflag:$0x1], $0x80, $0x38;
	[tilespmem:$0x11000] =	vst v63  }
0xeb: {  	s22 =	spop (v2sf);
	s19 =	sor.u32 $0x400, s19;
	s20 =	sadd.s32 $0x80, s20  }
0xec: {  	[hbm4b:s20+s3] =	stream.linear.scatter [tilespmem:s19], [sflag:$0x1], $0x80, $0x38;
	[tilespmem:$0x11000] =	vst v63  }
0xed: {  	s24 =	sshll.u32 s22, $0x8;
	s19 =	sshll.u32 s22, $0x7  }
0xee: {  	s23 =	rddreg [dreg:$0xf];
	(v2sf) =	vpush v1, $0x5;
	s21 =	sand.u32 $0xF800, s24;
	s19 =	sand.u32 $0x380, s19  }
0xef: {  	s20 =	sadd.s32 s17, s23;
	s19 =	sor.u32 s19, s21  }
0xf0: {  	[hbm4b:s20+s3] =	stream.linear.scatter [tilespmem:s19], [sflag:$0x1], $0x80, $0x38;
	[tilespmem:$0x11000] =	vst v63  }
0xf1: {  	s19 =	sor.u32 $0x400, s19;
	s20 =	sadd.s32 $0x80, s20;
	s25 =	spop (v2sf)  }
0xf2: {  	[hbm4b:s20+s3] =	stream.linear.scatter [tilespmem:s19], [sflag:$0x1], $0x80, $0x38;
	[tilespmem:$0x11000] =	vst v63  }
0xf3: {  	s28 =	sshll.u32 s25, $0x8;
	s19 =	sshll.u32 s25, $0x7  }
0xf4: {  	s26 =	rddreg [dreg:$0x10];
	(v2sf) =	vpush v1, $0x6;
	s21 =	sand.u32 $0xF800, s28;
	s19 =	sand.u32 $0x380, s19  }
0xf5: {  	s20 =	sadd.s32 s17, s26;
	s19 =	sor.u32 s19, s21  }
0xf6: {  	[hbm4b:s20+s3] =	stream.linear.scatter [tilespmem:s19], [sflag:$0x1], $0x80, $0x38;
	[tilespmem:$0x11000] =	vst v63  }
0xf7: {  	s29 =	spop (v2sf);
	s19 =	sor.u32 $0x400, s19;
	s20 =	sadd.s32 $0x80, s20  }
0xf8: {  	[hbm4b:s20+s3] =	stream.linear.scatter [tilespmem:s19], [sflag:$0x1], $0x80, $0x38;
	[tilespmem:$0x11000] =	vst v63  }
0xf9: {  	s31 =	sshll.u32 s29, $0x8;
	s19 =	sshll.u32 s29, $0x7  }
0xfa: {  	s30 =	rddreg [dreg:$0x11];
	(v2sf) =	vpush v1, $0x7;
	s21 =	sand.u32 $0xF800, s31;
	s19 =	sand.u32 $0x380, s19  }
0xfb: {  	s20 =	sadd.s32 s17, s30;
	s19 =	sor.u32 s19, s21  }
0xfc: {  	[hbm4b:s20+s3] =	stream.linear.scatter [tilespmem:s19], [sflag:$0x1], $0x80, $0x38;
	[tilespmem:$0x11000] =	vst v63  }
0xfd: {  	s22 =	spop (v2sf);
	s19 =	sor.u32 $0x400, s19;
	s20 =	sadd.s32 $0x80, s20  }
0xfe: {  	[hbm4b:s20+s3] =	stream.linear.scatter [tilespmem:s19], [sflag:$0x1], $0x80, $0x38;
	[tilespmem:$0x11000] =	vst v63  }
0xff: {  	s24 =	sshll.u32 s22, $0x8;
	s19 =	sshll.u32 s22, $0x7  }
0x100: {  	s23 =	rddreg [dreg:$0x12];
	(v2sf) =	vpush v1, $0x8;
	s21 =	sand.u32 $0xF800, s24;
	s19 =	sand.u32 $0x380, s19  }
0x101: {  	s20 =	sadd.s32 s17, s23;
	s19 =	sor.u32 s19, s21  }
0x102: {  	[hbm4b:s20+s3] =	stream.linear.scatter [tilespmem:s19], [sflag:$0x1], $0x80, $0x38;
	[tilespmem:$0x11000] =	vst v63  }
0x103: {  	s19 =	sor.u32 $0x400, s19;
	s20 =	sadd.s32 $0x80, s20;
	s25 =	spop (v2sf)  }
0x104: {  	[hbm4b:s20+s3] =	stream.linear.scatter [tilespmem:s19], [sflag:$0x1], $0x80, $0x38;
	[tilespmem:$0x11000] =	vst v63  }
0x105: {  	s28 =	sshll.u32 s25, $0x8;
	s19 =	sshll.u32 s25, $0x7  }
0x106: {  	s26 =	rddreg [dreg:$0x13];
	(v2sf) =	vpush v1, $0x9;
	s21 =	sand.u32 $0xF800, s28;
	s19 =	sand.u32 $0x380, s19  }
0x107: {  	s20 =	sadd.s32 s17, s26;
	s19 =	sor.u32 s19, s21  }
0x108: {  	[hbm4b:s20+s3] =	stream.linear.scatter [tilespmem:s19], [sflag:$0x1], $0x80, $0x38;
	[tilespmem:$0x11000] =	vst v63  }
0x109: {  	s29 =	spop (v2sf);
	s19 =	sor.u32 $0x400, s19;
	s20 =	sadd.s32 $0x80, s20  }
0x10a: {  	[hbm4b:s20+s3] =	stream.linear.scatter [tilespmem:s19], [sflag:$0x1], $0x80, $0x38;
	[tilespmem:$0x11000] =	vst v63  }
0x10b: {  	s31 =	sshll.u32 s29, $0x8;
	s19 =	sshll.u32 s29, $0x7  }
0x10c: {  	s30 =	rddreg [dreg:$0x14];
	(v2sf) =	vpush v1, $0xA;
	s21 =	sand.u32 $0xF800, s31;
	s19 =	sand.u32 $0x380, s19  }
0x10d: {  	s20 =	sadd.s32 s17, s30;
	s19 =	sor.u32 s19, s21  }
0x10e: {  	[hbm4b:s20+s3] =	stream.linear.scatter [tilespmem:s19], [sflag:$0x1], $0x80, $0x38;
	[tilespmem:$0x11000] =	vst v63  }
0x10f: {  	s22 =	spop (v2sf);
	s19 =	sor.u32 $0x400, s19;
	s20 =	sadd.s32 $0x80, s20  }
0x110: {  	[hbm4b:s20+s3] =	stream.linear.scatter [tilespmem:s19], [sflag:$0x1], $0x80, $0x38;
	[tilespmem:$0x11000] =	vst v63  }
0x111: {  	s24 =	sshll.u32 s22, $0x8;
	s19 =	sshll.u32 s22, $0x7  }
0x112: {  	s23 =	rddreg [dreg:$0x15];
	(v2sf) =	vpush v1, $0xB;
	s21 =	sand.u32 $0xF800, s24;
	s19 =	sand.u32 $0x380, s19  }
0x113: {  	s20 =	sadd.s32 s17, s23;
	s19 =	sor.u32 s19, s21  }
0x114: {  	[hbm4b:s20+s3] =	stream.linear.scatter [tilespmem:s19], [sflag:$0x1], $0x80, $0x38;
	[tilespmem:$0x11000] =	vst v63  }
0x115: {  	s19 =	sor.u32 $0x400, s19;
	s20 =	sadd.s32 $0x80, s20;
	s25 =	spop (v2sf)  }
0x116: {  	[hbm4b:s20+s3] =	stream.linear.scatter [tilespmem:s19], [sflag:$0x1], $0x80, $0x38;
	[tilespmem:$0x11000] =	vst v63  }
0x117: {  	s28 =	sshll.u32 s25, $0x8;
	s19 =	sshll.u32 s25, $0x7  }
0x118: {  	s26 =	rddreg [dreg:$0x16];
	(v2sf) =	vpush v1, $0xC;
	s21 =	sand.u32 $0xF800, s28;
	s19 =	sand.u32 $0x380, s19  }
0x119: {  	s20 =	sadd.s32 s17, s26;
	s19 =	sor.u32 s19, s21  }
0x11a: {  	[hbm4b:s20+s3] =	stream.linear.scatter [tilespmem:s19], [sflag:$0x1], $0x80, $0x38;
	[tilespmem:$0x11000] =	vst v63  }
0x11b: {  	s29 =	spop (v2sf);
	s19 =	sor.u32 $0x400, s19;
	s20 =	sadd.s32 $0x80, s20  }
0x11c: {  	[hbm4b:s20+s3] =	stream.linear.scatter [tilespmem:s19], [sflag:$0x1], $0x80, $0x38;
	[tilespmem:$0x11000] =	vst v63  }
0x11d: {  	s31 =	sshll.u32 s29, $0x8;
	s19 =	sshll.u32 s29, $0x7  }
0x11e: {  	s30 =	rddreg [dreg:$0x17];
	(v2sf) =	vpush v1, $0xD;
	s21 =	sand.u32 $0xF800, s31;
	s19 =	sand.u32 $0x380, s19  }
0x11f: {  	s20 =	sadd.s32 s17, s30;
	s19 =	sor.u32 s19, s21  }
0x120: {  	[hbm4b:s20+s3] =	stream.linear.scatter [tilespmem:s19], [sflag:$0x1], $0x80, $0x38;
	[tilespmem:$0x11000] =	vst v63  }
0x121: {  	s22 =	spop (v2sf);
	s19 =	sor.u32 $0x400, s19;
	s20 =	sadd.s32 $0x80, s20  }
0x122: {  	[hbm4b:s20+s3] =	stream.linear.scatter [tilespmem:s19], [sflag:$0x1], $0x80, $0x38;
	[tilespmem:$0x11000] =	vst v63  }
0x123: {  	s24 =	sshll.u32 s22, $0x8;
	s19 =	sshll.u32 s22, $0x7  }
0x124: {  	s23 =	rddreg [dreg:$0x18];
	(v2sf) =	vpush v1, $0xE;
	s21 =	sand.u32 $0xF800, s24;
	s19 =	sand.u32 $0x380, s19  }
0x125: {  	s20 =	sadd.s32 s17, s23;
	s19 =	sor.u32 s19, s21  }
0x126: {  	[hbm4b:s20+s3] =	stream.linear.scatter [tilespmem:s19], [sflag:$0x1], $0x80, $0x38;
	[tilespmem:$0x11000] =	vst v63  }
0x127: {  	s19 =	sor.u32 $0x400, s19;
	s20 =	sadd.s32 $0x80, s20;
	s25 =	spop (v2sf)  }
0x128: {  	[hbm4b:s20+s3] =	stream.linear.scatter [tilespmem:s19], [sflag:$0x1], $0x80, $0x38;
	[tilespmem:$0x11000] =	vst v63  }
0x129: {  	s28 =	sshll.u32 s25, $0x8;
	s19 =	sshll.u32 s25, $0x7  }
0x12a: {  	s26 =	rddreg [dreg:$0x19];
	(v2sf) =	vpush v1, $0xF;
	s21 =	sand.u32 $0xF800, s28;
	s19 =	sand.u32 $0x380, s19  }
0x12b: {  	s20 =	sadd.s32 s17, s26;
	s19 =	sor.u32 s19, s21  }
0x12c: {  	[hbm4b:s20+s3] =	stream.linear.scatter [tilespmem:s19], [sflag:$0x1], $0x80, $0x38;
	[tilespmem:$0x11000] =	vst v63  }
0x12d: {  	s29 =	spop (v2sf);
	s19 =	sor.u32 $0x400, s19;
	s20 =	sadd.s32 $0x80, s20  }
0x12e: {  	[hbm4b:s20+s3] =	stream.linear.scatter [tilespmem:s19], [sflag:$0x1], $0x80, $0x38;
	[tilespmem:$0x11000] =	vst v63  }
0x12f: {  	s31 =	sshll.u32 s29, $0x8;
	s19 =	sshll.u32 s29, $0x7  }
0x130: {  	s30 =	rddreg [dreg:$0x1a];
	s21 =	sand.u32 $0xF800, s31;
	s19 =	sand.u32 $0x380, s19  }
0x131: {  	s20 =	sadd.s32 s17, s30;
	s19 =	sor.u32 s19, s21  }
0x132: {  	[hbm4b:s20+s3] =	stream.linear.scatter [tilespmem:s19], [sflag:$0x1], $0x80, $0x38;
	[tilespmem:$0x11000] =	vst v63  }
0x133: {  	s22 =	spop (v2sf);
	s19 =	sor.u32 $0x400, s19;
	s20 =	sadd.s32 $0x80, s20  }
0x134: {  	[hbm4b:s20+s3] =	stream.linear.scatter [tilespmem:s19], [sflag:$0x1], $0x80, $0x38;
	[tilespmem:$0x11000] =	vst v63  }
0x135: {  	s24 =	sshll.u32 s22, $0x8;
	s19 =	sshll.u32 s22, $0x7  }
0x136: {  	s23 =	rddreg [dreg:$0x1b];
	s21 =	sand.u32 $0xF800, s24;
	s19 =	sand.u32 $0x380, s19  }
0x137: {  	s20 =	sadd.s32 s17, s23;
	s19 =	sor.u32 s19, s21  }
0x138: {  	[hbm4b:s20+s3] =	stream.linear.scatter [tilespmem:s19], [sflag:$0x1], $0x80, $0x38;
	[tilespmem:$0x11000] =	vst v63  }
0x139: {  	s19 =	sor.u32 $0x400, s19;
	s20 =	sadd.s32 $0x80, s20;
	s25 =	spop (v2sf)  }
0x13a: {  	[hbm4b:s20+s3] =	stream.linear.scatter [tilespmem:s19], [sflag:$0x1], $0x80, $0x38;
	[tilespmem:$0x11000] =	vst v63  }
0x13b: {  	s28 =	sshll.u32 s25, $0x8;
	s19 =	sshll.u32 s25, $0x7  }
0x13c: {  	s26 =	rddreg [dreg:$0x1c];
	s21 =	sand.u32 $0xF800, s28;
	s19 =	sand.u32 $0x380, s19  }
0x13d: {  	s20 =	sadd.s32 s17, s26;
	s19 =	sor.u32 s19, s21  }
0x13e: {  	[hbm4b:s20+s3] =	stream.linear.scatter [tilespmem:s19], [sflag:$0x1], $0x80, $0x38;
	[tilespmem:$0x11000] =	vst v63  }
0x13f: {  	s19 =	sor.u32 $0x400, s19;
	s20 =	sadd.s32 $0x80, s20  }
0x140: {  	[hbm4b:s20+s3] =	stream.linear.scatter [tilespmem:s19], [sflag:$0x1], $0x80, $0x38;
	[tilespmem:$0x11000] =	vst v63  }
0x141: {  	v1 =	vld [tilespmem:s18+$0xFFFFFFD0];
	_ =	sdelay $0x4  }
0x142: {  	v1 =	vshrl.u32 v1, v0  }
0x143: {  	v1 =	vand.u32 $0xFF, v1  }
0x144: {  	(v2sf) =	vpush v1, $0x0;
	_ =	sdelay $0x4  }
0x145: {  	(v2sf) =	vpush v1, $0x1;
	_ =	sdelay $0x5  }
0x146: {  	(v2sf) =	vpush v1, $0x2;
	_ =	sdelay $0x3  }
0x147: {  	s29 =	spop (v2sf)  }
0x148: {  	s31 =	sshll.u32 s29, $0x8;
	s19 =	sshll.u32 s29, $0x7  }
0x149: {  	s30 =	rddreg [dreg:$0x1d];
	(v2sf) =	vpush v1, $0x3;
	s21 =	sand.u32 $0xF800, s31;
	s19 =	sand.u32 $0x380, s19  }
0x14a: {  	s20 =	sadd.s32 s17, s30;
	s19 =	sor.u32 s19, s21  }
0x14b: {  	[hbm4b:s20+s3] =	stream.linear.scatter [tilespmem:s19], [sflag:$0x1], $0x80, $0x38;
	[tilespmem:$0x11000] =	vst v63  }
0x14c: {  	s22 =	spop (v2sf);
	s19 =	sor.u32 $0x400, s19;
	s20 =	sadd.s32 $0x80, s20  }
0x14d: {  	[hbm4b:s20+s3] =	stream.linear.scatter [tilespmem:s19], [sflag:$0x1], $0x80, $0x38;
	[tilespmem:$0x11000] =	vst v63  }
0x14e: {  	s24 =	sshll.u32 s22, $0x8;
	s19 =	sshll.u32 s22, $0x7  }
0x14f: {  	s23 =	rddreg [dreg:$0x1e];
	(v2sf) =	vpush v1, $0x4;
	s21 =	sand.u32 $0xF800, s24;
	s19 =	sand.u32 $0x380, s19  }
0x150: {  	s20 =	sadd.s32 s17, s23;
	s19 =	sor.u32 s19, s21  }
0x151: {  	[hbm4b:s20+s3] =	stream.linear.scatter [tilespmem:s19], [sflag:$0x1], $0x80, $0x38;
	[tilespmem:$0x11000] =	vst v63  }
0x152: {  	s25 =	spop (v2sf);
	s19 =	sor.u32 $0x400, s19;
	s20 =	sadd.s32 $0x80, s20  }
0x153: {  	[hbm4b:s20+s3] =	stream.linear.scatter [tilespmem:s19], [sflag:$0x1], $0x80, $0x38;
	[tilespmem:$0x11000] =	vst v63  }
0x154: {  	s28 =	sshll.u32 s25, $0x8;
	s19 =	sshll.u32 s25, $0x7  }
0x155: {  	s26 =	rddreg [dreg:$0x1f];
	(v2sf) =	vpush v1, $0x5;
	s21 =	sand.u32 $0xF800, s28;
	s19 =	sand.u32 $0x380, s19  }
0x156: {  	s30 =	sld [smem:$0x797];
	s20 =	sadd.s32 s17, s26;
	s19 =	sor.u32 s19, s21  }
0x157: {  	[hbm4b:s20+s3] =	stream.linear.scatter [tilespmem:s19], [sflag:$0x1], $0x80, $0x38;
	[tilespmem:$0x11000] =	vst v63  }
0x158: {  	s19 =	sor.u32 $0x400, s19;
	s20 =	sadd.s32 $0x80, s20;
	s29 =	spop (v2sf)  }
0x159: {  	[hbm4b:s20+s3] =	stream.linear.scatter [tilespmem:s19], [sflag:$0x1], $0x80, $0x38;
	[tilespmem:$0x11000] =	vst v63  }
0x15a: {  	s31 =	sshll.u32 s29, $0x8;
	s19 =	sshll.u32 s29, $0x7  }
0x15b: {  	(v2sf) =	vpush v1, $0x6;
	s21 =	sand.u32 $0xF800, s31;
	s19 =	sand.u32 $0x380, s19  }
0x15c: {  	s23 =	sld [smem:$0x798];
	s20 =	sadd.s32 s17, s30;
	s19 =	sor.u32 s19, s21  }
0x15d: {  	[hbm4b:s20+s3] =	stream.linear.scatter [tilespmem:s19], [sflag:$0x1], $0x80, $0x38;
	[tilespmem:$0x11000] =	vst v63  }
0x15e: {  	s22 =	spop (v2sf);
	s19 =	sor.u32 $0x400, s19;
	s20 =	sadd.s32 $0x80, s20  }
0x15f: {  	[hbm4b:s20+s3] =	stream.linear.scatter [tilespmem:s19], [sflag:$0x1], $0x80, $0x38;
	[tilespmem:$0x11000] =	vst v63  }
0x160: {  	s24 =	sshll.u32 s22, $0x8;
	s19 =	sshll.u32 s22, $0x7  }
0x161: {  	(v2sf) =	vpush v1, $0x7;
	s21 =	sand.u32 $0xF800, s24;
	s19 =	sand.u32 $0x380, s19  }
0x162: {  	s26 =	sld [smem:$0x799];
	s20 =	sadd.s32 s17, s23;
	s19 =	sor.u32 s19, s21  }
0x163: {  	[hbm4b:s20+s3] =	stream.linear.scatter [tilespmem:s19], [sflag:$0x1], $0x80, $0x38;
	[tilespmem:$0x11000] =	vst v63  }
0x164: {  	s25 =	spop (v2sf);
	s19 =	sor.u32 $0x400, s19;
	s20 =	sadd.s32 $0x80, s20  }
0x165: {  	[hbm4b:s20+s3] =	stream.linear.scatter [tilespmem:s19], [sflag:$0x1], $0x80, $0x38;
	[tilespmem:$0x11000] =	vst v63  }
0x166: {  	s28 =	sshll.u32 s25, $0x8;
	s19 =	sshll.u32 s25, $0x7  }
0x167: {  	(v2sf) =	vpush v1, $0x8;
	s21 =	sand.u32 $0xF800, s28;
	s19 =	sand.u32 $0x380, s19  }
0x168: {  	s30 =	sld [smem:$0x79A];
	s20 =	sadd.s32 s17, s26;
	s19 =	sor.u32 s19, s21  }
0x169: {  	[hbm4b:s20+s3] =	stream.linear.scatter [tilespmem:s19], [sflag:$0x1], $0x80, $0x38;
	[tilespmem:$0x11000] =	vst v63  }
0x16a: {  	s19 =	sor.u32 $0x400, s19;
	s20 =	sadd.s32 $0x80, s20;
	s29 =	spop (v2sf)  }
0x16b: {  	[hbm4b:s20+s3] =	stream.linear.scatter [tilespmem:s19], [sflag:$0x1], $0x80, $0x38;
	[tilespmem:$0x11000] =	vst v63  }
0x16c: {  	s31 =	sshll.u32 s29, $0x8;
	s19 =	sshll.u32 s29, $0x7  }
0x16d: {  	(v2sf) =	vpush v1, $0x9;
	s21 =	sand.u32 $0xF800, s31;
	s19 =	sand.u32 $0x380, s19  }
0x16e: {  	s23 =	sld [smem:$0x79B];
	s20 =	sadd.s32 s17, s30;
	s19 =	sor.u32 s19, s21  }
0x16f: {  	[hbm4b:s20+s3] =	stream.linear.scatter [tilespmem:s19], [sflag:$0x1], $0x80, $0x38;
	[tilespmem:$0x11000] =	vst v63  }
0x170: {  	s22 =	spop (v2sf);
	s19 =	sor.u32 $0x400, s19;
	s20 =	sadd.s32 $0x80, s20  }
0x171: {  	[hbm4b:s20+s3] =	stream.linear.scatter [tilespmem:s19], [sflag:$0x1], $0x80, $0x38;
	[tilespmem:$0x11000] =	vst v63  }
0x172: {  	s24 =	sshll.u32 s22, $0x8;
	s19 =	sshll.u32 s22, $0x7  }
0x173: {  	(v2sf) =	vpush v1, $0xA;
	s21 =	sand.u32 $0xF800, s24;
	s19 =	sand.u32 $0x380, s19  }
0x174: {  	s26 =	sld [smem:$0x79C];
	s20 =	sadd.s32 s17, s23;
	s19 =	sor.u32 s19, s21  }
0x175: {  	[hbm4b:s20+s3] =	stream.linear.scatter [tilespmem:s19], [sflag:$0x1], $0x80, $0x38;
	[tilespmem:$0x11000] =	vst v63  }
0x176: {  	s25 =	spop (v2sf);
	s19 =	sor.u32 $0x400, s19;
	s20 =	sadd.s32 $0x80, s20  }
0x177: {  	[hbm4b:s20+s3] =	stream.linear.scatter [tilespmem:s19], [sflag:$0x1], $0x80, $0x38;
	[tilespmem:$0x11000] =	vst v63  }
0x178: {  	s28 =	sshll.u32 s25, $0x8;
	s19 =	sshll.u32 s25, $0x7  }
0x179: {  	(v2sf) =	vpush v1, $0xB;
	s21 =	sand.u32 $0xF800, s28;
	s19 =	sand.u32 $0x380, s19  }
0x17a: {  	s30 =	sld [smem:$0x79D];
	s20 =	sadd.s32 s17, s26;
	s19 =	sor.u32 s19, s21  }
0x17b: {  	[hbm4b:s20+s3] =	stream.linear.scatter [tilespmem:s19], [sflag:$0x1], $0x80, $0x38;
	[tilespmem:$0x11000] =	vst v63  }
0x17c: {  	s19 =	sor.u32 $0x400, s19;
	s20 =	sadd.s32 $0x80, s20;
	s29 =	spop (v2sf)  }
0x17d: {  	[hbm4b:s20+s3] =	stream.linear.scatter [tilespmem:s19], [sflag:$0x1], $0x80, $0x38;
	[tilespmem:$0x11000] =	vst v63  }
0x17e: {  	s31 =	sshll.u32 s29, $0x8;
	s19 =	sshll.u32 s29, $0x7  }
0x17f: {  	(v2sf) =	vpush v1, $0xC;
	s21 =	sand.u32 $0xF800, s31;
	s19 =	sand.u32 $0x380, s19  }
0x180: {  	s23 =	sld [smem:$0x79E];
	s20 =	sadd.s32 s17, s30;
	s19 =	sor.u32 s19, s21  }
0x181: {  	[hbm4b:s20+s3] =	stream.linear.scatter [tilespmem:s19], [sflag:$0x1], $0x80, $0x38;
	[tilespmem:$0x11000] =	vst v63  }
0x182: {  	s22 =	spop (v2sf);
	s19 =	sor.u32 $0x400, s19;
	s20 =	sadd.s32 $0x80, s20  }
0x183: {  	[hbm4b:s20+s3] =	stream.linear.scatter [tilespmem:s19], [sflag:$0x1], $0x80, $0x38;
	[tilespmem:$0x11000] =	vst v63  }
0x184: {  	s24 =	sshll.u32 s22, $0x8;
	s19 =	sshll.u32 s22, $0x7  }
0x185: {  	(v2sf) =	vpush v1, $0xD;
	s21 =	sand.u32 $0xF800, s24;
	s19 =	sand.u32 $0x380, s19  }
0x186: {  	s26 =	sld [smem:$0x79F];
	s20 =	sadd.s32 s17, s23;
	s19 =	sor.u32 s19, s21  }
0x187: {  	[hbm4b:s20+s3] =	stream.linear.scatter [tilespmem:s19], [sflag:$0x1], $0x80, $0x38;
	[tilespmem:$0x11000] =	vst v63  }
0x188: {  	s25 =	spop (v2sf);
	s19 =	sor.u32 $0x400, s19;
	s20 =	sadd.s32 $0x80, s20  }
0x189: {  	[hbm4b:s20+s3] =	stream.linear.scatter [tilespmem:s19], [sflag:$0x1], $0x80, $0x38;
	[tilespmem:$0x11000] =	vst v63  }
0x18a: {  	s28 =	sshll.u32 s25, $0x8;
	s19 =	sshll.u32 s25, $0x7  }
0x18b: {  	s21 =	sand.u32 $0xF800, s28;
	s19 =	sand.u32 $0x380, s19  }
0x18c: {  	s30 =	sld [smem:$0x7A0];
	s20 =	sadd.s32 s17, s26;
	s19 =	sor.u32 s19, s21  }
0x18d: {  	[hbm4b:s20+s3] =	stream.linear.scatter [tilespmem:s19], [sflag:$0x1], $0x80, $0x38;
	[tilespmem:$0x11000] =	vst v63  }
0x18e: {  	s19 =	sor.u32 $0x400, s19;
	s20 =	sadd.s32 $0x80, s20;
	s29 =	spop (v2sf)  }
0x18f: {  	[hbm4b:s20+s3] =	stream.linear.scatter [tilespmem:s19], [sflag:$0x1], $0x80, $0x38;
	[tilespmem:$0x11000] =	vst v63  }
0x190: {  	s31 =	sshll.u32 s29, $0x8;
	s19 =	sshll.u32 s29, $0x7  }
0x191: {  	s21 =	sand.u32 $0xF800, s31;
	s19 =	sand.u32 $0x380, s19  }
0x192: {  	s23 =	sld [smem:$0x7A1];
	s20 =	sadd.s32 s17, s30;
	s19 =	sor.u32 s19, s21  }
0x193: {  	[hbm4b:s20+s3] =	stream.linear.scatter [tilespmem:s19], [sflag:$0x1], $0x80, $0x38;
	[tilespmem:$0x11000] =	vst v63  }
0x194: {  	s22 =	spop (v2sf);
	s19 =	sor.u32 $0x400, s19;
	s20 =	sadd.s32 $0x80, s20  }
0x195: {  	[hbm4b:s20+s3] =	stream.linear.scatter [tilespmem:s19], [sflag:$0x1], $0x80, $0x38;
	[tilespmem:$0x11000] =	vst v63  }
0x196: {  	s24 =	sshll.u32 s22, $0x8;
	s19 =	sshll.u32 s22, $0x7  }
0x197: {  	s21 =	sand.u32 $0xF800, s24;
	s19 =	sand.u32 $0x380, s19  }
0x198: {  	s20 =	sadd.s32 s17, s23;
	s19 =	sor.u32 s19, s21  }
0x199: {  	[hbm4b:s20+s3] =	stream.linear.scatter [tilespmem:s19], [sflag:$0x1], $0x80, $0x38;
	[tilespmem:$0x11000] =	vst v63  }
0x19a: {  	(v2sf) =	vpush v1, $0xE;
	_ =	sdelay $0x4  }
0x19b: {  	(v2sf) =	vpush v1, $0xF;
	_ =	sdelay $0x7  }
0x19c: {  	s19 =	sor.u32 $0x400, s19;
	s20 =	sadd.s32 $0x80, s20  }
0x19d: {  	[hbm4b:s20+s3] =	stream.linear.scatter [tilespmem:s19], [sflag:$0x1], $0x80, $0x38;
	[tilespmem:$0x11000] =	vst v63  }
0x19e: {  	s26 =	sld [smem:$0x7A2];
	s25 =	spop (v2sf)  }
0x19f: {  	s28 =	sshll.u32 s25, $0x8;
	s19 =	sshll.u32 s25, $0x7  }
0x1a0: {  	s21 =	sand.u32 $0xF800, s28;
	s19 =	sand.u32 $0x380, s19  }
0x1a1: {  	s30 =	sld [smem:$0x7A3];
	s20 =	sadd.s32 s17, s26;
	s19 =	sor.u32 s19, s21  }
0x1a2: {  	[hbm4b:s20+s3] =	stream.linear.scatter [tilespmem:s19], [sflag:$0x1], $0x80, $0x38;
	[tilespmem:$0x11000] =	vst v63  }
0x1a3: {  	s29 =	spop (v2sf);
	s19 =	sor.u32 $0x400, s19;
	s20 =	sadd.s32 $0x80, s20  }
0x1a4: {  	[hbm4b:s20+s3] =	stream.linear.scatter [tilespmem:s19], [sflag:$0x1], $0x80, $0x38;
	[tilespmem:$0x11000] =	vst v63  }
0x1a5: {  	s31 =	sshll.u32 s29, $0x8;
	s19 =	sshll.u32 s29, $0x7  }
0x1a6: {  	s21 =	sand.u32 $0xF800, s31;
	s19 =	sand.u32 $0x380, s19  }
0x1a7: {  	s20 =	sadd.s32 s17, s30;
	s19 =	sor.u32 s19, s21  }
0x1a8: {  	[hbm4b:s20+s3] =	stream.linear.scatter [tilespmem:s19], [sflag:$0x1], $0x80, $0x38;
	[tilespmem:$0x11000] =	vst v63  }
0x1a9: {  	s19 =	sor.u32 $0x400, s19;
	s20 =	sadd.s32 $0x80, s20  }
0x1aa: {  	[hbm4b:s20+s3] =	stream.linear.scatter [tilespmem:s19], [sflag:$0x1], $0x80, $0x38;
	[tilespmem:$0x11000] =	vst v63  }
0x1ab: {  	v1 =	vld [tilespmem:s18+$0xFFFFFFE0];
	_ =	sdelay $0x4  }
0x1ac: {  	v1 =	vshrl.u32 v1, v0  }
0x1ad: {  	v1 =	vand.u32 $0xFF, v1  }
0x1ae: {  	(v2sf) =	vpush v1, $0x0;
	_ =	sdelay $0x4  }
0x1af: {  	(v2sf) =	vpush v1, $0x1;
	_ =	sdelay $0x5  }
0x1b0: {  	(v2sf) =	vpush v1, $0x2;
	_ =	sdelay $0x3  }
0x1b1: {  	s23 =	sld [smem:$0x7A4];
	s22 =	spop (v2sf)  }
0x1b2: {  	s24 =	sshll.u32 s22, $0x8;
	s19 =	sshll.u32 s22, $0x7  }
0x1b3: {  	(v2sf) =	vpush v1, $0x3;
	s21 =	sand.u32 $0xF800, s24;
	s19 =	sand.u32 $0x380, s19  }
0x1b4: {  	s26 =	sld [smem:$0x7A5];
	s20 =	sadd.s32 s17, s23;
	s19 =	sor.u32 s19, s21  }
0x1b5: {  	[hbm4b:s20+s3] =	stream.linear.scatter [tilespmem:s19], [sflag:$0x1], $0x80, $0x38;
	[tilespmem:$0x11000] =	vst v63  }
0x1b6: {  	s25 =	spop (v2sf);
	s19 =	sor.u32 $0x400, s19;
	s20 =	sadd.s32 $0x80, s20  }
0x1b7: {  	[hbm4b:s20+s3] =	stream.linear.scatter [tilespmem:s19], [sflag:$0x1], $0x80, $0x38;
	[tilespmem:$0x11000] =	vst v63  }
0x1b8: {  	s28 =	sshll.u32 s25, $0x8;
	s19 =	sshll.u32 s25, $0x7  }
0x1b9: {  	(v2sf) =	vpush v1, $0x4;
	s21 =	sand.u32 $0xF800, s28;
	s19 =	sand.u32 $0x380, s19  }
0x1ba: {  	s30 =	sld [smem:$0x7A6];
	s20 =	sadd.s32 s17, s26;
	s19 =	sor.u32 s19, s21  }
0x1bb: {  	[hbm4b:s20+s3] =	stream.linear.scatter [tilespmem:s19], [sflag:$0x1], $0x80, $0x38;
	[tilespmem:$0x11000] =	vst v63  }
0x1bc: {  	s29 =	spop (v2sf);
	s19 =	sor.u32 $0x400, s19;
	s20 =	sadd.s32 $0x80, s20  }
0x1bd: {  	[hbm4b:s20+s3] =	stream.linear.scatter [tilespmem:s19], [sflag:$0x1], $0x80, $0x38;
	[tilespmem:$0x11000] =	vst v63  }
0x1be: {  	s31 =	sshll.u32 s29, $0x8;
	s19 =	sshll.u32 s29, $0x7  }
0x1bf: {  	(v2sf) =	vpush v1, $0x5;
	s21 =	sand.u32 $0xF800, s31;
	s19 =	sand.u32 $0x380, s19  }
0x1c0: {  	s23 =	sld [smem:$0x7A7];
	s20 =	sadd.s32 s17, s30;
	s19 =	sor.u32 s19, s21  }
0x1c1: {  	[hbm4b:s20+s3] =	stream.linear.scatter [tilespmem:s19], [sflag:$0x1], $0x80, $0x38;
	[tilespmem:$0x11000] =	vst v63  }
0x1c2: {  	s19 =	sor.u32 $0x400, s19;
	s20 =	sadd.s32 $0x80, s20;
	s22 =	spop (v2sf)  }
0x1c3: {  	[hbm4b:s20+s3] =	stream.linear.scatter [tilespmem:s19], [sflag:$0x1], $0x80, $0x38;
	[tilespmem:$0x11000] =	vst v63  }
0x1c4: {  	s24 =	sshll.u32 s22, $0x8;
	s19 =	sshll.u32 s22, $0x7  }
0x1c5: {  	(v2sf) =	vpush v1, $0x6;
	s21 =	sand.u32 $0xF800, s24;
	s19 =	sand.u32 $0x380, s19  }
0x1c6: {  	s26 =	sld [smem:$0x7A8];
	s20 =	sadd.s32 s17, s23;
	s19 =	sor.u32 s19, s21  }
0x1c7: {  	[hbm4b:s20+s3] =	stream.linear.scatter [tilespmem:s19], [sflag:$0x1], $0x80, $0x38;
	[tilespmem:$0x11000] =	vst v63  }
0x1c8: {  	s25 =	spop (v2sf);
	s19 =	sor.u32 $0x400, s19;
	s20 =	sadd.s32 $0x80, s20  }
0x1c9: {  	[hbm4b:s20+s3] =	stream.linear.scatter [tilespmem:s19], [sflag:$0x1], $0x80, $0x38;
	[tilespmem:$0x11000] =	vst v63  }
0x1ca: {  	s28 =	sshll.u32 s25, $0x8;
	s19 =	sshll.u32 s25, $0x7  }
0x1cb: {  	(v2sf) =	vpush v1, $0x7;
	s21 =	sand.u32 $0xF800, s28;
	s19 =	sand.u32 $0x380, s19  }
0x1cc: {  	s30 =	sld [smem:$0x7A9];
	s20 =	sadd.s32 s17, s26;
	s19 =	sor.u32 s19, s21  }
0x1cd: {  	[hbm4b:s20+s3] =	stream.linear.scatter [tilespmem:s19], [sflag:$0x1], $0x80, $0x38;
	[tilespmem:$0x11000] =	vst v63  }
0x1ce: {  	s29 =	spop (v2sf);
	s19 =	sor.u32 $0x400, s19;
	s20 =	sadd.s32 $0x80, s20  }
0x1cf: {  	[hbm4b:s20+s3] =	stream.linear.scatter [tilespmem:s19], [sflag:$0x1], $0x80, $0x38;
	[tilespmem:$0x11000] =	vst v63  }
0x1d0: {  	s31 =	sshll.u32 s29, $0x8;
	s19 =	sshll.u32 s29, $0x7  }
0x1d1: {  	(v2sf) =	vpush v1, $0x8;
	s21 =	sand.u32 $0xF800, s31;
	s19 =	sand.u32 $0x380, s19  }
0x1d2: {  	s23 =	sld [smem:$0x7AA];
	s20 =	sadd.s32 s17, s30;
	s19 =	sor.u32 s19, s21  }
0x1d3: {  	[hbm4b:s20+s3] =	stream.linear.scatter [tilespmem:s19], [sflag:$0x1], $0x80, $0x38;
	[tilespmem:$0x11000] =	vst v63  }
0x1d4: {  	s19 =	sor.u32 $0x400, s19;
	s20 =	sadd.s32 $0x80, s20;
	s22 =	spop (v2sf)  }
0x1d5: {  	[hbm4b:s20+s3] =	stream.linear.scatter [tilespmem:s19], [sflag:$0x1], $0x80, $0x38;
	[tilespmem:$0x11000] =	vst v63  }
0x1d6: {  	s24 =	sshll.u32 s22, $0x8;
	s19 =	sshll.u32 s22, $0x7  }
0x1d7: {  	(v2sf) =	vpush v1, $0x9;
	s21 =	sand.u32 $0xF800, s24;
	s19 =	sand.u32 $0x380, s19  }
0x1d8: {  	s26 =	sld [smem:$0x7AB];
	s20 =	sadd.s32 s17, s23;
	s19 =	sor.u32 s19, s21  }
0x1d9: {  	[hbm4b:s20+s3] =	stream.linear.scatter [tilespmem:s19], [sflag:$0x1], $0x80, $0x38;
	[tilespmem:$0x11000] =	vst v63  }
0x1da: {  	s25 =	spop (v2sf);
	s19 =	sor.u32 $0x400, s19;
	s20 =	sadd.s32 $0x80, s20  }
0x1db: {  	[hbm4b:s20+s3] =	stream.linear.scatter [tilespmem:s19], [sflag:$0x1], $0x80, $0x38;
	[tilespmem:$0x11000] =	vst v63  }
0x1dc: {  	s28 =	sshll.u32 s25, $0x8;
	s19 =	sshll.u32 s25, $0x7  }
0x1dd: {  	(v2sf) =	vpush v1, $0xA;
	s21 =	sand.u32 $0xF800, s28;
	s19 =	sand.u32 $0x380, s19  }
0x1de: {  	s30 =	sld [smem:$0x7AC];
	s20 =	sadd.s32 s17, s26;
	s19 =	sor.u32 s19, s21  }
0x1df: {  	[hbm4b:s20+s3] =	stream.linear.scatter [tilespmem:s19], [sflag:$0x1], $0x80, $0x38;
	[tilespmem:$0x11000] =	vst v63  }
0x1e0: {  	s29 =	spop (v2sf);
	s19 =	sor.u32 $0x400, s19;
	s20 =	sadd.s32 $0x80, s20  }
0x1e1: {  	[hbm4b:s20+s3] =	stream.linear.scatter [tilespmem:s19], [sflag:$0x1], $0x80, $0x38;
	[tilespmem:$0x11000] =	vst v63  }
0x1e2: {  	s31 =	sshll.u32 s29, $0x8;
	s19 =	sshll.u32 s29, $0x7  }
0x1e3: {  	(v2sf) =	vpush v1, $0xB;
	s21 =	sand.u32 $0xF800, s31;
	s19 =	sand.u32 $0x380, s19  }
0x1e4: {  	s23 =	sld [smem:$0x7AD];
	s20 =	sadd.s32 s17, s30;
	s19 =	sor.u32 s19, s21  }
0x1e5: {  	[hbm4b:s20+s3] =	stream.linear.scatter [tilespmem:s19], [sflag:$0x1], $0x80, $0x38;
	[tilespmem:$0x11000] =	vst v63  }
0x1e6: {  	s19 =	sor.u32 $0x400, s19;
	s20 =	sadd.s32 $0x80, s20;
	s22 =	spop (v2sf)  }
0x1e7: {  	[hbm4b:s20+s3] =	stream.linear.scatter [tilespmem:s19], [sflag:$0x1], $0x80, $0x38;
	[tilespmem:$0x11000] =	vst v63  }
0x1e8: {  	s24 =	sshll.u32 s22, $0x8;
	s19 =	sshll.u32 s22, $0x7  }
0x1e9: {  	(v2sf) =	vpush v1, $0xC;
	s21 =	sand.u32 $0xF800, s24;
	s19 =	sand.u32 $0x380, s19  }
0x1ea: {  	s26 =	sld [smem:$0x7AE];
	s20 =	sadd.s32 s17, s23;
	s19 =	sor.u32 s19, s21  }
0x1eb: {  	[hbm4b:s20+s3] =	stream.linear.scatter [tilespmem:s19], [sflag:$0x1], $0x80, $0x38;
	[tilespmem:$0x11000] =	vst v63  }
0x1ec: {  	s25 =	spop (v2sf);
	s19 =	sor.u32 $0x400, s19;
	s20 =	sadd.s32 $0x80, s20  }
0x1ed: {  	[hbm4b:s20+s3] =	stream.linear.scatter [tilespmem:s19], [sflag:$0x1], $0x80, $0x38;
	[tilespmem:$0x11000] =	vst v63  }
0x1ee: {  	s28 =	sshll.u32 s25, $0x8;
	s19 =	sshll.u32 s25, $0x7  }
0x1ef: {  	(v2sf) =	vpush v1, $0xD;
	s21 =	sand.u32 $0xF800, s28;
	s19 =	sand.u32 $0x380, s19  }
0x1f0: {  	s30 =	sld [smem:$0x7AF];
	s20 =	sadd.s32 s17, s26;
	s19 =	sor.u32 s19, s21  }
0x1f1: {  	[hbm4b:s20+s3] =	stream.linear.scatter [tilespmem:s19], [sflag:$0x1], $0x80, $0x38;
	[tilespmem:$0x11000] =	vst v63  }
0x1f2: {  	s29 =	spop (v2sf);
	s19 =	sor.u32 $0x400, s19;
	s20 =	sadd.s32 $0x80, s20  }
0x1f3: {  	[hbm4b:s20+s3] =	stream.linear.scatter [tilespmem:s19], [sflag:$0x1], $0x80, $0x38;
	[tilespmem:$0x11000] =	vst v63  }
0x1f4: {  	s31 =	sshll.u32 s29, $0x8;
	s19 =	sshll.u32 s29, $0x7  }
0x1f5: {  	(v2sf) =	vpush v1, $0xE;
	s21 =	sand.u32 $0xF800, s31;
	s19 =	sand.u32 $0x380, s19  }
0x1f6: {  	s23 =	sld [smem:$0x7B0];
	s20 =	sadd.s32 s17, s30;
	s19 =	sor.u32 s19, s21  }
0x1f7: {  	[hbm4b:s20+s3] =	stream.linear.scatter [tilespmem:s19], [sflag:$0x1], $0x80, $0x38;
	[tilespmem:$0x11000] =	vst v63  }
0x1f8: {  	s19 =	sor.u32 $0x400, s19;
	s20 =	sadd.s32 $0x80, s20;
	s22 =	spop (v2sf)  }
0x1f9: {  	[hbm4b:s20+s3] =	stream.linear.scatter [tilespmem:s19], [sflag:$0x1], $0x80, $0x38;
	[tilespmem:$0x11000] =	vst v63  }
0x1fa: {  	s24 =	sshll.u32 s22, $0x8;
	s19 =	sshll.u32 s22, $0x7  }
0x1fb: {  	(v2sf) =	vpush v1, $0xF;
	s21 =	sand.u32 $0xF800, s24;
	s19 =	sand.u32 $0x380, s19  }
0x1fc: {  	s26 =	sld [smem:$0x7B1];
	s20 =	sadd.s32 s17, s23;
	s19 =	sor.u32 s19, s21  }
0x1fd: {  	[hbm4b:s20+s3] =	stream.linear.scatter [tilespmem:s19], [sflag:$0x1], $0x80, $0x38;
	[tilespmem:$0x11000] =	vst v63  }
0x1fe: {  	s25 =	spop (v2sf);
	s19 =	sor.u32 $0x400, s19;
	s20 =	sadd.s32 $0x80, s20  }
0x1ff: {  	[hbm4b:s20+s3] =	stream.linear.scatter [tilespmem:s19], [sflag:$0x1], $0x80, $0x38;
	[tilespmem:$0x11000] =	vst v63  }
0x200: {  	s28 =	sshll.u32 s25, $0x8;
	s19 =	sshll.u32 s25, $0x7  }
0x201: {  	s21 =	sand.u32 $0xF800, s28;
	s19 =	sand.u32 $0x380, s19  }
0x202: {  	s30 =	sld [smem:$0x7B2];
	s20 =	sadd.s32 s17, s26;
	s19 =	sor.u32 s19, s21  }
0x203: {  	[hbm4b:s20+s3] =	stream.linear.scatter [tilespmem:s19], [sflag:$0x1], $0x80, $0x38;
	[tilespmem:$0x11000] =	vst v63  }
0x204: {  	s29 =	spop (v2sf);
	s19 =	sor.u32 $0x400, s19;
	s20 =	sadd.s32 $0x80, s20  }
0x205: {  	[hbm4b:s20+s3] =	stream.linear.scatter [tilespmem:s19], [sflag:$0x1], $0x80, $0x38;
	[tilespmem:$0x11000] =	vst v63  }
0x206: {  	s31 =	sshll.u32 s29, $0x8;
	s19 =	sshll.u32 s29, $0x7  }
0x207: {  	s21 =	sand.u32 $0xF800, s31;
	s19 =	sand.u32 $0x380, s19  }
0x208: {  	s23 =	sld [smem:$0x7B3];
	s20 =	sadd.s32 s17, s30;
	s19 =	sor.u32 s19, s21  }
0x209: {  	[hbm4b:s20+s3] =	stream.linear.scatter [tilespmem:s19], [sflag:$0x1], $0x80, $0x38;
	[tilespmem:$0x11000] =	vst v63  }
0x20a: {  	s19 =	sor.u32 $0x400, s19;
	s20 =	sadd.s32 $0x80, s20;
	s22 =	spop (v2sf)  }
0x20b: {  	[hbm4b:s20+s3] =	stream.linear.scatter [tilespmem:s19], [sflag:$0x1], $0x80, $0x38;
	[tilespmem:$0x11000] =	vst v63  }
0x20c: {  	s24 =	sshll.u32 s22, $0x8;
	s19 =	sshll.u32 s22, $0x7  }
0x20d: {  	s21 =	sand.u32 $0xF800, s24;
	s19 =	sand.u32 $0x380, s19  }
0x20e: {  	s20 =	sadd.s32 s17, s23;
	s19 =	sor.u32 s19, s21  }
0x20f: {  	[hbm4b:s20+s3] =	stream.linear.scatter [tilespmem:s19], [sflag:$0x1], $0x80, $0x38;
	[tilespmem:$0x11000] =	vst v63  }
0x210: {  	s19 =	sor.u32 $0x400, s19;
	s20 =	sadd.s32 $0x80, s20  }
0x211: {  	[hbm4b:s20+s3] =	stream.linear.scatter [tilespmem:s19], [sflag:$0x1], $0x80, $0x38;
	[tilespmem:$0x11000] =	vst v63  }
0x212: {  	v1 =	vld [tilespmem:s18+$0xFFFFFFF0];
	_ =	sdelay $0x4  }
0x213: {  	v1 =	vshrl.u32 v1, v0  }
0x214: {  	v1 =	vand.u32 $0xFF, v1  }
0x215: {  	(v2sf) =	vpush v1, $0x0;
	_ =	sdelay $0x4  }
0x216: {  	(v2sf) =	vpush v1, $0x1;
	_ =	sdelay $0x5  }
0x217: {  	(v2sf) =	vpush v1, $0x2;
	_ =	sdelay $0x3  }
0x218: {  	s26 =	sld [smem:$0x7B4];
	s25 =	spop (v2sf)  }
0x219: {  	s28 =	sshll.u32 s25, $0x8;
	s19 =	sshll.u32 s25, $0x7  }
0x21a: {  	(v2sf) =	vpush v1, $0x3;
	s21 =	sand.u32 $0xF800, s28;
	s19 =	sand.u32 $0x380, s19  }
0x21b: {  	s30 =	sld [smem:$0x7B5];
	s20 =	sadd.s32 s17, s26;
	s19 =	sor.u32 s19, s21  }
0x21c: {  	[hbm4b:s20+s3] =	stream.linear.scatter [tilespmem:s19], [sflag:$0x1], $0x80, $0x38;
	[tilespmem:$0x11000] =	vst v63  }
0x21d: {  	s29 =	spop (v2sf);
	s19 =	sor.u32 $0x400, s19;
	s20 =	sadd.s32 $0x80, s20  }
0x21e: {  	[hbm4b:s20+s3] =	stream.linear.scatter [tilespmem:s19], [sflag:$0x1], $0x80, $0x38;
	[tilespmem:$0x11000] =	vst v63  }
0x21f: {  	s31 =	sshll.u32 s29, $0x8;
	s19 =	sshll.u32 s29, $0x7  }
0x220: {  	(v2sf) =	vpush v1, $0x4;
	s21 =	sand.u32 $0xF800, s31;
	s19 =	sand.u32 $0x380, s19  }
0x221: {  	s23 =	sld [smem:$0x7B6];
	s20 =	sadd.s32 s17, s30;
	s19 =	sor.u32 s19, s21  }
0x222: {  	[hbm4b:s20+s3] =	stream.linear.scatter [tilespmem:s19], [sflag:$0x1], $0x80, $0x38;
	[tilespmem:$0x11000] =	vst v63  }
0x223: {  	s22 =	spop (v2sf);
	s19 =	sor.u32 $0x400, s19;
	s20 =	sadd.s32 $0x80, s20  }
0x224: {  	[hbm4b:s20+s3] =	stream.linear.scatter [tilespmem:s19], [sflag:$0x1], $0x80, $0x38;
	[tilespmem:$0x11000] =	vst v63  }
0x225: {  	s24 =	sshll.u32 s22, $0x8;
	s19 =	sshll.u32 s22, $0x7  }
0x226: {  	(v2sf) =	vpush v1, $0x5;
	s21 =	sand.u32 $0xF800, s24;
	s19 =	sand.u32 $0x380, s19  }
0x227: {  	s26 =	sld [smem:$0x7B7];
	s20 =	sadd.s32 s17, s23;
	s19 =	sor.u32 s19, s21  }
0x228: {  	[hbm4b:s20+s3] =	stream.linear.scatter [tilespmem:s19], [sflag:$0x1], $0x80, $0x38;
	[tilespmem:$0x11000] =	vst v63  }
0x229: {  	s19 =	sor.u32 $0x400, s19;
	s20 =	sadd.s32 $0x80, s20;
	s25 =	spop (v2sf)  }
0x22a: {  	[hbm4b:s20+s3] =	stream.linear.scatter [tilespmem:s19], [sflag:$0x1], $0x80, $0x38;
	[tilespmem:$0x11000] =	vst v63  }
0x22b: {  	s28 =	sshll.u32 s25, $0x8;
	s19 =	sshll.u32 s25, $0x7  }
0x22c: {  	(v2sf) =	vpush v1, $0x6;
	s21 =	sand.u32 $0xF800, s28;
	s19 =	sand.u32 $0x380, s19  }
0x22d: {  	s30 =	sld [smem:$0x7B8];
	s20 =	sadd.s32 s17, s26;
	s19 =	sor.u32 s19, s21  }
0x22e: {  	[hbm4b:s20+s3] =	stream.linear.scatter [tilespmem:s19], [sflag:$0x1], $0x80, $0x38;
	[tilespmem:$0x11000] =	vst v63  }
0x22f: {  	s29 =	spop (v2sf);
	s19 =	sor.u32 $0x400, s19;
	s20 =	sadd.s32 $0x80, s20  }
0x230: {  	[hbm4b:s20+s3] =	stream.linear.scatter [tilespmem:s19], [sflag:$0x1], $0x80, $0x38;
	[tilespmem:$0x11000] =	vst v63  }
0x231: {  	s31 =	sshll.u32 s29, $0x8;
	s19 =	sshll.u32 s29, $0x7  }
0x232: {  	(v2sf) =	vpush v1, $0x7;
	s21 =	sand.u32 $0xF800, s31;
	s19 =	sand.u32 $0x380, s19  }
0x233: {  	s23 =	sld [smem:$0x7B9];
	s20 =	sadd.s32 s17, s30;
	s19 =	sor.u32 s19, s21  }
0x234: {  	[hbm4b:s20+s3] =	stream.linear.scatter [tilespmem:s19], [sflag:$0x1], $0x80, $0x38;
	[tilespmem:$0x11000] =	vst v63  }
0x235: {  	s22 =	spop (v2sf);
	s19 =	sor.u32 $0x400, s19;
	s20 =	sadd.s32 $0x80, s20  }
0x236: {  	[hbm4b:s20+s3] =	stream.linear.scatter [tilespmem:s19], [sflag:$0x1], $0x80, $0x38;
	[tilespmem:$0x11000] =	vst v63  }
0x237: {  	s24 =	sshll.u32 s22, $0x8;
	s19 =	sshll.u32 s22, $0x7  }
0x238: {  	(v2sf) =	vpush v1, $0x8;
	s21 =	sand.u32 $0xF800, s24;
	s19 =	sand.u32 $0x380, s19  }
0x239: {  	s26 =	sld [smem:$0x7BA];
	s20 =	sadd.s32 s17, s23;
	s19 =	sor.u32 s19, s21  }
0x23a: {  	[hbm4b:s20+s3] =	stream.linear.scatter [tilespmem:s19], [sflag:$0x1], $0x80, $0x38;
	[tilespmem:$0x11000] =	vst v63  }
0x23b: {  	s19 =	sor.u32 $0x400, s19;
	s20 =	sadd.s32 $0x80, s20;
	s25 =	spop (v2sf)  }
0x23c: {  	[hbm4b:s20+s3] =	stream.linear.scatter [tilespmem:s19], [sflag:$0x1], $0x80, $0x38;
	[tilespmem:$0x11000] =	vst v63  }
0x23d: {  	s28 =	sshll.u32 s25, $0x8;
	s19 =	sshll.u32 s25, $0x7  }
0x23e: {  	(v2sf) =	vpush v1, $0x9;
	s21 =	sand.u32 $0xF800, s28;
	s19 =	sand.u32 $0x380, s19  }
0x23f: {  	s30 =	sld [smem:$0x7BB];
	s20 =	sadd.s32 s17, s26;
	s19 =	sor.u32 s19, s21  }
0x240: {  	[hbm4b:s20+s3] =	stream.linear.scatter [tilespmem:s19], [sflag:$0x1], $0x80, $0x38;
	[tilespmem:$0x11000] =	vst v63  }
0x241: {  	s29 =	spop (v2sf);
	s19 =	sor.u32 $0x400, s19;
	s20 =	sadd.s32 $0x80, s20  }
0x242: {  	[hbm4b:s20+s3] =	stream.linear.scatter [tilespmem:s19], [sflag:$0x1], $0x80, $0x38;
	[tilespmem:$0x11000] =	vst v63  }
0x243: {  	s31 =	sshll.u32 s29, $0x8;
	s19 =	sshll.u32 s29, $0x7  }
0x244: {  	(v2sf) =	vpush v1, $0xA;
	s21 =	sand.u32 $0xF800, s31;
	s19 =	sand.u32 $0x380, s19  }
0x245: {  	s23 =	sld [smem:$0x7BC];
	s20 =	sadd.s32 s17, s30;
	s19 =	sor.u32 s19, s21  }
0x246: {  	[hbm4b:s20+s3] =	stream.linear.scatter [tilespmem:s19], [sflag:$0x1], $0x80, $0x38;
	[tilespmem:$0x11000] =	vst v63  }
0x247: {  	s22 =	spop (v2sf);
	s19 =	sor.u32 $0x400, s19;
	s20 =	sadd.s32 $0x80, s20  }
0x248: {  	[hbm4b:s20+s3] =	stream.linear.scatter [tilespmem:s19], [sflag:$0x1], $0x80, $0x38;
	[tilespmem:$0x11000] =	vst v63  }
0x249: {  	s24 =	sshll.u32 s22, $0x8;
	s19 =	sshll.u32 s22, $0x7  }
0x24a: {  	(v2sf) =	vpush v1, $0xB;
	s21 =	sand.u32 $0xF800, s24;
	s19 =	sand.u32 $0x380, s19  }
0x24b: {  	s26 =	sld [smem:$0x7BD];
	s20 =	sadd.s32 s17, s23;
	s19 =	sor.u32 s19, s21  }
0x24c: {  	[hbm4b:s20+s3] =	stream.linear.scatter [tilespmem:s19], [sflag:$0x1], $0x80, $0x38;
	[tilespmem:$0x11000] =	vst v63  }
0x24d: {  	s19 =	sor.u32 $0x400, s19;
	s20 =	sadd.s32 $0x80, s20;
	s25 =	spop (v2sf)  }
0x24e: {  	[hbm4b:s20+s3] =	stream.linear.scatter [tilespmem:s19], [sflag:$0x1], $0x80, $0x38;
	[tilespmem:$0x11000] =	vst v63  }
0x24f: {  	s28 =	sshll.u32 s25, $0x8;
	s19 =	sshll.u32 s25, $0x7  }
0x250: {  	(v2sf) =	vpush v1, $0xC;
	s21 =	sand.u32 $0xF800, s28;
	s19 =	sand.u32 $0x380, s19  }
0x251: {  	s30 =	sld [smem:$0x7BE];
	s20 =	sadd.s32 s17, s26;
	s19 =	sor.u32 s19, s21  }
0x252: {  	[hbm4b:s20+s3] =	stream.linear.scatter [tilespmem:s19], [sflag:$0x1], $0x80, $0x38;
	[tilespmem:$0x11000] =	vst v63  }
0x253: {  	s29 =	spop (v2sf);
	s19 =	sor.u32 $0x400, s19;
	s20 =	sadd.s32 $0x80, s20  }
0x254: {  	[hbm4b:s20+s3] =	stream.linear.scatter [tilespmem:s19], [sflag:$0x1], $0x80, $0x38;
	[tilespmem:$0x11000] =	vst v63  }
0x255: {  	s31 =	sshll.u32 s29, $0x8;
	s19 =	sshll.u32 s29, $0x7  }
0x256: {  	(v2sf) =	vpush v1, $0xD;
	s21 =	sand.u32 $0xF800, s31;
	s19 =	sand.u32 $0x380, s19  }
0x257: {  	s23 =	sld [smem:$0x7BF];
	s20 =	sadd.s32 s17, s30;
	s19 =	sor.u32 s19, s21  }
0x258: {  	[hbm4b:s20+s3] =	stream.linear.scatter [tilespmem:s19], [sflag:$0x1], $0x80, $0x38;
	[tilespmem:$0x11000] =	vst v63  }
0x259: {  	s22 =	spop (v2sf);
	s19 =	sor.u32 $0x400, s19;
	s20 =	sadd.s32 $0x80, s20  }
0x25a: {  	[hbm4b:s20+s3] =	stream.linear.scatter [tilespmem:s19], [sflag:$0x1], $0x80, $0x38;
	[tilespmem:$0x11000] =	vst v63  }
0x25b: {  	s24 =	sshll.u32 s22, $0x8;
	s19 =	sshll.u32 s22, $0x7  }
0x25c: {  	(v2sf) =	vpush v1, $0xE;
	s21 =	sand.u32 $0xF800, s24;
	s19 =	sand.u32 $0x380, s19  }
0x25d: {  	s26 =	sld [smem:$0x7C0];
	s20 =	sadd.s32 s17, s23;
	s19 =	sor.u32 s19, s21  }
0x25e: {  	[hbm4b:s20+s3] =	stream.linear.scatter [tilespmem:s19], [sflag:$0x1], $0x80, $0x38;
	[tilespmem:$0x11000] =	vst v63  }
0x25f: {  	s19 =	sor.u32 $0x400, s19;
	s20 =	sadd.s32 $0x80, s20;
	s25 =	spop (v2sf)  }
0x260: {  	[hbm4b:s20+s3] =	stream.linear.scatter [tilespmem:s19], [sflag:$0x1], $0x80, $0x38;
	[tilespmem:$0x11000] =	vst v63  }
0x261: {  	s28 =	sshll.u32 s25, $0x8;
	s19 =	sshll.u32 s25, $0x7  }
0x262: {  	(v2sf) =	vpush v1, $0xF;
	s21 =	sand.u32 $0xF800, s28;
	s19 =	sand.u32 $0x380, s19  }
0x263: {  	s30 =	sld [smem:$0x7C1];
	s20 =	sadd.s32 s17, s26;
	s19 =	sor.u32 s19, s21  }
0x264: {  	[hbm4b:s20+s3] =	stream.linear.scatter [tilespmem:s19], [sflag:$0x1], $0x80, $0x38;
	[tilespmem:$0x11000] =	vst v63  }
0x265: {  	s29 =	spop (v2sf);
	s19 =	sor.u32 $0x400, s19;
	s20 =	sadd.s32 $0x80, s20  }
0x266: {  	[hbm4b:s20+s3] =	stream.linear.scatter [tilespmem:s19], [sflag:$0x1], $0x80, $0x38;
	[tilespmem:$0x11000] =	vst v63  }
0x267: {  	s31 =	sshll.u32 s29, $0x8;
	s19 =	sshll.u32 s29, $0x7  }
0x268: {  	s21 =	sand.u32 $0xF800, s31;
	s19 =	sand.u32 $0x380, s19  }
0x269: {  	s23 =	sld [smem:$0x7C2];
	s20 =	sadd.s32 s17, s30;
	s19 =	sor.u32 s19, s21  }
0x26a: {  	[hbm4b:s20+s3] =	stream.linear.scatter [tilespmem:s19], [sflag:$0x1], $0x80, $0x38;
	[tilespmem:$0x11000] =	vst v63  }
0x26b: {  	s22 =	spop (v2sf);
	s19 =	sor.u32 $0x400, s19;
	s20 =	sadd.s32 $0x80, s20  }
0x26c: {  	[hbm4b:s20+s3] =	stream.linear.scatter [tilespmem:s19], [sflag:$0x1], $0x80, $0x38;
	[tilespmem:$0x11000] =	vst v63  }
0x26d: {  	s24 =	sshll.u32 s22, $0x8;
	s19 =	sshll.u32 s22, $0x7  }
0x26e: {  	s21 =	sand.u32 $0xF800, s24;
	s19 =	sand.u32 $0x380, s19  }
0x26f: {  	s26 =	sld [smem:$0x7C3];
	s20 =	sadd.s32 s17, s23;
	s19 =	sor.u32 s19, s21  }
0x270: {  	[hbm4b:s20+s3] =	stream.linear.scatter [tilespmem:s19], [sflag:$0x1], $0x80, $0x38;
	[tilespmem:$0x11000] =	vst v63  }
0x271: {  	s19 =	sor.u32 $0x400, s19;
	s20 =	sadd.s32 $0x80, s20;
	s25 =	spop (v2sf)  }
0x272: {  	[hbm4b:s20+s3] =	stream.linear.scatter [tilespmem:s19], [sflag:$0x1], $0x80, $0x38;
	[tilespmem:$0x11000] =	vst v63  }
0x273: {  	s28 =	sshll.u32 s25, $0x8;
	s19 =	sshll.u32 s25, $0x7  }
0x274: {  	s21 =	sand.u32 $0xF800, s28;
	s19 =	sand.u32 $0x380, s19  }
0x275: {  	s20 =	sadd.s32 s17, s26;
	s19 =	sor.u32 s19, s21  }
0x276: {  	[hbm4b:s20+s3] =	stream.linear.scatter [tilespmem:s19], [sflag:$0x1], $0x80, $0x38;
	[tilespmem:$0x11000] =	vst v63  }
0x277: {  	s19 =	sor.u32 $0x400, s19;
	s20 =	sadd.s32 $0x80, s20  }
0x278: {  	[hbm4b:s20+s3] =	stream.linear.scatter [tilespmem:s19], [sflag:$0x1], $0x80, $0x38;
	[tilespmem:$0x11000] =	vst v63  }
0x279: {  	s19 =	simm.s32 @!p3 $0x2  }
0x27a: {  	_ =	swait.ge @!p3 [sflag:s19], $0x800  }
0x27b: {  	[sflag:s19] =	ssyncset.done @!p3 $0x0  }
0x27c: {  	[sflag:s19] =	ssyncadd.s32 @!p3 $0xFFFFF800  }
0x27d: {  	v1 =	vld [tilespmem:s18+$0x0];
	_ =	sdelay $0x4  }
0x27e: {  	v1 =	vshrl.u32 v1, v0  }
0x27f: {  	v1 =	vand.u32 $0xFF, v1  }
0x280: {  	(v2sf) =	vpush v1, $0x0;
	_ =	sdelay $0x4  }
0x281: {  	(v2sf) =	vpush v1, $0x1;
	_ =	sdelay $0x5  }
0x282: {  	(v2sf) =	vpush v1, $0x2;
	_ =	sdelay $0x3  }
0x283: {  	s29 =	spop (v2sf)  }
0x284: {  	s31 =	sshll.u32 s29, $0x8;
	s19 =	sshll.u32 s29, $0x7  }
0x285: {  	s30 =	rddreg [dreg:$0x7];
	(v2sf) =	vpush v1, $0x3;
	s21 =	sand.u32 $0xF800, s31;
	s19 =	sand.u32 $0x380, s19  }
0x286: {  	s20 =	sadd.s32 s17, s30;
	s19 =	sor.u32 s19, s21  }
0x287: {  	[hbm4b:s20+s3] =	stream.linear.scatter [tilespmem:s19], [sflag:$0x2], $0x80, $0x38;
	[tilespmem:$0x11000] =	vst v63  }
0x288: {  	s22 =	spop (v2sf);
	s19 =	sor.u32 $0x400, s19;
	s20 =	sadd.s32 $0x80, s20  }
0x289: {  	[hbm4b:s20+s3] =	stream.linear.scatter [tilespmem:s19], [sflag:$0x2], $0x80, $0x38;
	[tilespmem:$0x11000] =	vst v63  }
0x28a: {  	s24 =	sshll.u32 s22, $0x8;
	s19 =	sshll.u32 s22, $0x7  }
0x28b: {  	s23 =	rddreg [dreg:$0x8];
	(v2sf) =	vpush v1, $0x4;
	s21 =	sand.u32 $0xF800, s24;
	s19 =	sand.u32 $0x380, s19  }
0x28c: {  	s20 =	sadd.s32 s17, s23;
	s19 =	sor.u32 s19, s21  }
0x28d: {  	[hbm4b:s20+s3] =	stream.linear.scatter [tilespmem:s19], [sflag:$0x2], $0x80, $0x38;
	[tilespmem:$0x11000] =	vst v63  }
0x28e: {  	s25 =	spop (v2sf);
	s19 =	sor.u32 $0x400, s19;
	s20 =	sadd.s32 $0x80, s20  }
0x28f: {  	[hbm4b:s20+s3] =	stream.linear.scatter [tilespmem:s19], [sflag:$0x2], $0x80, $0x38;
	[tilespmem:$0x11000] =	vst v63  }
0x290: {  	s28 =	sshll.u32 s25, $0x8;
	s19 =	sshll.u32 s25, $0x7  }
0x291: {  	s26 =	rddreg [dreg:$0x9];
	(v2sf) =	vpush v1, $0x5;
	s21 =	sand.u32 $0xF800, s28;
	s19 =	sand.u32 $0x380, s19  }
0x292: {  	s20 =	sadd.s32 s17, s26;
	s19 =	sor.u32 s19, s21  }
0x293: {  	[hbm4b:s20+s3] =	stream.linear.scatter [tilespmem:s19], [sflag:$0x2], $0x80, $0x38;
	[tilespmem:$0x11000] =	vst v63  }
0x294: {  	s19 =	sor.u32 $0x400, s19;
	s20 =	sadd.s32 $0x80, s20;
	s29 =	spop (v2sf)  }
0x295: {  	[hbm4b:s20+s3] =	stream.linear.scatter [tilespmem:s19], [sflag:$0x2], $0x80, $0x38;
	[tilespmem:$0x11000] =	vst v63  }
0x296: {  	s31 =	sshll.u32 s29, $0x8;
	s19 =	sshll.u32 s29, $0x7  }
0x297: {  	s30 =	rddreg [dreg:$0xa];
	(v2sf) =	vpush v1, $0x6;
	s21 =	sand.u32 $0xF800, s31;
	s19 =	sand.u32 $0x380, s19  }
0x298: {  	s20 =	sadd.s32 s17, s30;
	s19 =	sor.u32 s19, s21  }
0x299: {  	[hbm4b:s20+s3] =	stream.linear.scatter [tilespmem:s19], [sflag:$0x2], $0x80, $0x38;
	[tilespmem:$0x11000] =	vst v63  }
0x29a: {  	s22 =	spop (v2sf);
	s19 =	sor.u32 $0x400, s19;
	s20 =	sadd.s32 $0x80, s20  }
0x29b: {  	[hbm4b:s20+s3] =	stream.linear.scatter [tilespmem:s19], [sflag:$0x2], $0x80, $0x38;
	[tilespmem:$0x11000] =	vst v63  }
0x29c: {  	s24 =	sshll.u32 s22, $0x8;
	s19 =	sshll.u32 s22, $0x7  }
0x29d: {  	s23 =	rddreg [dreg:$0xb];
	(v2sf) =	vpush v1, $0x7;
	s21 =	sand.u32 $0xF800, s24;
	s19 =	sand.u32 $0x380, s19  }
0x29e: {  	s20 =	sadd.s32 s17, s23;
	s19 =	sor.u32 s19, s21  }
0x29f: {  	[hbm4b:s20+s3] =	stream.linear.scatter [tilespmem:s19], [sflag:$0x2], $0x80, $0x38;
	[tilespmem:$0x11000] =	vst v63  }
0x2a0: {  	s25 =	spop (v2sf);
	s19 =	sor.u32 $0x400, s19;
	s20 =	sadd.s32 $0x80, s20  }
0x2a1: {  	[hbm4b:s20+s3] =	stream.linear.scatter [tilespmem:s19], [sflag:$0x2], $0x80, $0x38;
	[tilespmem:$0x11000] =	vst v63  }
0x2a2: {  	s28 =	sshll.u32 s25, $0x8;
	s19 =	sshll.u32 s25, $0x7  }
0x2a3: {  	s26 =	rddreg [dreg:$0xc];
	(v2sf) =	vpush v1, $0x8;
	s21 =	sand.u32 $0xF800, s28;
	s19 =	sand.u32 $0x380, s19  }
0x2a4: {  	s30 =	sld [smem:$0x7FD];
	s20 =	sadd.s32 s17, s26;
	s19 =	sor.u32 s19, s21  }
0x2a5: {  	[hbm4b:s20+s3] =	stream.linear.scatter [tilespmem:s19], [sflag:$0x2], $0x80, $0x38;
	[tilespmem:$0x11000] =	vst v63  }
0x2a6: {  	s19 =	sor.u32 $0x400, s19;
	s20 =	sadd.s32 $0x80, s20;
	s29 =	spop (v2sf)  }
0x2a7: {  	[hbm4b:s20+s3] =	stream.linear.scatter [tilespmem:s19], [sflag:$0x2], $0x80, $0x38;
	[tilespmem:$0x11000] =	vst v63  }
0x2a8: {  	s31 =	sshll.u32 s29, $0x8;
	s19 =	sshll.u32 s29, $0x7  }
0x2a9: {  	(v2sf) =	vpush v1, $0x9;
	s21 =	sand.u32 $0xF800, s31;
	s19 =	sand.u32 $0x380, s19  }
0x2aa: {  	s23 =	sld [smem:$0x7FC];
	s20 =	sadd.s32 s17, s30;
	s19 =	sor.u32 s19, s21  }
0x2ab: {  	[hbm4b:s20+s3] =	stream.linear.scatter [tilespmem:s19], [sflag:$0x2], $0x80, $0x38;
	[tilespmem:$0x11000] =	vst v63  }
0x2ac: {  	s22 =	spop (v2sf);
	s19 =	sor.u32 $0x400, s19;
	s20 =	sadd.s32 $0x80, s20  }
0x2ad: {  	[hbm4b:s20+s3] =	stream.linear.scatter [tilespmem:s19], [sflag:$0x2], $0x80, $0x38;
	[tilespmem:$0x11000] =	vst v63  }
0x2ae: {  	s24 =	sshll.u32 s22, $0x8;
	s19 =	sshll.u32 s22, $0x7  }
0x2af: {  	(v2sf) =	vpush v1, $0xA;
	s21 =	sand.u32 $0xF800, s24;
	s19 =	sand.u32 $0x380, s19  }
0x2b0: {  	s26 =	sld [smem:$0x7FB];
	s20 =	sadd.s32 s17, s23;
	s19 =	sor.u32 s19, s21  }
0x2b1: {  	[hbm4b:s20+s3] =	stream.linear.scatter [tilespmem:s19], [sflag:$0x2], $0x80, $0x38;
	[tilespmem:$0x11000] =	vst v63  }
0x2b2: {  	s25 =	spop (v2sf);
	s19 =	sor.u32 $0x400, s19;
	s20 =	sadd.s32 $0x80, s20  }
0x2b3: {  	[hbm4b:s20+s3] =	stream.linear.scatter [tilespmem:s19], [sflag:$0x2], $0x80, $0x38;
	[tilespmem:$0x11000] =	vst v63  }
0x2b4: {  	s28 =	sshll.u32 s25, $0x8;
	s19 =	sshll.u32 s25, $0x7  }
0x2b5: {  	(v2sf) =	vpush v1, $0xB;
	s21 =	sand.u32 $0xF800, s28;
	s19 =	sand.u32 $0x380, s19  }
0x2b6: {  	s30 =	sld [smem:$0x7FA];
	s20 =	sadd.s32 s17, s26;
	s19 =	sor.u32 s19, s21  }
0x2b7: {  	[hbm4b:s20+s3] =	stream.linear.scatter [tilespmem:s19], [sflag:$0x2], $0x80, $0x38;
	[tilespmem:$0x11000] =	vst v63  }
0x2b8: {  	s19 =	sor.u32 $0x400, s19;
	s20 =	sadd.s32 $0x80, s20;
	s29 =	spop (v2sf)  }
0x2b9: {  	[hbm4b:s20+s3] =	stream.linear.scatter [tilespmem:s19], [sflag:$0x2], $0x80, $0x38;
	[tilespmem:$0x11000] =	vst v63  }
0x2ba: {  	s31 =	sshll.u32 s29, $0x8;
	s19 =	sshll.u32 s29, $0x7  }
0x2bb: {  	(v2sf) =	vpush v1, $0xC;
	s21 =	sand.u32 $0xF800, s31;
	s19 =	sand.u32 $0x380, s19  }
0x2bc: {  	s23 =	sld [smem:$0x7F9];
	s20 =	sadd.s32 s17, s30;
	s19 =	sor.u32 s19, s21  }
0x2bd: {  	[hbm4b:s20+s3] =	stream.linear.scatter [tilespmem:s19], [sflag:$0x2], $0x80, $0x38;
	[tilespmem:$0x11000] =	vst v63  }
0x2be: {  	s22 =	spop (v2sf);
	s19 =	sor.u32 $0x400, s19;
	s20 =	sadd.s32 $0x80, s20  }
0x2bf: {  	[hbm4b:s20+s3] =	stream.linear.scatter [tilespmem:s19], [sflag:$0x2], $0x80, $0x38;
	[tilespmem:$0x11000] =	vst v63  }
0x2c0: {  	s24 =	sshll.u32 s22, $0x8;
	s19 =	sshll.u32 s22, $0x7  }
0x2c1: {  	(v2sf) =	vpush v1, $0xD;
	s21 =	sand.u32 $0xF800, s24;
	s19 =	sand.u32 $0x380, s19  }
0x2c2: {  	s26 =	sld [smem:$0x7F8];
	s20 =	sadd.s32 s17, s23;
	s19 =	sor.u32 s19, s21  }
0x2c3: {  	[hbm4b:s20+s3] =	stream.linear.scatter [tilespmem:s19], [sflag:$0x2], $0x80, $0x38;
	[tilespmem:$0x11000] =	vst v63  }
0x2c4: {  	s25 =	spop (v2sf);
	s19 =	sor.u32 $0x400, s19;
	s20 =	sadd.s32 $0x80, s20  }
0x2c5: {  	[hbm4b:s20+s3] =	stream.linear.scatter [tilespmem:s19], [sflag:$0x2], $0x80, $0x38;
	[tilespmem:$0x11000] =	vst v63  }
0x2c6: {  	s28 =	sshll.u32 s25, $0x8;
	s19 =	sshll.u32 s25, $0x7  }
0x2c7: {  	(v2sf) =	vpush v1, $0xE;
	s21 =	sand.u32 $0xF800, s28;
	s19 =	sand.u32 $0x380, s19  }
0x2c8: {  	s30 =	sld [smem:$0x7F7];
	s20 =	sadd.s32 s17, s26;
	s19 =	sor.u32 s19, s21  }
0x2c9: {  	[hbm4b:s20+s3] =	stream.linear.scatter [tilespmem:s19], [sflag:$0x2], $0x80, $0x38;
	[tilespmem:$0x11000] =	vst v63  }
0x2ca: {  	s19 =	sor.u32 $0x400, s19;
	s20 =	sadd.s32 $0x80, s20;
	s29 =	spop (v2sf)  }
0x2cb: {  	[hbm4b:s20+s3] =	stream.linear.scatter [tilespmem:s19], [sflag:$0x2], $0x80, $0x38;
	[tilespmem:$0x11000] =	vst v63  }
0x2cc: {  	s31 =	sshll.u32 s29, $0x8;
	s19 =	sshll.u32 s29, $0x7  }
0x2cd: {  	(v2sf) =	vpush v1, $0xF;
	s21 =	sand.u32 $0xF800, s31;
	s19 =	sand.u32 $0x380, s19  }
0x2ce: {  	s23 =	sld [smem:$0x7F6];
	s20 =	sadd.s32 s17, s30;
	s19 =	sor.u32 s19, s21  }
0x2cf: {  	[hbm4b:s20+s3] =	stream.linear.scatter [tilespmem:s19], [sflag:$0x2], $0x80, $0x38;
	[tilespmem:$0x11000] =	vst v63  }
0x2d0: {  	s22 =	spop (v2sf);
	s19 =	sor.u32 $0x400, s19;
	s20 =	sadd.s32 $0x80, s20  }
0x2d1: {  	[hbm4b:s20+s3] =	stream.linear.scatter [tilespmem:s19], [sflag:$0x2], $0x80, $0x38;
	[tilespmem:$0x11000] =	vst v63  }
0x2d2: {  	s24 =	sshll.u32 s22, $0x8;
	s19 =	sshll.u32 s22, $0x7  }
0x2d3: {  	s21 =	sand.u32 $0xF800, s24;
	s19 =	sand.u32 $0x380, s19  }
0x2d4: {  	s26 =	sld [smem:$0x7F5];
	s20 =	sadd.s32 s17, s23;
	s19 =	sor.u32 s19, s21  }
0x2d5: {  	[hbm4b:s20+s3] =	stream.linear.scatter [tilespmem:s19], [sflag:$0x2], $0x80, $0x38;
	[tilespmem:$0x11000] =	vst v63  }
0x2d6: {  	s25 =	spop (v2sf);
	s19 =	sor.u32 $0x400, s19;
	s20 =	sadd.s32 $0x80, s20  }
0x2d7: {  	[hbm4b:s20+s3] =	stream.linear.scatter [tilespmem:s19], [sflag:$0x2], $0x80, $0x38;
	[tilespmem:$0x11000] =	vst v63  }
0x2d8: {  	s28 =	sshll.u32 s25, $0x8;
	s19 =	sshll.u32 s25, $0x7  }
0x2d9: {  	s21 =	sand.u32 $0xF800, s28;
	s19 =	sand.u32 $0x380, s19  }
0x2da: {  	s30 =	sld [smem:$0x7F4];
	s20 =	sadd.s32 s17, s26;
	s19 =	sor.u32 s19, s21  }
0x2db: {  	[hbm4b:s20+s3] =	stream.linear.scatter [tilespmem:s19], [sflag:$0x2], $0x80, $0x38;
	[tilespmem:$0x11000] =	vst v63  }
0x2dc: {  	s19 =	sor.u32 $0x400, s19;
	s20 =	sadd.s32 $0x80, s20;
	s29 =	spop (v2sf)  }
0x2dd: {  	[hbm4b:s20+s3] =	stream.linear.scatter [tilespmem:s19], [sflag:$0x2], $0x80, $0x38;
	[tilespmem:$0x11000] =	vst v63  }
0x2de: {  	s31 =	sshll.u32 s29, $0x8;
	s19 =	sshll.u32 s29, $0x7  }
0x2df: {  	s21 =	sand.u32 $0xF800, s31;
	s19 =	sand.u32 $0x380, s19  }
0x2e0: {  	s20 =	sadd.s32 s17, s30;
	s19 =	sor.u32 s19, s21  }
0x2e1: {  	[hbm4b:s20+s3] =	stream.linear.scatter [tilespmem:s19], [sflag:$0x2], $0x80, $0x38;
	[tilespmem:$0x11000] =	vst v63  }
0x2e2: {  	s19 =	sor.u32 $0x400, s19;
	s20 =	sadd.s32 $0x80, s20  }
0x2e3: {  	[hbm4b:s20+s3] =	stream.linear.scatter [tilespmem:s19], [sflag:$0x2], $0x80, $0x38;
	[tilespmem:$0x11000] =	vst v63  }
0x2e4: {  	v1 =	vld [tilespmem:s18+$0x10];
	_ =	sdelay $0x4  }
0x2e5: {  	v1 =	vshrl.u32 v1, v0  }
0x2e6: {  	v1 =	vand.u32 $0xFF, v1  }
0x2e7: {  	(v2sf) =	vpush v1, $0x0;
	_ =	sdelay $0x4  }
0x2e8: {  	(v2sf) =	vpush v1, $0x1;
	_ =	sdelay $0x5  }
0x2e9: {  	(v2sf) =	vpush v1, $0x2;
	_ =	sdelay $0x3  }
0x2ea: {  	s23 =	sld [smem:$0x7F3];
	s22 =	spop (v2sf)  }
0x2eb: {  	s24 =	sshll.u32 s22, $0x8;
	s19 =	sshll.u32 s22, $0x7  }
0x2ec: {  	(v2sf) =	vpush v1, $0x3;
	s21 =	sand.u32 $0xF800, s24;
	s19 =	sand.u32 $0x380, s19  }
0x2ed: {  	s26 =	sld [smem:$0x7F2];
	s20 =	sadd.s32 s17, s23;
	s19 =	sor.u32 s19, s21  }
0x2ee: {  	[hbm4b:s20+s3] =	stream.linear.scatter [tilespmem:s19], [sflag:$0x2], $0x80, $0x38;
	[tilespmem:$0x11000] =	vst v63  }
0x2ef: {  	s25 =	spop (v2sf);
	s19 =	sor.u32 $0x400, s19;
	s20 =	sadd.s32 $0x80, s20  }
0x2f0: {  	[hbm4b:s20+s3] =	stream.linear.scatter [tilespmem:s19], [sflag:$0x2], $0x80, $0x38;
	[tilespmem:$0x11000] =	vst v63  }
0x2f1: {  	s28 =	sshll.u32 s25, $0x8;
	s19 =	sshll.u32 s25, $0x7  }
0x2f2: {  	(v2sf) =	vpush v1, $0x4;
	s21 =	sand.u32 $0xF800, s28;
	s19 =	sand.u32 $0x380, s19  }
0x2f3: {  	s30 =	sld [smem:$0x7F1];
	s20 =	sadd.s32 s17, s26;
	s19 =	sor.u32 s19, s21  }
0x2f4: {  	[hbm4b:s20+s3] =	stream.linear.scatter [tilespmem:s19], [sflag:$0x2], $0x80, $0x38;
	[tilespmem:$0x11000] =	vst v63  }
0x2f5: {  	s29 =	spop (v2sf);
	s19 =	sor.u32 $0x400, s19;
	s20 =	sadd.s32 $0x80, s20  }
0x2f6: {  	[hbm4b:s20+s3] =	stream.linear.scatter [tilespmem:s19], [sflag:$0x2], $0x80, $0x38;
	[tilespmem:$0x11000] =	vst v63  }
0x2f7: {  	s31 =	sshll.u32 s29, $0x8;
	s19 =	sshll.u32 s29, $0x7  }
0x2f8: {  	(v2sf) =	vpush v1, $0x5;
	s21 =	sand.u32 $0xF800, s31;
	s19 =	sand.u32 $0x380, s19  }
0x2f9: {  	s23 =	sld [smem:$0x7F0];
	s20 =	sadd.s32 s17, s30;
	s19 =	sor.u32 s19, s21  }
0x2fa: {  	[hbm4b:s20+s3] =	stream.linear.scatter [tilespmem:s19], [sflag:$0x2], $0x80, $0x38;
	[tilespmem:$0x11000] =	vst v63  }
0x2fb: {  	s19 =	sor.u32 $0x400, s19;
	s20 =	sadd.s32 $0x80, s20;
	s22 =	spop (v2sf)  }
0x2fc: {  	[hbm4b:s20+s3] =	stream.linear.scatter [tilespmem:s19], [sflag:$0x2], $0x80, $0x38;
	[tilespmem:$0x11000] =	vst v63  }
0x2fd: {  	s24 =	sshll.u32 s22, $0x8;
	s19 =	sshll.u32 s22, $0x7  }
0x2fe: {  	(v2sf) =	vpush v1, $0x6;
	s21 =	sand.u32 $0xF800, s24;
	s19 =	sand.u32 $0x380, s19  }
0x2ff: {  	s26 =	sld [smem:$0x7EF];
	s20 =	sadd.s32 s17, s23;
	s19 =	sor.u32 s19, s21  }
0x300: {  	[hbm4b:s20+s3] =	stream.linear.scatter [tilespmem:s19], [sflag:$0x2], $0x80, $0x38;
	[tilespmem:$0x11000] =	vst v63  }
0x301: {  	s25 =	spop (v2sf);
	s19 =	sor.u32 $0x400, s19;
	s20 =	sadd.s32 $0x80, s20  }
0x302: {  	[hbm4b:s20+s3] =	stream.linear.scatter [tilespmem:s19], [sflag:$0x2], $0x80, $0x38;
	[tilespmem:$0x11000] =	vst v63  }
0x303: {  	s28 =	sshll.u32 s25, $0x8;
	s19 =	sshll.u32 s25, $0x7  }
0x304: {  	(v2sf) =	vpush v1, $0x7;
	s21 =	sand.u32 $0xF800, s28;
	s19 =	sand.u32 $0x380, s19  }
0x305: {  	s30 =	sld [smem:$0x7EE];
	s20 =	sadd.s32 s17, s26;
	s19 =	sor.u32 s19, s21  }
0x306: {  	[hbm4b:s20+s3] =	stream.linear.scatter [tilespmem:s19], [sflag:$0x2], $0x80, $0x38;
	[tilespmem:$0x11000] =	vst v63  }
0x307: {  	s29 =	spop (v2sf);
	s19 =	sor.u32 $0x400, s19;
	s20 =	sadd.s32 $0x80, s20  }
0x308: {  	[hbm4b:s20+s3] =	stream.linear.scatter [tilespmem:s19], [sflag:$0x2], $0x80, $0x38;
	[tilespmem:$0x11000] =	vst v63  }
0x309: {  	s31 =	sshll.u32 s29, $0x8;
	s19 =	sshll.u32 s29, $0x7  }
0x30a: {  	(v2sf) =	vpush v1, $0x8;
	s21 =	sand.u32 $0xF800, s31;
	s19 =	sand.u32 $0x380, s19  }
0x30b: {  	s23 =	sld [smem:$0x7ED];
	s20 =	sadd.s32 s17, s30;
	s19 =	sor.u32 s19, s21  }
0x30c: {  	[hbm4b:s20+s3] =	stream.linear.scatter [tilespmem:s19], [sflag:$0x2], $0x80, $0x38;
	[tilespmem:$0x11000] =	vst v63  }
0x30d: {  	s19 =	sor.u32 $0x400, s19;
	s20 =	sadd.s32 $0x80, s20;
	s22 =	spop (v2sf)  }
0x30e: {  	[hbm4b:s20+s3] =	stream.linear.scatter [tilespmem:s19], [sflag:$0x2], $0x80, $0x38;
	[tilespmem:$0x11000] =	vst v63  }
0x30f: {  	s24 =	sshll.u32 s22, $0x8;
	s19 =	sshll.u32 s22, $0x7  }
0x310: {  	(v2sf) =	vpush v1, $0x9;
	s21 =	sand.u32 $0xF800, s24;
	s19 =	sand.u32 $0x380, s19  }
0x311: {  	s26 =	sld [smem:$0x7EC];
	s20 =	sadd.s32 s17, s23;
	s19 =	sor.u32 s19, s21  }
0x312: {  	[hbm4b:s20+s3] =	stream.linear.scatter [tilespmem:s19], [sflag:$0x2], $0x80, $0x38;
	[tilespmem:$0x11000] =	vst v63  }
0x313: {  	s25 =	spop (v2sf);
	s19 =	sor.u32 $0x400, s19;
	s20 =	sadd.s32 $0x80, s20  }
0x314: {  	[hbm4b:s20+s3] =	stream.linear.scatter [tilespmem:s19], [sflag:$0x2], $0x80, $0x38;
	[tilespmem:$0x11000] =	vst v63  }
0x315: {  	s28 =	sshll.u32 s25, $0x8;
	s19 =	sshll.u32 s25, $0x7  }
0x316: {  	(v2sf) =	vpush v1, $0xA;
	s21 =	sand.u32 $0xF800, s28;
	s19 =	sand.u32 $0x380, s19  }
0x317: {  	s30 =	sld [smem:$0x7EB];
	s20 =	sadd.s32 s17, s26;
	s19 =	sor.u32 s19, s21  }
0x318: {  	[hbm4b:s20+s3] =	stream.linear.scatter [tilespmem:s19], [sflag:$0x2], $0x80, $0x38;
	[tilespmem:$0x11000] =	vst v63  }
0x319: {  	s29 =	spop (v2sf);
	s19 =	sor.u32 $0x400, s19;
	s20 =	sadd.s32 $0x80, s20  }
0x31a: {  	[hbm4b:s20+s3] =	stream.linear.scatter [tilespmem:s19], [sflag:$0x2], $0x80, $0x38;
	[tilespmem:$0x11000] =	vst v63  }
0x31b: {  	s31 =	sshll.u32 s29, $0x8;
	s19 =	sshll.u32 s29, $0x7  }
0x31c: {  	(v2sf) =	vpush v1, $0xB;
	s21 =	sand.u32 $0xF800, s31;
	s19 =	sand.u32 $0x380, s19  }
0x31d: {  	s23 =	sld [smem:$0x7EA];
	s20 =	sadd.s32 s17, s30;
	s19 =	sor.u32 s19, s21  }
0x31e: {  	[hbm4b:s20+s3] =	stream.linear.scatter [tilespmem:s19], [sflag:$0x2], $0x80, $0x38;
	[tilespmem:$0x11000] =	vst v63  }
0x31f: {  	s19 =	sor.u32 $0x400, s19;
	s20 =	sadd.s32 $0x80, s20;
	s22 =	spop (v2sf)  }
0x320: {  	[hbm4b:s20+s3] =	stream.linear.scatter [tilespmem:s19], [sflag:$0x2], $0x80, $0x38;
	[tilespmem:$0x11000] =	vst v63  }
0x321: {  	s24 =	sshll.u32 s22, $0x8;
	s19 =	sshll.u32 s22, $0x7  }
0x322: {  	(v2sf) =	vpush v1, $0xC;
	s21 =	sand.u32 $0xF800, s24;
	s19 =	sand.u32 $0x380, s19  }
0x323: {  	s26 =	sld [smem:$0x7E9];
	s20 =	sadd.s32 s17, s23;
	s19 =	sor.u32 s19, s21  }
0x324: {  	[hbm4b:s20+s3] =	stream.linear.scatter [tilespmem:s19], [sflag:$0x2], $0x80, $0x38;
	[tilespmem:$0x11000] =	vst v63  }
0x325: {  	s25 =	spop (v2sf);
	s19 =	sor.u32 $0x400, s19;
	s20 =	sadd.s32 $0x80, s20  }
0x326: {  	[hbm4b:s20+s3] =	stream.linear.scatter [tilespmem:s19], [sflag:$0x2], $0x80, $0x38;
	[tilespmem:$0x11000] =	vst v63  }
0x327: {  	s28 =	sshll.u32 s25, $0x8;
	s19 =	sshll.u32 s25, $0x7  }
0x328: {  	(v2sf) =	vpush v1, $0xD;
	s21 =	sand.u32 $0xF800, s28;
	s19 =	sand.u32 $0x380, s19  }
0x329: {  	s30 =	sld [smem:$0x7E8];
	s20 =	sadd.s32 s17, s26;
	s19 =	sor.u32 s19, s21  }
0x32a: {  	[hbm4b:s20+s3] =	stream.linear.scatter [tilespmem:s19], [sflag:$0x2], $0x80, $0x38;
	[tilespmem:$0x11000] =	vst v63  }
0x32b: {  	s29 =	spop (v2sf);
	s19 =	sor.u32 $0x400, s19;
	s20 =	sadd.s32 $0x80, s20  }
0x32c: {  	[hbm4b:s20+s3] =	stream.linear.scatter [tilespmem:s19], [sflag:$0x2], $0x80, $0x38;
	[tilespmem:$0x11000] =	vst v63  }
0x32d: {  	s31 =	sshll.u32 s29, $0x8;
	s19 =	sshll.u32 s29, $0x7  }
0x32e: {  	(v2sf) =	vpush v1, $0xE;
	s21 =	sand.u32 $0xF800, s31;
	s19 =	sand.u32 $0x380, s19  }
0x32f: {  	s23 =	sld [smem:$0x7E7];
	s20 =	sadd.s32 s17, s30;
	s19 =	sor.u32 s19, s21  }
0x330: {  	[hbm4b:s20+s3] =	stream.linear.scatter [tilespmem:s19], [sflag:$0x2], $0x80, $0x38;
	[tilespmem:$0x11000] =	vst v63  }
0x331: {  	s19 =	sor.u32 $0x400, s19;
	s20 =	sadd.s32 $0x80, s20;
	s22 =	spop (v2sf)  }
0x332: {  	[hbm4b:s20+s3] =	stream.linear.scatter [tilespmem:s19], [sflag:$0x2], $0x80, $0x38;
	[tilespmem:$0x11000] =	vst v63  }
0x333: {  	s24 =	sshll.u32 s22, $0x8;
	s19 =	sshll.u32 s22, $0x7  }
0x334: {  	(v2sf) =	vpush v1, $0xF;
	s21 =	sand.u32 $0xF800, s24;
	s19 =	sand.u32 $0x380, s19  }
0x335: {  	s26 =	sld [smem:$0x7E6];
	s20 =	sadd.s32 s17, s23;
	s19 =	sor.u32 s19, s21  }
0x336: {  	[hbm4b:s20+s3] =	stream.linear.scatter [tilespmem:s19], [sflag:$0x2], $0x80, $0x38;
	[tilespmem:$0x11000] =	vst v63  }
0x337: {  	s25 =	spop (v2sf);
	s19 =	sor.u32 $0x400, s19;
	s20 =	sadd.s32 $0x80, s20  }
0x338: {  	[hbm4b:s20+s3] =	stream.linear.scatter [tilespmem:s19], [sflag:$0x2], $0x80, $0x38;
	[tilespmem:$0x11000] =	vst v63  }
0x339: {  	s28 =	sshll.u32 s25, $0x8;
	s19 =	sshll.u32 s25, $0x7  }
0x33a: {  	s21 =	sand.u32 $0xF800, s28;
	s19 =	sand.u32 $0x380, s19  }
0x33b: {  	s30 =	sld [smem:$0x7E5];
	s20 =	sadd.s32 s17, s26;
	s19 =	sor.u32 s19, s21  }
0x33c: {  	[hbm4b:s20+s3] =	stream.linear.scatter [tilespmem:s19], [sflag:$0x2], $0x80, $0x38;
	[tilespmem:$0x11000] =	vst v63  }
0x33d: {  	s29 =	spop (v2sf);
	s19 =	sor.u32 $0x400, s19;
	s20 =	sadd.s32 $0x80, s20  }
0x33e: {  	[hbm4b:s20+s3] =	stream.linear.scatter [tilespmem:s19], [sflag:$0x2], $0x80, $0x38;
	[tilespmem:$0x11000] =	vst v63  }
0x33f: {  	s31 =	sshll.u32 s29, $0x8;
	s19 =	sshll.u32 s29, $0x7  }
0x340: {  	s21 =	sand.u32 $0xF800, s31;
	s19 =	sand.u32 $0x380, s19  }
0x341: {  	s23 =	sld [smem:$0x7E4];
	s20 =	sadd.s32 s17, s30;
	s19 =	sor.u32 s19, s21  }
0x342: {  	[hbm4b:s20+s3] =	stream.linear.scatter [tilespmem:s19], [sflag:$0x2], $0x80, $0x38;
	[tilespmem:$0x11000] =	vst v63  }
0x343: {  	s19 =	sor.u32 $0x400, s19;
	s20 =	sadd.s32 $0x80, s20;
	s22 =	spop (v2sf)  }
0x344: {  	[hbm4b:s20+s3] =	stream.linear.scatter [tilespmem:s19], [sflag:$0x2], $0x80, $0x38;
	[tilespmem:$0x11000] =	vst v63  }
0x345: {  	s24 =	sshll.u32 s22, $0x8;
	s19 =	sshll.u32 s22, $0x7  }
0x346: {  	s21 =	sand.u32 $0xF800, s24;
	s19 =	sand.u32 $0x380, s19  }
0x347: {  	s20 =	sadd.s32 s17, s23;
	s19 =	sor.u32 s19, s21  }
0x348: {  	[hbm4b:s20+s3] =	stream.linear.scatter [tilespmem:s19], [sflag:$0x2], $0x80, $0x38;
	[tilespmem:$0x11000] =	vst v63  }
0x349: {  	s19 =	sor.u32 $0x400, s19;
	s20 =	sadd.s32 $0x80, s20  }
0x34a: {  	[hbm4b:s20+s3] =	stream.linear.scatter [tilespmem:s19], [sflag:$0x2], $0x80, $0x38;
	[tilespmem:$0x11000] =	vst v63  }
0x34b: {  	v1 =	vld [tilespmem:s18+$0x20];
	_ =	sdelay $0x4  }
0x34c: {  	v1 =	vshrl.u32 v1, v0  }
0x34d: {  	v1 =	vand.u32 $0xFF, v1  }
0x34e: {  	(v2sf) =	vpush v1, $0x0;
	_ =	sdelay $0x4  }
0x34f: {  	(v2sf) =	vpush v1, $0x1;
	_ =	sdelay $0x5  }
0x350: {  	(v2sf) =	vpush v1, $0x2;
	_ =	sdelay $0x3  }
0x351: {  	s26 =	sld [smem:$0x7E3];
	s25 =	spop (v2sf)  }
0x352: {  	s28 =	sshll.u32 s25, $0x8;
	s19 =	sshll.u32 s25, $0x7  }
0x353: {  	(v2sf) =	vpush v1, $0x3;
	s21 =	sand.u32 $0xF800, s28;
	s19 =	sand.u32 $0x380, s19  }
0x354: {  	s30 =	sld [smem:$0x7E2];
	s20 =	sadd.s32 s17, s26;
	s19 =	sor.u32 s19, s21  }
0x355: {  	[hbm4b:s20+s3] =	stream.linear.scatter [tilespmem:s19], [sflag:$0x2], $0x80, $0x38;
	[tilespmem:$0x11000] =	vst v63  }
0x356: {  	s29 =	spop (v2sf);
	s19 =	sor.u32 $0x400, s19;
	s20 =	sadd.s32 $0x80, s20  }
0x357: {  	[hbm4b:s20+s3] =	stream.linear.scatter [tilespmem:s19], [sflag:$0x2], $0x80, $0x38;
	[tilespmem:$0x11000] =	vst v63  }
0x358: {  	s31 =	sshll.u32 s29, $0x8;
	s19 =	sshll.u32 s29, $0x7  }
0x359: {  	(v2sf) =	vpush v1, $0x4;
	s21 =	sand.u32 $0xF800, s31;
	s19 =	sand.u32 $0x380, s19  }
0x35a: {  	s23 =	sld [smem:$0x7E1];
	s20 =	sadd.s32 s17, s30;
	s19 =	sor.u32 s19, s21  }
0x35b: {  	[hbm4b:s20+s3] =	stream.linear.scatter [tilespmem:s19], [sflag:$0x2], $0x80, $0x38;
	[tilespmem:$0x11000] =	vst v63  }
0x35c: {  	s22 =	spop (v2sf);
	s19 =	sor.u32 $0x400, s19;
	s20 =	sadd.s32 $0x80, s20  }
0x35d: {  	[hbm4b:s20+s3] =	stream.linear.scatter [tilespmem:s19], [sflag:$0x2], $0x80, $0x38;
	[tilespmem:$0x11000] =	vst v63  }
0x35e: {  	s24 =	sshll.u32 s22, $0x8;
	s19 =	sshll.u32 s22, $0x7  }
0x35f: {  	(v2sf) =	vpush v1, $0x5;
	s21 =	sand.u32 $0xF800, s24;
	s19 =	sand.u32 $0x380, s19  }
0x360: {  	s26 =	sld [smem:$0x7E0];
	s20 =	sadd.s32 s17, s23;
	s19 =	sor.u32 s19, s21  }
0x361: {  	[hbm4b:s20+s3] =	stream.linear.scatter [tilespmem:s19], [sflag:$0x2], $0x80, $0x38;
	[tilespmem:$0x11000] =	vst v63  }
0x362: {  	s19 =	sor.u32 $0x400, s19;
	s20 =	sadd.s32 $0x80, s20;
	s25 =	spop (v2sf)  }
0x363: {  	[hbm4b:s20+s3] =	stream.linear.scatter [tilespmem:s19], [sflag:$0x2], $0x80, $0x38;
	[tilespmem:$0x11000] =	vst v63  }
0x364: {  	s28 =	sshll.u32 s25, $0x8;
	s19 =	sshll.u32 s25, $0x7  }
0x365: {  	(v2sf) =	vpush v1, $0x6;
	s21 =	sand.u32 $0xF800, s28;
	s19 =	sand.u32 $0x380, s19  }
0x366: {  	s30 =	sld [smem:$0x7DF];
	s20 =	sadd.s32 s17, s26;
	s19 =	sor.u32 s19, s21  }
0x367: {  	[hbm4b:s20+s3] =	stream.linear.scatter [tilespmem:s19], [sflag:$0x2], $0x80, $0x38;
	[tilespmem:$0x11000] =	vst v63  }
0x368: {  	s29 =	spop (v2sf);
	s19 =	sor.u32 $0x400, s19;
	s20 =	sadd.s32 $0x80, s20  }
0x369: {  	[hbm4b:s20+s3] =	stream.linear.scatter [tilespmem:s19], [sflag:$0x2], $0x80, $0x38;
	[tilespmem:$0x11000] =	vst v63  }
0x36a: {  	s31 =	sshll.u32 s29, $0x8;
	s19 =	sshll.u32 s29, $0x7  }
0x36b: {  	(v2sf) =	vpush v1, $0x7;
	s21 =	sand.u32 $0xF800, s31;
	s19 =	sand.u32 $0x380, s19  }
0x36c: {  	s23 =	sld [smem:$0x7DE];
	s20 =	sadd.s32 s17, s30;
	s19 =	sor.u32 s19, s21  }
0x36d: {  	[hbm4b:s20+s3] =	stream.linear.scatter [tilespmem:s19], [sflag:$0x2], $0x80, $0x38;
	[tilespmem:$0x11000] =	vst v63  }
0x36e: {  	s22 =	spop (v2sf);
	s19 =	sor.u32 $0x400, s19;
	s20 =	sadd.s32 $0x80, s20  }
0x36f: {  	[hbm4b:s20+s3] =	stream.linear.scatter [tilespmem:s19], [sflag:$0x2], $0x80, $0x38;
	[tilespmem:$0x11000] =	vst v63  }
0x370: {  	s24 =	sshll.u32 s22, $0x8;
	s19 =	sshll.u32 s22, $0x7  }
0x371: {  	(v2sf) =	vpush v1, $0x8;
	s21 =	sand.u32 $0xF800, s24;
	s19 =	sand.u32 $0x380, s19  }
0x372: {  	s26 =	sld [smem:$0x7DD];
	s20 =	sadd.s32 s17, s23;
	s19 =	sor.u32 s19, s21  }
0x373: {  	[hbm4b:s20+s3] =	stream.linear.scatter [tilespmem:s19], [sflag:$0x2], $0x80, $0x38;
	[tilespmem:$0x11000] =	vst v63  }
0x374: {  	s19 =	sor.u32 $0x400, s19;
	s20 =	sadd.s32 $0x80, s20;
	s25 =	spop (v2sf)  }
0x375: {  	[hbm4b:s20+s3] =	stream.linear.scatter [tilespmem:s19], [sflag:$0x2], $0x80, $0x38;
	[tilespmem:$0x11000] =	vst v63  }
0x376: {  	s28 =	sshll.u32 s25, $0x8;
	s19 =	sshll.u32 s25, $0x7  }
0x377: {  	(v2sf) =	vpush v1, $0x9;
	s21 =	sand.u32 $0xF800, s28;
	s19 =	sand.u32 $0x380, s19  }
0x378: {  	s30 =	sld [smem:$0x7DC];
	s20 =	sadd.s32 s17, s26;
	s19 =	sor.u32 s19, s21  }
0x379: {  	[hbm4b:s20+s3] =	stream.linear.scatter [tilespmem:s19], [sflag:$0x2], $0x80, $0x38;
	[tilespmem:$0x11000] =	vst v63  }
0x37a: {  	s29 =	spop (v2sf);
	s19 =	sor.u32 $0x400, s19;
	s20 =	sadd.s32 $0x80, s20  }
0x37b: {  	[hbm4b:s20+s3] =	stream.linear.scatter [tilespmem:s19], [sflag:$0x2], $0x80, $0x38;
	[tilespmem:$0x11000] =	vst v63  }
0x37c: {  	s31 =	sshll.u32 s29, $0x8;
	s19 =	sshll.u32 s29, $0x7  }
0x37d: {  	(v2sf) =	vpush v1, $0xA;
	s21 =	sand.u32 $0xF800, s31;
	s19 =	sand.u32 $0x380, s19  }
0x37e: {  	s23 =	sld [smem:$0x7DB];
	s20 =	sadd.s32 s17, s30;
	s19 =	sor.u32 s19, s21  }
0x37f: {  	[hbm4b:s20+s3] =	stream.linear.scatter [tilespmem:s19], [sflag:$0x2], $0x80, $0x38;
	[tilespmem:$0x11000] =	vst v63  }
0x380: {  	s22 =	spop (v2sf);
	s19 =	sor.u32 $0x400, s19;
	s20 =	sadd.s32 $0x80, s20  }
0x381: {  	[hbm4b:s20+s3] =	stream.linear.scatter [tilespmem:s19], [sflag:$0x2], $0x80, $0x38;
	[tilespmem:$0x11000] =	vst v63  }
0x382: {  	s24 =	sshll.u32 s22, $0x8;
	s19 =	sshll.u32 s22, $0x7  }
0x383: {  	(v2sf) =	vpush v1, $0xB;
	s21 =	sand.u32 $0xF800, s24;
	s19 =	sand.u32 $0x380, s19  }
0x384: {  	s26 =	sld [smem:$0x7DA];
	s20 =	sadd.s32 s17, s23;
	s19 =	sor.u32 s19, s21  }
0x385: {  	[hbm4b:s20+s3] =	stream.linear.scatter [tilespmem:s19], [sflag:$0x2], $0x80, $0x38;
	[tilespmem:$0x11000] =	vst v63  }
0x386: {  	s19 =	sor.u32 $0x400, s19;
	s20 =	sadd.s32 $0x80, s20;
	s25 =	spop (v2sf)  }
0x387: {  	[hbm4b:s20+s3] =	stream.linear.scatter [tilespmem:s19], [sflag:$0x2], $0x80, $0x38;
	[tilespmem:$0x11000] =	vst v63  }
0x388: {  	s28 =	sshll.u32 s25, $0x8;
	s19 =	sshll.u32 s25, $0x7  }
0x389: {  	(v2sf) =	vpush v1, $0xC;
	s21 =	sand.u32 $0xF800, s28;
	s19 =	sand.u32 $0x380, s19  }
0x38a: {  	s30 =	sld [smem:$0x7D9];
	s20 =	sadd.s32 s17, s26;
	s19 =	sor.u32 s19, s21  }
0x38b: {  	[hbm4b:s20+s3] =	stream.linear.scatter [tilespmem:s19], [sflag:$0x2], $0x80, $0x38;
	[tilespmem:$0x11000] =	vst v63  }
0x38c: {  	s29 =	spop (v2sf);
	s19 =	sor.u32 $0x400, s19;
	s20 =	sadd.s32 $0x80, s20  }
0x38d: {  	[hbm4b:s20+s3] =	stream.linear.scatter [tilespmem:s19], [sflag:$0x2], $0x80, $0x38;
	[tilespmem:$0x11000] =	vst v63  }
0x38e: {  	s31 =	sshll.u32 s29, $0x8;
	s19 =	sshll.u32 s29, $0x7  }
0x38f: {  	(v2sf) =	vpush v1, $0xD;
	s21 =	sand.u32 $0xF800, s31;
	s19 =	sand.u32 $0x380, s19  }
0x390: {  	s23 =	sld [smem:$0x7D8];
	s20 =	sadd.s32 s17, s30;
	s19 =	sor.u32 s19, s21  }
0x391: {  	[hbm4b:s20+s3] =	stream.linear.scatter [tilespmem:s19], [sflag:$0x2], $0x80, $0x38;
	[tilespmem:$0x11000] =	vst v63  }
0x392: {  	s22 =	spop (v2sf);
	s19 =	sor.u32 $0x400, s19;
	s20 =	sadd.s32 $0x80, s20  }
0x393: {  	[hbm4b:s20+s3] =	stream.linear.scatter [tilespmem:s19], [sflag:$0x2], $0x80, $0x38;
	[tilespmem:$0x11000] =	vst v63  }
0x394: {  	s24 =	sshll.u32 s22, $0x8;
	s19 =	sshll.u32 s22, $0x7  }
0x395: {  	(v2sf) =	vpush v1, $0xE;
	s21 =	sand.u32 $0xF800, s24;
	s19 =	sand.u32 $0x380, s19  }
0x396: {  	s26 =	sld [smem:$0x7D7];
	s20 =	sadd.s32 s17, s23;
	s19 =	sor.u32 s19, s21  }
0x397: {  	[hbm4b:s20+s3] =	stream.linear.scatter [tilespmem:s19], [sflag:$0x2], $0x80, $0x38;
	[tilespmem:$0x11000] =	vst v63  }
0x398: {  	s19 =	sor.u32 $0x400, s19;
	s20 =	sadd.s32 $0x80, s20;
	s25 =	spop (v2sf)  }
0x399: {  	[hbm4b:s20+s3] =	stream.linear.scatter [tilespmem:s19], [sflag:$0x2], $0x80, $0x38;
	[tilespmem:$0x11000] =	vst v63  }
0x39a: {  	s28 =	sshll.u32 s25, $0x8;
	s19 =	sshll.u32 s25, $0x7  }
0x39b: {  	(v2sf) =	vpush v1, $0xF;
	s21 =	sand.u32 $0xF800, s28;
	s19 =	sand.u32 $0x380, s19  }
0x39c: {  	s30 =	sld [smem:$0x7D6];
	s20 =	sadd.s32 s17, s26;
	s19 =	sor.u32 s19, s21  }
0x39d: {  	[hbm4b:s20+s3] =	stream.linear.scatter [tilespmem:s19], [sflag:$0x2], $0x80, $0x38;
	[tilespmem:$0x11000] =	vst v63  }
0x39e: {  	s29 =	spop (v2sf);
	s19 =	sor.u32 $0x400, s19;
	s20 =	sadd.s32 $0x80, s20  }
0x39f: {  	[hbm4b:s20+s3] =	stream.linear.scatter [tilespmem:s19], [sflag:$0x2], $0x80, $0x38;
	[tilespmem:$0x11000] =	vst v63  }
0x3a0: {  	s31 =	sshll.u32 s29, $0x8;
	s19 =	sshll.u32 s29, $0x7  }
0x3a1: {  	s21 =	sand.u32 $0xF800, s31;
	s19 =	sand.u32 $0x380, s19  }
0x3a2: {  	s23 =	sld [smem:$0x7D5];
	s20 =	sadd.s32 s17, s30;
	s19 =	sor.u32 s19, s21  }
0x3a3: {  	[hbm4b:s20+s3] =	stream.linear.scatter [tilespmem:s19], [sflag:$0x2], $0x80, $0x38;
	[tilespmem:$0x11000] =	vst v63  }
0x3a4: {  	s22 =	spop (v2sf);
	s19 =	sor.u32 $0x400, s19;
	s20 =	sadd.s32 $0x80, s20  }
0x3a5: {  	[hbm4b:s20+s3] =	stream.linear.scatter [tilespmem:s19], [sflag:$0x2], $0x80, $0x38;
	[tilespmem:$0x11000] =	vst v63  }
0x3a6: {  	s24 =	sshll.u32 s22, $0x8;
	s19 =	sshll.u32 s22, $0x7  }
0x3a7: {  	s21 =	sand.u32 $0xF800, s24;
	s19 =	sand.u32 $0x380, s19  }
0x3a8: {  	s26 =	sld [smem:$0x7D4];
	s20 =	sadd.s32 s17, s23;
	s19 =	sor.u32 s19, s21  }
0x3a9: {  	[hbm4b:s20+s3] =	stream.linear.scatter [tilespmem:s19], [sflag:$0x2], $0x80, $0x38;
	[tilespmem:$0x11000] =	vst v63  }
0x3aa: {  	s19 =	sor.u32 $0x400, s19;
	s20 =	sadd.s32 $0x80, s20;
	s25 =	spop (v2sf)  }
0x3ab: {  	[hbm4b:s20+s3] =	stream.linear.scatter [tilespmem:s19], [sflag:$0x2], $0x80, $0x38;
	[tilespmem:$0x11000] =	vst v63  }
0x3ac: {  	s28 =	sshll.u32 s25, $0x8;
	s19 =	sshll.u32 s25, $0x7  }
0x3ad: {  	s21 =	sand.u32 $0xF800, s28;
	s19 =	sand.u32 $0x380, s19  }
0x3ae: {  	s20 =	sadd.s32 s17, s26;
	s19 =	sor.u32 s19, s21  }
0x3af: {  	[hbm4b:s20+s3] =	stream.linear.scatter [tilespmem:s19], [sflag:$0x2], $0x80, $0x38;
	[tilespmem:$0x11000] =	vst v63  }
0x3b0: {  	s19 =	sor.u32 $0x400, s19;
	s20 =	sadd.s32 $0x80, s20  }
0x3b1: {  	[hbm4b:s20+s3] =	stream.linear.scatter [tilespmem:s19], [sflag:$0x2], $0x80, $0x38;
	[tilespmem:$0x11000] =	vst v63  }
0x3b2: {  	v1 =	vld [tilespmem:s18+$0x30];
	_ =	sdelay $0x4  }
0x3b3: {  	v1 =	vshrl.u32 v1, v0  }
0x3b4: {  	v1 =	vand.u32 $0xFF, v1  }
0x3b5: {  	(v2sf) =	vpush v1, $0x0;
	_ =	sdelay $0x4  }
0x3b6: {  	(v2sf) =	vpush v1, $0x1;
	_ =	sdelay $0x5  }
0x3b7: {  	(v2sf) =	vpush v1, $0x2;
	_ =	sdelay $0x3  }
0x3b8: {  	s30 =	sld [smem:$0x7D3];
	s29 =	spop (v2sf)  }
0x3b9: {  	s31 =	sshll.u32 s29, $0x8;
	s19 =	sshll.u32 s29, $0x7  }
0x3ba: {  	(v2sf) =	vpush v1, $0x3;
	s21 =	sand.u32 $0xF800, s31;
	s19 =	sand.u32 $0x380, s19  }
0x3bb: {  	s23 =	sld [smem:$0x7D2];
	s20 =	sadd.s32 s17, s30;
	s19 =	sor.u32 s19, s21  }
0x3bc: {  	[hbm4b:s20+s3] =	stream.linear.scatter [tilespmem:s19], [sflag:$0x2], $0x80, $0x38;
	[tilespmem:$0x11000] =	vst v63  }
0x3bd: {  	s22 =	spop (v2sf);
	s19 =	sor.u32 $0x400, s19;
	s20 =	sadd.s32 $0x80, s20  }
0x3be: {  	[hbm4b:s20+s3] =	stream.linear.scatter [tilespmem:s19], [sflag:$0x2], $0x80, $0x38;
	[tilespmem:$0x11000] =	vst v63  }
0x3bf: {  	s24 =	sshll.u32 s22, $0x8;
	s19 =	sshll.u32 s22, $0x7  }
0x3c0: {  	(v2sf) =	vpush v1, $0x4;
	s21 =	sand.u32 $0xF800, s24;
	s19 =	sand.u32 $0x380, s19  }
0x3c1: {  	s26 =	sld [smem:$0x7D1];
	s20 =	sadd.s32 s17, s23;
	s19 =	sor.u32 s19, s21  }
0x3c2: {  	[hbm4b:s20+s3] =	stream.linear.scatter [tilespmem:s19], [sflag:$0x2], $0x80, $0x38;
	[tilespmem:$0x11000] =	vst v63  }
0x3c3: {  	s25 =	spop (v2sf);
	s19 =	sor.u32 $0x400, s19;
	s20 =	sadd.s32 $0x80, s20  }
0x3c4: {  	[hbm4b:s20+s3] =	stream.linear.scatter [tilespmem:s19], [sflag:$0x2], $0x80, $0x38;
	[tilespmem:$0x11000] =	vst v63  }
0x3c5: {  	s28 =	sshll.u32 s25, $0x8;
	s19 =	sshll.u32 s25, $0x7  }
0x3c6: {  	(v2sf) =	vpush v1, $0x5;
	s21 =	sand.u32 $0xF800, s28;
	s19 =	sand.u32 $0x380, s19  }
0x3c7: {  	s30 =	sld [smem:$0x7D0];
	s20 =	sadd.s32 s17, s26;
	s19 =	sor.u32 s19, s21  }
0x3c8: {  	[hbm4b:s20+s3] =	stream.linear.scatter [tilespmem:s19], [sflag:$0x2], $0x80, $0x38;
	[tilespmem:$0x11000] =	vst v63  }
0x3c9: {  	s19 =	sor.u32 $0x400, s19;
	s20 =	sadd.s32 $0x80, s20;
	s29 =	spop (v2sf)  }
0x3ca: {  	[hbm4b:s20+s3] =	stream.linear.scatter [tilespmem:s19], [sflag:$0x2], $0x80, $0x38;
	[tilespmem:$0x11000] =	vst v63  }
0x3cb: {  	s31 =	sshll.u32 s29, $0x8;
	s19 =	sshll.u32 s29, $0x7  }
0x3cc: {  	(v2sf) =	vpush v1, $0x6;
	s21 =	sand.u32 $0xF800, s31;
	s19 =	sand.u32 $0x380, s19  }
0x3cd: {  	s23 =	sld [smem:$0x7CF];
	s20 =	sadd.s32 s17, s30;
	s19 =	sor.u32 s19, s21  }
0x3ce: {  	[hbm4b:s20+s3] =	stream.linear.scatter [tilespmem:s19], [sflag:$0x2], $0x80, $0x38;
	[tilespmem:$0x11000] =	vst v63  }
0x3cf: {  	s22 =	spop (v2sf);
	s19 =	sor.u32 $0x400, s19;
	s20 =	sadd.s32 $0x80, s20  }
0x3d0: {  	[hbm4b:s20+s3] =	stream.linear.scatter [tilespmem:s19], [sflag:$0x2], $0x80, $0x38;
	[tilespmem:$0x11000] =	vst v63  }
0x3d1: {  	s24 =	sshll.u32 s22, $0x8;
	s19 =	sshll.u32 s22, $0x7  }
0x3d2: {  	(v2sf) =	vpush v1, $0x7;
	s21 =	sand.u32 $0xF800, s24;
	s19 =	sand.u32 $0x380, s19  }
0x3d3: {  	s26 =	sld [smem:$0x7CE];
	s20 =	sadd.s32 s17, s23;
	s19 =	sor.u32 s19, s21  }
0x3d4: {  	[hbm4b:s20+s3] =	stream.linear.scatter [tilespmem:s19], [sflag:$0x2], $0x80, $0x38;
	[tilespmem:$0x11000] =	vst v63  }
0x3d5: {  	s25 =	spop (v2sf);
	s19 =	sor.u32 $0x400, s19;
	s20 =	sadd.s32 $0x80, s20  }
0x3d6: {  	[hbm4b:s20+s3] =	stream.linear.scatter [tilespmem:s19], [sflag:$0x2], $0x80, $0x38;
	[tilespmem:$0x11000] =	vst v63  }
0x3d7: {  	s28 =	sshll.u32 s25, $0x8;
	s19 =	sshll.u32 s25, $0x7  }
0x3d8: {  	(v2sf) =	vpush v1, $0x8;
	s21 =	sand.u32 $0xF800, s28;
	s19 =	sand.u32 $0x380, s19  }
0x3d9: {  	s30 =	sld [smem:$0x7CD];
	s20 =	sadd.s32 s17, s26;
	s19 =	sor.u32 s19, s21  }
0x3da: {  	[hbm4b:s20+s3] =	stream.linear.scatter [tilespmem:s19], [sflag:$0x2], $0x80, $0x38;
	[tilespmem:$0x11000] =	vst v63  }
0x3db: {  	s19 =	sor.u32 $0x400, s19;
	s20 =	sadd.s32 $0x80, s20;
	s29 =	spop (v2sf)  }
0x3dc: {  	[hbm4b:s20+s3] =	stream.linear.scatter [tilespmem:s19], [sflag:$0x2], $0x80, $0x38;
	[tilespmem:$0x11000] =	vst v63  }
0x3dd: {  	s31 =	sshll.u32 s29, $0x8;
	s19 =	sshll.u32 s29, $0x7  }
0x3de: {  	(v2sf) =	vpush v1, $0x9;
	s21 =	sand.u32 $0xF800, s31;
	s19 =	sand.u32 $0x380, s19  }
0x3df: {  	s23 =	sld [smem:$0x7CC];
	s20 =	sadd.s32 s17, s30;
	s19 =	sor.u32 s19, s21  }
0x3e0: {  	[hbm4b:s20+s3] =	stream.linear.scatter [tilespmem:s19], [sflag:$0x2], $0x80, $0x38;
	[tilespmem:$0x11000] =	vst v63  }
0x3e1: {  	s22 =	spop (v2sf);
	s19 =	sor.u32 $0x400, s19;
	s20 =	sadd.s32 $0x80, s20  }
0x3e2: {  	[hbm4b:s20+s3] =	stream.linear.scatter [tilespmem:s19], [sflag:$0x2], $0x80, $0x38;
	[tilespmem:$0x11000] =	vst v63  }
0x3e3: {  	s24 =	sshll.u32 s22, $0x8;
	s19 =	sshll.u32 s22, $0x7  }
0x3e4: {  	(v2sf) =	vpush v1, $0xA;
	s21 =	sand.u32 $0xF800, s24;
	s19 =	sand.u32 $0x380, s19  }
0x3e5: {  	s26 =	sld [smem:$0x7CB];
	s20 =	sadd.s32 s17, s23;
	s19 =	sor.u32 s19, s21  }
0x3e6: {  	[hbm4b:s20+s3] =	stream.linear.scatter [tilespmem:s19], [sflag:$0x2], $0x80, $0x38;
	[tilespmem:$0x11000] =	vst v63  }
0x3e7: {  	s25 =	spop (v2sf);
	s19 =	sor.u32 $0x400, s19;
	s20 =	sadd.s32 $0x80, s20  }
0x3e8: {  	[hbm4b:s20+s3] =	stream.linear.scatter [tilespmem:s19], [sflag:$0x2], $0x80, $0x38;
	[tilespmem:$0x11000] =	vst v63  }
0x3e9: {  	s28 =	sshll.u32 s25, $0x8;
	s19 =	sshll.u32 s25, $0x7  }
0x3ea: {  	(v2sf) =	vpush v1, $0xB;
	s21 =	sand.u32 $0xF800, s28;
	s19 =	sand.u32 $0x380, s19  }
0x3eb: {  	s30 =	sld [smem:$0x7CA];
	s20 =	sadd.s32 s17, s26;
	s19 =	sor.u32 s19, s21  }
0x3ec: {  	[hbm4b:s20+s3] =	stream.linear.scatter [tilespmem:s19], [sflag:$0x2], $0x80, $0x38;
	[tilespmem:$0x11000] =	vst v63  }
0x3ed: {  	s19 =	sor.u32 $0x400, s19;
	s20 =	sadd.s32 $0x80, s20;
	s29 =	spop (v2sf)  }
0x3ee: {  	[hbm4b:s20+s3] =	stream.linear.scatter [tilespmem:s19], [sflag:$0x2], $0x80, $0x38;
	[tilespmem:$0x11000] =	vst v63  }
0x3ef: {  	s31 =	sshll.u32 s29, $0x8;
	s19 =	sshll.u32 s29, $0x7  }
0x3f0: {  	(v2sf) =	vpush v1, $0xC;
	s21 =	sand.u32 $0xF800, s31;
	s19 =	sand.u32 $0x380, s19  }
0x3f1: {  	s23 =	sld [smem:$0x7C9];
	s20 =	sadd.s32 s17, s30;
	s19 =	sor.u32 s19, s21  }
0x3f2: {  	[hbm4b:s20+s3] =	stream.linear.scatter [tilespmem:s19], [sflag:$0x2], $0x80, $0x38;
	[tilespmem:$0x11000] =	vst v63  }
0x3f3: {  	s22 =	spop (v2sf);
	s19 =	sor.u32 $0x400, s19;
	s20 =	sadd.s32 $0x80, s20  }
0x3f4: {  	[hbm4b:s20+s3] =	stream.linear.scatter [tilespmem:s19], [sflag:$0x2], $0x80, $0x38;
	[tilespmem:$0x11000] =	vst v63  }
0x3f5: {  	s24 =	sshll.u32 s22, $0x8;
	s19 =	sshll.u32 s22, $0x7  }
0x3f6: {  	(v2sf) =	vpush v1, $0xD;
	s21 =	sand.u32 $0xF800, s24;
	s19 =	sand.u32 $0x380, s19  }
0x3f7: {  	s26 =	sld [smem:$0x7C8];
	s20 =	sadd.s32 s17, s23;
	s19 =	sor.u32 s19, s21  }
0x3f8: {  	[hbm4b:s20+s3] =	stream.linear.scatter [tilespmem:s19], [sflag:$0x2], $0x80, $0x38;
	[tilespmem:$0x11000] =	vst v63  }
0x3f9: {  	s25 =	spop (v2sf);
	s19 =	sor.u32 $0x400, s19;
	s20 =	sadd.s32 $0x80, s20  }
0x3fa: {  	[hbm4b:s20+s3] =	stream.linear.scatter [tilespmem:s19], [sflag:$0x2], $0x80, $0x38;
	[tilespmem:$0x11000] =	vst v63  }
0x3fb: {  	s28 =	sshll.u32 s25, $0x8;
	s19 =	sshll.u32 s25, $0x7  }
0x3fc: {  	(v2sf) =	vpush v1, $0xE;
	s21 =	sand.u32 $0xF800, s28;
	s19 =	sand.u32 $0x380, s19  }
0x3fd: {  	s30 =	sld [smem:$0x7C7];
	s20 =	sadd.s32 s17, s26;
	s19 =	sor.u32 s19, s21  }
0x3fe: {  	[hbm4b:s20+s3] =	stream.linear.scatter [tilespmem:s19], [sflag:$0x2], $0x80, $0x38;
	[tilespmem:$0x11000] =	vst v63  }
0x3ff: {  	s19 =	sor.u32 $0x400, s19;
	s20 =	sadd.s32 $0x80, s20;
	s29 =	spop (v2sf)  }
0x400: {  	[hbm4b:s20+s3] =	stream.linear.scatter [tilespmem:s19], [sflag:$0x2], $0x80, $0x38;
	[tilespmem:$0x11000] =	vst v63  }
0x401: {  	s31 =	sshll.u32 s29, $0x8;
	s19 =	sshll.u32 s29, $0x7  }
0x402: {  	s21 =	sand.u32 $0xF800, s31;
	s19 =	sand.u32 $0x380, s19  }
0x403: {  	s23 =	sld [smem:$0x7C6];
	s20 =	sadd.s32 s17, s30;
	s19 =	sor.u32 s19, s21  }
0x404: {  	(v2sf) =	vpush v1, $0xF;
	[hbm4b:s20+s3] =	stream.linear.scatter [tilespmem:s19], [sflag:$0x2], $0x80, $0x38;
	[tilespmem:$0x11000] =	vst v63  }
0x405: {  	s22 =	spop (v2sf);
	s19 =	sor.u32 $0x400, s19;
	s20 =	sadd.s32 $0x80, s20  }
0x406: {  	[hbm4b:s20+s3] =	stream.linear.scatter [tilespmem:s19], [sflag:$0x2], $0x80, $0x38;
	[tilespmem:$0x11000] =	vst v63  }
0x407: {  	s24 =	sshll.u32 s22, $0x8;
	s19 =	sshll.u32 s22, $0x7  }
0x408: {  	s21 =	sand.u32 $0xF800, s24;
	s19 =	sand.u32 $0x380, s19  }
0x409: {  	s26 =	sld [smem:$0x7C5];
	s20 =	sadd.s32 s17, s23;
	s19 =	sor.u32 s19, s21  }
0x40a: {  	[hbm4b:s20+s3] =	stream.linear.scatter [tilespmem:s19], [sflag:$0x2], $0x80, $0x38;
	[tilespmem:$0x11000] =	vst v63  }
0x40b: {  	s25 =	spop (v2sf);
	s19 =	sor.u32 $0x400, s19;
	s20 =	sadd.s32 $0x80, s20  }
0x40c: {  	[hbm4b:s20+s3] =	stream.linear.scatter [tilespmem:s19], [sflag:$0x2], $0x80, $0x38;
	[tilespmem:$0x11000] =	vst v63  }
0x40d: {  	s28 =	sshll.u32 s25, $0x8;
	s19 =	sshll.u32 s25, $0x7  }
0x40e: {  	s21 =	sand.u32 $0xF800, s28;
	s19 =	sand.u32 $0x380, s19  }
0x40f: {  	s30 =	sld [smem:$0x7C4];
	s20 =	sadd.s32 s17, s26;
	s19 =	sor.u32 s19, s21  }
0x410: {  	[hbm4b:s20+s3] =	stream.linear.scatter [tilespmem:s19], [sflag:$0x2], $0x80, $0x38;
	[tilespmem:$0x11000] =	vst v63  }
0x411: {  	s19 =	sor.u32 $0x400, s19;
	s20 =	sadd.s32 $0x80, s20  }
0x412: {  	[hbm4b:s20+s3] =	stream.linear.scatter [tilespmem:s19], [sflag:$0x2], $0x80, $0x38;
	[tilespmem:$0x11000] =	vst v63  }
0x413: {  	s29 =	spop (v2sf);
	s20 =	sadd.s32 s17, s30;
	s17 =	sadd.s32 $0x8000, s17  }
0x414: {  	s31 =	sshll.u32 s29, $0x8;
	s19 =	sshll.u32 s29, $0x7;
	p3 =	sne.s32 s17, $0x100000  }
.Ltmp3:
0x415: {  	s21 =	sand.u32 $0xF800, s31;
	s19 =	sand.u32 $0x380, s19;
	(pc) =	sbr.rel @p3 .LBB2_7-.Ltmp3, $4  }
0x416: {  	s19 =	sor.u32 s19, s21  }
0x417: {  	[hbm4b:s20+s3] =	stream.linear.scatter [tilespmem:s19], [sflag:$0x2], $0x80, $0x38;
	[tilespmem:$0x11000] =	vst v63  }
0x418: {  	s18 =	sadd.s32 $0x80, s18;
	s19 =	sor.u32 $0x400, s19;
	s20 =	sadd.s32 $0x80, s20  }
0x419: {  	[hbm4b:s20+s3] =	stream.linear.scatter [tilespmem:s19], [sflag:$0x2], $0x80, $0x38;
	[tilespmem:$0x11000] =	vst v63  }
0x41a: {  	s16 =	sadd.s32 $0x1, s16  }
0x41b: {  	_ =	swait.ge [sflag:s14], $0x800;
	p3 =	sne.s32 s16, s8  }
.Ltmp4:
0x41c: {  	[sflag:s14] =	ssyncset.done $0x0;
	(pc) =	sbr.rel @p3 .LBB2_1-.Ltmp4, $4  }
0x41d: {  	[sflag:s14] =	ssyncadd.s32 $0xFFFFF800  }
0x41e: {  	_ =	swait.ge [sflag:s15], $0x800  }
0x41f: {  	[sflag:s15] =	ssyncset.done $0x0  }
0x420: {  	[sflag:s15] =	ssyncadd.s32 $0xFFFFF800  }
0x421: {  	_ =	sfence.sel $0x180000  }
0x422: {  	[bflag:$0x0] =	sbarrier.arrive $0xFFFF  }
0x423: {  	p0 =	sne.s32 s4, $0x0;
	_ =	strace $0x90000047  }
0x424: {  	s0 =	sadd.s32 @!p0 $0x100000, s0;
	[bflag:$0x2] =	sbarrier.arrive $0xFFFF  }
0x425: {  	[sflag:s0] =	ssyncadd.tile.s32 @!p0 $0x1;
	_ =	shalt  }
.Lfunc_end2:
_tile_overlayer_lowered:
.L_overlay_start_2:
0x426: {  	(tag) =	ssettag $0x2  }
0x427: {  	s0 =	rddreg [dreg:$0x0];
	s2 =	stileid.u32  }
0x428: {  	s1 =	rddreg [dreg:$0x1];
	p0 =	sne.s32 s2, $0x0  }
0x429: {  	s3 =	rddreg [dreg:$0x2];
	[bflag:$0x3] =	sbarrier.arrive $0xFFFF;
	s2 =	simm.s32 @!p0 $0x1C04  }
0x42a: {  	[timem:s3], [sflag:s2] =	dma.local @!p0 [hbm:s0], s1  }
0x42b: {  	s0 =	simm.s32 @!p0 $0x4  }
0x42c: {  	_ =	swait.ge @!p0 [sflag:s0], s1  }
0x42d: {  	s1 =	ssub.s32 @!p0 $0x0, s1;
	[sflag:s0] =	ssyncset.done @!p0 $0x0  }
0x42e: {  	[sflag:s0] =	ssyncadd.s32 @!p0 s1  }
0x42f: {  	[bflag:$0x3] =	sbarrier.arrive $0xFFFF  }
0x430: {  	_ =	shalt  }

</sc_bundles>
